<compile_context>
chip_gen: v7x
topology: tpu7x:2x2x1
jax: 0.10.2.dev20260603
libtpu: 0.0.44.dev20260713+nightly
codegen_flags: <defaults>
</compile_context>

<pallas_src>
import dataclasses
import functools

import jax
import jax.numpy as jnp
from jax import lax
from jax.experimental import pallas as pl
from jax.experimental.pallas import tpu as pltpu
from jax.experimental.pallas import tpu_sc as plsc

N_PAD = 10240
N_TAB = 10016
F = 16
TW = 32
B = 128
NC, NS = 2, 16
NW = NC * NS
IDXB = 14


def _num_blocks(e_total):
    per_tile = -(-e_total // NW)
    nb = -(-per_tile // B)
    return nb + (nb & 1)



def _tc_pre_body(x_ref, w1_ref, b1_ref, hn_ref, nrm_ref, n_real):
    x = x_ref[...]
    h = jnp.maximum(jnp.dot(x, w1_ref[...],
                            preferred_element_type=jnp.float32,
                            precision=lax.Precision.HIGHEST)
                    + b1_ref[...][None, :], 0.0)
    row = lax.broadcasted_iota(jnp.int32, (x.shape[0], 1), 0)
    h = jnp.where(row < n_real, h, 0.0)
    norm = jnp.sqrt(jnp.sum(h * h, axis=-1, keepdims=True))
    hn = h / jnp.maximum(norm, 1e-12)
    hn_ref[...] = hn
    nrm_ref[...] = norm[:, 0]


def _tc_mid_body(part_ref, hn_ref, nrm_ref):
    feat = part_ref[0, :, 0:F] + part_ref[1, :, 0:F]
    den = part_ref[0, :, F] + part_ref[1, :, F]
    h = feat / (den + 1e-16)[:, None]
    norm = jnp.sqrt(jnp.sum(h * h, axis=-1, keepdims=True))
    hn = h / jnp.maximum(norm, 1e-12)
    hn_ref[...] = hn
    nrm_ref[...] = norm[:, 0]


def _tc_post_body(part_ref, w2_ref, b2_ref, out_ref, n_real):
    feat = part_ref[0, 0:n_real, 0:F] + part_ref[1, 0:n_real, 0:F]
    den = part_ref[0, 0:n_real, F] + part_ref[1, 0:n_real, F]
    h = feat / (den + 1e-16)[:, None]
    logits = jnp.dot(h, w2_ref[...],
                     preferred_element_type=jnp.float32,
                     precision=lax.Precision.HIGHEST) + b2_ref[...][None, :]
    m = jnp.max(logits, axis=-1, keepdims=True)
    z = logits - m
    lse = jnp.log(jnp.sum(jnp.exp(z), axis=-1, keepdims=True))
    out_ref[...] = z - lse


def _tc_pre(x_pad, w1, b1):
    return pl.pallas_call(
        functools.partial(_tc_pre_body, n_real=10000),
        out_shape=(jax.ShapeDtypeStruct((N_PAD, F), jnp.float32),
                   jax.ShapeDtypeStruct((N_PAD,), jnp.float32)),
    )(x_pad, w1, b1)


def _tc_mid(part):
    return pl.pallas_call(
        _tc_mid_body,
        out_shape=(jax.ShapeDtypeStruct((N_PAD, F), jnp.float32),
                   jax.ShapeDtypeStruct((N_PAD,), jnp.float32)),
    )(part)


def _tc_post(part, w2, b2, n_real):
    return pl.pallas_call(
        functools.partial(_tc_post_body, n_real=n_real),
        out_shape=jax.ShapeDtypeStruct((n_real, w2.shape[1]), jnp.float32),
    )(part, w2, b2)


def _pack_pairs(hn):
    hn_bf = hn.astype(jnp.bfloat16)
    return jax.lax.bitcast_convert_type(
        hn_bf.reshape(N_PAD, F // 2, 2), jnp.float32)



def _sc_prop(hnpk, nrm, bvec, pk, n_blocks):
    mesh = plsc.VectorSubcoreMesh(core_axis_name="c", subcore_axis_name="s")
    rows_per_tile = N_PAD // NS

    cp = pltpu.CompilerParams()
    if "needs_layout_passes" in pltpu.CompilerParams.__dataclass_fields__:
        cp = dataclasses.replace(cp, needs_layout_passes=False)
    if "use_tc_tiling_on_sc" in pltpu.CompilerParams.__dataclass_fields__:
        cp = dataclasses.replace(cp, use_tc_tiling_on_sc=False)

    @functools.partial(
        pl.kernel,
        out_type=jax.ShapeDtypeStruct((NC, N_PAD, TW), jnp.float32),
        mesh=mesh,
        compiler_params=cp,
        scratch_types=[
            pltpu.VMEM((n_blocks, B), jnp.int32),
            pltpu.VMEM((N_TAB, F // 2), jnp.float32),
            pltpu.VMEM((N_TAB,), jnp.float32),
            pltpu.VMEM((16,), jnp.float32),
            pltpu.VMEM((2, B), jnp.int32),
            pltpu.VMEM((2, B, TW), jnp.float32),
            pltpu.VMEM_SHARED((N_PAD, TW), jnp.float32),
            pltpu.SemaphoreType.DMA,
            pltpu.SemaphoreType.DMA,
            pltpu.SemaphoreType.DMA,
        ],
    )
    def k(hnpk_hbm, nrm_hbm, bvec_hbm, pk_hbm, out_hbm,
          pk_a, hnpk_v, nrm_v, beta_v, dblk_v, scaled_v, acc_sp,
          sem_i, sem_s0, sem_s1):
        cid = lax.axis_index("c")
        tid = lax.axis_index("s")
        wid = tid * NC + cid
        sem_s = (sem_s0, sem_s1)

        zero16 = jnp.zeros((16,), jnp.float32)

        cpi1 = pltpu.async_copy(pk_hbm.at[wid], pk_a, sem_i)
        cpi2 = pltpu.async_copy(hnpk_hbm.at[pl.ds(0, N_TAB)], hnpk_v, sem_i)
        cpi3 = pltpu.async_copy(nrm_hbm.at[pl.ds(0, N_TAB)], nrm_v, sem_i)
        cpi4 = pltpu.async_copy(bvec_hbm, beta_v, sem_i)

        for b in range(2):
            @pl.loop(0, B)
            def _(r):
                scaled_v.at[b][r, pl.ds(0, 16)] = zero16
                scaled_v.at[b][r, pl.ds(16, 16)] = zero16

        for i in range(rows_per_tile // B):
            pltpu.sync_copy(scaled_v.at[i % 2],
                            acc_sp.at[pl.ds(tid * rows_per_tile + i * B, B)])

        cpi1.wait()
        cpi2.wait()
        cpi3.wait()
        cpi4.wait()
        plsc.subcore_barrier()

        def wait_scatter(b):
            pltpu.make_async_copy(
                scaled_v.at[b], acc_sp.at[dblk_v.at[b]], sem_s[b]).wait()

        def compute(t, b):
            scaled = scaled_v.at[b]
            dblk = dblk_v.at[b]
            bv = beta_v[...]

            @plsc.parallel_loop(0, B // 16, unroll=1)
            def _(g):
                r16 = lax.iota(jnp.int32, 16) + g * 16
                pkv = pk_a[t, pl.ds(g * 16, 16)]
                s16 = jnp.bitwise_and(pkv, (1 << IDXB) - 1)
                d16 = lax.shift_right_logical(pkv, IDXB)
                dblk[pl.ds(g * 16, 16)] = d16
                acc = jnp.zeros((16,), jnp.float32)
                comps = []
                for pc in range(F // 2):
                    cpcv = jnp.full((16,), pc, jnp.int32)
                    sp = plsc.load_gather(hnpk_v, [s16, cpcv])
                    dp = plsc.load_gather(hnpk_v, [d16, cpcv])
                    se, so = plsc.unpack(plsc.bitcast(sp, jnp.bfloat16),
                                         format=plsc.PackFormat.INTERLEAVED)
                    de, do = plsc.unpack(plsc.bitcast(dp, jnp.bfloat16),
                                         format=plsc.PackFormat.INTERLEAVED)
                    acc = acc + (se * de + so * do)
                    comps.append((se, so))
                nrm16 = plsc.load_gather(nrm_v, [s16])
                w = jnp.exp(acc * bv)
                wn = w * nrm16
                plsc.store_scatter(
                    scaled, [r16, jnp.full((16,), F, jnp.int32)], w)
                for pc in range(F // 2):
                    se, so = comps[pc]
                    plsc.store_scatter(
                        scaled, [r16, jnp.full((16,), 2 * pc, jnp.int32)],
                        se * wn)
                    plsc.store_scatter(
                        scaled, [r16, jnp.full((16,), 2 * pc + 1, jnp.int32)],
                        so * wn)

            pltpu.async_copy(scaled, acc_sp.at[dblk], sem_s[b], add=True)

        @pl.loop(0, n_blocks, step=2)
        def _(tt):
            @pl.when(tt >= 2)
            def _():
                wait_scatter(0)
            compute(tt, 0)

            @pl.when(tt >= 2)
            def _():
                wait_scatter(1)
            compute(tt + 1, 1)

        wait_scatter(0)
        wait_scatter(1)
        plsc.subcore_barrier()

        pltpu.sync_copy(
            acc_sp.at[pl.ds(tid * rows_per_tile, rows_per_tile)],
            out_hbm.at[cid, pl.ds(tid * rows_per_tile, rows_per_tile)])

    return k(hnpk, nrm, bvec, pk)



def kernel(x, edge_index, W1, b1, beta1, beta2, W2, b2):
    n = x.shape[0]
    e_total = edge_index.shape[1] + n
    n_blocks = _num_blocks(e_total)
    e_pad = n_blocks * B * NW

    loop = jnp.arange(n, dtype=edge_index.dtype)
    pad_e = e_pad - e_total
    src = jnp.concatenate([edge_index[0], loop,
                           jnp.zeros((pad_e,), edge_index.dtype)])
    dst = jnp.concatenate([edge_index[1], loop,
                           jnp.full((pad_e,), n, edge_index.dtype)])
    pk = jnp.bitwise_or(src, jnp.left_shift(dst, IDXB))
    pk = pk.reshape(NW, n_blocks, B)

    x_pad = jnp.pad(x, ((0, N_PAD - n), (0, 0)))
    b1vec = jnp.full((16,), beta1, jnp.float32)
    b2vec = jnp.full((16,), beta2, jnp.float32)

    hn1, nrm1 = _tc_pre(x_pad, W1, b1)
    part1 = _sc_prop(_pack_pairs(hn1), nrm1, b1vec, pk, n_blocks)
    hn2, nrm2 = _tc_mid(part1)
    part2 = _sc_prop(_pack_pairs(hn2), nrm2, b2vec, pk, n_blocks)
    return _tc_post(part2, W2, b2, n)

# --- scband reference (transcript-rebuilt; emitter-appended) ---
"""Pipeline reference for scband-agnnnet-49993419325967 (READ-ONLY COPY).

The authoritative reference and input builder live on the scoring server;
editing this copy changes nothing except your own understanding.
"""

import jax, jax.numpy as jnp
import numpy as np

N_NODES = 10000


def setup_inputs(seed: int = 0) -> dict:
    key = jax.random.key(seed)
    k1, k2, k3, k4 = jax.random.split(key, 4)
    x = jax.random.normal(k1, (N_NODES, 128), dtype=jnp.float32)
    edge_index = jax.random.randint(k2, (2, 320000), 0, N_NODES, dtype=jnp.int32)
    W1 = jax.random.normal(k3, (128, 16), dtype=jnp.float32) * 0.05
    b1 = jnp.zeros((16,), dtype=jnp.float32)
    beta1 = jnp.array(1.0, dtype=jnp.float32)
    beta2 = jnp.array(1.0, dtype=jnp.float32)
    W2 = jax.random.normal(k4, (16, 40), dtype=jnp.float32) * 0.05
    b2 = jnp.zeros((40,), dtype=jnp.float32)
    return {"x": x, "edge_index": edge_index, "W1": W1, "b1": b1,
            "beta1": beta1, "beta2": beta2, "W2": W2, "b2": b2}


def _agnn_prop(x, src, dst, beta, num_nodes):
    # x_norm = F.normalize(x, p=2, dim=-1)
    norm = jnp.linalg.norm(x, axis=-1, keepdims=True)
    x_norm = x / jnp.maximum(norm, 1e-12)
    # alpha_e = beta * cos(x_i, x_j)
    alpha = beta * jnp.sum(x_norm[src] * x_norm[dst], axis=-1)
    # softmax over edges grouped by destination node
    amax = jax.ops.segment_max(alpha, dst, num_segments=num_nodes)
    amax = jnp.where(jnp.isfinite(amax), amax, 0.0)
    ealpha = jnp.exp(alpha - amax[dst])
    denom = jax.ops.segment_sum(ealpha, dst, num_segments=num_nodes)
    ealpha = ealpha / (denom[dst] + 1e-16)
    # weighted scatter-add of source features into destinations
    out = jax.ops.segment_sum(x[src] * ealpha[:, None], dst, num_segments=num_nodes)
    return out


def reference(x, edge_index, W1, b1, beta1, beta2, W2, b2):
    num_nodes = x.shape[0]
    # add self loops (PyG AGNNConv default add_self_loops=True)
    loop = jnp.arange(num_nodes, dtype=edge_index.dtype)
    src = jnp.concatenate([edge_index[0], loop])
    dst = jnp.concatenate([edge_index[1], loop])
    # dropout is identity in eval mode
    h = jax.nn.relu(x @ W1 + b1)
    h = _agnn_prop(h, src, dst, beta1, num_nodes)
    h = _agnn_prop(h, src, dst, beta2, num_nodes)
    logits = h @ W2 + b2
    return jax.nn.log_softmax(logits, axis=1)

if __name__ == "__main__":
    import jax
    _d = setup_inputs()
    print(jax.jit(kernel)(*tuple(_d.values())))

</pallas_src>

<mosaic_0001>
#map = affine_map<(d0, d1) -> (0, 0)>
#map1 = affine_map<(d0, d1) -> (0)>
#map2 = affine_map<(d0, d1) -> (0, 0, 0)>
module attributes {stable_mosaic.version = 14 : i64} {
  func.func @k(%arg0: i32, %arg1: i32, %arg2: memref<10240x8xf32, #tpu.memory_space<hbm>>, %arg3: memref<10240xf32, #tpu.memory_space<hbm>>, %arg4: memref<16xf32, #tpu.memory_space<hbm>>, %arg5: memref<32x82x128xi32, #tpu.memory_space<hbm>>, %arg6: memref<2x10240x32xf32, #tpu.memory_space<hbm>>, %arg7: memref<82x128xi32, #tpu.memory_space<vmem>>, %arg8: memref<10016x8xf32, #tpu.memory_space<vmem>>, %arg9: memref<10016xf32, #tpu.memory_space<vmem>>, %arg10: memref<16xf32, #tpu.memory_space<vmem>>, %arg11: memref<2x128xi32, #tpu.memory_space<vmem>>, %arg12: memref<2x128x32xf32, #tpu.memory_space<vmem>>, %arg13: memref<10240x32xf32, #tpu.memory_space<vmem_shared>>, %arg14: memref<!tpu.dma_semaphore, #tpu.memory_space<semaphore_mem>>, %arg15: memref<!tpu.dma_semaphore, #tpu.memory_space<semaphore_mem>>, %arg16: memref<!tpu.dma_semaphore, #tpu.memory_space<semaphore_mem>>) attributes {dimension_semantics = [#tpu.dimension_semantics<core_parallel>, #tpu.dimension_semantics<subcore_parallel>], iteration_bounds = array<i64: 2, 16>, scalar_prefetch = 0 : i64, scratch_operands = 10 : i64, tpu.core_type = #tpu.core_type<sc_vector_subcore>, window_params = [{transform_indices = #map}, {transform_indices = #map1}, {transform_indices = #map1}, {transform_indices = #map2}, {transform_indices = #map2}]} {
    %mul3A = arith.constant 2 : i32
    %mul3A_0 = arith.muli %arg1, %mul3A : i32
    %add3A = arith.addi %mul3A_0, %arg0 : i32
    %broadcast_in_dim3A = arith.constant 0.000000e+00 : f32
    %broadcast_in_dim3A_1 = vector.broadcast %broadcast_in_dim3A : f32 to vector<16xf32>
    %dma_start3A = arith.constant 0 : i32
    %dma_start3A_2 = arith.constant 0 : i32
    %dma_start3A_3 = tpu.memref_slice %arg5[%add3A, %dma_start3A, %dma_start3A_2] : memref<32x82x128xi32, #tpu.memory_space<hbm>> -> memref<1x82x128xi32, #tpu.memory_space<hbm>>
    %dma_start3A_4 = tpu.memref_squeeze %dma_start3A_3 : memref<1x82x128xi32, #tpu.memory_space<hbm>> -> memref<82x128xi32, #tpu.memory_space<hbm>>
    %dma_start3A_5 = arith.constant 0 : i32
    %dma_start3A_6 = arith.constant 0 : i32
    %dma_start3A_7 = tpu.memref_slice %arg5[%add3A, %dma_start3A_5, %dma_start3A_6] : memref<32x82x128xi32, #tpu.memory_space<hbm>> -> memref<1x82x128xi32, #tpu.memory_space<hbm>>
    %dma_start3A_8 = tpu.memref_squeeze %dma_start3A_7 : memref<1x82x128xi32, #tpu.memory_space<hbm>> -> memref<82x128xi32, #tpu.memory_space<hbm>>
    tpu.enqueue_dma source(%dma_start3A_8 : memref<82x128xi32, #tpu.memory_space<hbm>>) target(%arg7 : memref<82x128xi32, #tpu.memory_space<vmem>>) target_semaphore(%arg14 : memref<!tpu.dma_semaphore, #tpu.memory_space<semaphore_mem>>)
    %dma_start3A_9 = arith.constant 0 : i32
    %dma_start3A_10 = arith.constant 0 : i32
    %dma_start3A_11 = tpu.memref_slice %arg2[%dma_start3A_9, %dma_start3A_10] : memref<10240x8xf32, #tpu.memory_space<hbm>> -> memref<10016x8xf32, #tpu.memory_space<hbm>>
    %dma_start3A_12 = arith.constant 0 : i32
    %dma_start3A_13 = arith.constant 0 : i32
    %dma_start3A_14 = tpu.memref_slice %arg2[%dma_start3A_12, %dma_start3A_13] : memref<10240x8xf32, #tpu.memory_space<hbm>> -> memref<10016x8xf32, #tpu.memory_space<hbm>>
    tpu.enqueue_dma source(%dma_start3A_14 : memref<10016x8xf32, #tpu.memory_space<hbm>>) target(%arg8 : memref<10016x8xf32, #tpu.memory_space<vmem>>) target_semaphore(%arg14 : memref<!tpu.dma_semaphore, #tpu.memory_space<semaphore_mem>>)
    %dma_start3A_15 = arith.constant 0 : i32
    %dma_start3A_16 = tpu.memref_slice %arg3[%dma_start3A_15] : memref<10240xf32, #tpu.memory_space<hbm>> -> memref<10016xf32, #tpu.memory_space<hbm>>
    %dma_start3A_17 = arith.constant 0 : i32
    %dma_start3A_18 = tpu.memref_slice %arg3[%dma_start3A_17] : memref<10240xf32, #tpu.memory_space<hbm>> -> memref<10016xf32, #tpu.memory_space<hbm>>
    tpu.enqueue_dma source(%dma_start3A_18 : memref<10016xf32, #tpu.memory_space<hbm>>) target(%arg9 : memref<10016xf32, #tpu.memory_space<vmem>>) target_semaphore(%arg14 : memref<!tpu.dma_semaphore, #tpu.memory_space<semaphore_mem>>)
    tpu.enqueue_dma source(%arg4 : memref<16xf32, #tpu.memory_space<hbm>>) target(%arg10 : memref<16xf32, #tpu.memory_space<vmem>>) target_semaphore(%arg14 : memref<!tpu.dma_semaphore, #tpu.memory_space<semaphore_mem>>)
    %scan3A = arith.constant 0 : i32
    %scan3A_19 = arith.constant 128 : i32
    %scan3A_20 = arith.addi %scan3A, %scan3A_19 : i32
    %scan3A_21 = arith.constant 1 : i32
    scf.for %scan3A_103 = %scan3A to %scan3A_20 step %scan3A_21  : i32 {
      %mul3A_104 = arith.constant 1 : i32
      %mul3A_105 = arith.muli %scan3A_103, %mul3A_104 : i32
      %add3A_106 = arith.constant 0 : i32
      %add3A_107 = arith.addi %add3A_106, %mul3A_105 : i32
      %swap3A = arith.constant 0 : i32
      %swap3A_108 = arith.constant 0 : i32
      %swap3A_109 = arith.constant 0 : i32
      %swap3A_110 = tpu.memref_slice %arg12[%swap3A, %swap3A_108, %swap3A_109] : memref<2x128x32xf32, #tpu.memory_space<vmem>> -> memref<1x128x32xf32, #tpu.memory_space<vmem>>
      %swap3A_111 = tpu.memref_squeeze %swap3A_110 : memref<1x128x32xf32, #tpu.memory_space<vmem>> -> memref<128x32xf32, #tpu.memory_space<vmem>>
      %swap3A_112 = arith.index_cast %add3A_107 : i32 to index
      %swap3A_113 = arith.constant 0 : index
      %swap3A_114 = tpu.vector_load %swap3A_111[%swap3A_112, %swap3A_113] {strides = array<i32>} : memref<128x32xf32, #tpu.memory_space<vmem>>, vector<16xf32>,
      tpu.vector_store %swap3A_111[%swap3A_112, %swap3A_113], %broadcast_in_dim3A_1 {strides = array<i32>} : memref<128x32xf32, #tpu.memory_space<vmem>>, vector<16xf32>,
      %swap3A_115 = arith.constant 0 : i32
      %swap3A_116 = arith.constant 0 : i32
      %swap3A_117 = arith.constant 0 : i32
      %swap3A_118 = tpu.memref_slice %arg12[%swap3A_115, %swap3A_116, %swap3A_117] : memref<2x128x32xf32, #tpu.memory_space<vmem>> -> memref<1x128x32xf32, #tpu.memory_space<vmem>>
      %swap3A_119 = tpu.memref_squeeze %swap3A_118 : memref<1x128x32xf32, #tpu.memory_space<vmem>> -> memref<128x32xf32, #tpu.memory_space<vmem>>
      %swap3A_120 = arith.index_cast %add3A_107 : i32 to index
      %swap3A_121 = arith.constant 16 : index
      %swap3A_122 = tpu.vector_load %swap3A_119[%swap3A_120, %swap3A_121] {strides = array<i32>} : memref<128x32xf32, #tpu.memory_space<vmem>>, vector<16xf32>,
      tpu.vector_store %swap3A_119[%swap3A_120, %swap3A_121], %broadcast_in_dim3A_1 {strides = array<i32>} : memref<128x32xf32, #tpu.memory_space<vmem>>, vector<16xf32>,
    }
    %scan3A_22 = arith.constant 128 : i32
    %scan3A_23 = arith.constant 0 : i32
    %scan3A_24 = arith.constant 128 : i32
    %scan3A_25 = arith.addi %scan3A_23, %scan3A_24 : i32
    %scan3A_26 = arith.constant 1 : i32
    scf.for %scan3A_103 = %scan3A_23 to %scan3A_25 step %scan3A_26  : i32 {
      %mul3A_104 = arith.constant 1 : i32
      %mul3A_105 = arith.muli %scan3A_103, %mul3A_104 : i32
      %add3A_106 = arith.constant 0 : i32
      %add3A_107 = arith.addi %add3A_106, %mul3A_105 : i32
      %swap3A = arith.constant 1 : i32
      %swap3A_108 = arith.constant 0 : i32
      %swap3A_109 = arith.constant 0 : i32
      %swap3A_110 = tpu.memref_slice %arg12[%swap3A, %swap3A_108, %swap3A_109] : memref<2x128x32xf32, #tpu.memory_space<vmem>> -> memref<1x128x32xf32, #tpu.memory_space<vmem>>
      %swap3A_111 = tpu.memref_squeeze %swap3A_110 : memref<1x128x32xf32, #tpu.memory_space<vmem>> -> memref<128x32xf32, #tpu.memory_space<vmem>>
      %swap3A_112 = arith.index_cast %add3A_107 : i32 to index
      %swap3A_113 = arith.constant 0 : index
      %swap3A_114 = tpu.vector_load %swap3A_111[%swap3A_112, %swap3A_113] {strides = array<i32>} : memref<128x32xf32, #tpu.memory_space<vmem>>, vector<16xf32>,
      tpu.vector_store %swap3A_111[%swap3A_112, %swap3A_113], %broadcast_in_dim3A_1 {strides = array<i32>} : memref<128x32xf32, #tpu.memory_space<vmem>>, vector<16xf32>,
      %swap3A_115 = arith.constant 1 : i32
      %swap3A_116 = arith.constant 0 : i32
      %swap3A_117 = arith.constant 0 : i32
      %swap3A_118 = tpu.memref_slice %arg12[%swap3A_115, %swap3A_116, %swap3A_117] : memref<2x128x32xf32, #tpu.memory_space<vmem>> -> memref<1x128x32xf32, #tpu.memory_space<vmem>>
      %swap3A_119 = tpu.memref_squeeze %swap3A_118 : memref<1x128x32xf32, #tpu.memory_space<vmem>> -> memref<128x32xf32, #tpu.memory_space<vmem>>
      %swap3A_120 = arith.index_cast %add3A_107 : i32 to index
      %swap3A_121 = arith.constant 16 : index
      %swap3A_122 = tpu.vector_load %swap3A_119[%swap3A_120, %swap3A_121] {strides = array<i32>} : memref<128x32xf32, #tpu.memory_space<vmem>>, vector<16xf32>,
      tpu.vector_store %swap3A_119[%swap3A_120, %swap3A_121], %broadcast_in_dim3A_1 {strides = array<i32>} : memref<128x32xf32, #tpu.memory_space<vmem>>, vector<16xf32>,
    }
    %scan3A_27 = arith.constant 128 : i32
    %mul3A_28 = arith.constant 640 : i32
    %mul3A_29 = arith.muli %arg1, %mul3A_28 : i32
    %add3A_30 = arith.constant 0 : i32
    %add3A_31 = arith.addi %mul3A_29, %add3A_30 : i32
    %run_scoped3A = arith.constant 0 : i32
    "tpu.region"() ({
      %run_scoped3A_103 = tpu.sem_alloc : memref<!tpu.dma_semaphore, #tpu.memory_space<semaphore_mem>>
      %dma_start3A_104 = arith.constant 0 : i32
      %dma_start3A_105 = arith.constant 0 : i32
      %dma_start3A_106 = tpu.memref_slice %arg12[%run_scoped3A, %dma_start3A_104, %dma_start3A_105] : memref<2x128x32xf32, #tpu.memory_space<vmem>> -> memref<1x128x32xf32, #tpu.memory_space<vmem>>
      %dma_start3A_107 = tpu.memref_squeeze %dma_start3A_106 : memref<1x128x32xf32, #tpu.memory_space<vmem>> -> memref<128x32xf32, #tpu.memory_space<vmem>>
      %dma_start3A_108 = arith.constant 0 : i32
      %dma_start3A_109 = tpu.memref_slice %arg13[%add3A_31, %dma_start3A_108] : memref<10240x32xf32, #tpu.memory_space<vmem_shared>> -> memref<128x32xf32, #tpu.memory_space<vmem_shared>>
      %dma_start3A_110 = arith.constant 0 : i32
      %dma_start3A_111 = tpu.memref_slice %arg13[%add3A_31, %dma_start3A_110] : memref<10240x32xf32, #tpu.memory_space<vmem_shared>> -> memref<128x32xf32, #tpu.memory_space<vmem_shared>>
      %dma_start3A_112 = arith.constant 0 : i32
      %dma_start3A_113 = arith.constant 0 : i32
      %dma_start3A_114 = tpu.memref_slice %arg12[%run_scoped3A, %dma_start3A_112, %dma_start3A_113] : memref<2x128x32xf32, #tpu.memory_space<vmem>> -> memref<1x128x32xf32, #tpu.memory_space<vmem>>
      %dma_start3A_115 = tpu.memref_squeeze %dma_start3A_114 : memref<1x128x32xf32, #tpu.memory_space<vmem>> -> memref<128x32xf32, #tpu.memory_space<vmem>>
      tpu.enqueue_dma source(%dma_start3A_115 : memref<128x32xf32, #tpu.memory_space<vmem>>) target(%dma_start3A_111 : memref<128x32xf32, #tpu.memory_space<vmem_shared>>) target_semaphore(%run_scoped3A_103 : memref<!tpu.dma_semaphore, #tpu.memory_space<semaphore_mem>>)
      %dma_wait3A_116 = arith.constant 0 : i32
      %dma_wait3A_117 = arith.constant 0 : i32
      %dma_wait3A_118 = tpu.memref_slice %arg12[%run_scoped3A, %dma_wait3A_116, %dma_wait3A_117] : memref<2x128x32xf32, #tpu.memory_space<vmem>> -> memref<1x128x32xf32, #tpu.memory_space<vmem>>
      %dma_wait3A_119 = tpu.memref_squeeze %dma_wait3A_118 : memref<1x128x32xf32, #tpu.memory_space<vmem>> -> memref<128x32xf32, #tpu.memory_space<vmem>>
      %dma_wait3A_120 = arith.constant 0 : i32
      %dma_wait3A_121 = tpu.memref_slice %arg13[%add3A_31, %dma_wait3A_120] : memref<10240x32xf32, #tpu.memory_space<vmem_shared>> -> memref<128x32xf32, #tpu.memory_space<vmem_shared>>
      %dma_wait3A_122 = arith.constant 0 : i32
      %dma_wait3A_123 = tpu.memref_slice %arg13[%add3A_31, %dma_wait3A_122] : memref<10240x32xf32, #tpu.memory_space<vmem_shared>> -> memref<128x32xf32, #tpu.memory_space<vmem_shared>>
      %dma_wait3A_124 = arith.constant 0 : i32
      %dma_wait3A_125 = arith.constant 0 : i32
      %dma_wait3A_126 = tpu.memref_slice %arg12[%run_scoped3A, %dma_wait3A_124, %dma_wait3A_125] : memref<2x128x32xf32, #tpu.memory_space<vmem>> -> memref<1x128x32xf32, #tpu.memory_space<vmem>>
      %dma_wait3A_127 = tpu.memref_squeeze %dma_wait3A_126 : memref<1x128x32xf32, #tpu.memory_space<vmem>> -> memref<128x32xf32, #tpu.memory_space<vmem>>
      tpu.wait_dma2 semaphore(%run_scoped3A_103 : memref<!tpu.dma_semaphore, #tpu.memory_space<semaphore_mem>>) src(%dma_wait3A_127 : memref<128x32xf32, #tpu.memory_space<vmem>>) dst(%dma_wait3A_123 : memref<128x32xf32, #tpu.memory_space<vmem_shared>>)
      tpu.yield
    }) : () -> ()
    %mul3A_32 = arith.constant 640 : i32
    %mul3A_33 = arith.muli %arg1, %mul3A_32 : i32
    %add3A_34 = arith.constant 128 : i32
    %add3A_35 = arith.addi %mul3A_33, %add3A_34 : i32
    %run_scoped3A_36 = arith.constant 1 : i32
    "tpu.region"() ({
      %run_scoped3A_103 = tpu.sem_alloc : memref<!tpu.dma_semaphore, #tpu.memory_space<semaphore_mem>>
      %dma_start3A_104 = arith.constant 0 : i32
      %dma_start3A_105 = arith.constant 0 : i32
      %dma_start3A_106 = tpu.memref_slice %arg12[%run_scoped3A_36, %dma_start3A_104, %dma_start3A_105] : memref<2x128x32xf32, #tpu.memory_space<vmem>> -> memref<1x128x32xf32, #tpu.memory_space<vmem>>
      %dma_start3A_107 = tpu.memref_squeeze %dma_start3A_106 : memref<1x128x32xf32, #tpu.memory_space<vmem>> -> memref<128x32xf32, #tpu.memory_space<vmem>>
      %dma_start3A_108 = arith.constant 0 : i32
      %dma_start3A_109 = tpu.memref_slice %arg13[%add3A_35, %dma_start3A_108] : memref<10240x32xf32, #tpu.memory_space<vmem_shared>> -> memref<128x32xf32, #tpu.memory_space<vmem_shared>>
      %dma_start3A_110 = arith.constant 0 : i32
      %dma_start3A_111 = tpu.memref_slice %arg13[%add3A_35, %dma_start3A_110] : memref<10240x32xf32, #tpu.memory_space<vmem_shared>> -> memref<128x32xf32, #tpu.memory_space<vmem_shared>>
      %dma_start3A_112 = arith.constant 0 : i32
      %dma_start3A_113 = arith.constant 0 : i32
      %dma_start3A_114 = tpu.memref_slice %arg12[%run_scoped3A_36, %dma_start3A_112, %dma_start3A_113] : memref<2x128x32xf32, #tpu.memory_space<vmem>> -> memref<1x128x32xf32, #tpu.memory_space<vmem>>
      %dma_start3A_115 = tpu.memref_squeeze %dma_start3A_114 : memref<1x128x32xf32, #tpu.memory_space<vmem>> -> memref<128x32xf32, #tpu.memory_space<vmem>>
      tpu.enqueue_dma source(%dma_start3A_115 : memref<128x32xf32, #tpu.memory_space<vmem>>) target(%dma_start3A_111 : memref<128x32xf32, #tpu.memory_space<vmem_shared>>) target_semaphore(%run_scoped3A_103 : memref<!tpu.dma_semaphore, #tpu.memory_space<semaphore_mem>>)
      %dma_wait3A_116 = arith.constant 0 : i32
      %dma_wait3A_117 = arith.constant 0 : i32
      %dma_wait3A_118 = tpu.memref_slice %arg12[%run_scoped3A_36, %dma_wait3A_116, %dma_wait3A_117] : memref<2x128x32xf32, #tpu.memory_space<vmem>> -> memref<1x128x32xf32, #tpu.memory_space<vmem>>
      %dma_wait3A_119 = tpu.memref_squeeze %dma_wait3A_118 : memref<1x128x32xf32, #tpu.memory_space<vmem>> -> memref<128x32xf32, #tpu.memory_space<vmem>>
      %dma_wait3A_120 = arith.constant 0 : i32
      %dma_wait3A_121 = tpu.memref_slice %arg13[%add3A_35, %dma_wait3A_120] : memref<10240x32xf32, #tpu.memory_space<vmem_shared>> -> memref<128x32xf32, #tpu.memory_space<vmem_shared>>
      %dma_wait3A_122 = arith.constant 0 : i32
      %dma_wait3A_123 = tpu.memref_slice %arg13[%add3A_35, %dma_wait3A_122] : memref<10240x32xf32, #tpu.memory_space<vmem_shared>> -> memref<128x32xf32, #tpu.memory_space<vmem_shared>>
      %dma_wait3A_124 = arith.constant 0 : i32
      %dma_wait3A_125 = arith.constant 0 : i32
      %dma_wait3A_126 = tpu.memref_slice %arg12[%run_scoped3A_36, %dma_wait3A_124, %dma_wait3A_125] : memref<2x128x32xf32, #tpu.memory_space<vmem>> -> memref<1x128x32xf32, #tpu.memory_space<vmem>>
      %dma_wait3A_127 = tpu.memref_squeeze %dma_wait3A_126 : memref<1x128x32xf32, #tpu.memory_space<vmem>> -> memref<128x32xf32, #tpu.memory_space<vmem>>
      tpu.wait_dma2 semaphore(%run_scoped3A_103 : memref<!tpu.dma_semaphore, #tpu.memory_space<semaphore_mem>>) src(%dma_wait3A_127 : memref<128x32xf32, #tpu.memory_space<vmem>>) dst(%dma_wait3A_123 : memref<128x32xf32, #tpu.memory_space<vmem_shared>>)
      tpu.yield
    }) : () -> ()
    %mul3A_37 = arith.constant 640 : i32
    %mul3A_38 = arith.muli %arg1, %mul3A_37 : i32
    %add3A_39 = arith.constant 256 : i32
    %add3A_40 = arith.addi %mul3A_38, %add3A_39 : i32
    %run_scoped3A_41 = arith.constant 0 : i32
    "tpu.region"() ({
      %run_scoped3A_103 = tpu.sem_alloc : memref<!tpu.dma_semaphore, #tpu.memory_space<semaphore_mem>>
      %dma_start3A_104 = arith.constant 0 : i32
      %dma_start3A_105 = arith.constant 0 : i32
      %dma_start3A_106 = tpu.memref_slice %arg12[%run_scoped3A_41, %dma_start3A_104, %dma_start3A_105] : memref<2x128x32xf32, #tpu.memory_space<vmem>> -> memref<1x128x32xf32, #tpu.memory_space<vmem>>
      %dma_start3A_107 = tpu.memref_squeeze %dma_start3A_106 : memref<1x128x32xf32, #tpu.memory_space<vmem>> -> memref<128x32xf32, #tpu.memory_space<vmem>>
      %dma_start3A_108 = arith.constant 0 : i32
      %dma_start3A_109 = tpu.memref_slice %arg13[%add3A_40, %dma_start3A_108] : memref<10240x32xf32, #tpu.memory_space<vmem_shared>> -> memref<128x32xf32, #tpu.memory_space<vmem_shared>>
      %dma_start3A_110 = arith.constant 0 : i32
      %dma_start3A_111 = tpu.memref_slice %arg13[%add3A_40, %dma_start3A_110] : memref<10240x32xf32, #tpu.memory_space<vmem_shared>> -> memref<128x32xf32, #tpu.memory_space<vmem_shared>>
      %dma_start3A_112 = arith.constant 0 : i32
      %dma_start3A_113 = arith.constant 0 : i32
      %dma_start3A_114 = tpu.memref_slice %arg12[%run_scoped3A_41, %dma_start3A_112, %dma_start3A_113] : memref<2x128x32xf32, #tpu.memory_space<vmem>> -> memref<1x128x32xf32, #tpu.memory_space<vmem>>
      %dma_start3A_115 = tpu.memref_squeeze %dma_start3A_114 : memref<1x128x32xf32, #tpu.memory_space<vmem>> -> memref<128x32xf32, #tpu.memory_space<vmem>>
      tpu.enqueue_dma source(%dma_start3A_115 : memref<128x32xf32, #tpu.memory_space<vmem>>) target(%dma_start3A_111 : memref<128x32xf32, #tpu.memory_space<vmem_shared>>) target_semaphore(%run_scoped3A_103 : memref<!tpu.dma_semaphore, #tpu.memory_space<semaphore_mem>>)
      %dma_wait3A_116 = arith.constant 0 : i32
      %dma_wait3A_117 = arith.constant 0 : i32
      %dma_wait3A_118 = tpu.memref_slice %arg12[%run_scoped3A_41, %dma_wait3A_116, %dma_wait3A_117] : memref<2x128x32xf32, #tpu.memory_space<vmem>> -> memref<1x128x32xf32, #tpu.memory_space<vmem>>
      %dma_wait3A_119 = tpu.memref_squeeze %dma_wait3A_118 : memref<1x128x32xf32, #tpu.memory_space<vmem>> -> memref<128x32xf32, #tpu.memory_space<vmem>>
      %dma_wait3A_120 = arith.constant 0 : i32
      %dma_wait3A_121 = tpu.memref_slice %arg13[%add3A_40, %dma_wait3A_120] : memref<10240x32xf32, #tpu.memory_space<vmem_shared>> -> memref<128x32xf32, #tpu.memory_space<vmem_shared>>
      %dma_wait3A_122 = arith.constant 0 : i32
      %dma_wait3A_123 = tpu.memref_slice %arg13[%add3A_40, %dma_wait3A_122] : memref<10240x32xf32, #tpu.memory_space<vmem_shared>> -> memref<128x32xf32, #tpu.memory_space<vmem_shared>>
      %dma_wait3A_124 = arith.constant 0 : i32
      %dma_wait3A_125 = arith.constant 0 : i32
      %dma_wait3A_126 = tpu.memref_slice %arg12[%run_scoped3A_41, %dma_wait3A_124, %dma_wait3A_125] : memref<2x128x32xf32, #tpu.memory_space<vmem>> -> memref<1x128x32xf32, #tpu.memory_space<vmem>>
      %dma_wait3A_127 = tpu.memref_squeeze %dma_wait3A_126 : memref<1x128x32xf32, #tpu.memory_space<vmem>> -> memref<128x32xf32, #tpu.memory_space<vmem>>
      tpu.wait_dma2 semaphore(%run_scoped3A_103 : memref<!tpu.dma_semaphore, #tpu.memory_space<semaphore_mem>>) src(%dma_wait3A_127 : memref<128x32xf32, #tpu.memory_space<vmem>>) dst(%dma_wait3A_123 : memref<128x32xf32, #tpu.memory_space<vmem_shared>>)
      tpu.yield
    }) : () -> ()
    %mul3A_42 = arith.constant 640 : i32
    %mul3A_43 = arith.muli %arg1, %mul3A_42 : i32
    %add3A_44 = arith.constant 384 : i32
    %add3A_45 = arith.addi %mul3A_43, %add3A_44 : i32
    %run_scoped3A_46 = arith.constant 1 : i32
    "tpu.region"() ({
      %run_scoped3A_103 = tpu.sem_alloc : memref<!tpu.dma_semaphore, #tpu.memory_space<semaphore_mem>>
      %dma_start3A_104 = arith.constant 0 : i32
      %dma_start3A_105 = arith.constant 0 : i32
      %dma_start3A_106 = tpu.memref_slice %arg12[%run_scoped3A_46, %dma_start3A_104, %dma_start3A_105] : memref<2x128x32xf32, #tpu.memory_space<vmem>> -> memref<1x128x32xf32, #tpu.memory_space<vmem>>
      %dma_start3A_107 = tpu.memref_squeeze %dma_start3A_106 : memref<1x128x32xf32, #tpu.memory_space<vmem>> -> memref<128x32xf32, #tpu.memory_space<vmem>>
      %dma_start3A_108 = arith.constant 0 : i32
      %dma_start3A_109 = tpu.memref_slice %arg13[%add3A_45, %dma_start3A_108] : memref<10240x32xf32, #tpu.memory_space<vmem_shared>> -> memref<128x32xf32, #tpu.memory_space<vmem_shared>>
      %dma_start3A_110 = arith.constant 0 : i32
      %dma_start3A_111 = tpu.memref_slice %arg13[%add3A_45, %dma_start3A_110] : memref<10240x32xf32, #tpu.memory_space<vmem_shared>> -> memref<128x32xf32, #tpu.memory_space<vmem_shared>>
      %dma_start3A_112 = arith.constant 0 : i32
      %dma_start3A_113 = arith.constant 0 : i32
      %dma_start3A_114 = tpu.memref_slice %arg12[%run_scoped3A_46, %dma_start3A_112, %dma_start3A_113] : memref<2x128x32xf32, #tpu.memory_space<vmem>> -> memref<1x128x32xf32, #tpu.memory_space<vmem>>
      %dma_start3A_115 = tpu.memref_squeeze %dma_start3A_114 : memref<1x128x32xf32, #tpu.memory_space<vmem>> -> memref<128x32xf32, #tpu.memory_space<vmem>>
      tpu.enqueue_dma source(%dma_start3A_115 : memref<128x32xf32, #tpu.memory_space<vmem>>) target(%dma_start3A_111 : memref<128x32xf32, #tpu.memory_space<vmem_shared>>) target_semaphore(%run_scoped3A_103 : memref<!tpu.dma_semaphore, #tpu.memory_space<semaphore_mem>>)
      %dma_wait3A_116 = arith.constant 0 : i32
      %dma_wait3A_117 = arith.constant 0 : i32
      %dma_wait3A_118 = tpu.memref_slice %arg12[%run_scoped3A_46, %dma_wait3A_116, %dma_wait3A_117] : memref<2x128x32xf32, #tpu.memory_space<vmem>> -> memref<1x128x32xf32, #tpu.memory_space<vmem>>
      %dma_wait3A_119 = tpu.memref_squeeze %dma_wait3A_118 : memref<1x128x32xf32, #tpu.memory_space<vmem>> -> memref<128x32xf32, #tpu.memory_space<vmem>>
      %dma_wait3A_120 = arith.constant 0 : i32
      %dma_wait3A_121 = tpu.memref_slice %arg13[%add3A_45, %dma_wait3A_120] : memref<10240x32xf32, #tpu.memory_space<vmem_shared>> -> memref<128x32xf32, #tpu.memory_space<vmem_shared>>
      %dma_wait3A_122 = arith.constant 0 : i32
      %dma_wait3A_123 = tpu.memref_slice %arg13[%add3A_45, %dma_wait3A_122] : memref<10240x32xf32, #tpu.memory_space<vmem_shared>> -> memref<128x32xf32, #tpu.memory_space<vmem_shared>>
      %dma_wait3A_124 = arith.constant 0 : i32
      %dma_wait3A_125 = arith.constant 0 : i32
      %dma_wait3A_126 = tpu.memref_slice %arg12[%run_scoped3A_46, %dma_wait3A_124, %dma_wait3A_125] : memref<2x128x32xf32, #tpu.memory_space<vmem>> -> memref<1x128x32xf32, #tpu.memory_space<vmem>>
      %dma_wait3A_127 = tpu.memref_squeeze %dma_wait3A_126 : memref<1x128x32xf32, #tpu.memory_space<vmem>> -> memref<128x32xf32, #tpu.memory_space<vmem>>
      tpu.wait_dma2 semaphore(%run_scoped3A_103 : memref<!tpu.dma_semaphore, #tpu.memory_space<semaphore_mem>>) src(%dma_wait3A_127 : memref<128x32xf32, #tpu.memory_space<vmem>>) dst(%dma_wait3A_123 : memref<128x32xf32, #tpu.memory_space<vmem_shared>>)
      tpu.yield
    }) : () -> ()
    %mul3A_47 = arith.constant 640 : i32
    %mul3A_48 = arith.muli %arg1, %mul3A_47 : i32
    %add3A_49 = arith.constant 512 : i32
    %add3A_50 = arith.addi %mul3A_48, %add3A_49 : i32
    %run_scoped3A_51 = arith.constant 0 : i32
    "tpu.region"() ({
      %run_scoped3A_103 = tpu.sem_alloc : memref<!tpu.dma_semaphore, #tpu.memory_space<semaphore_mem>>
      %dma_start3A_104 = arith.constant 0 : i32
      %dma_start3A_105 = arith.constant 0 : i32
      %dma_start3A_106 = tpu.memref_slice %arg12[%run_scoped3A_51, %dma_start3A_104, %dma_start3A_105] : memref<2x128x32xf32, #tpu.memory_space<vmem>> -> memref<1x128x32xf32, #tpu.memory_space<vmem>>
      %dma_start3A_107 = tpu.memref_squeeze %dma_start3A_106 : memref<1x128x32xf32, #tpu.memory_space<vmem>> -> memref<128x32xf32, #tpu.memory_space<vmem>>
      %dma_start3A_108 = arith.constant 0 : i32
      %dma_start3A_109 = tpu.memref_slice %arg13[%add3A_50, %dma_start3A_108] : memref<10240x32xf32, #tpu.memory_space<vmem_shared>> -> memref<128x32xf32, #tpu.memory_space<vmem_shared>>
      %dma_start3A_110 = arith.constant 0 : i32
      %dma_start3A_111 = tpu.memref_slice %arg13[%add3A_50, %dma_start3A_110] : memref<10240x32xf32, #tpu.memory_space<vmem_shared>> -> memref<128x32xf32, #tpu.memory_space<vmem_shared>>
      %dma_start3A_112 = arith.constant 0 : i32
      %dma_start3A_113 = arith.constant 0 : i32
      %dma_start3A_114 = tpu.memref_slice %arg12[%run_scoped3A_51, %dma_start3A_112, %dma_start3A_113] : memref<2x128x32xf32, #tpu.memory_space<vmem>> -> memref<1x128x32xf32, #tpu.memory_space<vmem>>
      %dma_start3A_115 = tpu.memref_squeeze %dma_start3A_114 : memref<1x128x32xf32, #tpu.memory_space<vmem>> -> memref<128x32xf32, #tpu.memory_space<vmem>>
      tpu.enqueue_dma source(%dma_start3A_115 : memref<128x32xf32, #tpu.memory_space<vmem>>) target(%dma_start3A_111 : memref<128x32xf32, #tpu.memory_space<vmem_shared>>) target_semaphore(%run_scoped3A_103 : memref<!tpu.dma_semaphore, #tpu.memory_space<semaphore_mem>>)
      %dma_wait3A_116 = arith.constant 0 : i32
      %dma_wait3A_117 = arith.constant 0 : i32
      %dma_wait3A_118 = tpu.memref_slice %arg12[%run_scoped3A_51, %dma_wait3A_116, %dma_wait3A_117] : memref<2x128x32xf32, #tpu.memory_space<vmem>> -> memref<1x128x32xf32, #tpu.memory_space<vmem>>
      %dma_wait3A_119 = tpu.memref_squeeze %dma_wait3A_118 : memref<1x128x32xf32, #tpu.memory_space<vmem>> -> memref<128x32xf32, #tpu.memory_space<vmem>>
      %dma_wait3A_120 = arith.constant 0 : i32
      %dma_wait3A_121 = tpu.memref_slice %arg13[%add3A_50, %dma_wait3A_120] : memref<10240x32xf32, #tpu.memory_space<vmem_shared>> -> memref<128x32xf32, #tpu.memory_space<vmem_shared>>
      %dma_wait3A_122 = arith.constant 0 : i32
      %dma_wait3A_123 = tpu.memref_slice %arg13[%add3A_50, %dma_wait3A_122] : memref<10240x32xf32, #tpu.memory_space<vmem_shared>> -> memref<128x32xf32, #tpu.memory_space<vmem_shared>>
      %dma_wait3A_124 = arith.constant 0 : i32
      %dma_wait3A_125 = arith.constant 0 : i32
      %dma_wait3A_126 = tpu.memref_slice %arg12[%run_scoped3A_51, %dma_wait3A_124, %dma_wait3A_125] : memref<2x128x32xf32, #tpu.memory_space<vmem>> -> memref<1x128x32xf32, #tpu.memory_space<vmem>>
      %dma_wait3A_127 = tpu.memref_squeeze %dma_wait3A_126 : memref<1x128x32xf32, #tpu.memory_space<vmem>> -> memref<128x32xf32, #tpu.memory_space<vmem>>
      tpu.wait_dma2 semaphore(%run_scoped3A_103 : memref<!tpu.dma_semaphore, #tpu.memory_space<semaphore_mem>>) src(%dma_wait3A_127 : memref<128x32xf32, #tpu.memory_space<vmem>>) dst(%dma_wait3A_123 : memref<128x32xf32, #tpu.memory_space<vmem_shared>>)
      tpu.yield
    }) : () -> ()
    %dma_wait3A = arith.constant 0 : i32
    %dma_wait3A_52 = arith.constant 0 : i32
    %dma_wait3A_53 = tpu.memref_slice %arg5[%add3A, %dma_wait3A, %dma_wait3A_52] : memref<32x82x128xi32, #tpu.memory_space<hbm>> -> memref<1x82x128xi32, #tpu.memory_space<hbm>>
    %dma_wait3A_54 = tpu.memref_squeeze %dma_wait3A_53 : memref<1x82x128xi32, #tpu.memory_space<hbm>> -> memref<82x128xi32, #tpu.memory_space<hbm>>
    %dma_wait3A_55 = arith.constant 0 : i32
    %dma_wait3A_56 = arith.constant 0 : i32
    %dma_wait3A_57 = tpu.memref_slice %arg5[%add3A, %dma_wait3A_55, %dma_wait3A_56] : memref<32x82x128xi32, #tpu.memory_space<hbm>> -> memref<1x82x128xi32, #tpu.memory_space<hbm>>
    %dma_wait3A_58 = tpu.memref_squeeze %dma_wait3A_57 : memref<1x82x128xi32, #tpu.memory_space<hbm>> -> memref<82x128xi32, #tpu.memory_space<hbm>>
    tpu.wait_dma2 semaphore(%arg14 : memref<!tpu.dma_semaphore, #tpu.memory_space<semaphore_mem>>) src(%dma_wait3A_58 : memref<82x128xi32, #tpu.memory_space<hbm>>) dst(%arg7 : memref<82x128xi32, #tpu.memory_space<vmem>>)
    %dma_wait3A_59 = arith.constant 0 : i32
    %dma_wait3A_60 = arith.constant 0 : i32
    %dma_wait3A_61 = tpu.memref_slice %arg2[%dma_wait3A_59, %dma_wait3A_60] : memref<10240x8xf32, #tpu.memory_space<hbm>> -> memref<10016x8xf32, #tpu.memory_space<hbm>>
    %dma_wait3A_62 = arith.constant 0 : i32
    %dma_wait3A_63 = arith.constant 0 : i32
    %dma_wait3A_64 = tpu.memref_slice %arg2[%dma_wait3A_62, %dma_wait3A_63] : memref<10240x8xf32, #tpu.memory_space<hbm>> -> memref<10016x8xf32, #tpu.memory_space<hbm>>
    tpu.wait_dma2 semaphore(%arg14 : memref<!tpu.dma_semaphore, #tpu.memory_space<semaphore_mem>>) src(%dma_wait3A_64 : memref<10016x8xf32, #tpu.memory_space<hbm>>) dst(%arg8 : memref<10016x8xf32, #tpu.memory_space<vmem>>)
    %dma_wait3A_65 = arith.constant 0 : i32
    %dma_wait3A_66 = tpu.memref_slice %arg3[%dma_wait3A_65] : memref<10240xf32, #tpu.memory_space<hbm>> -> memref<10016xf32, #tpu.memory_space<hbm>>
    %dma_wait3A_67 = arith.constant 0 : i32
    %dma_wait3A_68 = tpu.memref_slice %arg3[%dma_wait3A_67] : memref<10240xf32, #tpu.memory_space<hbm>> -> memref<10016xf32, #tpu.memory_space<hbm>>
    tpu.wait_dma2 semaphore(%arg14 : memref<!tpu.dma_semaphore, #tpu.memory_space<semaphore_mem>>) src(%dma_wait3A_68 : memref<10016xf32, #tpu.memory_space<hbm>>) dst(%arg9 : memref<10016xf32, #tpu.memory_space<vmem>>)
    tpu.wait_dma2 semaphore(%arg14 : memref<!tpu.dma_semaphore, #tpu.memory_space<semaphore_mem>>) src(%arg4 : memref<16xf32, #tpu.memory_space<hbm>>) dst(%arg10 : memref<16xf32, #tpu.memory_space<vmem>>)
    %barrier3A = arith.constant 0 : index
    tpu.barrier barrier_id(%barrier3A)
    %scan3A_69 = arith.constant 0 : i32
    %scan3A_70 = arith.constant 41 : i32
    %scan3A_71 = arith.addi %scan3A_69, %scan3A_70 : i32
    %scan3A_72 = arith.constant 1 : i32
    scf.for %scan3A_103 = %scan3A_69 to %scan3A_71 step %scan3A_72  : i32 {
      %mul3A_104 = arith.constant 2 : i32
      %mul3A_105 = arith.muli %scan3A_103, %mul3A_104 : i32
      %add3A_106 = arith.constant 0 : i32
      %add3A_107 = arith.addi %add3A_106, %mul3A_105 : i32
      %ge3A = arith.constant 2 : i32
      %ge3A_108 = arith.cmpi sge, %add3A_107, %ge3A : i32
      %convert_element_type3A = arith.extui %ge3A_108 : i1 to i32
      %cond3A = arith.constant 0 : i32
      %cond3A_109 = arith.cmpi ne, %convert_element_type3A, %cond3A : i32
      scf.if %cond3A_109 {
        %dma_wait3A_153 = arith.constant 0 : i32
        %dma_wait3A_154 = arith.constant 0 : i32
        %dma_wait3A_155 = arith.constant 0 : i32
        %dma_wait3A_156 = arith.constant 0 : i32
        %dma_wait3A_157 = tpu.memref_slice %arg12[%dma_wait3A_153, %dma_wait3A_155, %dma_wait3A_156] : memref<2x128x32xf32, #tpu.memory_space<vmem>> -> memref<1x128x32xf32, #tpu.memory_space<vmem>>
        %dma_wait3A_158 = tpu.memref_squeeze %dma_wait3A_157 : memref<1x128x32xf32, #tpu.memory_space<vmem>> -> memref<128x32xf32, #tpu.memory_space<vmem>>
        %dma_wait3A_159 = arith.constant 0 : i32
        %dma_wait3A_160 = tpu.memref_slice %arg11[%dma_wait3A_154, %dma_wait3A_159] : memref<2x128xi32, #tpu.memory_space<vmem>> -> memref<1x128xi32, #tpu.memory_space<vmem>>
        %dma_wait3A_161 = tpu.memref_squeeze %dma_wait3A_160 : memref<1x128xi32, #tpu.memory_space<vmem>> -> memref<128xi32, #tpu.memory_space<vmem>>
        %dma_wait3A_162 = arith.constant 0 : i32
        %dma_wait3A_163 = arith.constant 0 : i32
        %dma_wait3A_164 = tpu.memref_slice %arg13[%dma_wait3A_162, %dma_wait3A_163] : memref<10240x32xf32, #tpu.memory_space<vmem_shared>> -> memref<10240x32xf32, #tpu.memory_space<vmem_shared>>
        tpu.wait_indirect_dma semaphore(%arg15 : memref<!tpu.dma_semaphore, #tpu.memory_space<semaphore_mem>>) src(%dma_wait3A_158 : memref<128x32xf32, #tpu.memory_space<vmem>>) dst(%dma_wait3A_164 : memref<10240x32xf32, #tpu.memory_space<vmem_shared>>)
      } else {
      }
      %get3A = arith.constant 0 : index
      %get3A_110 = tpu.vector_load %arg10[%get3A] {strides = array<i32>} : memref<16xf32, #tpu.memory_space<vmem>>, vector<16xf32>,
      %parallel_loop3A = arith.constant 0 : i32
      %parallel_loop3A_111 = arith.constant 8 : i32
      %parallel_loop3A_112 = arith.constant 1 : i32
      %parallel_loop3A_113 = arith.constant 0 : i32
      %parallel_loop3A_114 = arith.constant 0 : i32
      scf.for %parallel_loop3A_153 = %parallel_loop3A to %parallel_loop3A_111 step %parallel_loop3A_112  : i32 {
        %parallel_loop3A_154 = tpu.iota {dimensions = array<i32: 0>} : vector<16xi32>
        %parallel_loop3A_155 = arith.constant 16 : i32
        %parallel_loop3A_156 = arith.muli %parallel_loop3A_153, %parallel_loop3A_155 : i32
        %parallel_loop3A_157 = vector.broadcast %parallel_loop3A_156 : i32 to vector<16xi32>
        %parallel_loop3A_158 = arith.addi %parallel_loop3A_154, %parallel_loop3A_157 : vector<16xi32>
        %parallel_loop3A_159 = arith.constant 16 : i32
        %parallel_loop3A_160 = arith.muli %parallel_loop3A_153, %parallel_loop3A_159 : i32
        %parallel_loop3A_161 = arith.index_cast %add3A_107 : i32 to index
        %parallel_loop3A_162 = arith.index_cast %parallel_loop3A_160 : i32 to index
        %parallel_loop3A_163 = tpu.vector_load %arg7[%parallel_loop3A_161, %parallel_loop3A_162] {strides = array<i32>} : memref<82x128xi32, #tpu.memory_space<vmem>>, vector<16xi32>,
        %parallel_loop3A_164 = arith.constant 16383 : i32
        %parallel_loop3A_165 = vector.broadcast %parallel_loop3A_164 : i32 to vector<16xi32>
        %parallel_loop3A_166 = arith.andi %parallel_loop3A_163, %parallel_loop3A_165 : vector<16xi32>
        %parallel_loop3A_167 = arith.constant 14 : i32
        %parallel_loop3A_168 = vector.broadcast %parallel_loop3A_167 : i32 to vector<16xi32>
        %parallel_loop3A_169 = arith.shrui %parallel_loop3A_163, %parallel_loop3A_168 : vector<16xi32>
        %parallel_loop3A_170 = arith.constant 16 : i32
        %parallel_loop3A_171 = arith.muli %parallel_loop3A_153, %parallel_loop3A_170 : i32
        %parallel_loop3A_172 = arith.constant 0 : i32
        %parallel_loop3A_173 = tpu.memref_slice %arg11[%parallel_loop3A_113, %parallel_loop3A_172] : memref<2x128xi32, #tpu.memory_space<vmem>> -> memref<1x128xi32, #tpu.memory_space<vmem>>
        %parallel_loop3A_174 = tpu.memref_squeeze %parallel_loop3A_173 : memref<1x128xi32, #tpu.memory_space<vmem>> -> memref<128xi32, #tpu.memory_space<vmem>>
        %parallel_loop3A_175 = arith.index_cast %parallel_loop3A_171 : i32 to index
        %parallel_loop3A_176 = tpu.vector_load %parallel_loop3A_174[%parallel_loop3A_175] {strides = array<i32>} : memref<128xi32, #tpu.memory_space<vmem>>, vector<16xi32>,
        tpu.vector_store %parallel_loop3A_174[%parallel_loop3A_175], %parallel_loop3A_169 {strides = array<i32>} : memref<128xi32, #tpu.memory_space<vmem>>, vector<16xi32>,
        %parallel_loop3A_177 = arith.constant 0.000000e+00 : f32
        %parallel_loop3A_178 = vector.broadcast %parallel_loop3A_177 : f32 to vector<16xf32>
        %parallel_loop3A_179 = arith.constant 0 : i32
        %parallel_loop3A_180 = vector.broadcast %parallel_loop3A_179 : i32 to vector<16xi32>
        %parallel_loop3A_181 = tpu.vector_load_idx %arg8[%parallel_loop3A_166, %parallel_loop3A_180] : memref<10016x8xf32, #tpu.memory_space<vmem>>[vector<16xi32>, vector<16xi32>], vector<16xf32>,
        %parallel_loop3A_182 = tpu.vector_load_idx %arg8[%parallel_loop3A_169, %parallel_loop3A_180] : memref<10016x8xf32, #tpu.memory_space<vmem>>[vector<16xi32>, vector<16xi32>], vector<16xf32>,
        %parallel_loop3A_183 = vector.bitcast %parallel_loop3A_181 : vector<16xf32> to vector<32xbf16>
        %parallel_loop3A_184 = tpu.unpack_subelements %parallel_loop3A_183, 0 {pack_format = #tpu.pack_format<interleaved>} : vector<32xbf16> -> vector<16xf32>
        %parallel_loop3A_185 = tpu.unpack_subelements %parallel_loop3A_183, 1 {pack_format = #tpu.pack_format<interleaved>} : vector<32xbf16> -> vector<16xf32>
        %parallel_loop3A_186 = vector.bitcast %parallel_loop3A_182 : vector<16xf32> to vector<32xbf16>
        %parallel_loop3A_187 = tpu.unpack_subelements %parallel_loop3A_186, 0 {pack_format = #tpu.pack_format<interleaved>} : vector<32xbf16> -> vector<16xf32>
        %parallel_loop3A_188 = tpu.unpack_subelements %parallel_loop3A_186, 1 {pack_format = #tpu.pack_format<interleaved>} : vector<32xbf16> -> vector<16xf32>
        %parallel_loop3A_189 = arith.mulf %parallel_loop3A_184, %parallel_loop3A_187 : vector<16xf32>
        %parallel_loop3A_190 = arith.mulf %parallel_loop3A_185, %parallel_loop3A_188 : vector<16xf32>
        %parallel_loop3A_191 = arith.addf %parallel_loop3A_189, %parallel_loop3A_190 : vector<16xf32>
        %parallel_loop3A_192 = arith.addf %parallel_loop3A_178, %parallel_loop3A_191 : vector<16xf32>
        %parallel_loop3A_193 = arith.constant 1 : i32
        %parallel_loop3A_194 = vector.broadcast %parallel_loop3A_193 : i32 to vector<16xi32>
        %parallel_loop3A_195 = tpu.vector_load_idx %arg8[%parallel_loop3A_166, %parallel_loop3A_194] : memref<10016x8xf32, #tpu.memory_space<vmem>>[vector<16xi32>, vector<16xi32>], vector<16xf32>,
        %parallel_loop3A_196 = tpu.vector_load_idx %arg8[%parallel_loop3A_169, %parallel_loop3A_194] : memref<10016x8xf32, #tpu.memory_space<vmem>>[vector<16xi32>, vector<16xi32>], vector<16xf32>,
        %parallel_loop3A_197 = vector.bitcast %parallel_loop3A_195 : vector<16xf32> to vector<32xbf16>
        %parallel_loop3A_198 = tpu.unpack_subelements %parallel_loop3A_197, 0 {pack_format = #tpu.pack_format<interleaved>} : vector<32xbf16> -> vector<16xf32>
        %parallel_loop3A_199 = tpu.unpack_subelements %parallel_loop3A_197, 1 {pack_format = #tpu.pack_format<interleaved>} : vector<32xbf16> -> vector<16xf32>
        %parallel_loop3A_200 = vector.bitcast %parallel_loop3A_196 : vector<16xf32> to vector<32xbf16>
        %parallel_loop3A_201 = tpu.unpack_subelements %parallel_loop3A_200, 0 {pack_format = #tpu.pack_format<interleaved>} : vector<32xbf16> -> vector<16xf32>
        %parallel_loop3A_202 = tpu.unpack_subelements %parallel_loop3A_200, 1 {pack_format = #tpu.pack_format<interleaved>} : vector<32xbf16> -> vector<16xf32>
        %parallel_loop3A_203 = arith.mulf %parallel_loop3A_198, %parallel_loop3A_201 : vector<16xf32>
        %parallel_loop3A_204 = arith.mulf %parallel_loop3A_199, %parallel_loop3A_202 : vector<16xf32>
        %parallel_loop3A_205 = arith.addf %parallel_loop3A_203, %parallel_loop3A_204 : vector<16xf32>
        %parallel_loop3A_206 = arith.addf %parallel_loop3A_192, %parallel_loop3A_205 : vector<16xf32>
        %parallel_loop3A_207 = arith.constant 2 : i32
        %parallel_loop3A_208 = vector.broadcast %parallel_loop3A_207 : i32 to vector<16xi32>
        %parallel_loop3A_209 = tpu.vector_load_idx %arg8[%parallel_loop3A_166, %parallel_loop3A_208] : memref<10016x8xf32, #tpu.memory_space<vmem>>[vector<16xi32>, vector<16xi32>], vector<16xf32>,
        %parallel_loop3A_210 = tpu.vector_load_idx %arg8[%parallel_loop3A_169, %parallel_loop3A_208] : memref<10016x8xf32, #tpu.memory_space<vmem>>[vector<16xi32>, vector<16xi32>], vector<16xf32>,
        %parallel_loop3A_211 = vector.bitcast %parallel_loop3A_209 : vector<16xf32> to vector<32xbf16>
        %parallel_loop3A_212 = tpu.unpack_subelements %parallel_loop3A_211, 0 {pack_format = #tpu.pack_format<interleaved>} : vector<32xbf16> -> vector<16xf32>
        %parallel_loop3A_213 = tpu.unpack_subelements %parallel_loop3A_211, 1 {pack_format = #tpu.pack_format<interleaved>} : vector<32xbf16> -> vector<16xf32>
        %parallel_loop3A_214 = vector.bitcast %parallel_loop3A_210 : vector<16xf32> to vector<32xbf16>
        %parallel_loop3A_215 = tpu.unpack_subelements %parallel_loop3A_214, 0 {pack_format = #tpu.pack_format<interleaved>} : vector<32xbf16> -> vector<16xf32>
        %parallel_loop3A_216 = tpu.unpack_subelements %parallel_loop3A_214, 1 {pack_format = #tpu.pack_format<interleaved>} : vector<32xbf16> -> vector<16xf32>
        %parallel_loop3A_217 = arith.mulf %parallel_loop3A_212, %parallel_loop3A_215 : vector<16xf32>
        %parallel_loop3A_218 = arith.mulf %parallel_loop3A_213, %parallel_loop3A_216 : vector<16xf32>
        %parallel_loop3A_219 = arith.addf %parallel_loop3A_217, %parallel_loop3A_218 : vector<16xf32>
        %parallel_loop3A_220 = arith.addf %parallel_loop3A_206, %parallel_loop3A_219 : vector<16xf32>
        %parallel_loop3A_221 = arith.constant 3 : i32
        %parallel_loop3A_222 = vector.broadcast %parallel_loop3A_221 : i32 to vector<16xi32>
        %parallel_loop3A_223 = tpu.vector_load_idx %arg8[%parallel_loop3A_166, %parallel_loop3A_222] : memref<10016x8xf32, #tpu.memory_space<vmem>>[vector<16xi32>, vector<16xi32>], vector<16xf32>,
        %parallel_loop3A_224 = tpu.vector_load_idx %arg8[%parallel_loop3A_169, %parallel_loop3A_222] : memref<10016x8xf32, #tpu.memory_space<vmem>>[vector<16xi32>, vector<16xi32>], vector<16xf32>,
        %parallel_loop3A_225 = vector.bitcast %parallel_loop3A_223 : vector<16xf32> to vector<32xbf16>
        %parallel_loop3A_226 = tpu.unpack_subelements %parallel_loop3A_225, 0 {pack_format = #tpu.pack_format<interleaved>} : vector<32xbf16> -> vector<16xf32>
        %parallel_loop3A_227 = tpu.unpack_subelements %parallel_loop3A_225, 1 {pack_format = #tpu.pack_format<interleaved>} : vector<32xbf16> -> vector<16xf32>
        %parallel_loop3A_228 = vector.bitcast %parallel_loop3A_224 : vector<16xf32> to vector<32xbf16>
        %parallel_loop3A_229 = tpu.unpack_subelements %parallel_loop3A_228, 0 {pack_format = #tpu.pack_format<interleaved>} : vector<32xbf16> -> vector<16xf32>
        %parallel_loop3A_230 = tpu.unpack_subelements %parallel_loop3A_228, 1 {pack_format = #tpu.pack_format<interleaved>} : vector<32xbf16> -> vector<16xf32>
        %parallel_loop3A_231 = arith.mulf %parallel_loop3A_226, %parallel_loop3A_229 : vector<16xf32>
        %parallel_loop3A_232 = arith.mulf %parallel_loop3A_227, %parallel_loop3A_230 : vector<16xf32>
        %parallel_loop3A_233 = arith.addf %parallel_loop3A_231, %parallel_loop3A_232 : vector<16xf32>
        %parallel_loop3A_234 = arith.addf %parallel_loop3A_220, %parallel_loop3A_233 : vector<16xf32>
        %parallel_loop3A_235 = arith.constant 4 : i32
        %parallel_loop3A_236 = vector.broadcast %parallel_loop3A_235 : i32 to vector<16xi32>
        %parallel_loop3A_237 = tpu.vector_load_idx %arg8[%parallel_loop3A_166, %parallel_loop3A_236] : memref<10016x8xf32, #tpu.memory_space<vmem>>[vector<16xi32>, vector<16xi32>], vector<16xf32>,
        %parallel_loop3A_238 = tpu.vector_load_idx %arg8[%parallel_loop3A_169, %parallel_loop3A_236] : memref<10016x8xf32, #tpu.memory_space<vmem>>[vector<16xi32>, vector<16xi32>], vector<16xf32>,
        %parallel_loop3A_239 = vector.bitcast %parallel_loop3A_237 : vector<16xf32> to vector<32xbf16>
        %parallel_loop3A_240 = tpu.unpack_subelements %parallel_loop3A_239, 0 {pack_format = #tpu.pack_format<interleaved>} : vector<32xbf16> -> vector<16xf32>
        %parallel_loop3A_241 = tpu.unpack_subelements %parallel_loop3A_239, 1 {pack_format = #tpu.pack_format<interleaved>} : vector<32xbf16> -> vector<16xf32>
        %parallel_loop3A_242 = vector.bitcast %parallel_loop3A_238 : vector<16xf32> to vector<32xbf16>
        %parallel_loop3A_243 = tpu.unpack_subelements %parallel_loop3A_242, 0 {pack_format = #tpu.pack_format<interleaved>} : vector<32xbf16> -> vector<16xf32>
        %parallel_loop3A_244 = tpu.unpack_subelements %parallel_loop3A_242, 1 {pack_format = #tpu.pack_format<interleaved>} : vector<32xbf16> -> vector<16xf32>
        %parallel_loop3A_245 = arith.mulf %parallel_loop3A_240, %parallel_loop3A_243 : vector<16xf32>
        %parallel_loop3A_246 = arith.mulf %parallel_loop3A_241, %parallel_loop3A_244 : vector<16xf32>
        %parallel_loop3A_247 = arith.addf %parallel_loop3A_245, %parallel_loop3A_246 : vector<16xf32>
        %parallel_loop3A_248 = arith.addf %parallel_loop3A_234, %parallel_loop3A_247 : vector<16xf32>
        %parallel_loop3A_249 = arith.constant 5 : i32
        %parallel_loop3A_250 = vector.broadcast %parallel_loop3A_249 : i32 to vector<16xi32>
        %parallel_loop3A_251 = tpu.vector_load_idx %arg8[%parallel_loop3A_166, %parallel_loop3A_250] : memref<10016x8xf32, #tpu.memory_space<vmem>>[vector<16xi32>, vector<16xi32>], vector<16xf32>,
        %parallel_loop3A_252 = tpu.vector_load_idx %arg8[%parallel_loop3A_169, %parallel_loop3A_250] : memref<10016x8xf32, #tpu.memory_space<vmem>>[vector<16xi32>, vector<16xi32>], vector<16xf32>,
        %parallel_loop3A_253 = vector.bitcast %parallel_loop3A_251 : vector<16xf32> to vector<32xbf16>
        %parallel_loop3A_254 = tpu.unpack_subelements %parallel_loop3A_253, 0 {pack_format = #tpu.pack_format<interleaved>} : vector<32xbf16> -> vector<16xf32>
        %parallel_loop3A_255 = tpu.unpack_subelements %parallel_loop3A_253, 1 {pack_format = #tpu.pack_format<interleaved>} : vector<32xbf16> -> vector<16xf32>
        %parallel_loop3A_256 = vector.bitcast %parallel_loop3A_252 : vector<16xf32> to vector<32xbf16>
        %parallel_loop3A_257 = tpu.unpack_subelements %parallel_loop3A_256, 0 {pack_format = #tpu.pack_format<interleaved>} : vector<32xbf16> -> vector<16xf32>
        %parallel_loop3A_258 = tpu.unpack_subelements %parallel_loop3A_256, 1 {pack_format = #tpu.pack_format<interleaved>} : vector<32xbf16> -> vector<16xf32>
        %parallel_loop3A_259 = arith.mulf %parallel_loop3A_254, %parallel_loop3A_257 : vector<16xf32>
        %parallel_loop3A_260 = arith.mulf %parallel_loop3A_255, %parallel_loop3A_258 : vector<16xf32>
        %parallel_loop3A_261 = arith.addf %parallel_loop3A_259, %parallel_loop3A_260 : vector<16xf32>
        %parallel_loop3A_262 = arith.addf %parallel_loop3A_248, %parallel_loop3A_261 : vector<16xf32>
        %parallel_loop3A_263 = arith.constant 6 : i32
        %parallel_loop3A_264 = vector.broadcast %parallel_loop3A_263 : i32 to vector<16xi32>
        %parallel_loop3A_265 = tpu.vector_load_idx %arg8[%parallel_loop3A_166, %parallel_loop3A_264] : memref<10016x8xf32, #tpu.memory_space<vmem>>[vector<16xi32>, vector<16xi32>], vector<16xf32>,
        %parallel_loop3A_266 = tpu.vector_load_idx %arg8[%parallel_loop3A_169, %parallel_loop3A_264] : memref<10016x8xf32, #tpu.memory_space<vmem>>[vector<16xi32>, vector<16xi32>], vector<16xf32>,
        %parallel_loop3A_267 = vector.bitcast %parallel_loop3A_265 : vector<16xf32> to vector<32xbf16>
        %parallel_loop3A_268 = tpu.unpack_subelements %parallel_loop3A_267, 0 {pack_format = #tpu.pack_format<interleaved>} : vector<32xbf16> -> vector<16xf32>
        %parallel_loop3A_269 = tpu.unpack_subelements %parallel_loop3A_267, 1 {pack_format = #tpu.pack_format<interleaved>} : vector<32xbf16> -> vector<16xf32>
        %parallel_loop3A_270 = vector.bitcast %parallel_loop3A_266 : vector<16xf32> to vector<32xbf16>
        %parallel_loop3A_271 = tpu.unpack_subelements %parallel_loop3A_270, 0 {pack_format = #tpu.pack_format<interleaved>} : vector<32xbf16> -> vector<16xf32>
        %parallel_loop3A_272 = tpu.unpack_subelements %parallel_loop3A_270, 1 {pack_format = #tpu.pack_format<interleaved>} : vector<32xbf16> -> vector<16xf32>
        %parallel_loop3A_273 = arith.mulf %parallel_loop3A_268, %parallel_loop3A_271 : vector<16xf32>
        %parallel_loop3A_274 = arith.mulf %parallel_loop3A_269, %parallel_loop3A_272 : vector<16xf32>
        %parallel_loop3A_275 = arith.addf %parallel_loop3A_273, %parallel_loop3A_274 : vector<16xf32>
        %parallel_loop3A_276 = arith.addf %parallel_loop3A_262, %parallel_loop3A_275 : vector<16xf32>
        %parallel_loop3A_277 = arith.constant 7 : i32
        %parallel_loop3A_278 = vector.broadcast %parallel_loop3A_277 : i32 to vector<16xi32>
        %parallel_loop3A_279 = tpu.vector_load_idx %arg8[%parallel_loop3A_166, %parallel_loop3A_278] : memref<10016x8xf32, #tpu.memory_space<vmem>>[vector<16xi32>, vector<16xi32>], vector<16xf32>,
        %parallel_loop3A_280 = tpu.vector_load_idx %arg8[%parallel_loop3A_169, %parallel_loop3A_278] : memref<10016x8xf32, #tpu.memory_space<vmem>>[vector<16xi32>, vector<16xi32>], vector<16xf32>,
        %parallel_loop3A_281 = vector.bitcast %parallel_loop3A_279 : vector<16xf32> to vector<32xbf16>
        %parallel_loop3A_282 = tpu.unpack_subelements %parallel_loop3A_281, 0 {pack_format = #tpu.pack_format<interleaved>} : vector<32xbf16> -> vector<16xf32>
        %parallel_loop3A_283 = tpu.unpack_subelements %parallel_loop3A_281, 1 {pack_format = #tpu.pack_format<interleaved>} : vector<32xbf16> -> vector<16xf32>
        %parallel_loop3A_284 = vector.bitcast %parallel_loop3A_280 : vector<16xf32> to vector<32xbf16>
        %parallel_loop3A_285 = tpu.unpack_subelements %parallel_loop3A_284, 0 {pack_format = #tpu.pack_format<interleaved>} : vector<32xbf16> -> vector<16xf32>
        %parallel_loop3A_286 = tpu.unpack_subelements %parallel_loop3A_284, 1 {pack_format = #tpu.pack_format<interleaved>} : vector<32xbf16> -> vector<16xf32>
        %parallel_loop3A_287 = arith.mulf %parallel_loop3A_282, %parallel_loop3A_285 : vector<16xf32>
        %parallel_loop3A_288 = arith.mulf %parallel_loop3A_283, %parallel_loop3A_286 : vector<16xf32>
        %parallel_loop3A_289 = arith.addf %parallel_loop3A_287, %parallel_loop3A_288 : vector<16xf32>
        %parallel_loop3A_290 = arith.addf %parallel_loop3A_276, %parallel_loop3A_289 : vector<16xf32>
        %parallel_loop3A_291 = tpu.vector_load_idx %arg9[%parallel_loop3A_166] : memref<10016xf32, #tpu.memory_space<vmem>>[vector<16xi32>], vector<16xf32>,
        %parallel_loop3A_292 = arith.mulf %parallel_loop3A_290, %get3A_110 : vector<16xf32>
        %parallel_loop3A_293 = math.exp %parallel_loop3A_292 : vector<16xf32>
        %parallel_loop3A_294 = arith.mulf %parallel_loop3A_293, %parallel_loop3A_291 : vector<16xf32>
        %parallel_loop3A_295 = arith.constant 16 : i32
        %parallel_loop3A_296 = vector.broadcast %parallel_loop3A_295 : i32 to vector<16xi32>
        %parallel_loop3A_297 = arith.constant 0 : i32
        %parallel_loop3A_298 = arith.constant 0 : i32
        %parallel_loop3A_299 = tpu.memref_slice %arg12[%parallel_loop3A_114, %parallel_loop3A_297, %parallel_loop3A_298] : memref<2x128x32xf32, #tpu.memory_space<vmem>> -> memref<1x128x32xf32, #tpu.memory_space<vmem>>
        %parallel_loop3A_300 = tpu.memref_squeeze %parallel_loop3A_299 : memref<1x128x32xf32, #tpu.memory_space<vmem>> -> memref<128x32xf32, #tpu.memory_space<vmem>>
        tpu.vector_store_idx %parallel_loop3A_300[%parallel_loop3A_158, %parallel_loop3A_296], %parallel_loop3A_293 : memref<128x32xf32, #tpu.memory_space<vmem>>[vector<16xi32>, vector<16xi32>], vector<16xf32>,
        %parallel_loop3A_301 = arith.constant 0 : i32
        %parallel_loop3A_302 = vector.broadcast %parallel_loop3A_301 : i32 to vector<16xi32>
        %parallel_loop3A_303 = arith.mulf %parallel_loop3A_184, %parallel_loop3A_294 : vector<16xf32>
        %parallel_loop3A_304 = arith.constant 0 : i32
        %parallel_loop3A_305 = arith.constant 0 : i32
        %parallel_loop3A_306 = tpu.memref_slice %arg12[%parallel_loop3A_114, %parallel_loop3A_304, %parallel_loop3A_305] : memref<2x128x32xf32, #tpu.memory_space<vmem>> -> memref<1x128x32xf32, #tpu.memory_space<vmem>>
        %parallel_loop3A_307 = tpu.memref_squeeze %parallel_loop3A_306 : memref<1x128x32xf32, #tpu.memory_space<vmem>> -> memref<128x32xf32, #tpu.memory_space<vmem>>
        tpu.vector_store_idx %parallel_loop3A_307[%parallel_loop3A_158, %parallel_loop3A_302], %parallel_loop3A_303 : memref<128x32xf32, #tpu.memory_space<vmem>>[vector<16xi32>, vector<16xi32>], vector<16xf32>,
        %parallel_loop3A_308 = arith.constant 1 : i32
        %parallel_loop3A_309 = vector.broadcast %parallel_loop3A_308 : i32 to vector<16xi32>
        %parallel_loop3A_310 = arith.mulf %parallel_loop3A_185, %parallel_loop3A_294 : vector<16xf32>
        %parallel_loop3A_311 = arith.constant 0 : i32
        %parallel_loop3A_312 = arith.constant 0 : i32
        %parallel_loop3A_313 = tpu.memref_slice %arg12[%parallel_loop3A_114, %parallel_loop3A_311, %parallel_loop3A_312] : memref<2x128x32xf32, #tpu.memory_space<vmem>> -> memref<1x128x32xf32, #tpu.memory_space<vmem>>
        %parallel_loop3A_314 = tpu.memref_squeeze %parallel_loop3A_313 : memref<1x128x32xf32, #tpu.memory_space<vmem>> -> memref<128x32xf32, #tpu.memory_space<vmem>>
        tpu.vector_store_idx %parallel_loop3A_314[%parallel_loop3A_158, %parallel_loop3A_309], %parallel_loop3A_310 : memref<128x32xf32, #tpu.memory_space<vmem>>[vector<16xi32>, vector<16xi32>], vector<16xf32>,
        %parallel_loop3A_315 = arith.constant 2 : i32
        %parallel_loop3A_316 = vector.broadcast %parallel_loop3A_315 : i32 to vector<16xi32>
        %parallel_loop3A_317 = arith.mulf %parallel_loop3A_198, %parallel_loop3A_294 : vector<16xf32>
        %parallel_loop3A_318 = arith.constant 0 : i32
        %parallel_loop3A_319 = arith.constant 0 : i32
        %parallel_loop3A_320 = tpu.memref_slice %arg12[%parallel_loop3A_114, %parallel_loop3A_318, %parallel_loop3A_319] : memref<2x128x32xf32, #tpu.memory_space<vmem>> -> memref<1x128x32xf32, #tpu.memory_space<vmem>>
        %parallel_loop3A_321 = tpu.memref_squeeze %parallel_loop3A_320 : memref<1x128x32xf32, #tpu.memory_space<vmem>> -> memref<128x32xf32, #tpu.memory_space<vmem>>
        tpu.vector_store_idx %parallel_loop3A_321[%parallel_loop3A_158, %parallel_loop3A_316], %parallel_loop3A_317 : memref<128x32xf32, #tpu.memory_space<vmem>>[vector<16xi32>, vector<16xi32>], vector<16xf32>,
        %parallel_loop3A_322 = arith.constant 3 : i32
        %parallel_loop3A_323 = vector.broadcast %parallel_loop3A_322 : i32 to vector<16xi32>
        %parallel_loop3A_324 = arith.mulf %parallel_loop3A_199, %parallel_loop3A_294 : vector<16xf32>
        %parallel_loop3A_325 = arith.constant 0 : i32
        %parallel_loop3A_326 = arith.constant 0 : i32
        %parallel_loop3A_327 = tpu.memref_slice %arg12[%parallel_loop3A_114, %parallel_loop3A_325, %parallel_loop3A_326] : memref<2x128x32xf32, #tpu.memory_space<vmem>> -> memref<1x128x32xf32, #tpu.memory_space<vmem>>
        %parallel_loop3A_328 = tpu.memref_squeeze %parallel_loop3A_327 : memref<1x128x32xf32, #tpu.memory_space<vmem>> -> memref<128x32xf32, #tpu.memory_space<vmem>>
        tpu.vector_store_idx %parallel_loop3A_328[%parallel_loop3A_158, %parallel_loop3A_323], %parallel_loop3A_324 : memref<128x32xf32, #tpu.memory_space<vmem>>[vector<16xi32>, vector<16xi32>], vector<16xf32>,
        %parallel_loop3A_329 = arith.constant 4 : i32
        %parallel_loop3A_330 = vector.broadcast %parallel_loop3A_329 : i32 to vector<16xi32>
        %parallel_loop3A_331 = arith.mulf %parallel_loop3A_212, %parallel_loop3A_294 : vector<16xf32>
        %parallel_loop3A_332 = arith.constant 0 : i32
        %parallel_loop3A_333 = arith.constant 0 : i32
        %parallel_loop3A_334 = tpu.memref_slice %arg12[%parallel_loop3A_114, %parallel_loop3A_332, %parallel_loop3A_333] : memref<2x128x32xf32, #tpu.memory_space<vmem>> -> memref<1x128x32xf32, #tpu.memory_space<vmem>>
        %parallel_loop3A_335 = tpu.memref_squeeze %parallel_loop3A_334 : memref<1x128x32xf32, #tpu.memory_space<vmem>> -> memref<128x32xf32, #tpu.memory_space<vmem>>
        tpu.vector_store_idx %parallel_loop3A_335[%parallel_loop3A_158, %parallel_loop3A_330], %parallel_loop3A_331 : memref<128x32xf32, #tpu.memory_space<vmem>>[vector<16xi32>, vector<16xi32>], vector<16xf32>,
        %parallel_loop3A_336 = arith.constant 5 : i32
        %parallel_loop3A_337 = vector.broadcast %parallel_loop3A_336 : i32 to vector<16xi32>
        %parallel_loop3A_338 = arith.mulf %parallel_loop3A_213, %parallel_loop3A_294 : vector<16xf32>
        %parallel_loop3A_339 = arith.constant 0 : i32
        %parallel_loop3A_340 = arith.constant 0 : i32
        %parallel_loop3A_341 = tpu.memref_slice %arg12[%parallel_loop3A_114, %parallel_loop3A_339, %parallel_loop3A_340] : memref<2x128x32xf32, #tpu.memory_space<vmem>> -> memref<1x128x32xf32, #tpu.memory_space<vmem>>
        %parallel_loop3A_342 = tpu.memref_squeeze %parallel_loop3A_341 : memref<1x128x32xf32, #tpu.memory_space<vmem>> -> memref<128x32xf32, #tpu.memory_space<vmem>>
        tpu.vector_store_idx %parallel_loop3A_342[%parallel_loop3A_158, %parallel_loop3A_337], %parallel_loop3A_338 : memref<128x32xf32, #tpu.memory_space<vmem>>[vector<16xi32>, vector<16xi32>], vector<16xf32>,
        %parallel_loop3A_343 = arith.constant 6 : i32
        %parallel_loop3A_344 = vector.broadcast %parallel_loop3A_343 : i32 to vector<16xi32>
        %parallel_loop3A_345 = arith.mulf %parallel_loop3A_226, %parallel_loop3A_294 : vector<16xf32>
        %parallel_loop3A_346 = arith.constant 0 : i32
        %parallel_loop3A_347 = arith.constant 0 : i32
        %parallel_loop3A_348 = tpu.memref_slice %arg12[%parallel_loop3A_114, %parallel_loop3A_346, %parallel_loop3A_347] : memref<2x128x32xf32, #tpu.memory_space<vmem>> -> memref<1x128x32xf32, #tpu.memory_space<vmem>>
        %parallel_loop3A_349 = tpu.memref_squeeze %parallel_loop3A_348 : memref<1x128x32xf32, #tpu.memory_space<vmem>> -> memref<128x32xf32, #tpu.memory_space<vmem>>
        tpu.vector_store_idx %parallel_loop3A_349[%parallel_loop3A_158, %parallel_loop3A_344], %parallel_loop3A_345 : memref<128x32xf32, #tpu.memory_space<vmem>>[vector<16xi32>, vector<16xi32>], vector<16xf32>,
        %parallel_loop3A_350 = arith.constant 7 : i32
        %parallel_loop3A_351 = vector.broadcast %parallel_loop3A_350 : i32 to vector<16xi32>
        %parallel_loop3A_352 = arith.mulf %parallel_loop3A_227, %parallel_loop3A_294 : vector<16xf32>
        %parallel_loop3A_353 = arith.constant 0 : i32
        %parallel_loop3A_354 = arith.constant 0 : i32
        %parallel_loop3A_355 = tpu.memref_slice %arg12[%parallel_loop3A_114, %parallel_loop3A_353, %parallel_loop3A_354] : memref<2x128x32xf32, #tpu.memory_space<vmem>> -> memref<1x128x32xf32, #tpu.memory_space<vmem>>
        %parallel_loop3A_356 = tpu.memref_squeeze %parallel_loop3A_355 : memref<1x128x32xf32, #tpu.memory_space<vmem>> -> memref<128x32xf32, #tpu.memory_space<vmem>>
        tpu.vector_store_idx %parallel_loop3A_356[%parallel_loop3A_158, %parallel_loop3A_351], %parallel_loop3A_352 : memref<128x32xf32, #tpu.memory_space<vmem>>[vector<16xi32>, vector<16xi32>], vector<16xf32>,
        %parallel_loop3A_357 = arith.constant 8 : i32
        %parallel_loop3A_358 = vector.broadcast %parallel_loop3A_357 : i32 to vector<16xi32>
        %parallel_loop3A_359 = arith.mulf %parallel_loop3A_240, %parallel_loop3A_294 : vector<16xf32>
        %parallel_loop3A_360 = arith.constant 0 : i32
        %parallel_loop3A_361 = arith.constant 0 : i32
        %parallel_loop3A_362 = tpu.memref_slice %arg12[%parallel_loop3A_114, %parallel_loop3A_360, %parallel_loop3A_361] : memref<2x128x32xf32, #tpu.memory_space<vmem>> -> memref<1x128x32xf32, #tpu.memory_space<vmem>>
        %parallel_loop3A_363 = tpu.memref_squeeze %parallel_loop3A_362 : memref<1x128x32xf32, #tpu.memory_space<vmem>> -> memref<128x32xf32, #tpu.memory_space<vmem>>
        tpu.vector_store_idx %parallel_loop3A_363[%parallel_loop3A_158, %parallel_loop3A_358], %parallel_loop3A_359 : memref<128x32xf32, #tpu.memory_space<vmem>>[vector<16xi32>, vector<16xi32>], vector<16xf32>,
        %parallel_loop3A_364 = arith.constant 9 : i32
        %parallel_loop3A_365 = vector.broadcast %parallel_loop3A_364 : i32 to vector<16xi32>
        %parallel_loop3A_366 = arith.mulf %parallel_loop3A_241, %parallel_loop3A_294 : vector<16xf32>
        %parallel_loop3A_367 = arith.constant 0 : i32
        %parallel_loop3A_368 = arith.constant 0 : i32
        %parallel_loop3A_369 = tpu.memref_slice %arg12[%parallel_loop3A_114, %parallel_loop3A_367, %parallel_loop3A_368] : memref<2x128x32xf32, #tpu.memory_space<vmem>> -> memref<1x128x32xf32, #tpu.memory_space<vmem>>
        %parallel_loop3A_370 = tpu.memref_squeeze %parallel_loop3A_369 : memref<1x128x32xf32, #tpu.memory_space<vmem>> -> memref<128x32xf32, #tpu.memory_space<vmem>>
        tpu.vector_store_idx %parallel_loop3A_370[%parallel_loop3A_158, %parallel_loop3A_365], %parallel_loop3A_366 : memref<128x32xf32, #tpu.memory_space<vmem>>[vector<16xi32>, vector<16xi32>], vector<16xf32>,
        %parallel_loop3A_371 = arith.constant 10 : i32
        %parallel_loop3A_372 = vector.broadcast %parallel_loop3A_371 : i32 to vector<16xi32>
        %parallel_loop3A_373 = arith.mulf %parallel_loop3A_254, %parallel_loop3A_294 : vector<16xf32>
        %parallel_loop3A_374 = arith.constant 0 : i32
        %parallel_loop3A_375 = arith.constant 0 : i32
        %parallel_loop3A_376 = tpu.memref_slice %arg12[%parallel_loop3A_114, %parallel_loop3A_374, %parallel_loop3A_375] : memref<2x128x32xf32, #tpu.memory_space<vmem>> -> memref<1x128x32xf32, #tpu.memory_space<vmem>>
        %parallel_loop3A_377 = tpu.memref_squeeze %parallel_loop3A_376 : memref<1x128x32xf32, #tpu.memory_space<vmem>> -> memref<128x32xf32, #tpu.memory_space<vmem>>
        tpu.vector_store_idx %parallel_loop3A_377[%parallel_loop3A_158, %parallel_loop3A_372], %parallel_loop3A_373 : memref<128x32xf32, #tpu.memory_space<vmem>>[vector<16xi32>, vector<16xi32>], vector<16xf32>,
        %parallel_loop3A_378 = arith.constant 11 : i32
        %parallel_loop3A_379 = vector.broadcast %parallel_loop3A_378 : i32 to vector<16xi32>
        %parallel_loop3A_380 = arith.mulf %parallel_loop3A_255, %parallel_loop3A_294 : vector<16xf32>
        %parallel_loop3A_381 = arith.constant 0 : i32
        %parallel_loop3A_382 = arith.constant 0 : i32
        %parallel_loop3A_383 = tpu.memref_slice %arg12[%parallel_loop3A_114, %parallel_loop3A_381, %parallel_loop3A_382] : memref<2x128x32xf32, #tpu.memory_space<vmem>> -> memref<1x128x32xf32, #tpu.memory_space<vmem>>
        %parallel_loop3A_384 = tpu.memref_squeeze %parallel_loop3A_383 : memref<1x128x32xf32, #tpu.memory_space<vmem>> -> memref<128x32xf32, #tpu.memory_space<vmem>>
        tpu.vector_store_idx %parallel_loop3A_384[%parallel_loop3A_158, %parallel_loop3A_379], %parallel_loop3A_380 : memref<128x32xf32, #tpu.memory_space<vmem>>[vector<16xi32>, vector<16xi32>], vector<16xf32>,
        %parallel_loop3A_385 = arith.constant 12 : i32
        %parallel_loop3A_386 = vector.broadcast %parallel_loop3A_385 : i32 to vector<16xi32>
        %parallel_loop3A_387 = arith.mulf %parallel_loop3A_268, %parallel_loop3A_294 : vector<16xf32>
        %parallel_loop3A_388 = arith.constant 0 : i32
        %parallel_loop3A_389 = arith.constant 0 : i32
        %parallel_loop3A_390 = tpu.memref_slice %arg12[%parallel_loop3A_114, %parallel_loop3A_388, %parallel_loop3A_389] : memref<2x128x32xf32, #tpu.memory_space<vmem>> -> memref<1x128x32xf32, #tpu.memory_space<vmem>>
        %parallel_loop3A_391 = tpu.memref_squeeze %parallel_loop3A_390 : memref<1x128x32xf32, #tpu.memory_space<vmem>> -> memref<128x32xf32, #tpu.memory_space<vmem>>
        tpu.vector_store_idx %parallel_loop3A_391[%parallel_loop3A_158, %parallel_loop3A_386], %parallel_loop3A_387 : memref<128x32xf32, #tpu.memory_space<vmem>>[vector<16xi32>, vector<16xi32>], vector<16xf32>,
        %parallel_loop3A_392 = arith.constant 13 : i32
        %parallel_loop3A_393 = vector.broadcast %parallel_loop3A_392 : i32 to vector<16xi32>
        %parallel_loop3A_394 = arith.mulf %parallel_loop3A_269, %parallel_loop3A_294 : vector<16xf32>
        %parallel_loop3A_395 = arith.constant 0 : i32
        %parallel_loop3A_396 = arith.constant 0 : i32
        %parallel_loop3A_397 = tpu.memref_slice %arg12[%parallel_loop3A_114, %parallel_loop3A_395, %parallel_loop3A_396] : memref<2x128x32xf32, #tpu.memory_space<vmem>> -> memref<1x128x32xf32, #tpu.memory_space<vmem>>
        %parallel_loop3A_398 = tpu.memref_squeeze %parallel_loop3A_397 : memref<1x128x32xf32, #tpu.memory_space<vmem>> -> memref<128x32xf32, #tpu.memory_space<vmem>>
        tpu.vector_store_idx %parallel_loop3A_398[%parallel_loop3A_158, %parallel_loop3A_393], %parallel_loop3A_394 : memref<128x32xf32, #tpu.memory_space<vmem>>[vector<16xi32>, vector<16xi32>], vector<16xf32>,
        %parallel_loop3A_399 = arith.constant 14 : i32
        %parallel_loop3A_400 = vector.broadcast %parallel_loop3A_399 : i32 to vector<16xi32>
        %parallel_loop3A_401 = arith.mulf %parallel_loop3A_282, %parallel_loop3A_294 : vector<16xf32>
        %parallel_loop3A_402 = arith.constant 0 : i32
        %parallel_loop3A_403 = arith.constant 0 : i32
        %parallel_loop3A_404 = tpu.memref_slice %arg12[%parallel_loop3A_114, %parallel_loop3A_402, %parallel_loop3A_403] : memref<2x128x32xf32, #tpu.memory_space<vmem>> -> memref<1x128x32xf32, #tpu.memory_space<vmem>>
        %parallel_loop3A_405 = tpu.memref_squeeze %parallel_loop3A_404 : memref<1x128x32xf32, #tpu.memory_space<vmem>> -> memref<128x32xf32, #tpu.memory_space<vmem>>
        tpu.vector_store_idx %parallel_loop3A_405[%parallel_loop3A_158, %parallel_loop3A_400], %parallel_loop3A_401 : memref<128x32xf32, #tpu.memory_space<vmem>>[vector<16xi32>, vector<16xi32>], vector<16xf32>,
        %parallel_loop3A_406 = arith.constant 15 : i32
        %parallel_loop3A_407 = vector.broadcast %parallel_loop3A_406 : i32 to vector<16xi32>
        %parallel_loop3A_408 = arith.mulf %parallel_loop3A_283, %parallel_loop3A_294 : vector<16xf32>
        %parallel_loop3A_409 = arith.constant 0 : i32
        %parallel_loop3A_410 = arith.constant 0 : i32
        %parallel_loop3A_411 = tpu.memref_slice %arg12[%parallel_loop3A_114, %parallel_loop3A_409, %parallel_loop3A_410] : memref<2x128x32xf32, #tpu.memory_space<vmem>> -> memref<1x128x32xf32, #tpu.memory_space<vmem>>
        %parallel_loop3A_412 = tpu.memref_squeeze %parallel_loop3A_411 : memref<1x128x32xf32, #tpu.memory_space<vmem>> -> memref<128x32xf32, #tpu.memory_space<vmem>>
        tpu.vector_store_idx %parallel_loop3A_412[%parallel_loop3A_158, %parallel_loop3A_407], %parallel_loop3A_408 : memref<128x32xf32, #tpu.memory_space<vmem>>[vector<16xi32>, vector<16xi32>], vector<16xf32>,
      } {sc.loop_unroll_factor = 1 : i64, sc.parallel_access}
      %dma_start3A_115 = arith.constant 0 : i32
      %dma_start3A_116 = arith.constant 0 : i32
      %dma_start3A_117 = arith.constant 0 : i32
      %dma_start3A_118 = arith.constant 0 : i32
      %dma_start3A_119 = tpu.memref_slice %arg12[%dma_start3A_115, %dma_start3A_117, %dma_start3A_118] : memref<2x128x32xf32, #tpu.memory_space<vmem>> -> memref<1x128x32xf32, #tpu.memory_space<vmem>>
      %dma_start3A_120 = tpu.memref_squeeze %dma_start3A_119 : memref<1x128x32xf32, #tpu.memory_space<vmem>> -> memref<128x32xf32, #tpu.memory_space<vmem>>
      %dma_start3A_121 = arith.constant 0 : i32
      %dma_start3A_122 = tpu.memref_slice %arg11[%dma_start3A_116, %dma_start3A_121] : memref<2x128xi32, #tpu.memory_space<vmem>> -> memref<1x128xi32, #tpu.memory_space<vmem>>
      %dma_start3A_123 = tpu.memref_squeeze %dma_start3A_122 : memref<1x128xi32, #tpu.memory_space<vmem>> -> memref<128xi32, #tpu.memory_space<vmem>>
      %dma_start3A_124 = arith.constant 0 : i32
      %dma_start3A_125 = arith.constant 0 : i32
      %dma_start3A_126 = tpu.memref_slice %arg13[%dma_start3A_124, %dma_start3A_125] : memref<10240x32xf32, #tpu.memory_space<vmem_shared>> -> memref<10240x32xf32, #tpu.memory_space<vmem_shared>>
      tpu.enqueue_indirect_dma source(%dma_start3A_120 : memref<128x32xf32, #tpu.memory_space<vmem>>) target(%dma_start3A_126 : memref<10240x32xf32, #tpu.memory_space<vmem_shared>>) offsets(%dma_start3A_123 : memref<128xi32, #tpu.memory_space<vmem>>) semaphore(%arg15 : memref<!tpu.dma_semaphore, #tpu.memory_space<semaphore_mem>>) {add = true}
      %ge3A_127 = arith.constant 2 : i32
      %ge3A_128 = arith.cmpi sge, %add3A_107, %ge3A_127 : i32
      %convert_element_type3A_129 = arith.extui %ge3A_128 : i1 to i32
      %cond3A_130 = arith.constant 0 : i32
      %cond3A_131 = arith.cmpi ne, %convert_element_type3A_129, %cond3A_130 : i32
      scf.if %cond3A_131 {
        %dma_wait3A_153 = arith.constant 1 : i32
        %dma_wait3A_154 = arith.constant 1 : i32
        %dma_wait3A_155 = arith.constant 0 : i32
        %dma_wait3A_156 = arith.constant 0 : i32
        %dma_wait3A_157 = tpu.memref_slice %arg12[%dma_wait3A_153, %dma_wait3A_155, %dma_wait3A_156] : memref<2x128x32xf32, #tpu.memory_space<vmem>> -> memref<1x128x32xf32, #tpu.memory_space<vmem>>
        %dma_wait3A_158 = tpu.memref_squeeze %dma_wait3A_157 : memref<1x128x32xf32, #tpu.memory_space<vmem>> -> memref<128x32xf32, #tpu.memory_space<vmem>>
        %dma_wait3A_159 = arith.constant 0 : i32
        %dma_wait3A_160 = tpu.memref_slice %arg11[%dma_wait3A_154, %dma_wait3A_159] : memref<2x128xi32, #tpu.memory_space<vmem>> -> memref<1x128xi32, #tpu.memory_space<vmem>>
        %dma_wait3A_161 = tpu.memref_squeeze %dma_wait3A_160 : memref<1x128xi32, #tpu.memory_space<vmem>> -> memref<128xi32, #tpu.memory_space<vmem>>
        %dma_wait3A_162 = arith.constant 0 : i32
        %dma_wait3A_163 = arith.constant 0 : i32
        %dma_wait3A_164 = tpu.memref_slice %arg13[%dma_wait3A_162, %dma_wait3A_163] : memref<10240x32xf32, #tpu.memory_space<vmem_shared>> -> memref<10240x32xf32, #tpu.memory_space<vmem_shared>>
        tpu.wait_indirect_dma semaphore(%arg16 : memref<!tpu.dma_semaphore, #tpu.memory_space<semaphore_mem>>) src(%dma_wait3A_158 : memref<128x32xf32, #tpu.memory_space<vmem>>) dst(%dma_wait3A_164 : memref<10240x32xf32, #tpu.memory_space<vmem_shared>>)
      } else {
      }
      %add3A_132 = arith.constant 1 : i32
      %add3A_133 = arith.addi %add3A_107, %add3A_132 : i32
      %get3A_134 = arith.constant 0 : index
      %get3A_135 = tpu.vector_load %arg10[%get3A_134] {strides = array<i32>} : memref<16xf32, #tpu.memory_space<vmem>>, vector<16xf32>,
      %parallel_loop3A_136 = arith.constant 0 : i32
      %parallel_loop3A_137 = arith.constant 8 : i32
      %parallel_loop3A_138 = arith.constant 1 : i32
      %parallel_loop3A_139 = arith.constant 1 : i32
      %parallel_loop3A_140 = arith.constant 1 : i32
      scf.for %parallel_loop3A_153 = %parallel_loop3A_136 to %parallel_loop3A_137 step %parallel_loop3A_138  : i32 {
        %parallel_loop3A_154 = tpu.iota {dimensions = array<i32: 0>} : vector<16xi32>
        %parallel_loop3A_155 = arith.constant 16 : i32
        %parallel_loop3A_156 = arith.muli %parallel_loop3A_153, %parallel_loop3A_155 : i32
        %parallel_loop3A_157 = vector.broadcast %parallel_loop3A_156 : i32 to vector<16xi32>
        %parallel_loop3A_158 = arith.addi %parallel_loop3A_154, %parallel_loop3A_157 : vector<16xi32>
        %parallel_loop3A_159 = arith.constant 16 : i32
        %parallel_loop3A_160 = arith.muli %parallel_loop3A_153, %parallel_loop3A_159 : i32
        %parallel_loop3A_161 = arith.index_cast %add3A_133 : i32 to index
        %parallel_loop3A_162 = arith.index_cast %parallel_loop3A_160 : i32 to index
        %parallel_loop3A_163 = tpu.vector_load %arg7[%parallel_loop3A_161, %parallel_loop3A_162] {strides = array<i32>} : memref<82x128xi32, #tpu.memory_space<vmem>>, vector<16xi32>,
        %parallel_loop3A_164 = arith.constant 16383 : i32
        %parallel_loop3A_165 = vector.broadcast %parallel_loop3A_164 : i32 to vector<16xi32>
        %parallel_loop3A_166 = arith.andi %parallel_loop3A_163, %parallel_loop3A_165 : vector<16xi32>
        %parallel_loop3A_167 = arith.constant 14 : i32
        %parallel_loop3A_168 = vector.broadcast %parallel_loop3A_167 : i32 to vector<16xi32>
        %parallel_loop3A_169 = arith.shrui %parallel_loop3A_163, %parallel_loop3A_168 : vector<16xi32>
        %parallel_loop3A_170 = arith.constant 16 : i32
        %parallel_loop3A_171 = arith.muli %parallel_loop3A_153, %parallel_loop3A_170 : i32
        %parallel_loop3A_172 = arith.constant 0 : i32
        %parallel_loop3A_173 = tpu.memref_slice %arg11[%parallel_loop3A_139, %parallel_loop3A_172] : memref<2x128xi32, #tpu.memory_space<vmem>> -> memref<1x128xi32, #tpu.memory_space<vmem>>
        %parallel_loop3A_174 = tpu.memref_squeeze %parallel_loop3A_173 : memref<1x128xi32, #tpu.memory_space<vmem>> -> memref<128xi32, #tpu.memory_space<vmem>>
        %parallel_loop3A_175 = arith.index_cast %parallel_loop3A_171 : i32 to index
        %parallel_loop3A_176 = tpu.vector_load %parallel_loop3A_174[%parallel_loop3A_175] {strides = array<i32>} : memref<128xi32, #tpu.memory_space<vmem>>, vector<16xi32>,
        tpu.vector_store %parallel_loop3A_174[%parallel_loop3A_175], %parallel_loop3A_169 {strides = array<i32>} : memref<128xi32, #tpu.memory_space<vmem>>, vector<16xi32>,
        %parallel_loop3A_177 = arith.constant 0.000000e+00 : f32
        %parallel_loop3A_178 = vector.broadcast %parallel_loop3A_177 : f32 to vector<16xf32>
        %parallel_loop3A_179 = arith.constant 0 : i32
        %parallel_loop3A_180 = vector.broadcast %parallel_loop3A_179 : i32 to vector<16xi32>
        %parallel_loop3A_181 = tpu.vector_load_idx %arg8[%parallel_loop3A_166, %parallel_loop3A_180] : memref<10016x8xf32, #tpu.memory_space<vmem>>[vector<16xi32>, vector<16xi32>], vector<16xf32>,
        %parallel_loop3A_182 = tpu.vector_load_idx %arg8[%parallel_loop3A_169, %parallel_loop3A_180] : memref<10016x8xf32, #tpu.memory_space<vmem>>[vector<16xi32>, vector<16xi32>], vector<16xf32>,
        %parallel_loop3A_183 = vector.bitcast %parallel_loop3A_181 : vector<16xf32> to vector<32xbf16>
        %parallel_loop3A_184 = tpu.unpack_subelements %parallel_loop3A_183, 0 {pack_format = #tpu.pack_format<interleaved>} : vector<32xbf16> -> vector<16xf32>
        %parallel_loop3A_185 = tpu.unpack_subelements %parallel_loop3A_183, 1 {pack_format = #tpu.pack_format<interleaved>} : vector<32xbf16> -> vector<16xf32>
        %parallel_loop3A_186 = vector.bitcast %parallel_loop3A_182 : vector<16xf32> to vector<32xbf16>
        %parallel_loop3A_187 = tpu.unpack_subelements %parallel_loop3A_186, 0 {pack_format = #tpu.pack_format<interleaved>} : vector<32xbf16> -> vector<16xf32>
        %parallel_loop3A_188 = tpu.unpack_subelements %parallel_loop3A_186, 1 {pack_format = #tpu.pack_format<interleaved>} : vector<32xbf16> -> vector<16xf32>
        %parallel_loop3A_189 = arith.mulf %parallel_loop3A_184, %parallel_loop3A_187 : vector<16xf32>
        %parallel_loop3A_190 = arith.mulf %parallel_loop3A_185, %parallel_loop3A_188 : vector<16xf32>
        %parallel_loop3A_191 = arith.addf %parallel_loop3A_189, %parallel_loop3A_190 : vector<16xf32>
        %parallel_loop3A_192 = arith.addf %parallel_loop3A_178, %parallel_loop3A_191 : vector<16xf32>
        %parallel_loop3A_193 = arith.constant 1 : i32
        %parallel_loop3A_194 = vector.broadcast %parallel_loop3A_193 : i32 to vector<16xi32>
        %parallel_loop3A_195 = tpu.vector_load_idx %arg8[%parallel_loop3A_166, %parallel_loop3A_194] : memref<10016x8xf32, #tpu.memory_space<vmem>>[vector<16xi32>, vector<16xi32>], vector<16xf32>,
        %parallel_loop3A_196 = tpu.vector_load_idx %arg8[%parallel_loop3A_169, %parallel_loop3A_194] : memref<10016x8xf32, #tpu.memory_space<vmem>>[vector<16xi32>, vector<16xi32>], vector<16xf32>,
        %parallel_loop3A_197 = vector.bitcast %parallel_loop3A_195 : vector<16xf32> to vector<32xbf16>
        %parallel_loop3A_198 = tpu.unpack_subelements %parallel_loop3A_197, 0 {pack_format = #tpu.pack_format<interleaved>} : vector<32xbf16> -> vector<16xf32>
        %parallel_loop3A_199 = tpu.unpack_subelements %parallel_loop3A_197, 1 {pack_format = #tpu.pack_format<interleaved>} : vector<32xbf16> -> vector<16xf32>
        %parallel_loop3A_200 = vector.bitcast %parallel_loop3A_196 : vector<16xf32> to vector<32xbf16>
        %parallel_loop3A_201 = tpu.unpack_subelements %parallel_loop3A_200, 0 {pack_format = #tpu.pack_format<interleaved>} : vector<32xbf16> -> vector<16xf32>
        %parallel_loop3A_202 = tpu.unpack_subelements %parallel_loop3A_200, 1 {pack_format = #tpu.pack_format<interleaved>} : vector<32xbf16> -> vector<16xf32>
        %parallel_loop3A_203 = arith.mulf %parallel_loop3A_198, %parallel_loop3A_201 : vector<16xf32>
        %parallel_loop3A_204 = arith.mulf %parallel_loop3A_199, %parallel_loop3A_202 : vector<16xf32>
        %parallel_loop3A_205 = arith.addf %parallel_loop3A_203, %parallel_loop3A_204 : vector<16xf32>
        %parallel_loop3A_206 = arith.addf %parallel_loop3A_192, %parallel_loop3A_205 : vector<16xf32>
        %parallel_loop3A_207 = arith.constant 2 : i32
        %parallel_loop3A_208 = vector.broadcast %parallel_loop3A_207 : i32 to vector<16xi32>
        %parallel_loop3A_209 = tpu.vector_load_idx %arg8[%parallel_loop3A_166, %parallel_loop3A_208] : memref<10016x8xf32, #tpu.memory_space<vmem>>[vector<16xi32>, vector<16xi32>], vector<16xf32>,
        %parallel_loop3A_210 = tpu.vector_load_idx %arg8[%parallel_loop3A_169, %parallel_loop3A_208] : memref<10016x8xf32, #tpu.memory_space<vmem>>[vector<16xi32>, vector<16xi32>], vector<16xf32>,
        %parallel_loop3A_211 = vector.bitcast %parallel_loop3A_209 : vector<16xf32> to vector<32xbf16>
        %parallel_loop3A_212 = tpu.unpack_subelements %parallel_loop3A_211, 0 {pack_format = #tpu.pack_format<interleaved>} : vector<32xbf16> -> vector<16xf32>
        %parallel_loop3A_213 = tpu.unpack_subelements %parallel_loop3A_211, 1 {pack_format = #tpu.pack_format<interleaved>} : vector<32xbf16> -> vector<16xf32>
        %parallel_loop3A_214 = vector.bitcast %parallel_loop3A_210 : vector<16xf32> to vector<32xbf16>
        %parallel_loop3A_215 = tpu.unpack_subelements %parallel_loop3A_214, 0 {pack_format = #tpu.pack_format<interleaved>} : vector<32xbf16> -> vector<16xf32>
        %parallel_loop3A_216 = tpu.unpack_subelements %parallel_loop3A_214, 1 {pack_format = #tpu.pack_format<interleaved>} : vector<32xbf16> -> vector<16xf32>
        %parallel_loop3A_217 = arith.mulf %parallel_loop3A_212, %parallel_loop3A_215 : vector<16xf32>
        %parallel_loop3A_218 = arith.mulf %parallel_loop3A_213, %parallel_loop3A_216 : vector<16xf32>
        %parallel_loop3A_219 = arith.addf %parallel_loop3A_217, %parallel_loop3A_218 : vector<16xf32>
        %parallel_loop3A_220 = arith.addf %parallel_loop3A_206, %parallel_loop3A_219 : vector<16xf32>
        %parallel_loop3A_221 = arith.constant 3 : i32
        %parallel_loop3A_222 = vector.broadcast %parallel_loop3A_221 : i32 to vector<16xi32>
        %parallel_loop3A_223 = tpu.vector_load_idx %arg8[%parallel_loop3A_166, %parallel_loop3A_222] : memref<10016x8xf32, #tpu.memory_space<vmem>>[vector<16xi32>, vector<16xi32>], vector<16xf32>,
        %parallel_loop3A_224 = tpu.vector_load_idx %arg8[%parallel_loop3A_169, %parallel_loop3A_222] : memref<10016x8xf32, #tpu.memory_space<vmem>>[vector<16xi32>, vector<16xi32>], vector<16xf32>,
        %parallel_loop3A_225 = vector.bitcast %parallel_loop3A_223 : vector<16xf32> to vector<32xbf16>
        %parallel_loop3A_226 = tpu.unpack_subelements %parallel_loop3A_225, 0 {pack_format = #tpu.pack_format<interleaved>} : vector<32xbf16> -> vector<16xf32>
        %parallel_loop3A_227 = tpu.unpack_subelements %parallel_loop3A_225, 1 {pack_format = #tpu.pack_format<interleaved>} : vector<32xbf16> -> vector<16xf32>
        %parallel_loop3A_228 = vector.bitcast %parallel_loop3A_224 : vector<16xf32> to vector<32xbf16>
        %parallel_loop3A_229 = tpu.unpack_subelements %parallel_loop3A_228, 0 {pack_format = #tpu.pack_format<interleaved>} : vector<32xbf16> -> vector<16xf32>
        %parallel_loop3A_230 = tpu.unpack_subelements %parallel_loop3A_228, 1 {pack_format = #tpu.pack_format<interleaved>} : vector<32xbf16> -> vector<16xf32>
        %parallel_loop3A_231 = arith.mulf %parallel_loop3A_226, %parallel_loop3A_229 : vector<16xf32>
        %parallel_loop3A_232 = arith.mulf %parallel_loop3A_227, %parallel_loop3A_230 : vector<16xf32>
        %parallel_loop3A_233 = arith.addf %parallel_loop3A_231, %parallel_loop3A_232 : vector<16xf32>
        %parallel_loop3A_234 = arith.addf %parallel_loop3A_220, %parallel_loop3A_233 : vector<16xf32>
        %parallel_loop3A_235 = arith.constant 4 : i32
        %parallel_loop3A_236 = vector.broadcast %parallel_loop3A_235 : i32 to vector<16xi32>
        %parallel_loop3A_237 = tpu.vector_load_idx %arg8[%parallel_loop3A_166, %parallel_loop3A_236] : memref<10016x8xf32, #tpu.memory_space<vmem>>[vector<16xi32>, vector<16xi32>], vector<16xf32>,
        %parallel_loop3A_238 = tpu.vector_load_idx %arg8[%parallel_loop3A_169, %parallel_loop3A_236] : memref<10016x8xf32, #tpu.memory_space<vmem>>[vector<16xi32>, vector<16xi32>], vector<16xf32>,
        %parallel_loop3A_239 = vector.bitcast %parallel_loop3A_237 : vector<16xf32> to vector<32xbf16>
        %parallel_loop3A_240 = tpu.unpack_subelements %parallel_loop3A_239, 0 {pack_format = #tpu.pack_format<interleaved>} : vector<32xbf16> -> vector<16xf32>
        %parallel_loop3A_241 = tpu.unpack_subelements %parallel_loop3A_239, 1 {pack_format = #tpu.pack_format<interleaved>} : vector<32xbf16> -> vector<16xf32>
        %parallel_loop3A_242 = vector.bitcast %parallel_loop3A_238 : vector<16xf32> to vector<32xbf16>
        %parallel_loop3A_243 = tpu.unpack_subelements %parallel_loop3A_242, 0 {pack_format = #tpu.pack_format<interleaved>} : vector<32xbf16> -> vector<16xf32>
        %parallel_loop3A_244 = tpu.unpack_subelements %parallel_loop3A_242, 1 {pack_format = #tpu.pack_format<interleaved>} : vector<32xbf16> -> vector<16xf32>
        %parallel_loop3A_245 = arith.mulf %parallel_loop3A_240, %parallel_loop3A_243 : vector<16xf32>
        %parallel_loop3A_246 = arith.mulf %parallel_loop3A_241, %parallel_loop3A_244 : vector<16xf32>
        %parallel_loop3A_247 = arith.addf %parallel_loop3A_245, %parallel_loop3A_246 : vector<16xf32>
        %parallel_loop3A_248 = arith.addf %parallel_loop3A_234, %parallel_loop3A_247 : vector<16xf32>
        %parallel_loop3A_249 = arith.constant 5 : i32
        %parallel_loop3A_250 = vector.broadcast %parallel_loop3A_249 : i32 to vector<16xi32>
        %parallel_loop3A_251 = tpu.vector_load_idx %arg8[%parallel_loop3A_166, %parallel_loop3A_250] : memref<10016x8xf32, #tpu.memory_space<vmem>>[vector<16xi32>, vector<16xi32>], vector<16xf32>,
        %parallel_loop3A_252 = tpu.vector_load_idx %arg8[%parallel_loop3A_169, %parallel_loop3A_250] : memref<10016x8xf32, #tpu.memory_space<vmem>>[vector<16xi32>, vector<16xi32>], vector<16xf32>,
        %parallel_loop3A_253 = vector.bitcast %parallel_loop3A_251 : vector<16xf32> to vector<32xbf16>
        %parallel_loop3A_254 = tpu.unpack_subelements %parallel_loop3A_253, 0 {pack_format = #tpu.pack_format<interleaved>} : vector<32xbf16> -> vector<16xf32>
        %parallel_loop3A_255 = tpu.unpack_subelements %parallel_loop3A_253, 1 {pack_format = #tpu.pack_format<interleaved>} : vector<32xbf16> -> vector<16xf32>
        %parallel_loop3A_256 = vector.bitcast %parallel_loop3A_252 : vector<16xf32> to vector<32xbf16>
        %parallel_loop3A_257 = tpu.unpack_subelements %parallel_loop3A_256, 0 {pack_format = #tpu.pack_format<interleaved>} : vector<32xbf16> -> vector<16xf32>
        %parallel_loop3A_258 = tpu.unpack_subelements %parallel_loop3A_256, 1 {pack_format = #tpu.pack_format<interleaved>} : vector<32xbf16> -> vector<16xf32>
        %parallel_loop3A_259 = arith.mulf %parallel_loop3A_254, %parallel_loop3A_257 : vector<16xf32>
        %parallel_loop3A_260 = arith.mulf %parallel_loop3A_255, %parallel_loop3A_258 : vector<16xf32>
        %parallel_loop3A_261 = arith.addf %parallel_loop3A_259, %parallel_loop3A_260 : vector<16xf32>
        %parallel_loop3A_262 = arith.addf %parallel_loop3A_248, %parallel_loop3A_261 : vector<16xf32>
        %parallel_loop3A_263 = arith.constant 6 : i32
        %parallel_loop3A_264 = vector.broadcast %parallel_loop3A_263 : i32 to vector<16xi32>
        %parallel_loop3A_265 = tpu.vector_load_idx %arg8[%parallel_loop3A_166, %parallel_loop3A_264] : memref<10016x8xf32, #tpu.memory_space<vmem>>[vector<16xi32>, vector<16xi32>], vector<16xf32>,
        %parallel_loop3A_266 = tpu.vector_load_idx %arg8[%parallel_loop3A_169, %parallel_loop3A_264] : memref<10016x8xf32, #tpu.memory_space<vmem>>[vector<16xi32>, vector<16xi32>], vector<16xf32>,
        %parallel_loop3A_267 = vector.bitcast %parallel_loop3A_265 : vector<16xf32> to vector<32xbf16>
        %parallel_loop3A_268 = tpu.unpack_subelements %parallel_loop3A_267, 0 {pack_format = #tpu.pack_format<interleaved>} : vector<32xbf16> -> vector<16xf32>
        %parallel_loop3A_269 = tpu.unpack_subelements %parallel_loop3A_267, 1 {pack_format = #tpu.pack_format<interleaved>} : vector<32xbf16> -> vector<16xf32>
        %parallel_loop3A_270 = vector.bitcast %parallel_loop3A_266 : vector<16xf32> to vector<32xbf16>
        %parallel_loop3A_271 = tpu.unpack_subelements %parallel_loop3A_270, 0 {pack_format = #tpu.pack_format<interleaved>} : vector<32xbf16> -> vector<16xf32>
        %parallel_loop3A_272 = tpu.unpack_subelements %parallel_loop3A_270, 1 {pack_format = #tpu.pack_format<interleaved>} : vector<32xbf16> -> vector<16xf32>
        %parallel_loop3A_273 = arith.mulf %parallel_loop3A_268, %parallel_loop3A_271 : vector<16xf32>
        %parallel_loop3A_274 = arith.mulf %parallel_loop3A_269, %parallel_loop3A_272 : vector<16xf32>
        %parallel_loop3A_275 = arith.addf %parallel_loop3A_273, %parallel_loop3A_274 : vector<16xf32>
        %parallel_loop3A_276 = arith.addf %parallel_loop3A_262, %parallel_loop3A_275 : vector<16xf32>
        %parallel_loop3A_277 = arith.constant 7 : i32
        %parallel_loop3A_278 = vector.broadcast %parallel_loop3A_277 : i32 to vector<16xi32>
        %parallel_loop3A_279 = tpu.vector_load_idx %arg8[%parallel_loop3A_166, %parallel_loop3A_278] : memref<10016x8xf32, #tpu.memory_space<vmem>>[vector<16xi32>, vector<16xi32>], vector<16xf32>,
        %parallel_loop3A_280 = tpu.vector_load_idx %arg8[%parallel_loop3A_169, %parallel_loop3A_278] : memref<10016x8xf32, #tpu.memory_space<vmem>>[vector<16xi32>, vector<16xi32>], vector<16xf32>,
        %parallel_loop3A_281 = vector.bitcast %parallel_loop3A_279 : vector<16xf32> to vector<32xbf16>
        %parallel_loop3A_282 = tpu.unpack_subelements %parallel_loop3A_281, 0 {pack_format = #tpu.pack_format<interleaved>} : vector<32xbf16> -> vector<16xf32>
        %parallel_loop3A_283 = tpu.unpack_subelements %parallel_loop3A_281, 1 {pack_format = #tpu.pack_format<interleaved>} : vector<32xbf16> -> vector<16xf32>
        %parallel_loop3A_284 = vector.bitcast %parallel_loop3A_280 : vector<16xf32> to vector<32xbf16>
        %parallel_loop3A_285 = tpu.unpack_subelements %parallel_loop3A_284, 0 {pack_format = #tpu.pack_format<interleaved>} : vector<32xbf16> -> vector<16xf32>
        %parallel_loop3A_286 = tpu.unpack_subelements %parallel_loop3A_284, 1 {pack_format = #tpu.pack_format<interleaved>} : vector<32xbf16> -> vector<16xf32>
        %parallel_loop3A_287 = arith.mulf %parallel_loop3A_282, %parallel_loop3A_285 : vector<16xf32>
        %parallel_loop3A_288 = arith.mulf %parallel_loop3A_283, %parallel_loop3A_286 : vector<16xf32>
        %parallel_loop3A_289 = arith.addf %parallel_loop3A_287, %parallel_loop3A_288 : vector<16xf32>
        %parallel_loop3A_290 = arith.addf %parallel_loop3A_276, %parallel_loop3A_289 : vector<16xf32>
        %parallel_loop3A_291 = tpu.vector_load_idx %arg9[%parallel_loop3A_166] : memref<10016xf32, #tpu.memory_space<vmem>>[vector<16xi32>], vector<16xf32>,
        %parallel_loop3A_292 = arith.mulf %parallel_loop3A_290, %get3A_135 : vector<16xf32>
        %parallel_loop3A_293 = math.exp %parallel_loop3A_292 : vector<16xf32>
        %parallel_loop3A_294 = arith.mulf %parallel_loop3A_293, %parallel_loop3A_291 : vector<16xf32>
        %parallel_loop3A_295 = arith.constant 16 : i32
        %parallel_loop3A_296 = vector.broadcast %parallel_loop3A_295 : i32 to vector<16xi32>
        %parallel_loop3A_297 = arith.constant 0 : i32
        %parallel_loop3A_298 = arith.constant 0 : i32
        %parallel_loop3A_299 = tpu.memref_slice %arg12[%parallel_loop3A_140, %parallel_loop3A_297, %parallel_loop3A_298] : memref<2x128x32xf32, #tpu.memory_space<vmem>> -> memref<1x128x32xf32, #tpu.memory_space<vmem>>
        %parallel_loop3A_300 = tpu.memref_squeeze %parallel_loop3A_299 : memref<1x128x32xf32, #tpu.memory_space<vmem>> -> memref<128x32xf32, #tpu.memory_space<vmem>>
        tpu.vector_store_idx %parallel_loop3A_300[%parallel_loop3A_158, %parallel_loop3A_296], %parallel_loop3A_293 : memref<128x32xf32, #tpu.memory_space<vmem>>[vector<16xi32>, vector<16xi32>], vector<16xf32>,
        %parallel_loop3A_301 = arith.constant 0 : i32
        %parallel_loop3A_302 = vector.broadcast %parallel_loop3A_301 : i32 to vector<16xi32>
        %parallel_loop3A_303 = arith.mulf %parallel_loop3A_184, %parallel_loop3A_294 : vector<16xf32>
        %parallel_loop3A_304 = arith.constant 0 : i32
        %parallel_loop3A_305 = arith.constant 0 : i32
        %parallel_loop3A_306 = tpu.memref_slice %arg12[%parallel_loop3A_140, %parallel_loop3A_304, %parallel_loop3A_305] : memref<2x128x32xf32, #tpu.memory_space<vmem>> -> memref<1x128x32xf32, #tpu.memory_space<vmem>>
        %parallel_loop3A_307 = tpu.memref_squeeze %parallel_loop3A_306 : memref<1x128x32xf32, #tpu.memory_space<vmem>> -> memref<128x32xf32, #tpu.memory_space<vmem>>
        tpu.vector_store_idx %parallel_loop3A_307[%parallel_loop3A_158, %parallel_loop3A_302], %parallel_loop3A_303 : memref<128x32xf32, #tpu.memory_space<vmem>>[vector<16xi32>, vector<16xi32>], vector<16xf32>,
        %parallel_loop3A_308 = arith.constant 1 : i32
        %parallel_loop3A_309 = vector.broadcast %parallel_loop3A_308 : i32 to vector<16xi32>
        %parallel_loop3A_310 = arith.mulf %parallel_loop3A_185, %parallel_loop3A_294 : vector<16xf32>
        %parallel_loop3A_311 = arith.constant 0 : i32
        %parallel_loop3A_312 = arith.constant 0 : i32
        %parallel_loop3A_313 = tpu.memref_slice %arg12[%parallel_loop3A_140, %parallel_loop3A_311, %parallel_loop3A_312] : memref<2x128x32xf32, #tpu.memory_space<vmem>> -> memref<1x128x32xf32, #tpu.memory_space<vmem>>
        %parallel_loop3A_314 = tpu.memref_squeeze %parallel_loop3A_313 : memref<1x128x32xf32, #tpu.memory_space<vmem>> -> memref<128x32xf32, #tpu.memory_space<vmem>>
        tpu.vector_store_idx %parallel_loop3A_314[%parallel_loop3A_158, %parallel_loop3A_309], %parallel_loop3A_310 : memref<128x32xf32, #tpu.memory_space<vmem>>[vector<16xi32>, vector<16xi32>], vector<16xf32>,
        %parallel_loop3A_315 = arith.constant 2 : i32
        %parallel_loop3A_316 = vector.broadcast %parallel_loop3A_315 : i32 to vector<16xi32>
        %parallel_loop3A_317 = arith.mulf %parallel_loop3A_198, %parallel_loop3A_294 : vector<16xf32>
        %parallel_loop3A_318 = arith.constant 0 : i32
        %parallel_loop3A_319 = arith.constant 0 : i32
        %parallel_loop3A_320 = tpu.memref_slice %arg12[%parallel_loop3A_140, %parallel_loop3A_318, %parallel_loop3A_319] : memref<2x128x32xf32, #tpu.memory_space<vmem>> -> memref<1x128x32xf32, #tpu.memory_space<vmem>>
        %parallel_loop3A_321 = tpu.memref_squeeze %parallel_loop3A_320 : memref<1x128x32xf32, #tpu.memory_space<vmem>> -> memref<128x32xf32, #tpu.memory_space<vmem>>
        tpu.vector_store_idx %parallel_loop3A_321[%parallel_loop3A_158, %parallel_loop3A_316], %parallel_loop3A_317 : memref<128x32xf32, #tpu.memory_space<vmem>>[vector<16xi32>, vector<16xi32>], vector<16xf32>,
        %parallel_loop3A_322 = arith.constant 3 : i32
        %parallel_loop3A_323 = vector.broadcast %parallel_loop3A_322 : i32 to vector<16xi32>
        %parallel_loop3A_324 = arith.mulf %parallel_loop3A_199, %parallel_loop3A_294 : vector<16xf32>
        %parallel_loop3A_325 = arith.constant 0 : i32
        %parallel_loop3A_326 = arith.constant 0 : i32
        %parallel_loop3A_327 = tpu.memref_slice %arg12[%parallel_loop3A_140, %parallel_loop3A_325, %parallel_loop3A_326] : memref<2x128x32xf32, #tpu.memory_space<vmem>> -> memref<1x128x32xf32, #tpu.memory_space<vmem>>
        %parallel_loop3A_328 = tpu.memref_squeeze %parallel_loop3A_327 : memref<1x128x32xf32, #tpu.memory_space<vmem>> -> memref<128x32xf32, #tpu.memory_space<vmem>>
        tpu.vector_store_idx %parallel_loop3A_328[%parallel_loop3A_158, %parallel_loop3A_323], %parallel_loop3A_324 : memref<128x32xf32, #tpu.memory_space<vmem>>[vector<16xi32>, vector<16xi32>], vector<16xf32>,
        %parallel_loop3A_329 = arith.constant 4 : i32
        %parallel_loop3A_330 = vector.broadcast %parallel_loop3A_329 : i32 to vector<16xi32>
        %parallel_loop3A_331 = arith.mulf %parallel_loop3A_212, %parallel_loop3A_294 : vector<16xf32>
        %parallel_loop3A_332 = arith.constant 0 : i32
        %parallel_loop3A_333 = arith.constant 0 : i32
        %parallel_loop3A_334 = tpu.memref_slice %arg12[%parallel_loop3A_140, %parallel_loop3A_332, %parallel_loop3A_333] : memref<2x128x32xf32, #tpu.memory_space<vmem>> -> memref<1x128x32xf32, #tpu.memory_space<vmem>>
        %parallel_loop3A_335 = tpu.memref_squeeze %parallel_loop3A_334 : memref<1x128x32xf32, #tpu.memory_space<vmem>> -> memref<128x32xf32, #tpu.memory_space<vmem>>
        tpu.vector_store_idx %parallel_loop3A_335[%parallel_loop3A_158, %parallel_loop3A_330], %parallel_loop3A_331 : memref<128x32xf32, #tpu.memory_space<vmem>>[vector<16xi32>, vector<16xi32>], vector<16xf32>,
        %parallel_loop3A_336 = arith.constant 5 : i32
        %parallel_loop3A_337 = vector.broadcast %parallel_loop3A_336 : i32 to vector<16xi32>
        %parallel_loop3A_338 = arith.mulf %parallel_loop3A_213, %parallel_loop3A_294 : vector<16xf32>
        %parallel_loop3A_339 = arith.constant 0 : i32
        %parallel_loop3A_340 = arith.constant 0 : i32
        %parallel_loop3A_341 = tpu.memref_slice %arg12[%parallel_loop3A_140, %parallel_loop3A_339, %parallel_loop3A_340] : memref<2x128x32xf32, #tpu.memory_space<vmem>> -> memref<1x128x32xf32, #tpu.memory_space<vmem>>
        %parallel_loop3A_342 = tpu.memref_squeeze %parallel_loop3A_341 : memref<1x128x32xf32, #tpu.memory_space<vmem>> -> memref<128x32xf32, #tpu.memory_space<vmem>>
        tpu.vector_store_idx %parallel_loop3A_342[%parallel_loop3A_158, %parallel_loop3A_337], %parallel_loop3A_338 : memref<128x32xf32, #tpu.memory_space<vmem>>[vector<16xi32>, vector<16xi32>], vector<16xf32>,
        %parallel_loop3A_343 = arith.constant 6 : i32
        %parallel_loop3A_344 = vector.broadcast %parallel_loop3A_343 : i32 to vector<16xi32>
        %parallel_loop3A_345 = arith.mulf %parallel_loop3A_226, %parallel_loop3A_294 : vector<16xf32>
        %parallel_loop3A_346 = arith.constant 0 : i32
        %parallel_loop3A_347 = arith.constant 0 : i32
        %parallel_loop3A_348 = tpu.memref_slice %arg12[%parallel_loop3A_140, %parallel_loop3A_346, %parallel_loop3A_347] : memref<2x128x32xf32, #tpu.memory_space<vmem>> -> memref<1x128x32xf32, #tpu.memory_space<vmem>>
        %parallel_loop3A_349 = tpu.memref_squeeze %parallel_loop3A_348 : memref<1x128x32xf32, #tpu.memory_space<vmem>> -> memref<128x32xf32, #tpu.memory_space<vmem>>
        tpu.vector_store_idx %parallel_loop3A_349[%parallel_loop3A_158, %parallel_loop3A_344], %parallel_loop3A_345 : memref<128x32xf32, #tpu.memory_space<vmem>>[vector<16xi32>, vector<16xi32>], vector<16xf32>,
        %parallel_loop3A_350 = arith.constant 7 : i32
        %parallel_loop3A_351 = vector.broadcast %parallel_loop3A_350 : i32 to vector<16xi32>
        %parallel_loop3A_352 = arith.mulf %parallel_loop3A_227, %parallel_loop3A_294 : vector<16xf32>
        %parallel_loop3A_353 = arith.constant 0 : i32
        %parallel_loop3A_354 = arith.constant 0 : i32
        %parallel_loop3A_355 = tpu.memref_slice %arg12[%parallel_loop3A_140, %parallel_loop3A_353, %parallel_loop3A_354] : memref<2x128x32xf32, #tpu.memory_space<vmem>> -> memref<1x128x32xf32, #tpu.memory_space<vmem>>
        %parallel_loop3A_356 = tpu.memref_squeeze %parallel_loop3A_355 : memref<1x128x32xf32, #tpu.memory_space<vmem>> -> memref<128x32xf32, #tpu.memory_space<vmem>>
        tpu.vector_store_idx %parallel_loop3A_356[%parallel_loop3A_158, %parallel_loop3A_351], %parallel_loop3A_352 : memref<128x32xf32, #tpu.memory_space<vmem>>[vector<16xi32>, vector<16xi32>], vector<16xf32>,
        %parallel_loop3A_357 = arith.constant 8 : i32
        %parallel_loop3A_358 = vector.broadcast %parallel_loop3A_357 : i32 to vector<16xi32>
        %parallel_loop3A_359 = arith.mulf %parallel_loop3A_240, %parallel_loop3A_294 : vector<16xf32>
        %parallel_loop3A_360 = arith.constant 0 : i32
        %parallel_loop3A_361 = arith.constant 0 : i32
        %parallel_loop3A_362 = tpu.memref_slice %arg12[%parallel_loop3A_140, %parallel_loop3A_360, %parallel_loop3A_361] : memref<2x128x32xf32, #tpu.memory_space<vmem>> -> memref<1x128x32xf32, #tpu.memory_space<vmem>>
        %parallel_loop3A_363 = tpu.memref_squeeze %parallel_loop3A_362 : memref<1x128x32xf32, #tpu.memory_space<vmem>> -> memref<128x32xf32, #tpu.memory_space<vmem>>
        tpu.vector_store_idx %parallel_loop3A_363[%parallel_loop3A_158, %parallel_loop3A_358], %parallel_loop3A_359 : memref<128x32xf32, #tpu.memory_space<vmem>>[vector<16xi32>, vector<16xi32>], vector<16xf32>,
        %parallel_loop3A_364 = arith.constant 9 : i32
        %parallel_loop3A_365 = vector.broadcast %parallel_loop3A_364 : i32 to vector<16xi32>
        %parallel_loop3A_366 = arith.mulf %parallel_loop3A_241, %parallel_loop3A_294 : vector<16xf32>
        %parallel_loop3A_367 = arith.constant 0 : i32
        %parallel_loop3A_368 = arith.constant 0 : i32
        %parallel_loop3A_369 = tpu.memref_slice %arg12[%parallel_loop3A_140, %parallel_loop3A_367, %parallel_loop3A_368] : memref<2x128x32xf32, #tpu.memory_space<vmem>> -> memref<1x128x32xf32, #tpu.memory_space<vmem>>
        %parallel_loop3A_370 = tpu.memref_squeeze %parallel_loop3A_369 : memref<1x128x32xf32, #tpu.memory_space<vmem>> -> memref<128x32xf32, #tpu.memory_space<vmem>>
        tpu.vector_store_idx %parallel_loop3A_370[%parallel_loop3A_158, %parallel_loop3A_365], %parallel_loop3A_366 : memref<128x32xf32, #tpu.memory_space<vmem>>[vector<16xi32>, vector<16xi32>], vector<16xf32>,
        %parallel_loop3A_371 = arith.constant 10 : i32
        %parallel_loop3A_372 = vector.broadcast %parallel_loop3A_371 : i32 to vector<16xi32>
        %parallel_loop3A_373 = arith.mulf %parallel_loop3A_254, %parallel_loop3A_294 : vector<16xf32>
        %parallel_loop3A_374 = arith.constant 0 : i32
        %parallel_loop3A_375 = arith.constant 0 : i32
        %parallel_loop3A_376 = tpu.memref_slice %arg12[%parallel_loop3A_140, %parallel_loop3A_374, %parallel_loop3A_375] : memref<2x128x32xf32, #tpu.memory_space<vmem>> -> memref<1x128x32xf32, #tpu.memory_space<vmem>>
        %parallel_loop3A_377 = tpu.memref_squeeze %parallel_loop3A_376 : memref<1x128x32xf32, #tpu.memory_space<vmem>> -> memref<128x32xf32, #tpu.memory_space<vmem>>
        tpu.vector_store_idx %parallel_loop3A_377[%parallel_loop3A_158, %parallel_loop3A_372], %parallel_loop3A_373 : memref<128x32xf32, #tpu.memory_space<vmem>>[vector<16xi32>, vector<16xi32>], vector<16xf32>,
        %parallel_loop3A_378 = arith.constant 11 : i32
        %parallel_loop3A_379 = vector.broadcast %parallel_loop3A_378 : i32 to vector<16xi32>
        %parallel_loop3A_380 = arith.mulf %parallel_loop3A_255, %parallel_loop3A_294 : vector<16xf32>
        %parallel_loop3A_381 = arith.constant 0 : i32
        %parallel_loop3A_382 = arith.constant 0 : i32
        %parallel_loop3A_383 = tpu.memref_slice %arg12[%parallel_loop3A_140, %parallel_loop3A_381, %parallel_loop3A_382] : memref<2x128x32xf32, #tpu.memory_space<vmem>> -> memref<1x128x32xf32, #tpu.memory_space<vmem>>
        %parallel_loop3A_384 = tpu.memref_squeeze %parallel_loop3A_383 : memref<1x128x32xf32, #tpu.memory_space<vmem>> -> memref<128x32xf32, #tpu.memory_space<vmem>>
        tpu.vector_store_idx %parallel_loop3A_384[%parallel_loop3A_158, %parallel_loop3A_379], %parallel_loop3A_380 : memref<128x32xf32, #tpu.memory_space<vmem>>[vector<16xi32>, vector<16xi32>], vector<16xf32>,
        %parallel_loop3A_385 = arith.constant 12 : i32
        %parallel_loop3A_386 = vector.broadcast %parallel_loop3A_385 : i32 to vector<16xi32>
        %parallel_loop3A_387 = arith.mulf %parallel_loop3A_268, %parallel_loop3A_294 : vector<16xf32>
        %parallel_loop3A_388 = arith.constant 0 : i32
        %parallel_loop3A_389 = arith.constant 0 : i32
        %parallel_loop3A_390 = tpu.memref_slice %arg12[%parallel_loop3A_140, %parallel_loop3A_388, %parallel_loop3A_389] : memref<2x128x32xf32, #tpu.memory_space<vmem>> -> memref<1x128x32xf32, #tpu.memory_space<vmem>>
        %parallel_loop3A_391 = tpu.memref_squeeze %parallel_loop3A_390 : memref<1x128x32xf32, #tpu.memory_space<vmem>> -> memref<128x32xf32, #tpu.memory_space<vmem>>
        tpu.vector_store_idx %parallel_loop3A_391[%parallel_loop3A_158, %parallel_loop3A_386], %parallel_loop3A_387 : memref<128x32xf32, #tpu.memory_space<vmem>>[vector<16xi32>, vector<16xi32>], vector<16xf32>,
        %parallel_loop3A_392 = arith.constant 13 : i32
        %parallel_loop3A_393 = vector.broadcast %parallel_loop3A_392 : i32 to vector<16xi32>
        %parallel_loop3A_394 = arith.mulf %parallel_loop3A_269, %parallel_loop3A_294 : vector<16xf32>
        %parallel_loop3A_395 = arith.constant 0 : i32
        %parallel_loop3A_396 = arith.constant 0 : i32
        %parallel_loop3A_397 = tpu.memref_slice %arg12[%parallel_loop3A_140, %parallel_loop3A_395, %parallel_loop3A_396] : memref<2x128x32xf32, #tpu.memory_space<vmem>> -> memref<1x128x32xf32, #tpu.memory_space<vmem>>
        %parallel_loop3A_398 = tpu.memref_squeeze %parallel_loop3A_397 : memref<1x128x32xf32, #tpu.memory_space<vmem>> -> memref<128x32xf32, #tpu.memory_space<vmem>>
        tpu.vector_store_idx %parallel_loop3A_398[%parallel_loop3A_158, %parallel_loop3A_393], %parallel_loop3A_394 : memref<128x32xf32, #tpu.memory_space<vmem>>[vector<16xi32>, vector<16xi32>], vector<16xf32>,
        %parallel_loop3A_399 = arith.constant 14 : i32
        %parallel_loop3A_400 = vector.broadcast %parallel_loop3A_399 : i32 to vector<16xi32>
        %parallel_loop3A_401 = arith.mulf %parallel_loop3A_282, %parallel_loop3A_294 : vector<16xf32>
        %parallel_loop3A_402 = arith.constant 0 : i32
        %parallel_loop3A_403 = arith.constant 0 : i32
        %parallel_loop3A_404 = tpu.memref_slice %arg12[%parallel_loop3A_140, %parallel_loop3A_402, %parallel_loop3A_403] : memref<2x128x32xf32, #tpu.memory_space<vmem>> -> memref<1x128x32xf32, #tpu.memory_space<vmem>>
        %parallel_loop3A_405 = tpu.memref_squeeze %parallel_loop3A_404 : memref<1x128x32xf32, #tpu.memory_space<vmem>> -> memref<128x32xf32, #tpu.memory_space<vmem>>
        tpu.vector_store_idx %parallel_loop3A_405[%parallel_loop3A_158, %parallel_loop3A_400], %parallel_loop3A_401 : memref<128x32xf32, #tpu.memory_space<vmem>>[vector<16xi32>, vector<16xi32>], vector<16xf32>,
        %parallel_loop3A_406 = arith.constant 15 : i32
        %parallel_loop3A_407 = vector.broadcast %parallel_loop3A_406 : i32 to vector<16xi32>
        %parallel_loop3A_408 = arith.mulf %parallel_loop3A_283, %parallel_loop3A_294 : vector<16xf32>
        %parallel_loop3A_409 = arith.constant 0 : i32
        %parallel_loop3A_410 = arith.constant 0 : i32
        %parallel_loop3A_411 = tpu.memref_slice %arg12[%parallel_loop3A_140, %parallel_loop3A_409, %parallel_loop3A_410] : memref<2x128x32xf32, #tpu.memory_space<vmem>> -> memref<1x128x32xf32, #tpu.memory_space<vmem>>
        %parallel_loop3A_412 = tpu.memref_squeeze %parallel_loop3A_411 : memref<1x128x32xf32, #tpu.memory_space<vmem>> -> memref<128x32xf32, #tpu.memory_space<vmem>>
        tpu.vector_store_idx %parallel_loop3A_412[%parallel_loop3A_158, %parallel_loop3A_407], %parallel_loop3A_408 : memref<128x32xf32, #tpu.memory_space<vmem>>[vector<16xi32>, vector<16xi32>], vector<16xf32>,
      } {sc.loop_unroll_factor = 1 : i64, sc.parallel_access}
      %dma_start3A_141 = arith.constant 1 : i32
      %dma_start3A_142 = arith.constant 1 : i32
      %dma_start3A_143 = arith.constant 0 : i32
      %dma_start3A_144 = arith.constant 0 : i32
      %dma_start3A_145 = tpu.memref_slice %arg12[%dma_start3A_141, %dma_start3A_143, %dma_start3A_144] : memref<2x128x32xf32, #tpu.memory_space<vmem>> -> memref<1x128x32xf32, #tpu.memory_space<vmem>>
      %dma_start3A_146 = tpu.memref_squeeze %dma_start3A_145 : memref<1x128x32xf32, #tpu.memory_space<vmem>> -> memref<128x32xf32, #tpu.memory_space<vmem>>
      %dma_start3A_147 = arith.constant 0 : i32
      %dma_start3A_148 = tpu.memref_slice %arg11[%dma_start3A_142, %dma_start3A_147] : memref<2x128xi32, #tpu.memory_space<vmem>> -> memref<1x128xi32, #tpu.memory_space<vmem>>
      %dma_start3A_149 = tpu.memref_squeeze %dma_start3A_148 : memref<1x128xi32, #tpu.memory_space<vmem>> -> memref<128xi32, #tpu.memory_space<vmem>>
      %dma_start3A_150 = arith.constant 0 : i32
      %dma_start3A_151 = arith.constant 0 : i32
      %dma_start3A_152 = tpu.memref_slice %arg13[%dma_start3A_150, %dma_start3A_151] : memref<10240x32xf32, #tpu.memory_space<vmem_shared>> -> memref<10240x32xf32, #tpu.memory_space<vmem_shared>>
      tpu.enqueue_indirect_dma source(%dma_start3A_146 : memref<128x32xf32, #tpu.memory_space<vmem>>) target(%dma_start3A_152 : memref<10240x32xf32, #tpu.memory_space<vmem_shared>>) offsets(%dma_start3A_149 : memref<128xi32, #tpu.memory_space<vmem>>) semaphore(%arg16 : memref<!tpu.dma_semaphore, #tpu.memory_space<semaphore_mem>>) {add = true}
    }
    %scan3A_73 = arith.constant 41 : i32
    %dma_wait3A_74 = arith.constant 0 : i32
    %dma_wait3A_75 = arith.constant 0 : i32
    %dma_wait3A_76 = arith.constant 0 : i32
    %dma_wait3A_77 = arith.constant 0 : i32
    %dma_wait3A_78 = tpu.memref_slice %arg12[%dma_wait3A_74, %dma_wait3A_76, %dma_wait3A_77] : memref<2x128x32xf32, #tpu.memory_space<vmem>> -> memref<1x128x32xf32, #tpu.memory_space<vmem>>
    %dma_wait3A_79 = tpu.memref_squeeze %dma_wait3A_78 : memref<1x128x32xf32, #tpu.memory_space<vmem>> -> memref<128x32xf32, #tpu.memory_space<vmem>>
    %dma_wait3A_80 = arith.constant 0 : i32
    %dma_wait3A_81 = tpu.memref_slice %arg11[%dma_wait3A_75, %dma_wait3A_80] : memref<2x128xi32, #tpu.memory_space<vmem>> -> memref<1x128xi32, #tpu.memory_space<vmem>>
    %dma_wait3A_82 = tpu.memref_squeeze %dma_wait3A_81 : memref<1x128xi32, #tpu.memory_space<vmem>> -> memref<128xi32, #tpu.memory_space<vmem>>
    %dma_wait3A_83 = arith.constant 0 : i32
    %dma_wait3A_84 = arith.constant 0 : i32
    %dma_wait3A_85 = tpu.memref_slice %arg13[%dma_wait3A_83, %dma_wait3A_84] : memref<10240x32xf32, #tpu.memory_space<vmem_shared>> -> memref<10240x32xf32, #tpu.memory_space<vmem_shared>>
    tpu.wait_indirect_dma semaphore(%arg15 : memref<!tpu.dma_semaphore, #tpu.memory_space<semaphore_mem>>) src(%dma_wait3A_79 : memref<128x32xf32, #tpu.memory_space<vmem>>) dst(%dma_wait3A_85 : memref<10240x32xf32, #tpu.memory_space<vmem_shared>>)
    %dma_wait3A_86 = arith.constant 1 : i32
    %dma_wait3A_87 = arith.constant 1 : i32
    %dma_wait3A_88 = arith.constant 0 : i32
    %dma_wait3A_89 = arith.constant 0 : i32
    %dma_wait3A_90 = tpu.memref_slice %arg12[%dma_wait3A_86, %dma_wait3A_88, %dma_wait3A_89] : memref<2x128x32xf32, #tpu.memory_space<vmem>> -> memref<1x128x32xf32, #tpu.memory_space<vmem>>
    %dma_wait3A_91 = tpu.memref_squeeze %dma_wait3A_90 : memref<1x128x32xf32, #tpu.memory_space<vmem>> -> memref<128x32xf32, #tpu.memory_space<vmem>>
    %dma_wait3A_92 = arith.constant 0 : i32
    %dma_wait3A_93 = tpu.memref_slice %arg11[%dma_wait3A_87, %dma_wait3A_92] : memref<2x128xi32, #tpu.memory_space<vmem>> -> memref<1x128xi32, #tpu.memory_space<vmem>>
    %dma_wait3A_94 = tpu.memref_squeeze %dma_wait3A_93 : memref<1x128xi32, #tpu.memory_space<vmem>> -> memref<128xi32, #tpu.memory_space<vmem>>
    %dma_wait3A_95 = arith.constant 0 : i32
    %dma_wait3A_96 = arith.constant 0 : i32
    %dma_wait3A_97 = tpu.memref_slice %arg13[%dma_wait3A_95, %dma_wait3A_96] : memref<10240x32xf32, #tpu.memory_space<vmem_shared>> -> memref<10240x32xf32, #tpu.memory_space<vmem_shared>>
    tpu.wait_indirect_dma semaphore(%arg16 : memref<!tpu.dma_semaphore, #tpu.memory_space<semaphore_mem>>) src(%dma_wait3A_91 : memref<128x32xf32, #tpu.memory_space<vmem>>) dst(%dma_wait3A_97 : memref<10240x32xf32, #tpu.memory_space<vmem_shared>>)
    %barrier3A_98 = arith.constant 0 : index
    tpu.barrier barrier_id(%barrier3A_98)
    %mul3A_99 = arith.constant 640 : i32
    %mul3A_100 = arith.muli %arg1, %mul3A_99 : i32
    %mul3A_101 = arith.constant 640 : i32
    %mul3A_102 = arith.muli %arg1, %mul3A_101 : i32
    "tpu.region"() ({
      %run_scoped3A_103 = tpu.sem_alloc : memref<!tpu.dma_semaphore, #tpu.memory_space<semaphore_mem>>
      %dma_start3A_104 = arith.constant 0 : i32
      %dma_start3A_105 = tpu.memref_slice %arg6[%arg0, %mul3A_102, %dma_start3A_104] : memref<2x10240x32xf32, #tpu.memory_space<hbm>> -> memref<1x640x32xf32, #tpu.memory_space<hbm>>
      %dma_start3A_106 = tpu.memref_squeeze %dma_start3A_105 : memref<1x640x32xf32, #tpu.memory_space<hbm>> -> memref<640x32xf32, #tpu.memory_space<hbm>>
      %dma_start3A_107 = arith.constant 0 : i32
      %dma_start3A_108 = tpu.memref_slice %arg13[%mul3A_100, %dma_start3A_107] : memref<10240x32xf32, #tpu.memory_space<vmem_shared>> -> memref<640x32xf32, #tpu.memory_space<vmem_shared>>
      tpu.enqueue_dma source(%dma_start3A_108 : memref<640x32xf32, #tpu.memory_space<vmem_shared>>) target(%dma_start3A_106 : memref<640x32xf32, #tpu.memory_space<hbm>>) target_semaphore(%run_scoped3A_103 : memref<!tpu.dma_semaphore, #tpu.memory_space<semaphore_mem>>)
      %dma_wait3A_109 = arith.constant 0 : i32
      %dma_wait3A_110 = tpu.memref_slice %arg6[%arg0, %mul3A_102, %dma_wait3A_109] : memref<2x10240x32xf32, #tpu.memory_space<hbm>> -> memref<1x640x32xf32, #tpu.memory_space<hbm>>
      %dma_wait3A_111 = tpu.memref_squeeze %dma_wait3A_110 : memref<1x640x32xf32, #tpu.memory_space<hbm>> -> memref<640x32xf32, #tpu.memory_space<hbm>>
      %dma_wait3A_112 = arith.constant 0 : i32
      %dma_wait3A_113 = tpu.memref_slice %arg13[%mul3A_100, %dma_wait3A_112] : memref<10240x32xf32, #tpu.memory_space<vmem_shared>> -> memref<640x32xf32, #tpu.memory_space<vmem_shared>>
      tpu.wait_dma2 semaphore(%run_scoped3A_103 : memref<!tpu.dma_semaphore, #tpu.memory_space<semaphore_mem>>) src(%dma_wait3A_113 : memref<640x32xf32, #tpu.memory_space<vmem_shared>>) dst(%dma_wait3A_111 : memref<640x32xf32, #tpu.memory_space<hbm>>)
      tpu.yield
    }) : () -> ()
    return
  }
}

#map = affine_map<(d0, d1) -> (0, 0)>
#map1 = affine_map<(d0, d1) -> (0)>
#map2 = affine_map<(d0, d1) -> (0, 0, 0)>
module attributes {stable_mosaic.version = 14 : i64} {
  func.func @k(%arg0: i32, %arg1: i32, %arg2: memref<10240x8xf32, #tpu.memory_space<hbm>>, %arg3: memref<10240xf32, #tpu.memory_space<hbm>>, %arg4: memref<16xf32, #tpu.memory_space<hbm>>, %arg5: memref<32x82x128xi32, #tpu.memory_space<hbm>>, %arg6: memref<2x10240x32xf32, #tpu.memory_space<hbm>>, %arg7: memref<82x128xi32, #tpu.memory_space<vmem>>, %arg8: memref<10016x8xf32, #tpu.memory_space<vmem>>, %arg9: memref<10016xf32, #tpu.memory_space<vmem>>, %arg10: memref<16xf32, #tpu.memory_space<vmem>>, %arg11: memref<2x128xi32, #tpu.memory_space<vmem>>, %arg12: memref<2x128x32xf32, #tpu.memory_space<vmem>>, %arg13: memref<10240x32xf32, #tpu.memory_space<vmem_shared>>, %arg14: memref<!tpu.dma_semaphore, #tpu.memory_space<semaphore_mem>>, %arg15: memref<!tpu.dma_semaphore, #tpu.memory_space<semaphore_mem>>, %arg16: memref<!tpu.dma_semaphore, #tpu.memory_space<semaphore_mem>>) attributes {dimension_semantics = [#tpu.dimension_semantics<core_parallel>, #tpu.dimension_semantics<subcore_parallel>], iteration_bounds = array<i64: 2, 16>, scalar_prefetch = 0 : i64, scratch_operands = 10 : i64, tpu.core_type = #tpu.core_type<sc_vector_subcore>, window_params = [{transform_indices = #map}, {transform_indices = #map1}, {transform_indices = #map1}, {transform_indices = #map2}, {transform_indices = #map2}]} {
    %mul3A = arith.constant 2 : i32
    %mul3A_0 = arith.muli %arg1, %mul3A : i32
    %add3A = arith.addi %mul3A_0, %arg0 : i32
    %broadcast_in_dim3A = arith.constant 0.000000e+00 : f32
    %broadcast_in_dim3A_1 = vector.broadcast %broadcast_in_dim3A : f32 to vector<16xf32>
    %dma_start3A = arith.constant 0 : i32
    %dma_start3A_2 = arith.constant 0 : i32
    %dma_start3A_3 = tpu.memref_slice %arg5[%add3A, %dma_start3A, %dma_start3A_2] : memref<32x82x128xi32, #tpu.memory_space<hbm>> -> memref<1x82x128xi32, #tpu.memory_space<hbm>>
    %dma_start3A_4 = tpu.memref_squeeze %dma_start3A_3 : memref<1x82x128xi32, #tpu.memory_space<hbm>> -> memref<82x128xi32, #tpu.memory_space<hbm>>
    %dma_start3A_5 = arith.constant 0 : i32
    %dma_start3A_6 = arith.constant 0 : i32
    %dma_start3A_7 = tpu.memref_slice %arg5[%add3A, %dma_start3A_5, %dma_start3A_6] : memref<32x82x128xi32, #tpu.memory_space<hbm>> -> memref<1x82x128xi32, #tpu.memory_space<hbm>>
    %dma_start3A_8 = tpu.memref_squeeze %dma_start3A_7 : memref<1x82x128xi32, #tpu.memory_space<hbm>> -> memref<82x128xi32, #tpu.memory_space<hbm>>
    tpu.enqueue_dma source(%dma_start3A_8 : memref<82x128xi32, #tpu.memory_space<hbm>>) target(%arg7 : memref<82x128xi32, #tpu.memory_space<vmem>>) target_semaphore(%arg14 : memref<!tpu.dma_semaphore, #tpu.memory_space<semaphore_mem>>)
    %dma_start3A_9 = arith.constant 0 : i32
    %dma_start3A_10 = arith.constant 0 : i32
    %dma_start3A_11 = tpu.memref_slice %arg2[%dma_start3A_9, %dma_start3A_10] : memref<10240x8xf32, #tpu.memory_space<hbm>> -> memref<10016x8xf32, #tpu.memory_space<hbm>>
    %dma_start3A_12 = arith.constant 0 : i32
    %dma_start3A_13 = arith.constant 0 : i32
    %dma_start3A_14 = tpu.memref_slice %arg2[%dma_start3A_12, %dma_start3A_13] : memref<10240x8xf32, #tpu.memory_space<hbm>> -> memref<10016x8xf32, #tpu.memory_space<hbm>>
    tpu.enqueue_dma source(%dma_start3A_14 : memref<10016x8xf32, #tpu.memory_space<hbm>>) target(%arg8 : memref<10016x8xf32, #tpu.memory_space<vmem>>) target_semaphore(%arg14 : memref<!tpu.dma_semaphore, #tpu.memory_space<semaphore_mem>>)
    %dma_start3A_15 = arith.constant 0 : i32
    %dma_start3A_16 = tpu.memref_slice %arg3[%dma_start3A_15] : memref<10240xf32, #tpu.memory_space<hbm>> -> memref<10016xf32, #tpu.memory_space<hbm>>
    %dma_start3A_17 = arith.constant 0 : i32
    %dma_start3A_18 = tpu.memref_slice %arg3[%dma_start3A_17] : memref<10240xf32, #tpu.memory_space<hbm>> -> memref<10016xf32, #tpu.memory_space<hbm>>
    tpu.enqueue_dma source(%dma_start3A_18 : memref<10016xf32, #tpu.memory_space<hbm>>) target(%arg9 : memref<10016xf32, #tpu.memory_space<vmem>>) target_semaphore(%arg14 : memref<!tpu.dma_semaphore, #tpu.memory_space<semaphore_mem>>)
    tpu.enqueue_dma source(%arg4 : memref<16xf32, #tpu.memory_space<hbm>>) target(%arg10 : memref<16xf32, #tpu.memory_space<vmem>>) target_semaphore(%arg14 : memref<!tpu.dma_semaphore, #tpu.memory_space<semaphore_mem>>)
    %scan3A = arith.constant 0 : i32
    %scan3A_19 = arith.constant 128 : i32
    %scan3A_20 = arith.addi %scan3A, %scan3A_19 : i32
    %scan3A_21 = arith.constant 1 : i32
    scf.for %scan3A_103 = %scan3A to %scan3A_20 step %scan3A_21  : i32 {
      %mul3A_104 = arith.constant 1 : i32
      %mul3A_105 = arith.muli %scan3A_103, %mul3A_104 : i32
      %add3A_106 = arith.constant 0 : i32
      %add3A_107 = arith.addi %add3A_106, %mul3A_105 : i32
      %swap3A = arith.constant 0 : i32
      %swap3A_108 = arith.constant 0 : i32
      %swap3A_109 = arith.constant 0 : i32
      %swap3A_110 = tpu.memref_slice %arg12[%swap3A, %swap3A_108, %swap3A_109] : memref<2x128x32xf32, #tpu.memory_space<vmem>> -> memref<1x128x32xf32, #tpu.memory_space<vmem>>
      %swap3A_111 = tpu.memref_squeeze %swap3A_110 : memref<1x128x32xf32, #tpu.memory_space<vmem>> -> memref<128x32xf32, #tpu.memory_space<vmem>>
      %swap3A_112 = arith.index_cast %add3A_107 : i32 to index
      %swap3A_113 = arith.constant 0 : index
      %swap3A_114 = tpu.vector_load %swap3A_111[%swap3A_112, %swap3A_113] {strides = array<i32>} : memref<128x32xf32, #tpu.memory_space<vmem>>, vector<16xf32>,
      tpu.vector_store %swap3A_111[%swap3A_112, %swap3A_113], %broadcast_in_dim3A_1 {strides = array<i32>} : memref<128x32xf32, #tpu.memory_space<vmem>>, vector<16xf32>,
      %swap3A_115 = arith.constant 0 : i32
      %swap3A_116 = arith.constant 0 : i32
      %swap3A_117 = arith.constant 0 : i32
      %swap3A_118 = tpu.memref_slice %arg12[%swap3A_115, %swap3A_116, %swap3A_117] : memref<2x128x32xf32, #tpu.memory_space<vmem>> -> memref<1x128x32xf32, #tpu.memory_space<vmem>>
      %swap3A_119 = tpu.memref_squeeze %swap3A_118 : memref<1x128x32xf32, #tpu.memory_space<vmem>> -> memref<128x32xf32, #tpu.memory_space<vmem>>
      %swap3A_120 = arith.index_cast %add3A_107 : i32 to index
      %swap3A_121 = arith.constant 16 : index
      %swap3A_122 = tpu.vector_load %swap3A_119[%swap3A_120, %swap3A_121] {strides = array<i32>} : memref<128x32xf32, #tpu.memory_space<vmem>>, vector<16xf32>,
      tpu.vector_store %swap3A_119[%swap3A_120, %swap3A_121], %broadcast_in_dim3A_1 {strides = array<i32>} : memref<128x32xf32, #tpu.memory_space<vmem>>, vector<16xf32>,
    }
    %scan3A_22 = arith.constant 128 : i32
    %scan3A_23 = arith.constant 0 : i32
    %scan3A_24 = arith.constant 128 : i32
    %scan3A_25 = arith.addi %scan3A_23, %scan3A_24 : i32
    %scan3A_26 = arith.constant 1 : i32
    scf.for %scan3A_103 = %scan3A_23 to %scan3A_25 step %scan3A_26  : i32 {
      %mul3A_104 = arith.constant 1 : i32
      %mul3A_105 = arith.muli %scan3A_103, %mul3A_104 : i32
      %add3A_106 = arith.constant 0 : i32
      %add3A_107 = arith.addi %add3A_106, %mul3A_105 : i32
      %swap3A = arith.constant 1 : i32
      %swap3A_108 = arith.constant 0 : i32
      %swap3A_109 = arith.constant 0 : i32
      %swap3A_110 = tpu.memref_slice %arg12[%swap3A, %swap3A_108, %swap3A_109] : memref<2x128x32xf32, #tpu.memory_space<vmem>> -> memref<1x128x32xf32, #tpu.memory_space<vmem>>
      %swap3A_111 = tpu.memref_squeeze %swap3A_110 : memref<1x128x32xf32, #tpu.memory_space<vmem>> -> memref<128x32xf32, #tpu.memory_space<vmem>>
      %swap3A_112 = arith.index_cast %add3A_107 : i32 to index
      %swap3A_113 = arith.constant 0 : index
      %swap3A_114 = tpu.vector_load %swap3A_111[%swap3A_112, %swap3A_113] {strides = array<i32>} : memref<128x32xf32, #tpu.memory_space<vmem>>, vector<16xf32>,
      tpu.vector_store %swap3A_111[%swap3A_112, %swap3A_113], %broadcast_in_dim3A_1 {strides = array<i32>} : memref<128x32xf32, #tpu.memory_space<vmem>>, vector<16xf32>,
      %swap3A_115 = arith.constant 1 : i32
      %swap3A_116 = arith.constant 0 : i32
      %swap3A_117 = arith.constant 0 : i32
      %swap3A_118 = tpu.memref_slice %arg12[%swap3A_115, %swap3A_116, %swap3A_117] : memref<2x128x32xf32, #tpu.memory_space<vmem>> -> memref<1x128x32xf32, #tpu.memory_space<vmem>>
      %swap3A_119 = tpu.memref_squeeze %swap3A_118 : memref<1x128x32xf32, #tpu.memory_space<vmem>> -> memref<128x32xf32, #tpu.memory_space<vmem>>
      %swap3A_120 = arith.index_cast %add3A_107 : i32 to index
      %swap3A_121 = arith.constant 16 : index
      %swap3A_122 = tpu.vector_load %swap3A_119[%swap3A_120, %swap3A_121] {strides = array<i32>} : memref<128x32xf32, #tpu.memory_space<vmem>>, vector<16xf32>,
      tpu.vector_store %swap3A_119[%swap3A_120, %swap3A_121], %broadcast_in_dim3A_1 {strides = array<i32>} : memref<128x32xf32, #tpu.memory_space<vmem>>, vector<16xf32>,
    }
    %scan3A_27 = arith.constant 128 : i32
    %mul3A_28 = arith.constant 640 : i32
    %mul3A_29 = arith.muli %arg1, %mul3A_28 : i32
    %add3A_30 = arith.constant 0 : i32
    %add3A_31 = arith.addi %mul3A_29, %add3A_30 : i32
    %run_scoped3A = arith.constant 0 : i32
    "tpu.region"() ({
      %run_scoped3A_103 = tpu.sem_alloc : memref<!tpu.dma_semaphore, #tpu.memory_space<semaphore_mem>>
      %dma_start3A_104 = arith.constant 0 : i32
      %dma_start3A_105 = arith.constant 0 : i32
      %dma_start3A_106 = tpu.memref_slice %arg12[%run_scoped3A, %dma_start3A_104, %dma_start3A_105] : memref<2x128x32xf32, #tpu.memory_space<vmem>> -> memref<1x128x32xf32, #tpu.memory_space<vmem>>
      %dma_start3A_107 = tpu.memref_squeeze %dma_start3A_106 : memref<1x128x32xf32, #tpu.memory_space<vmem>> -> memref<128x32xf32, #tpu.memory_space<vmem>>
      %dma_start3A_108 = arith.constant 0 : i32
      %dma_start3A_109 = tpu.memref_slice %arg13[%add3A_31, %dma_start3A_108] : memref<10240x32xf32, #tpu.memory_space<vmem_shared>> -> memref<128x32xf32, #tpu.memory_space<vmem_shared>>
      %dma_start3A_110 = arith.constant 0 : i32
      %dma_start3A_111 = tpu.memref_slice %arg13[%add3A_31, %dma_start3A_110] : memref<10240x32xf32, #tpu.memory_space<vmem_shared>> -> memref<128x32xf32, #tpu.memory_space<vmem_shared>>
      %dma_start3A_112 = arith.constant 0 : i32
      %dma_start3A_113 = arith.constant 0 : i32
      %dma_start3A_114 = tpu.memref_slice %arg12[%run_scoped3A, %dma_start3A_112, %dma_start3A_113] : memref<2x128x32xf32, #tpu.memory_space<vmem>> -> memref<1x128x32xf32, #tpu.memory_space<vmem>>
      %dma_start3A_115 = tpu.memref_squeeze %dma_start3A_114 : memref<1x128x32xf32, #tpu.memory_space<vmem>> -> memref<128x32xf32, #tpu.memory_space<vmem>>
      tpu.enqueue_dma source(%dma_start3A_115 : memref<128x32xf32, #tpu.memory_space<vmem>>) target(%dma_start3A_111 : memref<128x32xf32, #tpu.memory_space<vmem_shared>>) target_semaphore(%run_scoped3A_103 : memref<!tpu.dma_semaphore, #tpu.memory_space<semaphore_mem>>)
      %dma_wait3A_116 = arith.constant 0 : i32
      %dma_wait3A_117 = arith.constant 0 : i32
      %dma_wait3A_118 = tpu.memref_slice %arg12[%run_scoped3A, %dma_wait3A_116, %dma_wait3A_117] : memref<2x128x32xf32, #tpu.memory_space<vmem>> -> memref<1x128x32xf32, #tpu.memory_space<vmem>>
      %dma_wait3A_119 = tpu.memref_squeeze %dma_wait3A_118 : memref<1x128x32xf32, #tpu.memory_space<vmem>> -> memref<128x32xf32, #tpu.memory_space<vmem>>
      %dma_wait3A_120 = arith.constant 0 : i32
      %dma_wait3A_121 = tpu.memref_slice %arg13[%add3A_31, %dma_wait3A_120] : memref<10240x32xf32, #tpu.memory_space<vmem_shared>> -> memref<128x32xf32, #tpu.memory_space<vmem_shared>>
      %dma_wait3A_122 = arith.constant 0 : i32
      %dma_wait3A_123 = tpu.memref_slice %arg13[%add3A_31, %dma_wait3A_122] : memref<10240x32xf32, #tpu.memory_space<vmem_shared>> -> memref<128x32xf32, #tpu.memory_space<vmem_shared>>
      %dma_wait3A_124 = arith.constant 0 : i32
      %dma_wait3A_125 = arith.constant 0 : i32
      %dma_wait3A_126 = tpu.memref_slice %arg12[%run_scoped3A, %dma_wait3A_124, %dma_wait3A_125] : memref<2x128x32xf32, #tpu.memory_space<vmem>> -> memref<1x128x32xf32, #tpu.memory_space<vmem>>
      %dma_wait3A_127 = tpu.memref_squeeze %dma_wait3A_126 : memref<1x128x32xf32, #tpu.memory_space<vmem>> -> memref<128x32xf32, #tpu.memory_space<vmem>>
      tpu.wait_dma2 semaphore(%run_scoped3A_103 : memref<!tpu.dma_semaphore, #tpu.memory_space<semaphore_mem>>) src(%dma_wait3A_127 : memref<128x32xf32, #tpu.memory_space<vmem>>) dst(%dma_wait3A_123 : memref<128x32xf32, #tpu.memory_space<vmem_shared>>)
      tpu.yield
    }) : () -> ()
    %mul3A_32 = arith.constant 640 : i32
    %mul3A_33 = arith.muli %arg1, %mul3A_32 : i32
    %add3A_34 = arith.constant 128 : i32
    %add3A_35 = arith.addi %mul3A_33, %add3A_34 : i32
    %run_scoped3A_36 = arith.constant 1 : i32
    "tpu.region"() ({
      %run_scoped3A_103 = tpu.sem_alloc : memref<!tpu.dma_semaphore, #tpu.memory_space<semaphore_mem>>
      %dma_start3A_104 = arith.constant 0 : i32
      %dma_start3A_105 = arith.constant 0 : i32
      %dma_start3A_106 = tpu.memref_slice %arg12[%run_scoped3A_36, %dma_start3A_104, %dma_start3A_105] : memref<2x128x32xf32, #tpu.memory_space<vmem>> -> memref<1x128x32xf32, #tpu.memory_space<vmem>>
      %dma_start3A_107 = tpu.memref_squeeze %dma_start3A_106 : memref<1x128x32xf32, #tpu.memory_space<vmem>> -> memref<128x32xf32, #tpu.memory_space<vmem>>
      %dma_start3A_108 = arith.constant 0 : i32
      %dma_start3A_109 = tpu.memref_slice %arg13[%add3A_35, %dma_start3A_108] : memref<10240x32xf32, #tpu.memory_space<vmem_shared>> -> memref<128x32xf32, #tpu.memory_space<vmem_shared>>
      %dma_start3A_110 = arith.constant 0 : i32
      %dma_start3A_111 = tpu.memref_slice %arg13[%add3A_35, %dma_start3A_110] : memref<10240x32xf32, #tpu.memory_space<vmem_shared>> -> memref<128x32xf32, #tpu.memory_space<vmem_shared>>
      %dma_start3A_112 = arith.constant 0 : i32
      %dma_start3A_113 = arith.constant 0 : i32
      %dma_start3A_114 = tpu.memref_slice %arg12[%run_scoped3A_36, %dma_start3A_112, %dma_start3A_113] : memref<2x128x32xf32, #tpu.memory_space<vmem>> -> memref<1x128x32xf32, #tpu.memory_space<vmem>>
      %dma_start3A_115 = tpu.memref_squeeze %dma_start3A_114 : memref<1x128x32xf32, #tpu.memory_space<vmem>> -> memref<128x32xf32, #tpu.memory_space<vmem>>
      tpu.enqueue_dma source(%dma_start3A_115 : memref<128x32xf32, #tpu.memory_space<vmem>>) target(%dma_start3A_111 : memref<128x32xf32, #tpu.memory_space<vmem_shared>>) target_semaphore(%run_scoped3A_103 : memref<!tpu.dma_semaphore, #tpu.memory_space<semaphore_mem>>)
      %dma_wait3A_116 = arith.constant 0 : i32
      %dma_wait3A_117 = arith.constant 0 : i32
      %dma_wait3A_118 = tpu.memref_slice %arg12[%run_scoped3A_36, %dma_wait3A_116, %dma_wait3A_117] : memref<2x128x32xf32, #tpu.memory_space<vmem>> -> memref<1x128x32xf32, #tpu.memory_space<vmem>>
      %dma_wait3A_119 = tpu.memref_squeeze %dma_wait3A_118 : memref<1x128x32xf32, #tpu.memory_space<vmem>> -> memref<128x32xf32, #tpu.memory_space<vmem>>
      %dma_wait3A_120 = arith.constant 0 : i32
      %dma_wait3A_121 = tpu.memref_slice %arg13[%add3A_35, %dma_wait3A_120] : memref<10240x32xf32, #tpu.memory_space<vmem_shared>> -> memref<128x32xf32, #tpu.memory_space<vmem_shared>>
      %dma_wait3A_122 = arith.constant 0 : i32
      %dma_wait3A_123 = tpu.memref_slice %arg13[%add3A_35, %dma_wait3A_122] : memref<10240x32xf32, #tpu.memory_space<vmem_shared>> -> memref<128x32xf32, #tpu.memory_space<vmem_shared>>
      %dma_wait3A_124 = arith.constant 0 : i32
      %dma_wait3A_125 = arith.constant 0 : i32
      %dma_wait3A_126 = tpu.memref_slice %arg12[%run_scoped3A_36, %dma_wait3A_124, %dma_wait3A_125] : memref<2x128x32xf32, #tpu.memory_space<vmem>> -> memref<1x128x32xf32, #tpu.memory_space<vmem>>
      %dma_wait3A_127 = tpu.memref_squeeze %dma_wait3A_126 : memref<1x128x32xf32, #tpu.memory_space<vmem>> -> memref<128x32xf32, #tpu.memory_space<vmem>>
      tpu.wait_dma2 semaphore(%run_scoped3A_103 : memref<!tpu.dma_semaphore, #tpu.memory_space<semaphore_mem>>) src(%dma_wait3A_127 : memref<128x32xf32, #tpu.memory_space<vmem>>) dst(%dma_wait3A_123 : memref<128x32xf32, #tpu.memory_space<vmem_shared>>)
      tpu.yield
    }) : () -> ()
    %mul3A_37 = arith.constant 640 : i32
    %mul3A_38 = arith.muli %arg1, %mul3A_37 : i32
    %add3A_39 = arith.constant 256 : i32
    %add3A_40 = arith.addi %mul3A_38, %add3A_39 : i32
    %run_scoped3A_41 = arith.constant 0 : i32
    "tpu.region"() ({
      %run_scoped3A_103 = tpu.sem_alloc : memref<!tpu.dma_semaphore, #tpu.memory_space<semaphore_mem>>
      %dma_start3A_104 = arith.constant 0 : i32
      %dma_start3A_105 = arith.constant 0 : i32
      %dma_start3A_106 = tpu.memref_slice %arg12[%run_scoped3A_41, %dma_start3A_104, %dma_start3A_105] : memref<2x128x32xf32, #tpu.memory_space<vmem>> -> memref<1x128x32xf32, #tpu.memory_space<vmem>>
      %dma_start3A_107 = tpu.memref_squeeze %dma_start3A_106 : memref<1x128x32xf32, #tpu.memory_space<vmem>> -> memref<128x32xf32, #tpu.memory_space<vmem>>
      %dma_start3A_108 = arith.constant 0 : i32
      %dma_start3A_109 = tpu.memref_slice %arg13[%add3A_40, %dma_start3A_108] : memref<10240x32xf32, #tpu.memory_space<vmem_shared>> -> memref<128x32xf32, #tpu.memory_space<vmem_shared>>
      %dma_start3A_110 = arith.constant 0 : i32
      %dma_start3A_111 = tpu.memref_slice %arg13[%add3A_40, %dma_start3A_110] : memref<10240x32xf32, #tpu.memory_space<vmem_shared>> -> memref<128x32xf32, #tpu.memory_space<vmem_shared>>
      %dma_start3A_112 = arith.constant 0 : i32
      %dma_start3A_113 = arith.constant 0 : i32
      %dma_start3A_114 = tpu.memref_slice %arg12[%run_scoped3A_41, %dma_start3A_112, %dma_start3A_113] : memref<2x128x32xf32, #tpu.memory_space<vmem>> -> memref<1x128x32xf32, #tpu.memory_space<vmem>>
      %dma_start3A_115 = tpu.memref_squeeze %dma_start3A_114 : memref<1x128x32xf32, #tpu.memory_space<vmem>> -> memref<128x32xf32, #tpu.memory_space<vmem>>
      tpu.enqueue_dma source(%dma_start3A_115 : memref<128x32xf32, #tpu.memory_space<vmem>>) target(%dma_start3A_111 : memref<128x32xf32, #tpu.memory_space<vmem_shared>>) target_semaphore(%run_scoped3A_103 : memref<!tpu.dma_semaphore, #tpu.memory_space<semaphore_mem>>)
      %dma_wait3A_116 = arith.constant 0 : i32
      %dma_wait3A_117 = arith.constant 0 : i32
      %dma_wait3A_118 = tpu.memref_slice %arg12[%run_scoped3A_41, %dma_wait3A_116, %dma_wait3A_117] : memref<2x128x32xf32, #tpu.memory_space<vmem>> -> memref<1x128x32xf32, #tpu.memory_space<vmem>>
      %dma_wait3A_119 = tpu.memref_squeeze %dma_wait3A_118 : memref<1x128x32xf32, #tpu.memory_space<vmem>> -> memref<128x32xf32, #tpu.memory_space<vmem>>
      %dma_wait3A_120 = arith.constant 0 : i32
      %dma_wait3A_121 = tpu.memref_slice %arg13[%add3A_40, %dma_wait3A_120] : memref<10240x32xf32, #tpu.memory_space<vmem_shared>> -> memref<128x32xf32, #tpu.memory_space<vmem_shared>>
      %dma_wait3A_122 = arith.constant 0 : i32
      %dma_wait3A_123 = tpu.memref_slice %arg13[%add3A_40, %dma_wait3A_122] : memref<10240x32xf32, #tpu.memory_space<vmem_shared>> -> memref<128x32xf32, #tpu.memory_space<vmem_shared>>
      %dma_wait3A_124 = arith.constant 0 : i32
      %dma_wait3A_125 = arith.constant 0 : i32
      %dma_wait3A_126 = tpu.memref_slice %arg12[%run_scoped3A_41, %dma_wait3A_124, %dma_wait3A_125] : memref<2x128x32xf32, #tpu.memory_space<vmem>> -> memref<1x128x32xf32, #tpu.memory_space<vmem>>
      %dma_wait3A_127 = tpu.memref_squeeze %dma_wait3A_126 : memref<1x128x32xf32, #tpu.memory_space<vmem>> -> memref<128x32xf32, #tpu.memory_space<vmem>>
      tpu.wait_dma2 semaphore(%run_scoped3A_103 : memref<!tpu.dma_semaphore, #tpu.memory_space<semaphore_mem>>) src(%dma_wait3A_127 : memref<128x32xf32, #tpu.memory_space<vmem>>) dst(%dma_wait3A_123 : memref<128x32xf32, #tpu.memory_space<vmem_shared>>)
      tpu.yield
    }) : () -> ()
    %mul3A_42 = arith.constant 640 : i32
    %mul3A_43 = arith.muli %arg1, %mul3A_42 : i32
    %add3A_44 = arith.constant 384 : i32
    %add3A_45 = arith.addi %mul3A_43, %add3A_44 : i32
    %run_scoped3A_46 = arith.constant 1 : i32
    "tpu.region"() ({
      %run_scoped3A_103 = tpu.sem_alloc : memref<!tpu.dma_semaphore, #tpu.memory_space<semaphore_mem>>
      %dma_start3A_104 = arith.constant 0 : i32
      %dma_start3A_105 = arith.constant 0 : i32
      %dma_start3A_106 = tpu.memref_slice %arg12[%run_scoped3A_46, %dma_start3A_104, %dma_start3A_105] : memref<2x128x32xf32, #tpu.memory_space<vmem>> -> memref<1x128x32xf32, #tpu.memory_space<vmem>>
      %dma_start3A_107 = tpu.memref_squeeze %dma_start3A_106 : memref<1x128x32xf32, #tpu.memory_space<vmem>> -> memref<128x32xf32, #tpu.memory_space<vmem>>
      %dma_start3A_108 = arith.constant 0 : i32
      %dma_start3A_109 = tpu.memref_slice %arg13[%add3A_45, %dma_start3A_108] : memref<10240x32xf32, #tpu.memory_space<vmem_shared>> -> memref<128x32xf32, #tpu.memory_space<vmem_shared>>
      %dma_start3A_110 = arith.constant 0 : i32
      %dma_start3A_111 = tpu.memref_slice %arg13[%add3A_45, %dma_start3A_110] : memref<10240x32xf32, #tpu.memory_space<vmem_shared>> -> memref<128x32xf32, #tpu.memory_space<vmem_shared>>
      %dma_start3A_112 = arith.constant 0 : i32
      %dma_start3A_113 = arith.constant 0 : i32
      %dma_start3A_114 = tpu.memref_slice %arg12[%run_scoped3A_46, %dma_start3A_112, %dma_start3A_113] : memref<2x128x32xf32, #tpu.memory_space<vmem>> -> memref<1x128x32xf32, #tpu.memory_space<vmem>>
      %dma_start3A_115 = tpu.memref_squeeze %dma_start3A_114 : memref<1x128x32xf32, #tpu.memory_space<vmem>> -> memref<128x32xf32, #tpu.memory_space<vmem>>
      tpu.enqueue_dma source(%dma_start3A_115 : memref<128x32xf32, #tpu.memory_space<vmem>>) target(%dma_start3A_111 : memref<128x32xf32, #tpu.memory_space<vmem_shared>>) target_semaphore(%run_scoped3A_103 : memref<!tpu.dma_semaphore, #tpu.memory_space<semaphore_mem>>)
      %dma_wait3A_116 = arith.constant 0 : i32
      %dma_wait3A_117 = arith.constant 0 : i32
      %dma_wait3A_118 = tpu.memref_slice %arg12[%run_scoped3A_46, %dma_wait3A_116, %dma_wait3A_117] : memref<2x128x32xf32, #tpu.memory_space<vmem>> -> memref<1x128x32xf32, #tpu.memory_space<vmem>>
      %dma_wait3A_119 = tpu.memref_squeeze %dma_wait3A_118 : memref<1x128x32xf32, #tpu.memory_space<vmem>> -> memref<128x32xf32, #tpu.memory_space<vmem>>
      %dma_wait3A_120 = arith.constant 0 : i32
      %dma_wait3A_121 = tpu.memref_slice %arg13[%add3A_45, %dma_wait3A_120] : memref<10240x32xf32, #tpu.memory_space<vmem_shared>> -> memref<128x32xf32, #tpu.memory_space<vmem_shared>>
      %dma_wait3A_122 = arith.constant 0 : i32
      %dma_wait3A_123 = tpu.memref_slice %arg13[%add3A_45, %dma_wait3A_122] : memref<10240x32xf32, #tpu.memory_space<vmem_shared>> -> memref<128x32xf32, #tpu.memory_space<vmem_shared>>
      %dma_wait3A_124 = arith.constant 0 : i32
      %dma_wait3A_125 = arith.constant 0 : i32
      %dma_wait3A_126 = tpu.memref_slice %arg12[%run_scoped3A_46, %dma_wait3A_124, %dma_wait3A_125] : memref<2x128x32xf32, #tpu.memory_space<vmem>> -> memref<1x128x32xf32, #tpu.memory_space<vmem>>
      %dma_wait3A_127 = tpu.memref_squeeze %dma_wait3A_126 : memref<1x128x32xf32, #tpu.memory_space<vmem>> -> memref<128x32xf32, #tpu.memory_space<vmem>>
      tpu.wait_dma2 semaphore(%run_scoped3A_103 : memref<!tpu.dma_semaphore, #tpu.memory_space<semaphore_mem>>) src(%dma_wait3A_127 : memref<128x32xf32, #tpu.memory_space<vmem>>) dst(%dma_wait3A_123 : memref<128x32xf32, #tpu.memory_space<vmem_shared>>)
      tpu.yield
    }) : () -> ()
    %mul3A_47 = arith.constant 640 : i32
    %mul3A_48 = arith.muli %arg1, %mul3A_47 : i32
    %add3A_49 = arith.constant 512 : i32
    %add3A_50 = arith.addi %mul3A_48, %add3A_49 : i32
    %run_scoped3A_51 = arith.constant 0 : i32
    "tpu.region"() ({
      %run_scoped3A_103 = tpu.sem_alloc : memref<!tpu.dma_semaphore, #tpu.memory_space<semaphore_mem>>
      %dma_start3A_104 = arith.constant 0 : i32
      %dma_start3A_105 = arith.constant 0 : i32
      %dma_start3A_106 = tpu.memref_slice %arg12[%run_scoped3A_51, %dma_start3A_104, %dma_start3A_105] : memref<2x128x32xf32, #tpu.memory_space<vmem>> -> memref<1x128x32xf32, #tpu.memory_space<vmem>>
      %dma_start3A_107 = tpu.memref_squeeze %dma_start3A_106 : memref<1x128x32xf32, #tpu.memory_space<vmem>> -> memref<128x32xf32, #tpu.memory_space<vmem>>
      %dma_start3A_108 = arith.constant 0 : i32
      %dma_start3A_109 = tpu.memref_slice %arg13[%add3A_50, %dma_start3A_108] : memref<10240x32xf32, #tpu.memory_space<vmem_shared>> -> memref<128x32xf32, #tpu.memory_space<vmem_shared>>
      %dma_start3A_110 = arith.constant 0 : i32
      %dma_start3A_111 = tpu.memref_slice %arg13[%add3A_50, %dma_start3A_110] : memref<10240x32xf32, #tpu.memory_space<vmem_shared>> -> memref<128x32xf32, #tpu.memory_space<vmem_shared>>
      %dma_start3A_112 = arith.constant 0 : i32
      %dma_start3A_113 = arith.constant 0 : i32
      %dma_start3A_114 = tpu.memref_slice %arg12[%run_scoped3A_51, %dma_start3A_112, %dma_start3A_113] : memref<2x128x32xf32, #tpu.memory_space<vmem>> -> memref<1x128x32xf32, #tpu.memory_space<vmem>>
      %dma_start3A_115 = tpu.memref_squeeze %dma_start3A_114 : memref<1x128x32xf32, #tpu.memory_space<vmem>> -> memref<128x32xf32, #tpu.memory_space<vmem>>
      tpu.enqueue_dma source(%dma_start3A_115 : memref<128x32xf32, #tpu.memory_space<vmem>>) target(%dma_start3A_111 : memref<128x32xf32, #tpu.memory_space<vmem_shared>>) target_semaphore(%run_scoped3A_103 : memref<!tpu.dma_semaphore, #tpu.memory_space<semaphore_mem>>)
      %dma_wait3A_116 = arith.constant 0 : i32
      %dma_wait3A_117 = arith.constant 0 : i32
      %dma_wait3A_118 = tpu.memref_slice %arg12[%run_scoped3A_51, %dma_wait3A_116, %dma_wait3A_117] : memref<2x128x32xf32, #tpu.memory_space<vmem>> -> memref<1x128x32xf32, #tpu.memory_space<vmem>>
      %dma_wait3A_119 = tpu.memref_squeeze %dma_wait3A_118 : memref<1x128x32xf32, #tpu.memory_space<vmem>> -> memref<128x32xf32, #tpu.memory_space<vmem>>
      %dma_wait3A_120 = arith.constant 0 : i32
      %dma_wait3A_121 = tpu.memref_slice %arg13[%add3A_50, %dma_wait3A_120] : memref<10240x32xf32, #tpu.memory_space<vmem_shared>> -> memref<128x32xf32, #tpu.memory_space<vmem_shared>>
      %dma_wait3A_122 = arith.constant 0 : i32
      %dma_wait3A_123 = tpu.memref_slice %arg13[%add3A_50, %dma_wait3A_122] : memref<10240x32xf32, #tpu.memory_space<vmem_shared>> -> memref<128x32xf32, #tpu.memory_space<vmem_shared>>
      %dma_wait3A_124 = arith.constant 0 : i32
      %dma_wait3A_125 = arith.constant 0 : i32
      %dma_wait3A_126 = tpu.memref_slice %arg12[%run_scoped3A_51, %dma_wait3A_124, %dma_wait3A_125] : memref<2x128x32xf32, #tpu.memory_space<vmem>> -> memref<1x128x32xf32, #tpu.memory_space<vmem>>
      %dma_wait3A_127 = tpu.memref_squeeze %dma_wait3A_126 : memref<1x128x32xf32, #tpu.memory_space<vmem>> -> memref<128x32xf32, #tpu.memory_space<vmem>>
      tpu.wait_dma2 semaphore(%run_scoped3A_103 : memref<!tpu.dma_semaphore, #tpu.memory_space<semaphore_mem>>) src(%dma_wait3A_127 : memref<128x32xf32, #tpu.memory_space<vmem>>) dst(%dma_wait3A_123 : memref<128x32xf32, #tpu.memory_space<vmem_shared>>)
      tpu.yield
    }) : () -> ()
    %dma_wait3A = arith.constant 0 : i32
    %dma_wait3A_52 = arith.constant 0 : i32
    %dma_wait3A_53 = tpu.memref_slice %arg5[%add3A, %dma_wait3A, %dma_wait3A_52] : memref<32x82x128xi32, #tpu.memory_space<hbm>> -> memref<1x82x128xi32, #tpu.memory_space<hbm>>
    %dma_wait3A_54 = tpu.memref_squeeze %dma_wait3A_53 : memref<1x82x128xi32, #tpu.memory_space<hbm>> -> memref<82x128xi32, #tpu.memory_space<hbm>>
    %dma_wait3A_55 = arith.constant 0 : i32
    %dma_wait3A_56 = arith.constant 0 : i32
    %dma_wait3A_57 = tpu.memref_slice %arg5[%add3A, %dma_wait3A_55, %dma_wait3A_56] : memref<32x82x128xi32, #tpu.memory_space<hbm>> -> memref<1x82x128xi32, #tpu.memory_space<hbm>>
    %dma_wait3A_58 = tpu.memref_squeeze %dma_wait3A_57 : memref<1x82x128xi32, #tpu.memory_space<hbm>> -> memref<82x128xi32, #tpu.memory_space<hbm>>
    tpu.wait_dma2 semaphore(%arg14 : memref<!tpu.dma_semaphore, #tpu.memory_space<semaphore_mem>>) src(%dma_wait3A_58 : memref<82x128xi32, #tpu.memory_space<hbm>>) dst(%arg7 : memref<82x128xi32, #tpu.memory_space<vmem>>)
    %dma_wait3A_59 = arith.constant 0 : i32
    %dma_wait3A_60 = arith.constant 0 : i32
    %dma_wait3A_61 = tpu.memref_slice %arg2[%dma_wait3A_59, %dma_wait3A_60] : memref<10240x8xf32, #tpu.memory_space<hbm>> -> memref<10016x8xf32, #tpu.memory_space<hbm>>
    %dma_wait3A_62 = arith.constant 0 : i32
    %dma_wait3A_63 = arith.constant 0 : i32
    %dma_wait3A_64 = tpu.memref_slice %arg2[%dma_wait3A_62, %dma_wait3A_63] : memref<10240x8xf32, #tpu.memory_space<hbm>> -> memref<10016x8xf32, #tpu.memory_space<hbm>>
    tpu.wait_dma2 semaphore(%arg14 : memref<!tpu.dma_semaphore, #tpu.memory_space<semaphore_mem>>) src(%dma_wait3A_64 : memref<10016x8xf32, #tpu.memory_space<hbm>>) dst(%arg8 : memref<10016x8xf32, #tpu.memory_space<vmem>>)
    %dma_wait3A_65 = arith.constant 0 : i32
    %dma_wait3A_66 = tpu.memref_slice %arg3[%dma_wait3A_65] : memref<10240xf32, #tpu.memory_space<hbm>> -> memref<10016xf32, #tpu.memory_space<hbm>>
    %dma_wait3A_67 = arith.constant 0 : i32
    %dma_wait3A_68 = tpu.memref_slice %arg3[%dma_wait3A_67] : memref<10240xf32, #tpu.memory_space<hbm>> -> memref<10016xf32, #tpu.memory_space<hbm>>
    tpu.wait_dma2 semaphore(%arg14 : memref<!tpu.dma_semaphore, #tpu.memory_space<semaphore_mem>>) src(%dma_wait3A_68 : memref<10016xf32, #tpu.memory_space<hbm>>) dst(%arg9 : memref<10016xf32, #tpu.memory_space<vmem>>)
    tpu.wait_dma2 semaphore(%arg14 : memref<!tpu.dma_semaphore, #tpu.memory_space<semaphore_mem>>) src(%arg4 : memref<16xf32, #tpu.memory_space<hbm>>) dst(%arg10 : memref<16xf32, #tpu.memory_space<vmem>>)
    %barrier3A = arith.constant 0 : index
    tpu.barrier barrier_id(%barrier3A)
    %scan3A_69 = arith.constant 0 : i32
    %scan3A_70 = arith.constant 41 : i32
    %scan3A_71 = arith.addi %scan3A_69, %scan3A_70 : i32
    %scan3A_72 = arith.constant 1 : i32
    scf.for %scan3A_103 = %scan3A_69 to %scan3A_71 step %scan3A_72  : i32 {
      %mul3A_104 = arith.constant 2 : i32
      %mul3A_105 = arith.muli %scan3A_103, %mul3A_104 : i32
      %add3A_106 = arith.constant 0 : i32
      %add3A_107 = arith.addi %add3A_106, %mul3A_105 : i32
      %ge3A = arith.constant 2 : i32
      %ge3A_108 = arith.cmpi sge, %add3A_107, %ge3A : i32
      %convert_element_type3A = arith.extui %ge3A_108 : i1 to i32
      %cond3A = arith.constant 0 : i32
      %cond3A_109 = arith.cmpi ne, %convert_element_type3A, %cond3A : i32
      scf.if %cond3A_109 {
        %dma_wait3A_153 = arith.constant 0 : i32
        %dma_wait3A_154 = arith.constant 0 : i32
        %dma_wait3A_155 = arith.constant 0 : i32
        %dma_wait3A_156 = arith.constant 0 : i32
        %dma_wait3A_157 = tpu.memref_slice %arg12[%dma_wait3A_153, %dma_wait3A_155, %dma_wait3A_156] : memref<2x128x32xf32, #tpu.memory_space<vmem>> -> memref<1x128x32xf32, #tpu.memory_space<vmem>>
        %dma_wait3A_158 = tpu.memref_squeeze %dma_wait3A_157 : memref<1x128x32xf32, #tpu.memory_space<vmem>> -> memref<128x32xf32, #tpu.memory_space<vmem>>
        %dma_wait3A_159 = arith.constant 0 : i32
        %dma_wait3A_160 = tpu.memref_slice %arg11[%dma_wait3A_154, %dma_wait3A_159] : memref<2x128xi32, #tpu.memory_space<vmem>> -> memref<1x128xi32, #tpu.memory_space<vmem>>
        %dma_wait3A_161 = tpu.memref_squeeze %dma_wait3A_160 : memref<1x128xi32, #tpu.memory_space<vmem>> -> memref<128xi32, #tpu.memory_space<vmem>>
        %dma_wait3A_162 = arith.constant 0 : i32
        %dma_wait3A_163 = arith.constant 0 : i32
        %dma_wait3A_164 = tpu.memref_slice %arg13[%dma_wait3A_162, %dma_wait3A_163] : memref<10240x32xf32, #tpu.memory_space<vmem_shared>> -> memref<10240x32xf32, #tpu.memory_space<vmem_shared>>
        tpu.wait_indirect_dma semaphore(%arg15 : memref<!tpu.dma_semaphore, #tpu.memory_space<semaphore_mem>>) src(%dma_wait3A_158 : memref<128x32xf32, #tpu.memory_space<vmem>>) dst(%dma_wait3A_164 : memref<10240x32xf32, #tpu.memory_space<vmem_shared>>)
      } else {
      }
      %get3A = arith.constant 0 : index
      %get3A_110 = tpu.vector_load %arg10[%get3A] {strides = array<i32>} : memref<16xf32, #tpu.memory_space<vmem>>, vector<16xf32>,
      %parallel_loop3A = arith.constant 0 : i32
      %parallel_loop3A_111 = arith.constant 8 : i32
      %parallel_loop3A_112 = arith.constant 1 : i32
      %parallel_loop3A_113 = arith.constant 0 : i32
      %parallel_loop3A_114 = arith.constant 0 : i32
      scf.for %parallel_loop3A_153 = %parallel_loop3A to %parallel_loop3A_111 step %parallel_loop3A_112  : i32 {
        %parallel_loop3A_154 = tpu.iota {dimensions = array<i32: 0>} : vector<16xi32>
        %parallel_loop3A_155 = arith.constant 16 : i32
        %parallel_loop3A_156 = arith.muli %parallel_loop3A_153, %parallel_loop3A_155 : i32
        %parallel_loop3A_157 = vector.broadcast %parallel_loop3A_156 : i32 to vector<16xi32>
        %parallel_loop3A_158 = arith.addi %parallel_loop3A_154, %parallel_loop3A_157 : vector<16xi32>
        %parallel_loop3A_159 = arith.constant 16 : i32
        %parallel_loop3A_160 = arith.muli %parallel_loop3A_153, %parallel_loop3A_159 : i32
        %parallel_loop3A_161 = arith.index_cast %add3A_107 : i32 to index
        %parallel_loop3A_162 = arith.index_cast %parallel_loop3A_160 : i32 to index
        %parallel_loop3A_163 = tpu.vector_load %arg7[%parallel_loop3A_161, %parallel_loop3A_162] {strides = array<i32>} : memref<82x128xi32, #tpu.memory_space<vmem>>, vector<16xi32>,
        %parallel_loop3A_164 = arith.constant 16383 : i32
        %parallel_loop3A_165 = vector.broadcast %parallel_loop3A_164 : i32 to vector<16xi32>
        %parallel_loop3A_166 = arith.andi %parallel_loop3A_163, %parallel_loop3A_165 : vector<16xi32>
        %parallel_loop3A_167 = arith.constant 14 : i32
        %parallel_loop3A_168 = vector.broadcast %parallel_loop3A_167 : i32 to vector<16xi32>
        %parallel_loop3A_169 = arith.shrui %parallel_loop3A_163, %parallel_loop3A_168 : vector<16xi32>
        %parallel_loop3A_170 = arith.constant 16 : i32
        %parallel_loop3A_171 = arith.muli %parallel_loop3A_153, %parallel_loop3A_170 : i32
        %parallel_loop3A_172 = arith.constant 0 : i32
        %parallel_loop3A_173 = tpu.memref_slice %arg11[%parallel_loop3A_113, %parallel_loop3A_172] : memref<2x128xi32, #tpu.memory_space<vmem>> -> memref<1x128xi32, #tpu.memory_space<vmem>>
        %parallel_loop3A_174 = tpu.memref_squeeze %parallel_loop3A_173 : memref<1x128xi32, #tpu.memory_space<vmem>> -> memref<128xi32, #tpu.memory_space<vmem>>
        %parallel_loop3A_175 = arith.index_cast %parallel_loop3A_171 : i32 to index
        %parallel_loop3A_176 = tpu.vector_load %parallel_loop3A_174[%parallel_loop3A_175] {strides = array<i32>} : memref<128xi32, #tpu.memory_space<vmem>>, vector<16xi32>,
        tpu.vector_store %parallel_loop3A_174[%parallel_loop3A_175], %parallel_loop3A_169 {strides = array<i32>} : memref<128xi32, #tpu.memory_space<vmem>>, vector<16xi32>,
        %parallel_loop3A_177 = arith.constant 0.000000e+00 : f32
        %parallel_loop3A_178 = vector.broadcast %parallel_loop3A_177 : f32 to vector<16xf32>
        %parallel_loop3A_179 = arith.constant 0 : i32
        %parallel_loop3A_180 = vector.broadcast %parallel_loop3A_179 : i32 to vector<16xi32>
        %parallel_loop3A_181 = tpu.vector_load_idx %arg8[%parallel_loop3A_166, %parallel_loop3A_180] : memref<10016x8xf32, #tpu.memory_space<vmem>>[vector<16xi32>, vector<16xi32>], vector<16xf32>,
        %parallel_loop3A_182 = tpu.vector_load_idx %arg8[%parallel_loop3A_169, %parallel_loop3A_180] : memref<10016x8xf32, #tpu.memory_space<vmem>>[vector<16xi32>, vector<16xi32>], vector<16xf32>,
        %parallel_loop3A_183 = vector.bitcast %parallel_loop3A_181 : vector<16xf32> to vector<32xbf16>
        %parallel_loop3A_184 = tpu.unpack_subelements %parallel_loop3A_183, 0 {pack_format = #tpu.pack_format<interleaved>} : vector<32xbf16> -> vector<16xf32>
        %parallel_loop3A_185 = tpu.unpack_subelements %parallel_loop3A_183, 1 {pack_format = #tpu.pack_format<interleaved>} : vector<32xbf16> -> vector<16xf32>
        %parallel_loop3A_186 = vector.bitcast %parallel_loop3A_182 : vector<16xf32> to vector<32xbf16>
        %parallel_loop3A_187 = tpu.unpack_subelements %parallel_loop3A_186, 0 {pack_format = #tpu.pack_format<interleaved>} : vector<32xbf16> -> vector<16xf32>
        %parallel_loop3A_188 = tpu.unpack_subelements %parallel_loop3A_186, 1 {pack_format = #tpu.pack_format<interleaved>} : vector<32xbf16> -> vector<16xf32>
        %parallel_loop3A_189 = arith.mulf %parallel_loop3A_184, %parallel_loop3A_187 : vector<16xf32>
        %parallel_loop3A_190 = arith.mulf %parallel_loop3A_185, %parallel_loop3A_188 : vector<16xf32>
        %parallel_loop3A_191 = arith.addf %parallel_loop3A_189, %parallel_loop3A_190 : vector<16xf32>
        %parallel_loop3A_192 = arith.addf %parallel_loop3A_178, %parallel_loop3A_191 : vector<16xf32>
        %parallel_loop3A_193 = arith.constant 1 : i32
        %parallel_loop3A_194 = vector.broadcast %parallel_loop3A_193 : i32 to vector<16xi32>
        %parallel_loop3A_195 = tpu.vector_load_idx %arg8[%parallel_loop3A_166, %parallel_loop3A_194] : memref<10016x8xf32, #tpu.memory_space<vmem>>[vector<16xi32>, vector<16xi32>], vector<16xf32>,
        %parallel_loop3A_196 = tpu.vector_load_idx %arg8[%parallel_loop3A_169, %parallel_loop3A_194] : memref<10016x8xf32, #tpu.memory_space<vmem>>[vector<16xi32>, vector<16xi32>], vector<16xf32>,
        %parallel_loop3A_197 = vector.bitcast %parallel_loop3A_195 : vector<16xf32> to vector<32xbf16>
        %parallel_loop3A_198 = tpu.unpack_subelements %parallel_loop3A_197, 0 {pack_format = #tpu.pack_format<interleaved>} : vector<32xbf16> -> vector<16xf32>
        %parallel_loop3A_199 = tpu.unpack_subelements %parallel_loop3A_197, 1 {pack_format = #tpu.pack_format<interleaved>} : vector<32xbf16> -> vector<16xf32>
        %parallel_loop3A_200 = vector.bitcast %parallel_loop3A_196 : vector<16xf32> to vector<32xbf16>
        %parallel_loop3A_201 = tpu.unpack_subelements %parallel_loop3A_200, 0 {pack_format = #tpu.pack_format<interleaved>} : vector<32xbf16> -> vector<16xf32>
        %parallel_loop3A_202 = tpu.unpack_subelements %parallel_loop3A_200, 1 {pack_format = #tpu.pack_format<interleaved>} : vector<32xbf16> -> vector<16xf32>
        %parallel_loop3A_203 = arith.mulf %parallel_loop3A_198, %parallel_loop3A_201 : vector<16xf32>
        %parallel_loop3A_204 = arith.mulf %parallel_loop3A_199, %parallel_loop3A_202 : vector<16xf32>
        %parallel_loop3A_205 = arith.addf %parallel_loop3A_203, %parallel_loop3A_204 : vector<16xf32>
        %parallel_loop3A_206 = arith.addf %parallel_loop3A_192, %parallel_loop3A_205 : vector<16xf32>
        %parallel_loop3A_207 = arith.constant 2 : i32
        %parallel_loop3A_208 = vector.broadcast %parallel_loop3A_207 : i32 to vector<16xi32>
        %parallel_loop3A_209 = tpu.vector_load_idx %arg8[%parallel_loop3A_166, %parallel_loop3A_208] : memref<10016x8xf32, #tpu.memory_space<vmem>>[vector<16xi32>, vector<16xi32>], vector<16xf32>,
        %parallel_loop3A_210 = tpu.vector_load_idx %arg8[%parallel_loop3A_169, %parallel_loop3A_208] : memref<10016x8xf32, #tpu.memory_space<vmem>>[vector<16xi32>, vector<16xi32>], vector<16xf32>,
        %parallel_loop3A_211 = vector.bitcast %parallel_loop3A_209 : vector<16xf32> to vector<32xbf16>
        %parallel_loop3A_212 = tpu.unpack_subelements %parallel_loop3A_211, 0 {pack_format = #tpu.pack_format<interleaved>} : vector<32xbf16> -> vector<16xf32>
        %parallel_loop3A_213 = tpu.unpack_subelements %parallel_loop3A_211, 1 {pack_format = #tpu.pack_format<interleaved>} : vector<32xbf16> -> vector<16xf32>
        %parallel_loop3A_214 = vector.bitcast %parallel_loop3A_210 : vector<16xf32> to vector<32xbf16>
        %parallel_loop3A_215 = tpu.unpack_subelements %parallel_loop3A_214, 0 {pack_format = #tpu.pack_format<interleaved>} : vector<32xbf16> -> vector<16xf32>
        %parallel_loop3A_216 = tpu.unpack_subelements %parallel_loop3A_214, 1 {pack_format = #tpu.pack_format<interleaved>} : vector<32xbf16> -> vector<16xf32>
        %parallel_loop3A_217 = arith.mulf %parallel_loop3A_212, %parallel_loop3A_215 : vector<16xf32>
        %parallel_loop3A_218 = arith.mulf %parallel_loop3A_213, %parallel_loop3A_216 : vector<16xf32>
        %parallel_loop3A_219 = arith.addf %parallel_loop3A_217, %parallel_loop3A_218 : vector<16xf32>
        %parallel_loop3A_220 = arith.addf %parallel_loop3A_206, %parallel_loop3A_219 : vector<16xf32>
        %parallel_loop3A_221 = arith.constant 3 : i32
        %parallel_loop3A_222 = vector.broadcast %parallel_loop3A_221 : i32 to vector<16xi32>
        %parallel_loop3A_223 = tpu.vector_load_idx %arg8[%parallel_loop3A_166, %parallel_loop3A_222] : memref<10016x8xf32, #tpu.memory_space<vmem>>[vector<16xi32>, vector<16xi32>], vector<16xf32>,
        %parallel_loop3A_224 = tpu.vector_load_idx %arg8[%parallel_loop3A_169, %parallel_loop3A_222] : memref<10016x8xf32, #tpu.memory_space<vmem>>[vector<16xi32>, vector<16xi32>], vector<16xf32>,
        %parallel_loop3A_225 = vector.bitcast %parallel_loop3A_223 : vector<16xf32> to vector<32xbf16>
        %parallel_loop3A_226 = tpu.unpack_subelements %parallel_loop3A_225, 0 {pack_format = #tpu.pack_format<interleaved>} : vector<32xbf16> -> vector<16xf32>
        %parallel_loop3A_227 = tpu.unpack_subelements %parallel_loop3A_225, 1 {pack_format = #tpu.pack_format<interleaved>} : vector<32xbf16> -> vector<16xf32>
        %parallel_loop3A_228 = vector.bitcast %parallel_loop3A_224 : vector<16xf32> to vector<32xbf16>
        %parallel_loop3A_229 = tpu.unpack_subelements %parallel_loop3A_228, 0 {pack_format = #tpu.pack_format<interleaved>} : vector<32xbf16> -> vector<16xf32>
        %parallel_loop3A_230 = tpu.unpack_subelements %parallel_loop3A_228, 1 {pack_format = #tpu.pack_format<interleaved>} : vector<32xbf16> -> vector<16xf32>
        %parallel_loop3A_231 = arith.mulf %parallel_loop3A_226, %parallel_loop3A_229 : vector<16xf32>
        %parallel_loop3A_232 = arith.mulf %parallel_loop3A_227, %parallel_loop3A_230 : vector<16xf32>
        %parallel_loop3A_233 = arith.addf %parallel_loop3A_231, %parallel_loop3A_232 : vector<16xf32>
        %parallel_loop3A_234 = arith.addf %parallel_loop3A_220, %parallel_loop3A_233 : vector<16xf32>
        %parallel_loop3A_235 = arith.constant 4 : i32
        %parallel_loop3A_236 = vector.broadcast %parallel_loop3A_235 : i32 to vector<16xi32>
        %parallel_loop3A_237 = tpu.vector_load_idx %arg8[%parallel_loop3A_166, %parallel_loop3A_236] : memref<10016x8xf32, #tpu.memory_space<vmem>>[vector<16xi32>, vector<16xi32>], vector<16xf32>,
        %parallel_loop3A_238 = tpu.vector_load_idx %arg8[%parallel_loop3A_169, %parallel_loop3A_236] : memref<10016x8xf32, #tpu.memory_space<vmem>>[vector<16xi32>, vector<16xi32>], vector<16xf32>,
        %parallel_loop3A_239 = vector.bitcast %parallel_loop3A_237 : vector<16xf32> to vector<32xbf16>
        %parallel_loop3A_240 = tpu.unpack_subelements %parallel_loop3A_239, 0 {pack_format = #tpu.pack_format<interleaved>} : vector<32xbf16> -> vector<16xf32>
        %parallel_loop3A_241 = tpu.unpack_subelements %parallel_loop3A_239, 1 {pack_format = #tpu.pack_format<interleaved>} : vector<32xbf16> -> vector<16xf32>
        %parallel_loop3A_242 = vector.bitcast %parallel_loop3A_238 : vector<16xf32> to vector<32xbf16>
        %parallel_loop3A_243 = tpu.unpack_subelements %parallel_loop3A_242, 0 {pack_format = #tpu.pack_format<interleaved>} : vector<32xbf16> -> vector<16xf32>
        %parallel_loop3A_244 = tpu.unpack_subelements %parallel_loop3A_242, 1 {pack_format = #tpu.pack_format<interleaved>} : vector<32xbf16> -> vector<16xf32>
        %parallel_loop3A_245 = arith.mulf %parallel_loop3A_240, %parallel_loop3A_243 : vector<16xf32>
        %parallel_loop3A_246 = arith.mulf %parallel_loop3A_241, %parallel_loop3A_244 : vector<16xf32>
        %parallel_loop3A_247 = arith.addf %parallel_loop3A_245, %parallel_loop3A_246 : vector<16xf32>
        %parallel_loop3A_248 = arith.addf %parallel_loop3A_234, %parallel_loop3A_247 : vector<16xf32>
        %parallel_loop3A_249 = arith.constant 5 : i32
        %parallel_loop3A_250 = vector.broadcast %parallel_loop3A_249 : i32 to vector<16xi32>
        %parallel_loop3A_251 = tpu.vector_load_idx %arg8[%parallel_loop3A_166, %parallel_loop3A_250] : memref<10016x8xf32, #tpu.memory_space<vmem>>[vector<16xi32>, vector<16xi32>], vector<16xf32>,
        %parallel_loop3A_252 = tpu.vector_load_idx %arg8[%parallel_loop3A_169, %parallel_loop3A_250] : memref<10016x8xf32, #tpu.memory_space<vmem>>[vector<16xi32>, vector<16xi32>], vector<16xf32>,
        %parallel_loop3A_253 = vector.bitcast %parallel_loop3A_251 : vector<16xf32> to vector<32xbf16>
        %parallel_loop3A_254 = tpu.unpack_subelements %parallel_loop3A_253, 0 {pack_format = #tpu.pack_format<interleaved>} : vector<32xbf16> -> vector<16xf32>
        %parallel_loop3A_255 = tpu.unpack_subelements %parallel_loop3A_253, 1 {pack_format = #tpu.pack_format<interleaved>} : vector<32xbf16> -> vector<16xf32>
        %parallel_loop3A_256 = vector.bitcast %parallel_loop3A_252 : vector<16xf32> to vector<32xbf16>
        %parallel_loop3A_257 = tpu.unpack_subelements %parallel_loop3A_256, 0 {pack_format = #tpu.pack_format<interleaved>} : vector<32xbf16> -> vector<16xf32>
        %parallel_loop3A_258 = tpu.unpack_subelements %parallel_loop3A_256, 1 {pack_format = #tpu.pack_format<interleaved>} : vector<32xbf16> -> vector<16xf32>
        %parallel_loop3A_259 = arith.mulf %parallel_loop3A_254, %parallel_loop3A_257 : vector<16xf32>
        %parallel_loop3A_260 = arith.mulf %parallel_loop3A_255, %parallel_loop3A_258 : vector<16xf32>
        %parallel_loop3A_261 = arith.addf %parallel_loop3A_259, %parallel_loop3A_260 : vector<16xf32>
        %parallel_loop3A_262 = arith.addf %parallel_loop3A_248, %parallel_loop3A_261 : vector<16xf32>
        %parallel_loop3A_263 = arith.constant 6 : i32
        %parallel_loop3A_264 = vector.broadcast %parallel_loop3A_263 : i32 to vector<16xi32>
        %parallel_loop3A_265 = tpu.vector_load_idx %arg8[%parallel_loop3A_166, %parallel_loop3A_264] : memref<10016x8xf32, #tpu.memory_space<vmem>>[vector<16xi32>, vector<16xi32>], vector<16xf32>,
        %parallel_loop3A_266 = tpu.vector_load_idx %arg8[%parallel_loop3A_169, %parallel_loop3A_264] : memref<10016x8xf32, #tpu.memory_space<vmem>>[vector<16xi32>, vector<16xi32>], vector<16xf32>,
        %parallel_loop3A_267 = vector.bitcast %parallel_loop3A_265 : vector<16xf32> to vector<32xbf16>
        %parallel_loop3A_268 = tpu.unpack_subelements %parallel_loop3A_267, 0 {pack_format = #tpu.pack_format<interleaved>} : vector<32xbf16> -> vector<16xf32>
        %parallel_loop3A_269 = tpu.unpack_subelements %parallel_loop3A_267, 1 {pack_format = #tpu.pack_format<interleaved>} : vector<32xbf16> -> vector<16xf32>
        %parallel_loop3A_270 = vector.bitcast %parallel_loop3A_266 : vector<16xf32> to vector<32xbf16>
        %parallel_loop3A_271 = tpu.unpack_subelements %parallel_loop3A_270, 0 {pack_format = #tpu.pack_format<interleaved>} : vector<32xbf16> -> vector<16xf32>
        %parallel_loop3A_272 = tpu.unpack_subelements %parallel_loop3A_270, 1 {pack_format = #tpu.pack_format<interleaved>} : vector<32xbf16> -> vector<16xf32>
        %parallel_loop3A_273 = arith.mulf %parallel_loop3A_268, %parallel_loop3A_271 : vector<16xf32>
        %parallel_loop3A_274 = arith.mulf %parallel_loop3A_269, %parallel_loop3A_272 : vector<16xf32>
        %parallel_loop3A_275 = arith.addf %parallel_loop3A_273, %parallel_loop3A_274 : vector<16xf32>
        %parallel_loop3A_276 = arith.addf %parallel_loop3A_262, %parallel_loop3A_275 : vector<16xf32>
        %parallel_loop3A_277 = arith.constant 7 : i32
        %parallel_loop3A_278 = vector.broadcast %parallel_loop3A_277 : i32 to vector<16xi32>
        %parallel_loop3A_279 = tpu.vector_load_idx %arg8[%parallel_loop3A_166, %parallel_loop3A_278] : memref<10016x8xf32, #tpu.memory_space<vmem>>[vector<16xi32>, vector<16xi32>], vector<16xf32>,
        %parallel_loop3A_280 = tpu.vector_load_idx %arg8[%parallel_loop3A_169, %parallel_loop3A_278] : memref<10016x8xf32, #tpu.memory_space<vmem>>[vector<16xi32>, vector<16xi32>], vector<16xf32>,
        %parallel_loop3A_281 = vector.bitcast %parallel_loop3A_279 : vector<16xf32> to vector<32xbf16>
        %parallel_loop3A_282 = tpu.unpack_subelements %parallel_loop3A_281, 0 {pack_format = #tpu.pack_format<interleaved>} : vector<32xbf16> -> vector<16xf32>
        %parallel_loop3A_283 = tpu.unpack_subelements %parallel_loop3A_281, 1 {pack_format = #tpu.pack_format<interleaved>} : vector<32xbf16> -> vector<16xf32>
        %parallel_loop3A_284 = vector.bitcast %parallel_loop3A_280 : vector<16xf32> to vector<32xbf16>
        %parallel_loop3A_285 = tpu.unpack_subelements %parallel_loop3A_284, 0 {pack_format = #tpu.pack_format<interleaved>} : vector<32xbf16> -> vector<16xf32>
        %parallel_loop3A_286 = tpu.unpack_subelements %parallel_loop3A_284, 1 {pack_format = #tpu.pack_format<interleaved>} : vector<32xbf16> -> vector<16xf32>
        %parallel_loop3A_287 = arith.mulf %parallel_loop3A_282, %parallel_loop3A_285 : vector<16xf32>
        %parallel_loop3A_288 = arith.mulf %parallel_loop3A_283, %parallel_loop3A_286 : vector<16xf32>
        %parallel_loop3A_289 = arith.addf %parallel_loop3A_287, %parallel_loop3A_288 : vector<16xf32>
        %parallel_loop3A_290 = arith.addf %parallel_loop3A_276, %parallel_loop3A_289 : vector<16xf32>
        %parallel_loop3A_291 = tpu.vector_load_idx %arg9[%parallel_loop3A_166] : memref<10016xf32, #tpu.memory_space<vmem>>[vector<16xi32>], vector<16xf32>,
        %parallel_loop3A_292 = arith.mulf %parallel_loop3A_290, %get3A_110 : vector<16xf32>
        %parallel_loop3A_293 = math.exp %parallel_loop3A_292 : vector<16xf32>
        %parallel_loop3A_294 = arith.mulf %parallel_loop3A_293, %parallel_loop3A_291 : vector<16xf32>
        %parallel_loop3A_295 = arith.constant 16 : i32
        %parallel_loop3A_296 = vector.broadcast %parallel_loop3A_295 : i32 to vector<16xi32>
        %parallel_loop3A_297 = arith.constant 0 : i32
        %parallel_loop3A_298 = arith.constant 0 : i32
        %parallel_loop3A_299 = tpu.memref_slice %arg12[%parallel_loop3A_114, %parallel_loop3A_297, %parallel_loop3A_298] : memref<2x128x32xf32, #tpu.memory_space<vmem>> -> memref<1x128x32xf32, #tpu.memory_space<vmem>>
        %parallel_loop3A_300 = tpu.memref_squeeze %parallel_loop3A_299 : memref<1x128x32xf32, #tpu.memory_space<vmem>> -> memref<128x32xf32, #tpu.memory_space<vmem>>
        tpu.vector_store_idx %parallel_loop3A_300[%parallel_loop3A_158, %parallel_loop3A_296], %parallel_loop3A_293 : memref<128x32xf32, #tpu.memory_space<vmem>>[vector<16xi32>, vector<16xi32>], vector<16xf32>,
        %parallel_loop3A_301 = arith.constant 0 : i32
        %parallel_loop3A_302 = vector.broadcast %parallel_loop3A_301 : i32 to vector<16xi32>
        %parallel_loop3A_303 = arith.mulf %parallel_loop3A_184, %parallel_loop3A_294 : vector<16xf32>
        %parallel_loop3A_304 = arith.constant 0 : i32
        %parallel_loop3A_305 = arith.constant 0 : i32
        %parallel_loop3A_306 = tpu.memref_slice %arg12[%parallel_loop3A_114, %parallel_loop3A_304, %parallel_loop3A_305] : memref<2x128x32xf32, #tpu.memory_space<vmem>> -> memref<1x128x32xf32, #tpu.memory_space<vmem>>
        %parallel_loop3A_307 = tpu.memref_squeeze %parallel_loop3A_306 : memref<1x128x32xf32, #tpu.memory_space<vmem>> -> memref<128x32xf32, #tpu.memory_space<vmem>>
        tpu.vector_store_idx %parallel_loop3A_307[%parallel_loop3A_158, %parallel_loop3A_302], %parallel_loop3A_303 : memref<128x32xf32, #tpu.memory_space<vmem>>[vector<16xi32>, vector<16xi32>], vector<16xf32>,
        %parallel_loop3A_308 = arith.constant 1 : i32
        %parallel_loop3A_309 = vector.broadcast %parallel_loop3A_308 : i32 to vector<16xi32>
        %parallel_loop3A_310 = arith.mulf %parallel_loop3A_185, %parallel_loop3A_294 : vector<16xf32>
        %parallel_loop3A_311 = arith.constant 0 : i32
        %parallel_loop3A_312 = arith.constant 0 : i32
        %parallel_loop3A_313 = tpu.memref_slice %arg12[%parallel_loop3A_114, %parallel_loop3A_311, %parallel_loop3A_312] : memref<2x128x32xf32, #tpu.memory_space<vmem>> -> memref<1x128x32xf32, #tpu.memory_space<vmem>>
        %parallel_loop3A_314 = tpu.memref_squeeze %parallel_loop3A_313 : memref<1x128x32xf32, #tpu.memory_space<vmem>> -> memref<128x32xf32, #tpu.memory_space<vmem>>
        tpu.vector_store_idx %parallel_loop3A_314[%parallel_loop3A_158, %parallel_loop3A_309], %parallel_loop3A_310 : memref<128x32xf32, #tpu.memory_space<vmem>>[vector<16xi32>, vector<16xi32>], vector<16xf32>,
        %parallel_loop3A_315 = arith.constant 2 : i32
        %parallel_loop3A_316 = vector.broadcast %parallel_loop3A_315 : i32 to vector<16xi32>
        %parallel_loop3A_317 = arith.mulf %parallel_loop3A_198, %parallel_loop3A_294 : vector<16xf32>
        %parallel_loop3A_318 = arith.constant 0 : i32
        %parallel_loop3A_319 = arith.constant 0 : i32
        %parallel_loop3A_320 = tpu.memref_slice %arg12[%parallel_loop3A_114, %parallel_loop3A_318, %parallel_loop3A_319] : memref<2x128x32xf32, #tpu.memory_space<vmem>> -> memref<1x128x32xf32, #tpu.memory_space<vmem>>
        %parallel_loop3A_321 = tpu.memref_squeeze %parallel_loop3A_320 : memref<1x128x32xf32, #tpu.memory_space<vmem>> -> memref<128x32xf32, #tpu.memory_space<vmem>>
        tpu.vector_store_idx %parallel_loop3A_321[%parallel_loop3A_158, %parallel_loop3A_316], %parallel_loop3A_317 : memref<128x32xf32, #tpu.memory_space<vmem>>[vector<16xi32>, vector<16xi32>], vector<16xf32>,
        %parallel_loop3A_322 = arith.constant 3 : i32
        %parallel_loop3A_323 = vector.broadcast %parallel_loop3A_322 : i32 to vector<16xi32>
        %parallel_loop3A_324 = arith.mulf %parallel_loop3A_199, %parallel_loop3A_294 : vector<16xf32>
        %parallel_loop3A_325 = arith.constant 0 : i32
        %parallel_loop3A_326 = arith.constant 0 : i32
        %parallel_loop3A_327 = tpu.memref_slice %arg12[%parallel_loop3A_114, %parallel_loop3A_325, %parallel_loop3A_326] : memref<2x128x32xf32, #tpu.memory_space<vmem>> -> memref<1x128x32xf32, #tpu.memory_space<vmem>>
        %parallel_loop3A_328 = tpu.memref_squeeze %parallel_loop3A_327 : memref<1x128x32xf32, #tpu.memory_space<vmem>> -> memref<128x32xf32, #tpu.memory_space<vmem>>
        tpu.vector_store_idx %parallel_loop3A_328[%parallel_loop3A_158, %parallel_loop3A_323], %parallel_loop3A_324 : memref<128x32xf32, #tpu.memory_space<vmem>>[vector<16xi32>, vector<16xi32>], vector<16xf32>,
        %parallel_loop3A_329 = arith.constant 4 : i32
        %parallel_loop3A_330 = vector.broadcast %parallel_loop3A_329 : i32 to vector<16xi32>
        %parallel_loop3A_331 = arith.mulf %parallel_loop3A_212, %parallel_loop3A_294 : vector<16xf32>
        %parallel_loop3A_332 = arith.constant 0 : i32
        %parallel_loop3A_333 = arith.constant 0 : i32
        %parallel_loop3A_334 = tpu.memref_slice %arg12[%parallel_loop3A_114, %parallel_loop3A_332, %parallel_loop3A_333] : memref<2x128x32xf32, #tpu.memory_space<vmem>> -> memref<1x128x32xf32, #tpu.memory_space<vmem>>
        %parallel_loop3A_335 = tpu.memref_squeeze %parallel_loop3A_334 : memref<1x128x32xf32, #tpu.memory_space<vmem>> -> memref<128x32xf32, #tpu.memory_space<vmem>>
        tpu.vector_store_idx %parallel_loop3A_335[%parallel_loop3A_158, %parallel_loop3A_330], %parallel_loop3A_331 : memref<128x32xf32, #tpu.memory_space<vmem>>[vector<16xi32>, vector<16xi32>], vector<16xf32>,
        %parallel_loop3A_336 = arith.constant 5 : i32
        %parallel_loop3A_337 = vector.broadcast %parallel_loop3A_336 : i32 to vector<16xi32>
        %parallel_loop3A_338 = arith.mulf %parallel_loop3A_213, %parallel_loop3A_294 : vector<16xf32>
        %parallel_loop3A_339 = arith.constant 0 : i32
        %parallel_loop3A_340 = arith.constant 0 : i32
        %parallel_loop3A_341 = tpu.memref_slice %arg12[%parallel_loop3A_114, %parallel_loop3A_339, %parallel_loop3A_340] : memref<2x128x32xf32, #tpu.memory_space<vmem>> -> memref<1x128x32xf32, #tpu.memory_space<vmem>>
        %parallel_loop3A_342 = tpu.memref_squeeze %parallel_loop3A_341 : memref<1x128x32xf32, #tpu.memory_space<vmem>> -> memref<128x32xf32, #tpu.memory_space<vmem>>
        tpu.vector_store_idx %parallel_loop3A_342[%parallel_loop3A_158, %parallel_loop3A_337], %parallel_loop3A_338 : memref<128x32xf32, #tpu.memory_space<vmem>>[vector<16xi32>, vector<16xi32>], vector<16xf32>,
        %parallel_loop3A_343 = arith.constant 6 : i32
        %parallel_loop3A_344 = vector.broadcast %parallel_loop3A_343 : i32 to vector<16xi32>
        %parallel_loop3A_345 = arith.mulf %parallel_loop3A_226, %parallel_loop3A_294 : vector<16xf32>
        %parallel_loop3A_346 = arith.constant 0 : i32
        %parallel_loop3A_347 = arith.constant 0 : i32
        %parallel_loop3A_348 = tpu.memref_slice %arg12[%parallel_loop3A_114, %parallel_loop3A_346, %parallel_loop3A_347] : memref<2x128x32xf32, #tpu.memory_space<vmem>> -> memref<1x128x32xf32, #tpu.memory_space<vmem>>
        %parallel_loop3A_349 = tpu.memref_squeeze %parallel_loop3A_348 : memref<1x128x32xf32, #tpu.memory_space<vmem>> -> memref<128x32xf32, #tpu.memory_space<vmem>>
        tpu.vector_store_idx %parallel_loop3A_349[%parallel_loop3A_158, %parallel_loop3A_344], %parallel_loop3A_345 : memref<128x32xf32, #tpu.memory_space<vmem>>[vector<16xi32>, vector<16xi32>], vector<16xf32>,
        %parallel_loop3A_350 = arith.constant 7 : i32
        %parallel_loop3A_351 = vector.broadcast %parallel_loop3A_350 : i32 to vector<16xi32>
        %parallel_loop3A_352 = arith.mulf %parallel_loop3A_227, %parallel_loop3A_294 : vector<16xf32>
        %parallel_loop3A_353 = arith.constant 0 : i32
        %parallel_loop3A_354 = arith.constant 0 : i32
        %parallel_loop3A_355 = tpu.memref_slice %arg12[%parallel_loop3A_114, %parallel_loop3A_353, %parallel_loop3A_354] : memref<2x128x32xf32, #tpu.memory_space<vmem>> -> memref<1x128x32xf32, #tpu.memory_space<vmem>>
        %parallel_loop3A_356 = tpu.memref_squeeze %parallel_loop3A_355 : memref<1x128x32xf32, #tpu.memory_space<vmem>> -> memref<128x32xf32, #tpu.memory_space<vmem>>
        tpu.vector_store_idx %parallel_loop3A_356[%parallel_loop3A_158, %parallel_loop3A_351], %parallel_loop3A_352 : memref<128x32xf32, #tpu.memory_space<vmem>>[vector<16xi32>, vector<16xi32>], vector<16xf32>,
        %parallel_loop3A_357 = arith.constant 8 : i32
        %parallel_loop3A_358 = vector.broadcast %parallel_loop3A_357 : i32 to vector<16xi32>
        %parallel_loop3A_359 = arith.mulf %parallel_loop3A_240, %parallel_loop3A_294 : vector<16xf32>
        %parallel_loop3A_360 = arith.constant 0 : i32
        %parallel_loop3A_361 = arith.constant 0 : i32
        %parallel_loop3A_362 = tpu.memref_slice %arg12[%parallel_loop3A_114, %parallel_loop3A_360, %parallel_loop3A_361] : memref<2x128x32xf32, #tpu.memory_space<vmem>> -> memref<1x128x32xf32, #tpu.memory_space<vmem>>
        %parallel_loop3A_363 = tpu.memref_squeeze %parallel_loop3A_362 : memref<1x128x32xf32, #tpu.memory_space<vmem>> -> memref<128x32xf32, #tpu.memory_space<vmem>>
        tpu.vector_store_idx %parallel_loop3A_363[%parallel_loop3A_158, %parallel_loop3A_358], %parallel_loop3A_359 : memref<128x32xf32, #tpu.memory_space<vmem>>[vector<16xi32>, vector<16xi32>], vector<16xf32>,
        %parallel_loop3A_364 = arith.constant 9 : i32
        %parallel_loop3A_365 = vector.broadcast %parallel_loop3A_364 : i32 to vector<16xi32>
        %parallel_loop3A_366 = arith.mulf %parallel_loop3A_241, %parallel_loop3A_294 : vector<16xf32>
        %parallel_loop3A_367 = arith.constant 0 : i32
        %parallel_loop3A_368 = arith.constant 0 : i32
        %parallel_loop3A_369 = tpu.memref_slice %arg12[%parallel_loop3A_114, %parallel_loop3A_367, %parallel_loop3A_368] : memref<2x128x32xf32, #tpu.memory_space<vmem>> -> memref<1x128x32xf32, #tpu.memory_space<vmem>>
        %parallel_loop3A_370 = tpu.memref_squeeze %parallel_loop3A_369 : memref<1x128x32xf32, #tpu.memory_space<vmem>> -> memref<128x32xf32, #tpu.memory_space<vmem>>
        tpu.vector_store_idx %parallel_loop3A_370[%parallel_loop3A_158, %parallel_loop3A_365], %parallel_loop3A_366 : memref<128x32xf32, #tpu.memory_space<vmem>>[vector<16xi32>, vector<16xi32>], vector<16xf32>,
        %parallel_loop3A_371 = arith.constant 10 : i32
        %parallel_loop3A_372 = vector.broadcast %parallel_loop3A_371 : i32 to vector<16xi32>
        %parallel_loop3A_373 = arith.mulf %parallel_loop3A_254, %parallel_loop3A_294 : vector<16xf32>
        %parallel_loop3A_374 = arith.constant 0 : i32
        %parallel_loop3A_375 = arith.constant 0 : i32
        %parallel_loop3A_376 = tpu.memref_slice %arg12[%parallel_loop3A_114, %parallel_loop3A_374, %parallel_loop3A_375] : memref<2x128x32xf32, #tpu.memory_space<vmem>> -> memref<1x128x32xf32, #tpu.memory_space<vmem>>
        %parallel_loop3A_377 = tpu.memref_squeeze %parallel_loop3A_376 : memref<1x128x32xf32, #tpu.memory_space<vmem>> -> memref<128x32xf32, #tpu.memory_space<vmem>>
        tpu.vector_store_idx %parallel_loop3A_377[%parallel_loop3A_158, %parallel_loop3A_372], %parallel_loop3A_373 : memref<128x32xf32, #tpu.memory_space<vmem>>[vector<16xi32>, vector<16xi32>], vector<16xf32>,
        %parallel_loop3A_378 = arith.constant 11 : i32
        %parallel_loop3A_379 = vector.broadcast %parallel_loop3A_378 : i32 to vector<16xi32>
        %parallel_loop3A_380 = arith.mulf %parallel_loop3A_255, %parallel_loop3A_294 : vector<16xf32>
        %parallel_loop3A_381 = arith.constant 0 : i32
        %parallel_loop3A_382 = arith.constant 0 : i32
        %parallel_loop3A_383 = tpu.memref_slice %arg12[%parallel_loop3A_114, %parallel_loop3A_381, %parallel_loop3A_382] : memref<2x128x32xf32, #tpu.memory_space<vmem>> -> memref<1x128x32xf32, #tpu.memory_space<vmem>>
        %parallel_loop3A_384 = tpu.memref_squeeze %parallel_loop3A_383 : memref<1x128x32xf32, #tpu.memory_space<vmem>> -> memref<128x32xf32, #tpu.memory_space<vmem>>
        tpu.vector_store_idx %parallel_loop3A_384[%parallel_loop3A_158, %parallel_loop3A_379], %parallel_loop3A_380 : memref<128x32xf32, #tpu.memory_space<vmem>>[vector<16xi32>, vector<16xi32>], vector<16xf32>,
        %parallel_loop3A_385 = arith.constant 12 : i32
        %parallel_loop3A_386 = vector.broadcast %parallel_loop3A_385 : i32 to vector<16xi32>
        %parallel_loop3A_387 = arith.mulf %parallel_loop3A_268, %parallel_loop3A_294 : vector<16xf32>
        %parallel_loop3A_388 = arith.constant 0 : i32
        %parallel_loop3A_389 = arith.constant 0 : i32
        %parallel_loop3A_390 = tpu.memref_slice %arg12[%parallel_loop3A_114, %parallel_loop3A_388, %parallel_loop3A_389] : memref<2x128x32xf32, #tpu.memory_space<vmem>> -> memref<1x128x32xf32, #tpu.memory_space<vmem>>
        %parallel_loop3A_391 = tpu.memref_squeeze %parallel_loop3A_390 : memref<1x128x32xf32, #tpu.memory_space<vmem>> -> memref<128x32xf32, #tpu.memory_space<vmem>>
        tpu.vector_store_idx %parallel_loop3A_391[%parallel_loop3A_158, %parallel_loop3A_386], %parallel_loop3A_387 : memref<128x32xf32, #tpu.memory_space<vmem>>[vector<16xi32>, vector<16xi32>], vector<16xf32>,
        %parallel_loop3A_392 = arith.constant 13 : i32
        %parallel_loop3A_393 = vector.broadcast %parallel_loop3A_392 : i32 to vector<16xi32>
        %parallel_loop3A_394 = arith.mulf %parallel_loop3A_269, %parallel_loop3A_294 : vector<16xf32>
        %parallel_loop3A_395 = arith.constant 0 : i32
        %parallel_loop3A_396 = arith.constant 0 : i32
        %parallel_loop3A_397 = tpu.memref_slice %arg12[%parallel_loop3A_114, %parallel_loop3A_395, %parallel_loop3A_396] : memref<2x128x32xf32, #tpu.memory_space<vmem>> -> memref<1x128x32xf32, #tpu.memory_space<vmem>>
        %parallel_loop3A_398 = tpu.memref_squeeze %parallel_loop3A_397 : memref<1x128x32xf32, #tpu.memory_space<vmem>> -> memref<128x32xf32, #tpu.memory_space<vmem>>
        tpu.vector_store_idx %parallel_loop3A_398[%parallel_loop3A_158, %parallel_loop3A_393], %parallel_loop3A_394 : memref<128x32xf32, #tpu.memory_space<vmem>>[vector<16xi32>, vector<16xi32>], vector<16xf32>,
        %parallel_loop3A_399 = arith.constant 14 : i32
        %parallel_loop3A_400 = vector.broadcast %parallel_loop3A_399 : i32 to vector<16xi32>
        %parallel_loop3A_401 = arith.mulf %parallel_loop3A_282, %parallel_loop3A_294 : vector<16xf32>
        %parallel_loop3A_402 = arith.constant 0 : i32
        %parallel_loop3A_403 = arith.constant 0 : i32
        %parallel_loop3A_404 = tpu.memref_slice %arg12[%parallel_loop3A_114, %parallel_loop3A_402, %parallel_loop3A_403] : memref<2x128x32xf32, #tpu.memory_space<vmem>> -> memref<1x128x32xf32, #tpu.memory_space<vmem>>
        %parallel_loop3A_405 = tpu.memref_squeeze %parallel_loop3A_404 : memref<1x128x32xf32, #tpu.memory_space<vmem>> -> memref<128x32xf32, #tpu.memory_space<vmem>>
        tpu.vector_store_idx %parallel_loop3A_405[%parallel_loop3A_158, %parallel_loop3A_400], %parallel_loop3A_401 : memref<128x32xf32, #tpu.memory_space<vmem>>[vector<16xi32>, vector<16xi32>], vector<16xf32>,
        %parallel_loop3A_406 = arith.constant 15 : i32
        %parallel_loop3A_407 = vector.broadcast %parallel_loop3A_406 : i32 to vector<16xi32>
        %parallel_loop3A_408 = arith.mulf %parallel_loop3A_283, %parallel_loop3A_294 : vector<16xf32>
        %parallel_loop3A_409 = arith.constant 0 : i32
        %parallel_loop3A_410 = arith.constant 0 : i32
        %parallel_loop3A_411 = tpu.memref_slice %arg12[%parallel_loop3A_114, %parallel_loop3A_409, %parallel_loop3A_410] : memref<2x128x32xf32, #tpu.memory_space<vmem>> -> memref<1x128x32xf32, #tpu.memory_space<vmem>>
        %parallel_loop3A_412 = tpu.memref_squeeze %parallel_loop3A_411 : memref<1x128x32xf32, #tpu.memory_space<vmem>> -> memref<128x32xf32, #tpu.memory_space<vmem>>
        tpu.vector_store_idx %parallel_loop3A_412[%parallel_loop3A_158, %parallel_loop3A_407], %parallel_loop3A_408 : memref<128x32xf32, #tpu.memory_space<vmem>>[vector<16xi32>, vector<16xi32>], vector<16xf32>,
      } {sc.loop_unroll_factor = 1 : i64, sc.parallel_access}
      %dma_start3A_115 = arith.constant 0 : i32
      %dma_start3A_116 = arith.constant 0 : i32
      %dma_start3A_117 = arith.constant 0 : i32
      %dma_start3A_118 = arith.constant 0 : i32
      %dma_start3A_119 = tpu.memref_slice %arg12[%dma_start3A_115, %dma_start3A_117, %dma_start3A_118] : memref<2x128x32xf32, #tpu.memory_space<vmem>> -> memref<1x128x32xf32, #tpu.memory_space<vmem>>
      %dma_start3A_120 = tpu.memref_squeeze %dma_start3A_119 : memref<1x128x32xf32, #tpu.memory_space<vmem>> -> memref<128x32xf32, #tpu.memory_space<vmem>>
      %dma_start3A_121 = arith.constant 0 : i32
      %dma_start3A_122 = tpu.memref_slice %arg11[%dma_start3A_116, %dma_start3A_121] : memref<2x128xi32, #tpu.memory_space<vmem>> -> memref<1x128xi32, #tpu.memory_space<vmem>>
      %dma_start3A_123 = tpu.memref_squeeze %dma_start3A_122 : memref<1x128xi32, #tpu.memory_space<vmem>> -> memref<128xi32, #tpu.memory_space<vmem>>
      %dma_start3A_124 = arith.constant 0 : i32
      %dma_start3A_125 = arith.constant 0 : i32
      %dma_start3A_126 = tpu.memref_slice %arg13[%dma_start3A_124, %dma_start3A_125] : memref<10240x32xf32, #tpu.memory_space<vmem_shared>> -> memref<10240x32xf32, #tpu.memory_space<vmem_shared>>
      tpu.enqueue_indirect_dma source(%dma_start3A_120 : memref<128x32xf32, #tpu.memory_space<vmem>>) target(%dma_start3A_126 : memref<10240x32xf32, #tpu.memory_space<vmem_shared>>) offsets(%dma_start3A_123 : memref<128xi32, #tpu.memory_space<vmem>>) semaphore(%arg15 : memref<!tpu.dma_semaphore, #tpu.memory_space<semaphore_mem>>) {add = true}
      %ge3A_127 = arith.constant 2 : i32
      %ge3A_128 = arith.cmpi sge, %add3A_107, %ge3A_127 : i32
      %convert_element_type3A_129 = arith.extui %ge3A_128 : i1 to i32
      %cond3A_130 = arith.constant 0 : i32
      %cond3A_131 = arith.cmpi ne, %convert_element_type3A_129, %cond3A_130 : i32
      scf.if %cond3A_131 {
        %dma_wait3A_153 = arith.constant 1 : i32
        %dma_wait3A_154 = arith.constant 1 : i32
        %dma_wait3A_155 = arith.constant 0 : i32
        %dma_wait3A_156 = arith.constant 0 : i32
        %dma_wait3A_157 = tpu.memref_slice %arg12[%dma_wait3A_153, %dma_wait3A_155, %dma_wait3A_156] : memref<2x128x32xf32, #tpu.memory_space<vmem>> -> memref<1x128x32xf32, #tpu.memory_space<vmem>>
        %dma_wait3A_158 = tpu.memref_squeeze %dma_wait3A_157 : memref<1x128x32xf32, #tpu.memory_space<vmem>> -> memref<128x32xf32, #tpu.memory_space<vmem>>
        %dma_wait3A_159 = arith.constant 0 : i32
        %dma_wait3A_160 = tpu.memref_slice %arg11[%dma_wait3A_154, %dma_wait3A_159] : memref<2x128xi32, #tpu.memory_space<vmem>> -> memref<1x128xi32, #tpu.memory_space<vmem>>
        %dma_wait3A_161 = tpu.memref_squeeze %dma_wait3A_160 : memref<1x128xi32, #tpu.memory_space<vmem>> -> memref<128xi32, #tpu.memory_space<vmem>>
        %dma_wait3A_162 = arith.constant 0 : i32
        %dma_wait3A_163 = arith.constant 0 : i32
        %dma_wait3A_164 = tpu.memref_slice %arg13[%dma_wait3A_162, %dma_wait3A_163] : memref<10240x32xf32, #tpu.memory_space<vmem_shared>> -> memref<10240x32xf32, #tpu.memory_space<vmem_shared>>
        tpu.wait_indirect_dma semaphore(%arg16 : memref<!tpu.dma_semaphore, #tpu.memory_space<semaphore_mem>>) src(%dma_wait3A_158 : memref<128x32xf32, #tpu.memory_space<vmem>>) dst(%dma_wait3A_164 : memref<10240x32xf32, #tpu.memory_space<vmem_shared>>)
      } else {
      }
      %add3A_132 = arith.constant 1 : i32
      %add3A_133 = arith.addi %add3A_107, %add3A_132 : i32
      %get3A_134 = arith.constant 0 : index
      %get3A_135 = tpu.vector_load %arg10[%get3A_134] {strides = array<i32>} : memref<16xf32, #tpu.memory_space<vmem>>, vector<16xf32>,
      %parallel_loop3A_136 = arith.constant 0 : i32
      %parallel_loop3A_137 = arith.constant 8 : i32
      %parallel_loop3A_138 = arith.constant 1 : i32
      %parallel_loop3A_139 = arith.constant 1 : i32
      %parallel_loop3A_140 = arith.constant 1 : i32
      scf.for %parallel_loop3A_153 = %parallel_loop3A_136 to %parallel_loop3A_137 step %parallel_loop3A_138  : i32 {
        %parallel_loop3A_154 = tpu.iota {dimensions = array<i32: 0>} : vector<16xi32>
        %parallel_loop3A_155 = arith.constant 16 : i32
        %parallel_loop3A_156 = arith.muli %parallel_loop3A_153, %parallel_loop3A_155 : i32
        %parallel_loop3A_157 = vector.broadcast %parallel_loop3A_156 : i32 to vector<16xi32>
        %parallel_loop3A_158 = arith.addi %parallel_loop3A_154, %parallel_loop3A_157 : vector<16xi32>
        %parallel_loop3A_159 = arith.constant 16 : i32
        %parallel_loop3A_160 = arith.muli %parallel_loop3A_153, %parallel_loop3A_159 : i32
        %parallel_loop3A_161 = arith.index_cast %add3A_133 : i32 to index
        %parallel_loop3A_162 = arith.index_cast %parallel_loop3A_160 : i32 to index
        %parallel_loop3A_163 = tpu.vector_load %arg7[%parallel_loop3A_161, %parallel_loop3A_162] {strides = array<i32>} : memref<82x128xi32, #tpu.memory_space<vmem>>, vector<16xi32>,
        %parallel_loop3A_164 = arith.constant 16383 : i32
        %parallel_loop3A_165 = vector.broadcast %parallel_loop3A_164 : i32 to vector<16xi32>
        %parallel_loop3A_166 = arith.andi %parallel_loop3A_163, %parallel_loop3A_165 : vector<16xi32>
        %parallel_loop3A_167 = arith.constant 14 : i32
        %parallel_loop3A_168 = vector.broadcast %parallel_loop3A_167 : i32 to vector<16xi32>
        %parallel_loop3A_169 = arith.shrui %parallel_loop3A_163, %parallel_loop3A_168 : vector<16xi32>
        %parallel_loop3A_170 = arith.constant 16 : i32
        %parallel_loop3A_171 = arith.muli %parallel_loop3A_153, %parallel_loop3A_170 : i32
        %parallel_loop3A_172 = arith.constant 0 : i32
        %parallel_loop3A_173 = tpu.memref_slice %arg11[%parallel_loop3A_139, %parallel_loop3A_172] : memref<2x128xi32, #tpu.memory_space<vmem>> -> memref<1x128xi32, #tpu.memory_space<vmem>>
        %parallel_loop3A_174 = tpu.memref_squeeze %parallel_loop3A_173 : memref<1x128xi32, #tpu.memory_space<vmem>> -> memref<128xi32, #tpu.memory_space<vmem>>
        %parallel_loop3A_175 = arith.index_cast %parallel_loop3A_171 : i32 to index
        %parallel_loop3A_176 = tpu.vector_load %parallel_loop3A_174[%parallel_loop3A_175] {strides = array<i32>} : memref<128xi32, #tpu.memory_space<vmem>>, vector<16xi32>,
        tpu.vector_store %parallel_loop3A_174[%parallel_loop3A_175], %parallel_loop3A_169 {strides = array<i32>} : memref<128xi32, #tpu.memory_space<vmem>>, vector<16xi32>,
        %parallel_loop3A_177 = arith.constant 0.000000e+00 : f32
        %parallel_loop3A_178 = vector.broadcast %parallel_loop3A_177 : f32 to vector<16xf32>
        %parallel_loop3A_179 = arith.constant 0 : i32
        %parallel_loop3A_180 = vector.broadcast %parallel_loop3A_179 : i32 to vector<16xi32>
        %parallel_loop3A_181 = tpu.vector_load_idx %arg8[%parallel_loop3A_166, %parallel_loop3A_180] : memref<10016x8xf32, #tpu.memory_space<vmem>>[vector<16xi32>, vector<16xi32>], vector<16xf32>,
        %parallel_loop3A_182 = tpu.vector_load_idx %arg8[%parallel_loop3A_169, %parallel_loop3A_180] : memref<10016x8xf32, #tpu.memory_space<vmem>>[vector<16xi32>, vector<16xi32>], vector<16xf32>,
        %parallel_loop3A_183 = vector.bitcast %parallel_loop3A_181 : vector<16xf32> to vector<32xbf16>
        %parallel_loop3A_184 = tpu.unpack_subelements %parallel_loop3A_183, 0 {pack_format = #tpu.pack_format<interleaved>} : vector<32xbf16> -> vector<16xf32>
        %parallel_loop3A_185 = tpu.unpack_subelements %parallel_loop3A_183, 1 {pack_format = #tpu.pack_format<interleaved>} : vector<32xbf16> -> vector<16xf32>
        %parallel_loop3A_186 = vector.bitcast %parallel_loop3A_182 : vector<16xf32> to vector<32xbf16>
        %parallel_loop3A_187 = tpu.unpack_subelements %parallel_loop3A_186, 0 {pack_format = #tpu.pack_format<interleaved>} : vector<32xbf16> -> vector<16xf32>
        %parallel_loop3A_188 = tpu.unpack_subelements %parallel_loop3A_186, 1 {pack_format = #tpu.pack_format<interleaved>} : vector<32xbf16> -> vector<16xf32>
        %parallel_loop3A_189 = arith.mulf %parallel_loop3A_184, %parallel_loop3A_187 : vector<16xf32>
        %parallel_loop3A_190 = arith.mulf %parallel_loop3A_185, %parallel_loop3A_188 : vector<16xf32>
        %parallel_loop3A_191 = arith.addf %parallel_loop3A_189, %parallel_loop3A_190 : vector<16xf32>
        %parallel_loop3A_192 = arith.addf %parallel_loop3A_178, %parallel_loop3A_191 : vector<16xf32>
        %parallel_loop3A_193 = arith.constant 1 : i32
        %parallel_loop3A_194 = vector.broadcast %parallel_loop3A_193 : i32 to vector<16xi32>
        %parallel_loop3A_195 = tpu.vector_load_idx %arg8[%parallel_loop3A_166, %parallel_loop3A_194] : memref<10016x8xf32, #tpu.memory_space<vmem>>[vector<16xi32>, vector<16xi32>], vector<16xf32>,
        %parallel_loop3A_196 = tpu.vector_load_idx %arg8[%parallel_loop3A_169, %parallel_loop3A_194] : memref<10016x8xf32, #tpu.memory_space<vmem>>[vector<16xi32>, vector<16xi32>], vector<16xf32>,
        %parallel_loop3A_197 = vector.bitcast %parallel_loop3A_195 : vector<16xf32> to vector<32xbf16>
        %parallel_loop3A_198 = tpu.unpack_subelements %parallel_loop3A_197, 0 {pack_format = #tpu.pack_format<interleaved>} : vector<32xbf16> -> vector<16xf32>
        %parallel_loop3A_199 = tpu.unpack_subelements %parallel_loop3A_197, 1 {pack_format = #tpu.pack_format<interleaved>} : vector<32xbf16> -> vector<16xf32>
        %parallel_loop3A_200 = vector.bitcast %parallel_loop3A_196 : vector<16xf32> to vector<32xbf16>
        %parallel_loop3A_201 = tpu.unpack_subelements %parallel_loop3A_200, 0 {pack_format = #tpu.pack_format<interleaved>} : vector<32xbf16> -> vector<16xf32>
        %parallel_loop3A_202 = tpu.unpack_subelements %parallel_loop3A_200, 1 {pack_format = #tpu.pack_format<interleaved>} : vector<32xbf16> -> vector<16xf32>
        %parallel_loop3A_203 = arith.mulf %parallel_loop3A_198, %parallel_loop3A_201 : vector<16xf32>
        %parallel_loop3A_204 = arith.mulf %parallel_loop3A_199, %parallel_loop3A_202 : vector<16xf32>
        %parallel_loop3A_205 = arith.addf %parallel_loop3A_203, %parallel_loop3A_204 : vector<16xf32>
        %parallel_loop3A_206 = arith.addf %parallel_loop3A_192, %parallel_loop3A_205 : vector<16xf32>
        %parallel_loop3A_207 = arith.constant 2 : i32
        %parallel_loop3A_208 = vector.broadcast %parallel_loop3A_207 : i32 to vector<16xi32>
        %parallel_loop3A_209 = tpu.vector_load_idx %arg8[%parallel_loop3A_166, %parallel_loop3A_208] : memref<10016x8xf32, #tpu.memory_space<vmem>>[vector<16xi32>, vector<16xi32>], vector<16xf32>,
        %parallel_loop3A_210 = tpu.vector_load_idx %arg8[%parallel_loop3A_169, %parallel_loop3A_208] : memref<10016x8xf32, #tpu.memory_space<vmem>>[vector<16xi32>, vector<16xi32>], vector<16xf32>,
        %parallel_loop3A_211 = vector.bitcast %parallel_loop3A_209 : vector<16xf32> to vector<32xbf16>
        %parallel_loop3A_212 = tpu.unpack_subelements %parallel_loop3A_211, 0 {pack_format = #tpu.pack_format<interleaved>} : vector<32xbf16> -> vector<16xf32>
        %parallel_loop3A_213 = tpu.unpack_subelements %parallel_loop3A_211, 1 {pack_format = #tpu.pack_format<interleaved>} : vector<32xbf16> -> vector<16xf32>
        %parallel_loop3A_214 = vector.bitcast %parallel_loop3A_210 : vector<16xf32> to vector<32xbf16>
        %parallel_loop3A_215 = tpu.unpack_subelements %parallel_loop3A_214, 0 {pack_format = #tpu.pack_format<interleaved>} : vector<32xbf16> -> vector<16xf32>
        %parallel_loop3A_216 = tpu.unpack_subelements %parallel_loop3A_214, 1 {pack_format = #tpu.pack_format<interleaved>} : vector<32xbf16> -> vector<16xf32>
        %parallel_loop3A_217 = arith.mulf %parallel_loop3A_212, %parallel_loop3A_215 : vector<16xf32>
        %parallel_loop3A_218 = arith.mulf %parallel_loop3A_213, %parallel_loop3A_216 : vector<16xf32>
        %parallel_loop3A_219 = arith.addf %parallel_loop3A_217, %parallel_loop3A_218 : vector<16xf32>
        %parallel_loop3A_220 = arith.addf %parallel_loop3A_206, %parallel_loop3A_219 : vector<16xf32>
        %parallel_loop3A_221 = arith.constant 3 : i32
        %parallel_loop3A_222 = vector.broadcast %parallel_loop3A_221 : i32 to vector<16xi32>
        %parallel_loop3A_223 = tpu.vector_load_idx %arg8[%parallel_loop3A_166, %parallel_loop3A_222] : memref<10016x8xf32, #tpu.memory_space<vmem>>[vector<16xi32>, vector<16xi32>], vector<16xf32>,
        %parallel_loop3A_224 = tpu.vector_load_idx %arg8[%parallel_loop3A_169, %parallel_loop3A_222] : memref<10016x8xf32, #tpu.memory_space<vmem>>[vector<16xi32>, vector<16xi32>], vector<16xf32>,
        %parallel_loop3A_225 = vector.bitcast %parallel_loop3A_223 : vector<16xf32> to vector<32xbf16>
        %parallel_loop3A_226 = tpu.unpack_subelements %parallel_loop3A_225, 0 {pack_format = #tpu.pack_format<interleaved>} : vector<32xbf16> -> vector<16xf32>
        %parallel_loop3A_227 = tpu.unpack_subelements %parallel_loop3A_225, 1 {pack_format = #tpu.pack_format<interleaved>} : vector<32xbf16> -> vector<16xf32>
        %parallel_loop3A_228 = vector.bitcast %parallel_loop3A_224 : vector<16xf32> to vector<32xbf16>
        %parallel_loop3A_229 = tpu.unpack_subelements %parallel_loop3A_228, 0 {pack_format = #tpu.pack_format<interleaved>} : vector<32xbf16> -> vector<16xf32>
        %parallel_loop3A_230 = tpu.unpack_subelements %parallel_loop3A_228, 1 {pack_format = #tpu.pack_format<interleaved>} : vector<32xbf16> -> vector<16xf32>
        %parallel_loop3A_231 = arith.mulf %parallel_loop3A_226, %parallel_loop3A_229 : vector<16xf32>
        %parallel_loop3A_232 = arith.mulf %parallel_loop3A_227, %parallel_loop3A_230 : vector<16xf32>
        %parallel_loop3A_233 = arith.addf %parallel_loop3A_231, %parallel_loop3A_232 : vector<16xf32>
        %parallel_loop3A_234 = arith.addf %parallel_loop3A_220, %parallel_loop3A_233 : vector<16xf32>
        %parallel_loop3A_235 = arith.constant 4 : i32
        %parallel_loop3A_236 = vector.broadcast %parallel_loop3A_235 : i32 to vector<16xi32>
        %parallel_loop3A_237 = tpu.vector_load_idx %arg8[%parallel_loop3A_166, %parallel_loop3A_236] : memref<10016x8xf32, #tpu.memory_space<vmem>>[vector<16xi32>, vector<16xi32>], vector<16xf32>,
        %parallel_loop3A_238 = tpu.vector_load_idx %arg8[%parallel_loop3A_169, %parallel_loop3A_236] : memref<10016x8xf32, #tpu.memory_space<vmem>>[vector<16xi32>, vector<16xi32>], vector<16xf32>,
        %parallel_loop3A_239 = vector.bitcast %parallel_loop3A_237 : vector<16xf32> to vector<32xbf16>
        %parallel_loop3A_240 = tpu.unpack_subelements %parallel_loop3A_239, 0 {pack_format = #tpu.pack_format<interleaved>} : vector<32xbf16> -> vector<16xf32>
        %parallel_loop3A_241 = tpu.unpack_subelements %parallel_loop3A_239, 1 {pack_format = #tpu.pack_format<interleaved>} : vector<32xbf16> -> vector<16xf32>
        %parallel_loop3A_242 = vector.bitcast %parallel_loop3A_238 : vector<16xf32> to vector<32xbf16>
        %parallel_loop3A_243 = tpu.unpack_subelements %parallel_loop3A_242, 0 {pack_format = #tpu.pack_format<interleaved>} : vector<32xbf16> -> vector<16xf32>
        %parallel_loop3A_244 = tpu.unpack_subelements %parallel_loop3A_242, 1 {pack_format = #tpu.pack_format<interleaved>} : vector<32xbf16> -> vector<16xf32>
        %parallel_loop3A_245 = arith.mulf %parallel_loop3A_240, %parallel_loop3A_243 : vector<16xf32>
        %parallel_loop3A_246 = arith.mulf %parallel_loop3A_241, %parallel_loop3A_244 : vector<16xf32>
        %parallel_loop3A_247 = arith.addf %parallel_loop3A_245, %parallel_loop3A_246 : vector<16xf32>
        %parallel_loop3A_248 = arith.addf %parallel_loop3A_234, %parallel_loop3A_247 : vector<16xf32>
        %parallel_loop3A_249 = arith.constant 5 : i32
        %parallel_loop3A_250 = vector.broadcast %parallel_loop3A_249 : i32 to vector<16xi32>
        %parallel_loop3A_251 = tpu.vector_load_idx %arg8[%parallel_loop3A_166, %parallel_loop3A_250] : memref<10016x8xf32, #tpu.memory_space<vmem>>[vector<16xi32>, vector<16xi32>], vector<16xf32>,
        %parallel_loop3A_252 = tpu.vector_load_idx %arg8[%parallel_loop3A_169, %parallel_loop3A_250] : memref<10016x8xf32, #tpu.memory_space<vmem>>[vector<16xi32>, vector<16xi32>], vector<16xf32>,
        %parallel_loop3A_253 = vector.bitcast %parallel_loop3A_251 : vector<16xf32> to vector<32xbf16>
        %parallel_loop3A_254 = tpu.unpack_subelements %parallel_loop3A_253, 0 {pack_format = #tpu.pack_format<interleaved>} : vector<32xbf16> -> vector<16xf32>
        %parallel_loop3A_255 = tpu.unpack_subelements %parallel_loop3A_253, 1 {pack_format = #tpu.pack_format<interleaved>} : vector<32xbf16> -> vector<16xf32>
        %parallel_loop3A_256 = vector.bitcast %parallel_loop3A_252 : vector<16xf32> to vector<32xbf16>
        %parallel_loop3A_257 = tpu.unpack_subelements %parallel_loop3A_256, 0 {pack_format = #tpu.pack_format<interleaved>} : vector<32xbf16> -> vector<16xf32>
        %parallel_loop3A_258 = tpu.unpack_subelements %parallel_loop3A_256, 1 {pack_format = #tpu.pack_format<interleaved>} : vector<32xbf16> -> vector<16xf32>
        %parallel_loop3A_259 = arith.mulf %parallel_loop3A_254, %parallel_loop3A_257 : vector<16xf32>
        %parallel_loop3A_260 = arith.mulf %parallel_loop3A_255, %parallel_loop3A_258 : vector<16xf32>
        %parallel_loop3A_261 = arith.addf %parallel_loop3A_259, %parallel_loop3A_260 : vector<16xf32>
        %parallel_loop3A_262 = arith.addf %parallel_loop3A_248, %parallel_loop3A_261 : vector<16xf32>
        %parallel_loop3A_263 = arith.constant 6 : i32
        %parallel_loop3A_264 = vector.broadcast %parallel_loop3A_263 : i32 to vector<16xi32>
        %parallel_loop3A_265 = tpu.vector_load_idx %arg8[%parallel_loop3A_166, %parallel_loop3A_264] : memref<10016x8xf32, #tpu.memory_space<vmem>>[vector<16xi32>, vector<16xi32>], vector<16xf32>,
        %parallel_loop3A_266 = tpu.vector_load_idx %arg8[%parallel_loop3A_169, %parallel_loop3A_264] : memref<10016x8xf32, #tpu.memory_space<vmem>>[vector<16xi32>, vector<16xi32>], vector<16xf32>,
        %parallel_loop3A_267 = vector.bitcast %parallel_loop3A_265 : vector<16xf32> to vector<32xbf16>
        %parallel_loop3A_268 = tpu.unpack_subelements %parallel_loop3A_267, 0 {pack_format = #tpu.pack_format<interleaved>} : vector<32xbf16> -> vector<16xf32>
        %parallel_loop3A_269 = tpu.unpack_subelements %parallel_loop3A_267, 1 {pack_format = #tpu.pack_format<interleaved>} : vector<32xbf16> -> vector<16xf32>
        %parallel_loop3A_270 = vector.bitcast %parallel_loop3A_266 : vector<16xf32> to vector<32xbf16>
        %parallel_loop3A_271 = tpu.unpack_subelements %parallel_loop3A_270, 0 {pack_format = #tpu.pack_format<interleaved>} : vector<32xbf16> -> vector<16xf32>
        %parallel_loop3A_272 = tpu.unpack_subelements %parallel_loop3A_270, 1 {pack_format = #tpu.pack_format<interleaved>} : vector<32xbf16> -> vector<16xf32>
        %parallel_loop3A_273 = arith.mulf %parallel_loop3A_268, %parallel_loop3A_271 : vector<16xf32>
        %parallel_loop3A_274 = arith.mulf %parallel_loop3A_269, %parallel_loop3A_272 : vector<16xf32>
        %parallel_loop3A_275 = arith.addf %parallel_loop3A_273, %parallel_loop3A_274 : vector<16xf32>
        %parallel_loop3A_276 = arith.addf %parallel_loop3A_262, %parallel_loop3A_275 : vector<16xf32>
        %parallel_loop3A_277 = arith.constant 7 : i32
        %parallel_loop3A_278 = vector.broadcast %parallel_loop3A_277 : i32 to vector<16xi32>
        %parallel_loop3A_279 = tpu.vector_load_idx %arg8[%parallel_loop3A_166, %parallel_loop3A_278] : memref<10016x8xf32, #tpu.memory_space<vmem>>[vector<16xi32>, vector<16xi32>], vector<16xf32>,
        %parallel_loop3A_280 = tpu.vector_load_idx %arg8[%parallel_loop3A_169, %parallel_loop3A_278] : memref<10016x8xf32, #tpu.memory_space<vmem>>[vector<16xi32>, vector<16xi32>], vector<16xf32>,
        %parallel_loop3A_281 = vector.bitcast %parallel_loop3A_279 : vector<16xf32> to vector<32xbf16>
        %parallel_loop3A_282 = tpu.unpack_subelements %parallel_loop3A_281, 0 {pack_format = #tpu.pack_format<interleaved>} : vector<32xbf16> -> vector<16xf32>
        %parallel_loop3A_283 = tpu.unpack_subelements %parallel_loop3A_281, 1 {pack_format = #tpu.pack_format<interleaved>} : vector<32xbf16> -> vector<16xf32>
        %parallel_loop3A_284 = vector.bitcast %parallel_loop3A_280 : vector<16xf32> to vector<32xbf16>
        %parallel_loop3A_285 = tpu.unpack_subelements %parallel_loop3A_284, 0 {pack_format = #tpu.pack_format<interleaved>} : vector<32xbf16> -> vector<16xf32>
        %parallel_loop3A_286 = tpu.unpack_subelements %parallel_loop3A_284, 1 {pack_format = #tpu.pack_format<interleaved>} : vector<32xbf16> -> vector<16xf32>
        %parallel_loop3A_287 = arith.mulf %parallel_loop3A_282, %parallel_loop3A_285 : vector<16xf32>
        %parallel_loop3A_288 = arith.mulf %parallel_loop3A_283, %parallel_loop3A_286 : vector<16xf32>
        %parallel_loop3A_289 = arith.addf %parallel_loop3A_287, %parallel_loop3A_288 : vector<16xf32>
        %parallel_loop3A_290 = arith.addf %parallel_loop3A_276, %parallel_loop3A_289 : vector<16xf32>
        %parallel_loop3A_291 = tpu.vector_load_idx %arg9[%parallel_loop3A_166] : memref<10016xf32, #tpu.memory_space<vmem>>[vector<16xi32>], vector<16xf32>,
        %parallel_loop3A_292 = arith.mulf %parallel_loop3A_290, %get3A_135 : vector<16xf32>
        %parallel_loop3A_293 = math.exp %parallel_loop3A_292 : vector<16xf32>
        %parallel_loop3A_294 = arith.mulf %parallel_loop3A_293, %parallel_loop3A_291 : vector<16xf32>
        %parallel_loop3A_295 = arith.constant 16 : i32
        %parallel_loop3A_296 = vector.broadcast %parallel_loop3A_295 : i32 to vector<16xi32>
        %parallel_loop3A_297 = arith.constant 0 : i32
        %parallel_loop3A_298 = arith.constant 0 : i32
        %parallel_loop3A_299 = tpu.memref_slice %arg12[%parallel_loop3A_140, %parallel_loop3A_297, %parallel_loop3A_298] : memref<2x128x32xf32, #tpu.memory_space<vmem>> -> memref<1x128x32xf32, #tpu.memory_space<vmem>>
        %parallel_loop3A_300 = tpu.memref_squeeze %parallel_loop3A_299 : memref<1x128x32xf32, #tpu.memory_space<vmem>> -> memref<128x32xf32, #tpu.memory_space<vmem>>
        tpu.vector_store_idx %parallel_loop3A_300[%parallel_loop3A_158, %parallel_loop3A_296], %parallel_loop3A_293 : memref<128x32xf32, #tpu.memory_space<vmem>>[vector<16xi32>, vector<16xi32>], vector<16xf32>,
        %parallel_loop3A_301 = arith.constant 0 : i32
        %parallel_loop3A_302 = vector.broadcast %parallel_loop3A_301 : i32 to vector<16xi32>
        %parallel_loop3A_303 = arith.mulf %parallel_loop3A_184, %parallel_loop3A_294 : vector<16xf32>
        %parallel_loop3A_304 = arith.constant 0 : i32
        %parallel_loop3A_305 = arith.constant 0 : i32
        %parallel_loop3A_306 = tpu.memref_slice %arg12[%parallel_loop3A_140, %parallel_loop3A_304, %parallel_loop3A_305] : memref<2x128x32xf32, #tpu.memory_space<vmem>> -> memref<1x128x32xf32, #tpu.memory_space<vmem>>
        %parallel_loop3A_307 = tpu.memref_squeeze %parallel_loop3A_306 : memref<1x128x32xf32, #tpu.memory_space<vmem>> -> memref<128x32xf32, #tpu.memory_space<vmem>>
        tpu.vector_store_idx %parallel_loop3A_307[%parallel_loop3A_158, %parallel_loop3A_302], %parallel_loop3A_303 : memref<128x32xf32, #tpu.memory_space<vmem>>[vector<16xi32>, vector<16xi32>], vector<16xf32>,
        %parallel_loop3A_308 = arith.constant 1 : i32
        %parallel_loop3A_309 = vector.broadcast %parallel_loop3A_308 : i32 to vector<16xi32>
        %parallel_loop3A_310 = arith.mulf %parallel_loop3A_185, %parallel_loop3A_294 : vector<16xf32>
        %parallel_loop3A_311 = arith.constant 0 : i32
        %parallel_loop3A_312 = arith.constant 0 : i32
        %parallel_loop3A_313 = tpu.memref_slice %arg12[%parallel_loop3A_140, %parallel_loop3A_311, %parallel_loop3A_312] : memref<2x128x32xf32, #tpu.memory_space<vmem>> -> memref<1x128x32xf32, #tpu.memory_space<vmem>>
        %parallel_loop3A_314 = tpu.memref_squeeze %parallel_loop3A_313 : memref<1x128x32xf32, #tpu.memory_space<vmem>> -> memref<128x32xf32, #tpu.memory_space<vmem>>
        tpu.vector_store_idx %parallel_loop3A_314[%parallel_loop3A_158, %parallel_loop3A_309], %parallel_loop3A_310 : memref<128x32xf32, #tpu.memory_space<vmem>>[vector<16xi32>, vector<16xi32>], vector<16xf32>,
        %parallel_loop3A_315 = arith.constant 2 : i32
        %parallel_loop3A_316 = vector.broadcast %parallel_loop3A_315 : i32 to vector<16xi32>
        %parallel_loop3A_317 = arith.mulf %parallel_loop3A_198, %parallel_loop3A_294 : vector<16xf32>
        %parallel_loop3A_318 = arith.constant 0 : i32
        %parallel_loop3A_319 = arith.constant 0 : i32
        %parallel_loop3A_320 = tpu.memref_slice %arg12[%parallel_loop3A_140, %parallel_loop3A_318, %parallel_loop3A_319] : memref<2x128x32xf32, #tpu.memory_space<vmem>> -> memref<1x128x32xf32, #tpu.memory_space<vmem>>
        %parallel_loop3A_321 = tpu.memref_squeeze %parallel_loop3A_320 : memref<1x128x32xf32, #tpu.memory_space<vmem>> -> memref<128x32xf32, #tpu.memory_space<vmem>>
        tpu.vector_store_idx %parallel_loop3A_321[%parallel_loop3A_158, %parallel_loop3A_316], %parallel_loop3A_317 : memref<128x32xf32, #tpu.memory_space<vmem>>[vector<16xi32>, vector<16xi32>], vector<16xf32>,
        %parallel_loop3A_322 = arith.constant 3 : i32
        %parallel_loop3A_323 = vector.broadcast %parallel_loop3A_322 : i32 to vector<16xi32>
        %parallel_loop3A_324 = arith.mulf %parallel_loop3A_199, %parallel_loop3A_294 : vector<16xf32>
        %parallel_loop3A_325 = arith.constant 0 : i32
        %parallel_loop3A_326 = arith.constant 0 : i32
        %parallel_loop3A_327 = tpu.memref_slice %arg12[%parallel_loop3A_140, %parallel_loop3A_325, %parallel_loop3A_326] : memref<2x128x32xf32, #tpu.memory_space<vmem>> -> memref<1x128x32xf32, #tpu.memory_space<vmem>>
        %parallel_loop3A_328 = tpu.memref_squeeze %parallel_loop3A_327 : memref<1x128x32xf32, #tpu.memory_space<vmem>> -> memref<128x32xf32, #tpu.memory_space<vmem>>
        tpu.vector_store_idx %parallel_loop3A_328[%parallel_loop3A_158, %parallel_loop3A_323], %parallel_loop3A_324 : memref<128x32xf32, #tpu.memory_space<vmem>>[vector<16xi32>, vector<16xi32>], vector<16xf32>,
        %parallel_loop3A_329 = arith.constant 4 : i32
        %parallel_loop3A_330 = vector.broadcast %parallel_loop3A_329 : i32 to vector<16xi32>
        %parallel_loop3A_331 = arith.mulf %parallel_loop3A_212, %parallel_loop3A_294 : vector<16xf32>
        %parallel_loop3A_332 = arith.constant 0 : i32
        %parallel_loop3A_333 = arith.constant 0 : i32
        %parallel_loop3A_334 = tpu.memref_slice %arg12[%parallel_loop3A_140, %parallel_loop3A_332, %parallel_loop3A_333] : memref<2x128x32xf32, #tpu.memory_space<vmem>> -> memref<1x128x32xf32, #tpu.memory_space<vmem>>
        %parallel_loop3A_335 = tpu.memref_squeeze %parallel_loop3A_334 : memref<1x128x32xf32, #tpu.memory_space<vmem>> -> memref<128x32xf32, #tpu.memory_space<vmem>>
        tpu.vector_store_idx %parallel_loop3A_335[%parallel_loop3A_158, %parallel_loop3A_330], %parallel_loop3A_331 : memref<128x32xf32, #tpu.memory_space<vmem>>[vector<16xi32>, vector<16xi32>], vector<16xf32>,
        %parallel_loop3A_336 = arith.constant 5 : i32
        %parallel_loop3A_337 = vector.broadcast %parallel_loop3A_336 : i32 to vector<16xi32>
        %parallel_loop3A_338 = arith.mulf %parallel_loop3A_213, %parallel_loop3A_294 : vector<16xf32>
        %parallel_loop3A_339 = arith.constant 0 : i32
        %parallel_loop3A_340 = arith.constant 0 : i32
        %parallel_loop3A_341 = tpu.memref_slice %arg12[%parallel_loop3A_140, %parallel_loop3A_339, %parallel_loop3A_340] : memref<2x128x32xf32, #tpu.memory_space<vmem>> -> memref<1x128x32xf32, #tpu.memory_space<vmem>>
        %parallel_loop3A_342 = tpu.memref_squeeze %parallel_loop3A_341 : memref<1x128x32xf32, #tpu.memory_space<vmem>> -> memref<128x32xf32, #tpu.memory_space<vmem>>
        tpu.vector_store_idx %parallel_loop3A_342[%parallel_loop3A_158, %parallel_loop3A_337], %parallel_loop3A_338 : memref<128x32xf32, #tpu.memory_space<vmem>>[vector<16xi32>, vector<16xi32>], vector<16xf32>,
        %parallel_loop3A_343 = arith.constant 6 : i32
        %parallel_loop3A_344 = vector.broadcast %parallel_loop3A_343 : i32 to vector<16xi32>
        %parallel_loop3A_345 = arith.mulf %parallel_loop3A_226, %parallel_loop3A_294 : vector<16xf32>
        %parallel_loop3A_346 = arith.constant 0 : i32
        %parallel_loop3A_347 = arith.constant 0 : i32
        %parallel_loop3A_348 = tpu.memref_slice %arg12[%parallel_loop3A_140, %parallel_loop3A_346, %parallel_loop3A_347] : memref<2x128x32xf32, #tpu.memory_space<vmem>> -> memref<1x128x32xf32, #tpu.memory_space<vmem>>
        %parallel_loop3A_349 = tpu.memref_squeeze %parallel_loop3A_348 : memref<1x128x32xf32, #tpu.memory_space<vmem>> -> memref<128x32xf32, #tpu.memory_space<vmem>>
        tpu.vector_store_idx %parallel_loop3A_349[%parallel_loop3A_158, %parallel_loop3A_344], %parallel_loop3A_345 : memref<128x32xf32, #tpu.memory_space<vmem>>[vector<16xi32>, vector<16xi32>], vector<16xf32>,
        %parallel_loop3A_350 = arith.constant 7 : i32
        %parallel_loop3A_351 = vector.broadcast %parallel_loop3A_350 : i32 to vector<16xi32>
        %parallel_loop3A_352 = arith.mulf %parallel_loop3A_227, %parallel_loop3A_294 : vector<16xf32>
        %parallel_loop3A_353 = arith.constant 0 : i32
        %parallel_loop3A_354 = arith.constant 0 : i32
        %parallel_loop3A_355 = tpu.memref_slice %arg12[%parallel_loop3A_140, %parallel_loop3A_353, %parallel_loop3A_354] : memref<2x128x32xf32, #tpu.memory_space<vmem>> -> memref<1x128x32xf32, #tpu.memory_space<vmem>>
        %parallel_loop3A_356 = tpu.memref_squeeze %parallel_loop3A_355 : memref<1x128x32xf32, #tpu.memory_space<vmem>> -> memref<128x32xf32, #tpu.memory_space<vmem>>
        tpu.vector_store_idx %parallel_loop3A_356[%parallel_loop3A_158, %parallel_loop3A_351], %parallel_loop3A_352 : memref<128x32xf32, #tpu.memory_space<vmem>>[vector<16xi32>, vector<16xi32>], vector<16xf32>,
        %parallel_loop3A_357 = arith.constant 8 : i32
        %parallel_loop3A_358 = vector.broadcast %parallel_loop3A_357 : i32 to vector<16xi32>
        %parallel_loop3A_359 = arith.mulf %parallel_loop3A_240, %parallel_loop3A_294 : vector<16xf32>
        %parallel_loop3A_360 = arith.constant 0 : i32
        %parallel_loop3A_361 = arith.constant 0 : i32
        %parallel_loop3A_362 = tpu.memref_slice %arg12[%parallel_loop3A_140, %parallel_loop3A_360, %parallel_loop3A_361] : memref<2x128x32xf32, #tpu.memory_space<vmem>> -> memref<1x128x32xf32, #tpu.memory_space<vmem>>
        %parallel_loop3A_363 = tpu.memref_squeeze %parallel_loop3A_362 : memref<1x128x32xf32, #tpu.memory_space<vmem>> -> memref<128x32xf32, #tpu.memory_space<vmem>>
        tpu.vector_store_idx %parallel_loop3A_363[%parallel_loop3A_158, %parallel_loop3A_358], %parallel_loop3A_359 : memref<128x32xf32, #tpu.memory_space<vmem>>[vector<16xi32>, vector<16xi32>], vector<16xf32>,
        %parallel_loop3A_364 = arith.constant 9 : i32
        %parallel_loop3A_365 = vector.broadcast %parallel_loop3A_364 : i32 to vector<16xi32>
        %parallel_loop3A_366 = arith.mulf %parallel_loop3A_241, %parallel_loop3A_294 : vector<16xf32>
        %parallel_loop3A_367 = arith.constant 0 : i32
        %parallel_loop3A_368 = arith.constant 0 : i32
        %parallel_loop3A_369 = tpu.memref_slice %arg12[%parallel_loop3A_140, %parallel_loop3A_367, %parallel_loop3A_368] : memref<2x128x32xf32, #tpu.memory_space<vmem>> -> memref<1x128x32xf32, #tpu.memory_space<vmem>>
        %parallel_loop3A_370 = tpu.memref_squeeze %parallel_loop3A_369 : memref<1x128x32xf32, #tpu.memory_space<vmem>> -> memref<128x32xf32, #tpu.memory_space<vmem>>
        tpu.vector_store_idx %parallel_loop3A_370[%parallel_loop3A_158, %parallel_loop3A_365], %parallel_loop3A_366 : memref<128x32xf32, #tpu.memory_space<vmem>>[vector<16xi32>, vector<16xi32>], vector<16xf32>,
        %parallel_loop3A_371 = arith.constant 10 : i32
        %parallel_loop3A_372 = vector.broadcast %parallel_loop3A_371 : i32 to vector<16xi32>
        %parallel_loop3A_373 = arith.mulf %parallel_loop3A_254, %parallel_loop3A_294 : vector<16xf32>
        %parallel_loop3A_374 = arith.constant 0 : i32
        %parallel_loop3A_375 = arith.constant 0 : i32
        %parallel_loop3A_376 = tpu.memref_slice %arg12[%parallel_loop3A_140, %parallel_loop3A_374, %parallel_loop3A_375] : memref<2x128x32xf32, #tpu.memory_space<vmem>> -> memref<1x128x32xf32, #tpu.memory_space<vmem>>
        %parallel_loop3A_377 = tpu.memref_squeeze %parallel_loop3A_376 : memref<1x128x32xf32, #tpu.memory_space<vmem>> -> memref<128x32xf32, #tpu.memory_space<vmem>>
        tpu.vector_store_idx %parallel_loop3A_377[%parallel_loop3A_158, %parallel_loop3A_372], %parallel_loop3A_373 : memref<128x32xf32, #tpu.memory_space<vmem>>[vector<16xi32>, vector<16xi32>], vector<16xf32>,
        %parallel_loop3A_378 = arith.constant 11 : i32
        %parallel_loop3A_379 = vector.broadcast %parallel_loop3A_378 : i32 to vector<16xi32>
        %parallel_loop3A_380 = arith.mulf %parallel_loop3A_255, %parallel_loop3A_294 : vector<16xf32>
        %parallel_loop3A_381 = arith.constant 0 : i32
        %parallel_loop3A_382 = arith.constant 0 : i32
        %parallel_loop3A_383 = tpu.memref_slice %arg12[%parallel_loop3A_140, %parallel_loop3A_381, %parallel_loop3A_382] : memref<2x128x32xf32, #tpu.memory_space<vmem>> -> memref<1x128x32xf32, #tpu.memory_space<vmem>>
        %parallel_loop3A_384 = tpu.memref_squeeze %parallel_loop3A_383 : memref<1x128x32xf32, #tpu.memory_space<vmem>> -> memref<128x32xf32, #tpu.memory_space<vmem>>
        tpu.vector_store_idx %parallel_loop3A_384[%parallel_loop3A_158, %parallel_loop3A_379], %parallel_loop3A_380 : memref<128x32xf32, #tpu.memory_space<vmem>>[vector<16xi32>, vector<16xi32>], vector<16xf32>,
        %parallel_loop3A_385 = arith.constant 12 : i32
        %parallel_loop3A_386 = vector.broadcast %parallel_loop3A_385 : i32 to vector<16xi32>
        %parallel_loop3A_387 = arith.mulf %parallel_loop3A_268, %parallel_loop3A_294 : vector<16xf32>
        %parallel_loop3A_388 = arith.constant 0 : i32
        %parallel_loop3A_389 = arith.constant 0 : i32
        %parallel_loop3A_390 = tpu.memref_slice %arg12[%parallel_loop3A_140, %parallel_loop3A_388, %parallel_loop3A_389] : memref<2x128x32xf32, #tpu.memory_space<vmem>> -> memref<1x128x32xf32, #tpu.memory_space<vmem>>
        %parallel_loop3A_391 = tpu.memref_squeeze %parallel_loop3A_390 : memref<1x128x32xf32, #tpu.memory_space<vmem>> -> memref<128x32xf32, #tpu.memory_space<vmem>>
        tpu.vector_store_idx %parallel_loop3A_391[%parallel_loop3A_158, %parallel_loop3A_386], %parallel_loop3A_387 : memref<128x32xf32, #tpu.memory_space<vmem>>[vector<16xi32>, vector<16xi32>], vector<16xf32>,
        %parallel_loop3A_392 = arith.constant 13 : i32
        %parallel_loop3A_393 = vector.broadcast %parallel_loop3A_392 : i32 to vector<16xi32>
        %parallel_loop3A_394 = arith.mulf %parallel_loop3A_269, %parallel_loop3A_294 : vector<16xf32>
        %parallel_loop3A_395 = arith.constant 0 : i32
        %parallel_loop3A_396 = arith.constant 0 : i32
        %parallel_loop3A_397 = tpu.memref_slice %arg12[%parallel_loop3A_140, %parallel_loop3A_395, %parallel_loop3A_396] : memref<2x128x32xf32, #tpu.memory_space<vmem>> -> memref<1x128x32xf32, #tpu.memory_space<vmem>>
        %parallel_loop3A_398 = tpu.memref_squeeze %parallel_loop3A_397 : memref<1x128x32xf32, #tpu.memory_space<vmem>> -> memref<128x32xf32, #tpu.memory_space<vmem>>
        tpu.vector_store_idx %parallel_loop3A_398[%parallel_loop3A_158, %parallel_loop3A_393], %parallel_loop3A_394 : memref<128x32xf32, #tpu.memory_space<vmem>>[vector<16xi32>, vector<16xi32>], vector<16xf32>,
        %parallel_loop3A_399 = arith.constant 14 : i32
        %parallel_loop3A_400 = vector.broadcast %parallel_loop3A_399 : i32 to vector<16xi32>
        %parallel_loop3A_401 = arith.mulf %parallel_loop3A_282, %parallel_loop3A_294 : vector<16xf32>
        %parallel_loop3A_402 = arith.constant 0 : i32
        %parallel_loop3A_403 = arith.constant 0 : i32
        %parallel_loop3A_404 = tpu.memref_slice %arg12[%parallel_loop3A_140, %parallel_loop3A_402, %parallel_loop3A_403] : memref<2x128x32xf32, #tpu.memory_space<vmem>> -> memref<1x128x32xf32, #tpu.memory_space<vmem>>
        %parallel_loop3A_405 = tpu.memref_squeeze %parallel_loop3A_404 : memref<1x128x32xf32, #tpu.memory_space<vmem>> -> memref<128x32xf32, #tpu.memory_space<vmem>>
        tpu.vector_store_idx %parallel_loop3A_405[%parallel_loop3A_158, %parallel_loop3A_400], %parallel_loop3A_401 : memref<128x32xf32, #tpu.memory_space<vmem>>[vector<16xi32>, vector<16xi32>], vector<16xf32>,
        %parallel_loop3A_406 = arith.constant 15 : i32
        %parallel_loop3A_407 = vector.broadcast %parallel_loop3A_406 : i32 to vector<16xi32>
        %parallel_loop3A_408 = arith.mulf %parallel_loop3A_283, %parallel_loop3A_294 : vector<16xf32>
        %parallel_loop3A_409 = arith.constant 0 : i32
        %parallel_loop3A_410 = arith.constant 0 : i32
        %parallel_loop3A_411 = tpu.memref_slice %arg12[%parallel_loop3A_140, %parallel_loop3A_409, %parallel_loop3A_410] : memref<2x128x32xf32, #tpu.memory_space<vmem>> -> memref<1x128x32xf32, #tpu.memory_space<vmem>>
        %parallel_loop3A_412 = tpu.memref_squeeze %parallel_loop3A_411 : memref<1x128x32xf32, #tpu.memory_space<vmem>> -> memref<128x32xf32, #tpu.memory_space<vmem>>
        tpu.vector_store_idx %parallel_loop3A_412[%parallel_loop3A_158, %parallel_loop3A_407], %parallel_loop3A_408 : memref<128x32xf32, #tpu.memory_space<vmem>>[vector<16xi32>, vector<16xi32>], vector<16xf32>,
      } {sc.loop_unroll_factor = 1 : i64, sc.parallel_access}
      %dma_start3A_141 = arith.constant 1 : i32
      %dma_start3A_142 = arith.constant 1 : i32
      %dma_start3A_143 = arith.constant 0 : i32
      %dma_start3A_144 = arith.constant 0 : i32
      %dma_start3A_145 = tpu.memref_slice %arg12[%dma_start3A_141, %dma_start3A_143, %dma_start3A_144] : memref<2x128x32xf32, #tpu.memory_space<vmem>> -> memref<1x128x32xf32, #tpu.memory_space<vmem>>
      %dma_start3A_146 = tpu.memref_squeeze %dma_start3A_145 : memref<1x128x32xf32, #tpu.memory_space<vmem>> -> memref<128x32xf32, #tpu.memory_space<vmem>>
      %dma_start3A_147 = arith.constant 0 : i32
      %dma_start3A_148 = tpu.memref_slice %arg11[%dma_start3A_142, %dma_start3A_147] : memref<2x128xi32, #tpu.memory_space<vmem>> -> memref<1x128xi32, #tpu.memory_space<vmem>>
      %dma_start3A_149 = tpu.memref_squeeze %dma_start3A_148 : memref<1x128xi32, #tpu.memory_space<vmem>> -> memref<128xi32, #tpu.memory_space<vmem>>
      %dma_start3A_150 = arith.constant 0 : i32
      %dma_start3A_151 = arith.constant 0 : i32
      %dma_start3A_152 = tpu.memref_slice %arg13[%dma_start3A_150, %dma_start3A_151] : memref<10240x32xf32, #tpu.memory_space<vmem_shared>> -> memref<10240x32xf32, #tpu.memory_space<vmem_shared>>
      tpu.enqueue_indirect_dma source(%dma_start3A_146 : memref<128x32xf32, #tpu.memory_space<vmem>>) target(%dma_start3A_152 : memref<10240x32xf32, #tpu.memory_space<vmem_shared>>) offsets(%dma_start3A_149 : memref<128xi32, #tpu.memory_space<vmem>>) semaphore(%arg16 : memref<!tpu.dma_semaphore, #tpu.memory_space<semaphore_mem>>) {add = true}
    }
    %scan3A_73 = arith.constant 41 : i32
    %dma_wait3A_74 = arith.constant 0 : i32
    %dma_wait3A_75 = arith.constant 0 : i32
    %dma_wait3A_76 = arith.constant 0 : i32
    %dma_wait3A_77 = arith.constant 0 : i32
    %dma_wait3A_78 = tpu.memref_slice %arg12[%dma_wait3A_74, %dma_wait3A_76, %dma_wait3A_77] : memref<2x128x32xf32, #tpu.memory_space<vmem>> -> memref<1x128x32xf32, #tpu.memory_space<vmem>>
    %dma_wait3A_79 = tpu.memref_squeeze %dma_wait3A_78 : memref<1x128x32xf32, #tpu.memory_space<vmem>> -> memref<128x32xf32, #tpu.memory_space<vmem>>
    %dma_wait3A_80 = arith.constant 0 : i32
    %dma_wait3A_81 = tpu.memref_slice %arg11[%dma_wait3A_75, %dma_wait3A_80] : memref<2x128xi32, #tpu.memory_space<vmem>> -> memref<1x128xi32, #tpu.memory_space<vmem>>
    %dma_wait3A_82 = tpu.memref_squeeze %dma_wait3A_81 : memref<1x128xi32, #tpu.memory_space<vmem>> -> memref<128xi32, #tpu.memory_space<vmem>>
    %dma_wait3A_83 = arith.constant 0 : i32
    %dma_wait3A_84 = arith.constant 0 : i32
    %dma_wait3A_85 = tpu.memref_slice %arg13[%dma_wait3A_83, %dma_wait3A_84] : memref<10240x32xf32, #tpu.memory_space<vmem_shared>> -> memref<10240x32xf32, #tpu.memory_space<vmem_shared>>
    tpu.wait_indirect_dma semaphore(%arg15 : memref<!tpu.dma_semaphore, #tpu.memory_space<semaphore_mem>>) src(%dma_wait3A_79 : memref<128x32xf32, #tpu.memory_space<vmem>>) dst(%dma_wait3A_85 : memref<10240x32xf32, #tpu.memory_space<vmem_shared>>)
    %dma_wait3A_86 = arith.constant 1 : i32
    %dma_wait3A_87 = arith.constant 1 : i32
    %dma_wait3A_88 = arith.constant 0 : i32
    %dma_wait3A_89 = arith.constant 0 : i32
    %dma_wait3A_90 = tpu.memref_slice %arg12[%dma_wait3A_86, %dma_wait3A_88, %dma_wait3A_89] : memref<2x128x32xf32, #tpu.memory_space<vmem>> -> memref<1x128x32xf32, #tpu.memory_space<vmem>>
    %dma_wait3A_91 = tpu.memref_squeeze %dma_wait3A_90 : memref<1x128x32xf32, #tpu.memory_space<vmem>> -> memref<128x32xf32, #tpu.memory_space<vmem>>
    %dma_wait3A_92 = arith.constant 0 : i32
    %dma_wait3A_93 = tpu.memref_slice %arg11[%dma_wait3A_87, %dma_wait3A_92] : memref<2x128xi32, #tpu.memory_space<vmem>> -> memref<1x128xi32, #tpu.memory_space<vmem>>
    %dma_wait3A_94 = tpu.memref_squeeze %dma_wait3A_93 : memref<1x128xi32, #tpu.memory_space<vmem>> -> memref<128xi32, #tpu.memory_space<vmem>>
    %dma_wait3A_95 = arith.constant 0 : i32
    %dma_wait3A_96 = arith.constant 0 : i32
    %dma_wait3A_97 = tpu.memref_slice %arg13[%dma_wait3A_95, %dma_wait3A_96] : memref<10240x32xf32, #tpu.memory_space<vmem_shared>> -> memref<10240x32xf32, #tpu.memory_space<vmem_shared>>
    tpu.wait_indirect_dma semaphore(%arg16 : memref<!tpu.dma_semaphore, #tpu.memory_space<semaphore_mem>>) src(%dma_wait3A_91 : memref<128x32xf32, #tpu.memory_space<vmem>>) dst(%dma_wait3A_97 : memref<10240x32xf32, #tpu.memory_space<vmem_shared>>)
    %barrier3A_98 = arith.constant 0 : index
    tpu.barrier barrier_id(%barrier3A_98)
    %mul3A_99 = arith.constant 640 : i32
    %mul3A_100 = arith.muli %arg1, %mul3A_99 : i32
    %mul3A_101 = arith.constant 640 : i32
    %mul3A_102 = arith.muli %arg1, %mul3A_101 : i32
    "tpu.region"() ({
      %run_scoped3A_103 = tpu.sem_alloc : memref<!tpu.dma_semaphore, #tpu.memory_space<semaphore_mem>>
      %dma_start3A_104 = arith.constant 0 : i32
      %dma_start3A_105 = tpu.memref_slice %arg6[%arg0, %mul3A_102, %dma_start3A_104] : memref<2x10240x32xf32, #tpu.memory_space<hbm>> -> memref<1x640x32xf32, #tpu.memory_space<hbm>>
      %dma_start3A_106 = tpu.memref_squeeze %dma_start3A_105 : memref<1x640x32xf32, #tpu.memory_space<hbm>> -> memref<640x32xf32, #tpu.memory_space<hbm>>
      %dma_start3A_107 = arith.constant 0 : i32
      %dma_start3A_108 = tpu.memref_slice %arg13[%mul3A_100, %dma_start3A_107] : memref<10240x32xf32, #tpu.memory_space<vmem_shared>> -> memref<640x32xf32, #tpu.memory_space<vmem_shared>>
      tpu.enqueue_dma source(%dma_start3A_108 : memref<640x32xf32, #tpu.memory_space<vmem_shared>>) target(%dma_start3A_106 : memref<640x32xf32, #tpu.memory_space<hbm>>) target_semaphore(%run_scoped3A_103 : memref<!tpu.dma_semaphore, #tpu.memory_space<semaphore_mem>>)
      %dma_wait3A_109 = arith.constant 0 : i32
      %dma_wait3A_110 = tpu.memref_slice %arg6[%arg0, %mul3A_102, %dma_wait3A_109] : memref<2x10240x32xf32, #tpu.memory_space<hbm>> -> memref<1x640x32xf32, #tpu.memory_space<hbm>>
      %dma_wait3A_111 = tpu.memref_squeeze %dma_wait3A_110 : memref<1x640x32xf32, #tpu.memory_space<hbm>> -> memref<640x32xf32, #tpu.memory_space<hbm>>
      %dma_wait3A_112 = arith.constant 0 : i32
      %dma_wait3A_113 = tpu.memref_slice %arg13[%mul3A_100, %dma_wait3A_112] : memref<10240x32xf32, #tpu.memory_space<vmem_shared>> -> memref<640x32xf32, #tpu.memory_space<vmem_shared>>
      tpu.wait_dma2 semaphore(%run_scoped3A_103 : memref<!tpu.dma_semaphore, #tpu.memory_space<semaphore_mem>>) src(%dma_wait3A_113 : memref<640x32xf32, #tpu.memory_space<vmem_shared>>) dst(%dma_wait3A_111 : memref<640x32xf32, #tpu.memory_space<hbm>>)
      tpu.yield
    }) : () -> ()
    return
  }
}

module attributes {stable_mosaic.version = 14 : i64} {
  func.func @_tc_pre_body(%arg0: memref<10240x128xf32, #tpu.memory_space<vmem>>, %arg1: memref<128x16xf32, #tpu.memory_space<vmem>>, %arg2: memref<16xf32, #tpu.memory_space<vmem>>, %arg3: memref<10240x16xf32, #tpu.memory_space<vmem>>, %arg4: memref<10240xf32, #tpu.memory_space<vmem>>) attributes {dimension_semantics = [], scalar_prefetch = 0 : i64, scratch_operands = 0 : i64, tpu.core_type = #tpu.core_type<tc>} {
    %get3A = arith.constant 0 : index
    %get3A_0 = arith.constant 0 : index
    %get3A_1 = vector.load %arg0[%get3A, %get3A_0] : memref<10240x128xf32, #tpu.memory_space<vmem>>, vector<10240x128xf32>
    %get3A_2 = arith.constant 0 : index
    %get3A_3 = arith.constant 0 : index
    %get3A_4 = vector.load %arg1[%get3A_2, %get3A_3] : memref<128x16xf32, #tpu.memory_space<vmem>>, vector<128x16xf32>
    %dot_general3A = arith.constant dense<0.000000e+00> : vector<10240x16xf32>
    %dot_general3A_5 = tpu.matmul %get3A_1, %get3A_4, %dot_general3A {dimension_numbers = #tpu.dot_dimension_numbers<[1], [0], [0], [1], [0, 0, 1, 1], [], []>, precision = #tpu.contract_precision<fp32>, transpose_lhs_hint = false} : vector<10240x128xf32>, vector<128x16xf32>, vector<10240x16xf32> -> vector<10240x16xf32>
    %get3A_6 = arith.constant 0 : index
    %get3A_7 = vector.load %arg2[%get3A_6] : memref<16xf32, #tpu.memory_space<vmem>>, vector<16xf32>
    %broadcast_in_dim3A = vector.shape_cast %get3A_7 : vector<16xf32> to vector<1x16xf32>
    %add3A = vector.broadcast %broadcast_in_dim3A : vector<1x16xf32> to vector<10240x16xf32>
    %add3A_8 = arith.addf %dot_general3A_5, %add3A : vector<10240x16xf32>
    %max3A = arith.constant 0.000000e+00 : f32
    %max3A_9 = vector.broadcast %max3A : f32 to vector<10240x16xf32>
    %max3A_10 = arith.maximumf %add3A_8, %max3A_9 : vector<10240x16xf32>
    %iota3A = tpu.iota {dimensions = array<i32: 0>} : vector<10240x1xi32>
    %lt3A = arith.constant 10000 : i32
    %lt3A_11 = vector.broadcast %lt3A : i32 to vector<10240x1xi32>
    %lt3A_12 = arith.cmpi slt, %iota3A, %lt3A_11 : vector<10240x1xi32>
    %jit3A = arith.constant 0.000000e+00 : f32
    %broadcast_in_dim3A_13 = vector.shape_cast %lt3A_12 : vector<10240x1xi1> to vector<10240x1xi1>
    %broadcast_in_dim3A_14 = vector.broadcast %broadcast_in_dim3A_13 : vector<10240x1xi1> to vector<10240x16xi1>
    %broadcast_in_dim3A_15 = vector.broadcast %jit3A : f32 to vector<10240x16xf32>
    %select_n3A = arith.select %broadcast_in_dim3A_14, %max3A_10, %broadcast_in_dim3A_15 : vector<10240x16xi1>, vector<10240x16xf32>
    %mul3A = arith.mulf %select_n3A, %select_n3A : vector<10240x16xf32>
    %reduce_sum3A = arith.constant dense<0.000000e+00> : vector<10240xf32>
    %reduce_sum3A_16 = vector.multi_reduction <add>, %mul3A, %reduce_sum3A [1] : vector<10240x16xf32> to vector<10240xf32>
    %broadcast_in_dim3A_17 = vector.shape_cast %reduce_sum3A_16 : vector<10240xf32> to vector<10240x1xf32>
    %sqrt3A = math.sqrt %broadcast_in_dim3A_17 : vector<10240x1xf32>
    %max3A_18 = arith.constant 9.99999996E-13 : f32
    %max3A_19 = vector.broadcast %max3A_18 : f32 to vector<10240x1xf32>
    %max3A_20 = arith.maximumf %sqrt3A, %max3A_19 : vector<10240x1xf32>
    %div3A = vector.broadcast %max3A_20 : vector<10240x1xf32> to vector<10240x16xf32>
    %div3A_21 = arith.divf %select_n3A, %div3A : vector<10240x16xf32>
    %swap3A = arith.constant 0 : index
    %swap3A_22 = arith.constant 0 : index
    %swap3A_23 = vector.load %arg3[%swap3A, %swap3A_22] : memref<10240x16xf32, #tpu.memory_space<vmem>>, vector<10240x16xf32>
    tpu.vector_store %arg3[%swap3A, %swap3A_22], %div3A_21 {strides = array<i32>} : memref<10240x16xf32, #tpu.memory_space<vmem>>, vector<10240x16xf32>,
    %squeeze3A = vector.shape_cast %sqrt3A : vector<10240x1xf32> to vector<10240xf32>
    %swap3A_24 = arith.constant 0 : index
    %swap3A_25 = vector.load %arg4[%swap3A_24] : memref<10240xf32, #tpu.memory_space<vmem>>, vector<10240xf32>
    tpu.vector_store %arg4[%swap3A_24], %squeeze3A {strides = array<i32>} : memref<10240xf32, #tpu.memory_space<vmem>>, vector<10240xf32>,
    return
  }
}

module attributes {stable_mosaic.version = 14 : i64} {
  func.func @_tc_mid_body(%arg0: memref<2x10240x32xf32, #tpu.memory_space<vmem>>, %arg1: memref<10240x16xf32, #tpu.memory_space<vmem>>, %arg2: memref<10240xf32, #tpu.memory_space<vmem>>) attributes {dimension_semantics = [], scalar_prefetch = 0 : i64, scratch_operands = 0 : i64, tpu.core_type = #tpu.core_type<tc>} {
    %get3A = arith.constant 0 : index
    %get3A_0 = arith.constant 0 : index
    %get3A_1 = arith.constant 0 : index
    %get3A_2 = vector.load %arg0[%get3A, %get3A_0, %get3A_1] : memref<2x10240x32xf32, #tpu.memory_space<vmem>>, vector<1x10240x16xf32>
    %get3A_3 = vector.shape_cast %get3A_2 : vector<1x10240x16xf32> to vector<10240x16xf32>
    %get3A_4 = arith.constant 1 : index
    %get3A_5 = arith.constant 0 : index
    %get3A_6 = arith.constant 0 : index
    %get3A_7 = vector.load %arg0[%get3A_4, %get3A_5, %get3A_6] : memref<2x10240x32xf32, #tpu.memory_space<vmem>>, vector<1x10240x16xf32>
    %get3A_8 = vector.shape_cast %get3A_7 : vector<1x10240x16xf32> to vector<10240x16xf32>
    %add3A = arith.addf %get3A_3, %get3A_8 : vector<10240x16xf32>
    %get3A_9 = arith.constant 0 : index
    %get3A_10 = arith.constant 0 : index
    %get3A_11 = arith.constant 16 : index
    %get3A_12 = vector.load %arg0[%get3A_9, %get3A_10, %get3A_11] : memref<2x10240x32xf32, #tpu.memory_space<vmem>>, vector<1x10240x1xf32>
    %get3A_13 = vector.shape_cast %get3A_12 : vector<1x10240x1xf32> to vector<10240xf32>
    %get3A_14 = arith.constant 1 : index
    %get3A_15 = arith.constant 0 : index
    %get3A_16 = arith.constant 16 : index
    %get3A_17 = vector.load %arg0[%get3A_14, %get3A_15, %get3A_16] : memref<2x10240x32xf32, #tpu.memory_space<vmem>>, vector<1x10240x1xf32>
    %get3A_18 = vector.shape_cast %get3A_17 : vector<1x10240x1xf32> to vector<10240xf32>
    %add3A_19 = arith.addf %get3A_13, %get3A_18 : vector<10240xf32>
    %add3A_20 = arith.constant 1.000000e-16 : f32
    %add3A_21 = vector.broadcast %add3A_20 : f32 to vector<10240xf32>
    %add3A_22 = arith.addf %add3A_19, %add3A_21 : vector<10240xf32>
    %broadcast_in_dim3A = vector.shape_cast %add3A_22 : vector<10240xf32> to vector<10240x1xf32>
    %div3A = vector.broadcast %broadcast_in_dim3A : vector<10240x1xf32> to vector<10240x16xf32>
    %div3A_23 = arith.divf %add3A, %div3A : vector<10240x16xf32>
    %mul3A = arith.mulf %div3A_23, %div3A_23 : vector<10240x16xf32>
    %reduce_sum3A = arith.constant dense<0.000000e+00> : vector<10240xf32>
    %reduce_sum3A_24 = vector.multi_reduction <add>, %mul3A, %reduce_sum3A [1] : vector<10240x16xf32> to vector<10240xf32>
    %broadcast_in_dim3A_25 = vector.shape_cast %reduce_sum3A_24 : vector<10240xf32> to vector<10240x1xf32>
    %sqrt3A = math.sqrt %broadcast_in_dim3A_25 : vector<10240x1xf32>
    %max3A = arith.constant 9.99999996E-13 : f32
    %max3A_26 = vector.broadcast %max3A : f32 to vector<10240x1xf32>
    %max3A_27 = arith.maximumf %sqrt3A, %max3A_26 : vector<10240x1xf32>
    %div3A_28 = vector.broadcast %max3A_27 : vector<10240x1xf32> to vector<10240x16xf32>
    %div3A_29 = arith.divf %div3A_23, %div3A_28 : vector<10240x16xf32>
    %swap3A = arith.constant 0 : index
    %swap3A_30 = arith.constant 0 : index
    %swap3A_31 = vector.load %arg1[%swap3A, %swap3A_30] : memref<10240x16xf32, #tpu.memory_space<vmem>>, vector<10240x16xf32>
    tpu.vector_store %arg1[%swap3A, %swap3A_30], %div3A_29 {strides = array<i32>} : memref<10240x16xf32, #tpu.memory_space<vmem>>, vector<10240x16xf32>,
    %squeeze3A = vector.shape_cast %sqrt3A : vector<10240x1xf32> to vector<10240xf32>
    %swap3A_32 = arith.constant 0 : index
    %swap3A_33 = vector.load %arg2[%swap3A_32] : memref<10240xf32, #tpu.memory_space<vmem>>, vector<10240xf32>
    tpu.vector_store %arg2[%swap3A_32], %squeeze3A {strides = array<i32>} : memref<10240xf32, #tpu.memory_space<vmem>>, vector<10240xf32>,
    return
  }
}

module attributes {stable_mosaic.version = 14 : i64} {
  func.func @_tc_post_body(%arg0: memref<2x10240x32xf32, #tpu.memory_space<vmem>>, %arg1: memref<16x40xf32, #tpu.memory_space<vmem>>, %arg2: memref<40xf32, #tpu.memory_space<vmem>>, %arg3: memref<10000x40xf32, #tpu.memory_space<vmem>>) attributes {dimension_semantics = [], scalar_prefetch = 0 : i64, scratch_operands = 0 : i64, tpu.core_type = #tpu.core_type<tc>} {
    %get3A = arith.constant 0 : index
    %get3A_0 = arith.constant 0 : index
    %get3A_1 = arith.constant 0 : index
    %get3A_2 = vector.load %arg0[%get3A, %get3A_0, %get3A_1] : memref<2x10240x32xf32, #tpu.memory_space<vmem>>, vector<1x10000x16xf32>
    %get3A_3 = vector.shape_cast %get3A_2 : vector<1x10000x16xf32> to vector<10000x16xf32>
    %get3A_4 = arith.constant 1 : index
    %get3A_5 = arith.constant 0 : index
    %get3A_6 = arith.constant 0 : index
    %get3A_7 = vector.load %arg0[%get3A_4, %get3A_5, %get3A_6] : memref<2x10240x32xf32, #tpu.memory_space<vmem>>, vector<1x10000x16xf32>
    %get3A_8 = vector.shape_cast %get3A_7 : vector<1x10000x16xf32> to vector<10000x16xf32>
    %add3A = arith.addf %get3A_3, %get3A_8 : vector<10000x16xf32>
    %get3A_9 = arith.constant 0 : index
    %get3A_10 = arith.constant 0 : index
    %get3A_11 = arith.constant 16 : index
    %get3A_12 = vector.load %arg0[%get3A_9, %get3A_10, %get3A_11] : memref<2x10240x32xf32, #tpu.memory_space<vmem>>, vector<1x10000x1xf32>
    %get3A_13 = vector.shape_cast %get3A_12 : vector<1x10000x1xf32> to vector<10000xf32>
    %get3A_14 = arith.constant 1 : index
    %get3A_15 = arith.constant 0 : index
    %get3A_16 = arith.constant 16 : index
    %get3A_17 = vector.load %arg0[%get3A_14, %get3A_15, %get3A_16] : memref<2x10240x32xf32, #tpu.memory_space<vmem>>, vector<1x10000x1xf32>
    %get3A_18 = vector.shape_cast %get3A_17 : vector<1x10000x1xf32> to vector<10000xf32>
    %add3A_19 = arith.addf %get3A_13, %get3A_18 : vector<10000xf32>
    %add3A_20 = arith.constant 1.000000e-16 : f32
    %add3A_21 = vector.broadcast %add3A_20 : f32 to vector<10000xf32>
    %add3A_22 = arith.addf %add3A_19, %add3A_21 : vector<10000xf32>
    %broadcast_in_dim3A = vector.shape_cast %add3A_22 : vector<10000xf32> to vector<10000x1xf32>
    %div3A = vector.broadcast %broadcast_in_dim3A : vector<10000x1xf32> to vector<10000x16xf32>
    %div3A_23 = arith.divf %add3A, %div3A : vector<10000x16xf32>
    %get3A_24 = arith.constant 0 : index
    %get3A_25 = arith.constant 0 : index
    %get3A_26 = vector.load %arg1[%get3A_24, %get3A_25] : memref<16x40xf32, #tpu.memory_space<vmem>>, vector<16x40xf32>
    %dot_general3A = arith.constant dense<0.000000e+00> : vector<10000x40xf32>
    %dot_general3A_27 = tpu.matmul %div3A_23, %get3A_26, %dot_general3A {dimension_numbers = #tpu.dot_dimension_numbers<[1], [0], [0], [1], [0, 0, 1, 1], [], []>, precision = #tpu.contract_precision<fp32>, transpose_lhs_hint = false} : vector<10000x16xf32>, vector<16x40xf32>, vector<10000x40xf32> -> vector<10000x40xf32>
    %get3A_28 = arith.constant 0 : index
    %get3A_29 = vector.load %arg2[%get3A_28] : memref<40xf32, #tpu.memory_space<vmem>>, vector<40xf32>
    %broadcast_in_dim3A_30 = vector.shape_cast %get3A_29 : vector<40xf32> to vector<1x40xf32>
    %add3A_31 = vector.broadcast %broadcast_in_dim3A_30 : vector<1x40xf32> to vector<10000x40xf32>
    %add3A_32 = arith.addf %dot_general3A_27, %add3A_31 : vector<10000x40xf32>
    %reduce_max3A = arith.constant dense<0xFF800000> : vector<10000xf32>
    %reduce_max3A_33 = vector.multi_reduction <maximumf>, %add3A_32, %reduce_max3A [1] : vector<10000x40xf32> to vector<10000xf32>
    %broadcast_in_dim3A_34 = vector.shape_cast %reduce_max3A_33 : vector<10000xf32> to vector<10000x1xf32>
    %sub3A = vector.broadcast %broadcast_in_dim3A_34 : vector<10000x1xf32> to vector<10000x40xf32>
    %sub3A_35 = arith.subf %add3A_32, %sub3A : vector<10000x40xf32>
    %exp3A = math.exp %sub3A_35 : vector<10000x40xf32>
    %reduce_sum3A = arith.constant dense<0.000000e+00> : vector<10000xf32>
    %reduce_sum3A_36 = vector.multi_reduction <add>, %exp3A, %reduce_sum3A [1] : vector<10000x40xf32> to vector<10000xf32>
    %broadcast_in_dim3A_37 = vector.shape_cast %reduce_sum3A_36 : vector<10000xf32> to vector<10000x1xf32>
    %log3A = math.log %broadcast_in_dim3A_37 : vector<10000x1xf32>
    %sub3A_38 = vector.broadcast %log3A : vector<10000x1xf32> to vector<10000x40xf32>
    %sub3A_39 = arith.subf %sub3A_35, %sub3A_38 : vector<10000x40xf32>
    %swap3A = arith.constant 0 : index
    %swap3A_40 = arith.constant 0 : index
    %swap3A_41 = vector.load %arg3[%swap3A, %swap3A_40] : memref<10000x40xf32, #tpu.memory_space<vmem>>, vector<10000x40xf32>
    tpu.vector_store %arg3[%swap3A, %swap3A_40], %sub3A_39 {strides = array<i32>} : memref<10000x40xf32, #tpu.memory_space<vmem>>, vector<10000x40xf32>,
    return
  }
}

</mosaic_0001>

<sc_bundles>
// kernel: kernel.10.cloned.1.call-start
scs
__scs_entry_jumppad:
0x0: {  	(pc) =	sbr.rel $0x88, $3  }
0x1: {  	(tag) =	ssettag $0x0;
	lr =	simm.s32 $0x1  }
0x2: {  	[smem:$0x3F99] =	sst lr;
	_ =	strace $0xD0000000  }
0x3: {  	_ = 	snop  }
0x4: {  	_ = 	snop  }
0x5: {  	_ = 	snop  }
0x6: {  	_ = 	snop  }
0x7: {  	_ = 	snop  }
__scs_overlays_trampoline_lowered:
0x8: {  	[smem:$0x3FA8] =	sst s0  }
0x9: {  	[smem:$0x3FA9] =	sst s1  }
0xa: {  	[smem:$0x3FAA] =	sst s2  }
0xb: {  	[smem:$0x3FAB] =	sst s3  }
0xc: {  	[smem:$0x3FAC] =	sst s4  }
0xd: {  	[smem:$0x3FAD] =	sst s5  }
0xe: {  	[smem:$0x3FAE] =	sst s6  }
0xf: {  	[smem:$0x3FAF] =	sst s7  }
0x10: {  	[smem:$0x3FB0] =	sst s8  }
0x11: {  	[smem:$0x3FB1] =	sst s9;
	s0 =	simm.s32 @!p0 $0x0  }
0x12: {  	s1 =	sld [smem:$0x3F97];
	s0 =	simm.s32 @p0 $0x1  }
0x13: {  	[smem:$0x3FB2] =	sst s0;
	s0 =	simm.s32 @!p1 $0x0  }
0x14: {  	s2 =	sld [smem:$0x3F96];
	s0 =	simm.s32 @p1 $0x1  }
0x15: {  	[smem:$0x3FB3] =	sst s0;
	s0 =	simm.s32 @!p2 $0x0  }
0x16: {  	s3 =	sld [smem:$0x3FDB];
	s0 =	simm.s32 @p2 $0x1  }
0x17: {  	s4 =	simm.s32 $0x1BF5;
	[smem:$0x3FB5] =	sst s0  }
0x18: {  	s0 =	sld [smem:$0x3F98];
	_ =	swait.ge [sflag:s4], $0x0  }
0x19: {  	s7 =	sld [smem:$0x3F99]  }
0x1a: {  	s8 =	sadd.s32 $0xFFFFE003, lr  }
0x1b: {  	s9 =	sadd.s32 $0xFFFFFEF7, lr;
	s5 =	simm.s32 $0xFFFFFFFF;
	p2 =	slt.u32 s8, $0xFFFFF086  }
0x1c: {  	p1 =	slt.u32 s9, $0xF7A;
	s5 =	simm.s32 @!p2 $0x0  }
0x1d: {  	s5 =	simm.s32 @p1 $0x1;
	p0 =	seq.s32 s7, s2  }
0x1e: {  	s7 =	smul.u32 @!p0 $0xF7A, s2;
	p2 =	seq.s32 @!p0 s5, $0x0  }
0x1f: {  	s9 =	smul.u32 $0xF7A, s1;
	s8 =	simm.s32 @!p0 $0x1BF5;
	p2 =	por !p2, p0  }
0x20: {  	[sflag:s8] =	ssyncset.s32 @!p0 $0xFFFFF086;
	s6 =	sadd.s32 @!p0 s3, s7;
	s7 =	simm.s32 @!p0 $0x108  }
0x21: {  	s3 =	sadd.s32 s3, s9;
	s6 =	sadd.s32 @!p0 $0x88, s6;
	s7 =	simm.s32 @p2 $0x1082  }
0x22: {  	[simem:s7], [sflag:s8] =	dma.local @!p0 [hbm:s6], $0xF7A  }
0x23: {  	s9 =	sor.u32 $0xD0000000, s2;
	s6 =	simm.s32 $0x108;
	_ =	swait.ge @!p0 [sflag:s8], $0x0  }
0x24: {  	s3 =	sadd.s32 $0x88, s3;
	s6 =	simm.s32 @!p1 $0x1082;
	[sflag:s4] =	ssyncset.s32 $0xFFFFF086  }
0x25: {  	[simem:s6], [sflag:s4] =	dma.local [hbm:s3], $0xF7A  }
0x26: {  	[smem:$0x3F99] =	sst s1;
	(tag) =	ssettag s2;
	_ =	strace s9  }
0x27: {  	s1 =	sld [smem:$0x3FA9]  }
0x28: {  	s2 =	sld [smem:$0x3FAA]  }
0x29: {  	s4 =	sld [smem:$0x3FAC]  }
0x2a: {  	p0 =	seq.s32 s5, $0x0;
	s5 =	sld [smem:$0x3FAD]  }
0x2b: {  	s6 =	sld [smem:$0x3FAE]  }
0x2c: {  	s7 =	sld [smem:$0x3FAF]  }
0x2d: {  	s3 =	simm.s32 $0x108;
	s8 =	sld [smem:$0x3FB0]  }
0x2e: {  	s3 =	simm.s32 @!p0 $0x1082;
	s9 =	sld [smem:$0x3FB1]  }
0x2f: {  	lr =	sadd.s32 s0, s3;
	s0 =	sld [smem:$0x3FA8]  }
0x30: {  	s3 =	sld [smem:$0x3FAB]  }
0x31: {  	[smem:$0x3FB4] =	sst s10  }
0x32: {  	s10 =	sld [smem:$0x3FB2];
	_ =	sdelay $0x3  }
0x33: {  	p0 =	seq.s32 s10, $0x1;
	s10 =	sld [smem:$0x3FB4];
	_ =	sdelay $0x3  }
0x34: {  	[smem:$0x3FB4] =	sst s10  }
0x35: {  	s10 =	sld [smem:$0x3FB3];
	_ =	sdelay $0x3  }
0x36: {  	p1 =	seq.s32 s10, $0x1;
	s10 =	sld [smem:$0x3FB4];
	_ =	sdelay $0x3  }
0x37: {  	[smem:$0x3FB4] =	sst s10  }
0x38: {  	s10 =	sld [smem:$0x3FB5]  }
0x39: {  	_ = 	snop;
	(pc) =	sbr.ind lr, $3  }
0x3a: {  	_ = 	snop  }
0x3b: {  	_ = 	snop  }
0x3c: {  	p2 =	seq.s32 s10, $0x1;
	s10 =	sld [smem:$0x3FB4]  }
0x3d: {  	_ =	shalt  }
0x3e: {  	_ =	shalt  }
0x3f: {  	_ =	shalt  }
0x40: {  	_ =	shalt  }
0x41: {  	_ =	shalt  }
0x42: {  	_ =	shalt  }
0x43: {  	_ =	shalt  }
0x44: {  	_ =	shalt  }
0x45: {  	_ =	shalt  }
0x46: {  	_ =	shalt  }
0x47: {  	_ =	shalt  }
0x48: {  	_ =	shalt  }
0x49: {  	_ =	shalt  }
0x4a: {  	_ =	shalt  }
0x4b: {  	_ =	shalt  }
0x4c: {  	_ =	shalt  }
0x4d: {  	_ =	shalt  }
0x4e: {  	_ =	shalt  }
0x4f: {  	_ =	shalt  }
0x50: {  	_ =	shalt  }
0x51: {  	_ =	shalt  }
0x52: {  	_ =	shalt  }
0x53: {  	_ =	shalt  }
0x54: {  	_ =	shalt  }
0x55: {  	_ =	shalt  }
0x56: {  	_ =	shalt  }
0x57: {  	_ =	shalt  }
0x58: {  	_ =	shalt  }
0x59: {  	_ =	shalt  }
0x5a: {  	_ =	shalt  }
0x5b: {  	_ =	shalt  }
0x5c: {  	_ =	shalt  }
0x5d: {  	_ =	shalt  }
0x5e: {  	_ =	shalt  }
0x5f: {  	_ =	shalt  }
0x60: {  	_ =	shalt  }
0x61: {  	_ =	shalt  }
0x62: {  	_ =	shalt  }
0x63: {  	_ =	shalt  }
0x64: {  	_ =	shalt  }
0x65: {  	_ =	shalt  }
0x66: {  	_ =	shalt  }
0x67: {  	_ =	shalt  }
0x68: {  	_ =	shalt  }
0x69: {  	_ =	shalt  }
0x6a: {  	_ =	shalt  }
0x6b: {  	_ =	shalt  }
0x6c: {  	_ =	shalt  }
0x6d: {  	_ =	shalt  }
0x6e: {  	_ =	shalt  }
0x6f: {  	_ =	shalt  }
0x70: {  	_ =	shalt  }
0x71: {  	_ =	shalt  }
0x72: {  	_ =	shalt  }
0x73: {  	_ =	shalt  }
0x74: {  	_ =	shalt  }
0x75: {  	_ =	shalt  }
0x76: {  	_ =	shalt  }
0x77: {  	_ =	shalt  }
0x78: {  	_ =	shalt  }
0x79: {  	_ =	shalt  }
0x7a: {  	_ =	shalt  }
0x7b: {  	_ =	shalt  }
0x7c: {  	_ =	shalt  }
0x7d: {  	_ =	shalt  }
0x7e: {  	_ =	shalt  }
0x7f: {  	_ =	shalt  }
0x80: {  	_ =	shalt  }
0x81: {  	_ =	shalt  }
0x82: {  	_ =	shalt  }
0x83: {  	_ =	shalt  }
0x84: {  	_ =	shalt  }
0x85: {  	_ =	shalt  }
0x86: {  	_ =	shalt  }
0x87: {  	_ =	shalt  }
.Lfunc_end0:
.L_simem_size_0:
called_computation.1_lowered:
.L_overlay_start_0:
0x88: {  	s2 =	sld [smem:$0x3FD9]  }
0x89: {  	s3 =	sld [smem:$0x3FFE];
	_ =	sdelay $0x1  }
0x8a: {  	s1 =	srdreg.scid  }
0x8b: {  	s0 =	sand.u32 $0x1, s1  }
0x8c: {  	s17 =	sshll.u32 s0, $0xA;
	s2 =	sadd.s32 s3, s2  }
0x8d: {  	s2 =	sadd.s32 s2, s17  }
0x8e: {  	[smem:$0x3FC0] =	sst s2  }
0x8f: {  	_ = 	snop  }
0x90: {  	s2 =	sld [smem:$0x3FD0];
	(tm) =	ssettm $0x1  }
0x91: {  	s18 =	sld [smem:$0x3FFB];
	_ =	sdelay $0x3  }
0x92: {  	_ =	strace s18  }
0x93: {  	s3 =	sld [smem:$0x3FFC];
	_ =	sdelay $0x3  }
0x94: {  	_ =	strace s3  }
0x95: {  	s3 =	sld [smem:$0x3FFD];
	_ =	sdelay $0x3  }
0x96: {  	_ =	strace s3  }
0x97: {  	_ =	strace $0x8FFFFFFF  }
0x98: {  	s19 =	sld [smem:$0x3FDB];
	_ =	sdelay $0x1  }
0x99: {  	s4 =	simm.s32 $_scs_section_size  }
0x9a: {  	s5 =	simm.s32 $_size__tile_overlayer_lowered;
	s6 =	simm.s32 $_tile_overlayer_lowered  }
0x9b: {  	s22 =	simm.s32 $0x1BFF;
	s21 =	sshll.u32 s6, $0x1;
	s3 =	sadd.s32 s4, s19  }
0x9c: {  	s7 =	simm.s32 $0x0;
	s20 =	sshll.u32 s5, $0x1;
	s5 =	sadd.s32 s21, s3  }
0x9d: {  	[timem:s7], [sflag:s22] =	dma.local [hbm:s5], s20  }
0x9e: {  	_ =	swait.ge [sflag:s22], s20  }
0x9f: {  	s4 =	ssub.s32 $0x0, s20;
	[sflag:s22] =	ssyncset.done $0x0  }
0xa0: {  	[sflag:s22] =	ssyncadd.s32 s4;
	_ =	sdelay $0x1  }
0xa1: {  	s23 =	simm.s32 $0x1B8B  }
0xa2: {  	_ =	swait.ge [sflag:s23], $0x1  }
0xa3: {  	[sflag:s23] =	ssyncset.done $0x0  }
0xa4: {  	s25 =	simm.s32 $0x1B8E;
	s24 =	sld [smem:$0x3FFE];
	[sflag:s23] =	ssyncadd.s32 $0xFFFFFFFF  }
0xa5: {  	s26 =	simm.s32 $execute0_lowered;
	[smem:$0x3FD2] =	sst s25  }
0xa6: {  	s5 =	sshll.u32 s26, $0x1;
	_ =	strace $0x80000049;
	[dreg:$0x1] =	wrdreg $0xFFFFFFFF  }
0xa7: {  	s28 =	simm.s32 $_size_execute0_lowered;
	s3 =	sadd.s32 s3, s5;
	[dreg:$0x0] =	wrdreg $0x0  }
0xa8: {  	s5 =	sshll.u32 s28, $0x1;
	[dreg:$0x2] =	wrdreg s3  }
0xa9: {  	[dreg:$0x3] =	wrdreg s5  }
0xaa: {  	[dreg:$0x4] =	wrdreg $0xC0  }
0xab: {  	_ =	task [dreg:s7], $0x5FFFF  }
0xac: {  	[dreg:$0x1] =	wrdreg $0xFFFFFFFF  }
0xad: {  	[dreg:$0x0] =	wrdreg $0x60  }
0xae: {  	[dreg:$0x2] =	wrdreg s24  }
0xaf: {  	[dreg:$0x3] =	wrdreg s2  }
0xb0: {  	[dreg:$0x4] =	wrdreg $0x1AA300  }
0xb1: {  	[dreg:$0x5] =	wrdreg $0x9  }
0xb2: {  	_ =	task.clear_ibuf [dreg:s7], $0x6FFFF;
	_ =	strace $0x90000049  }
0xb3: {  	s29 =	simm.s32 $0x9;
	_ =	strace $0x8000004B  }
0xb4: {  	_ =	swait.ge [sflag:s29], $0x1  }
0xb5: {  	[sflag:s29] =	ssyncadd.s32 $0xFFFFFFFF  }
0xb6: {  	_ =	strace $0x9000004B  }
0xb7: {  	_ =	sfence  }
0xb8: {  	s30 =	sld [smem:$0x0];
	_ =	sdelay $0x2  }
0xb9: {  	s31 =	sshll.u32 s1, $0xD;
	s1 =	sshrl.u32 s1, $0x2  }
0xba: {  	s3 =	sand.u32 $0x4000, s31;
	s1 =	sadd.s32 s1, s30  }
0xbb: {  	s0 =	sor.u32 s3, s0;
	s1 =	sshll.u32 s1, $0x11  }
0xbc: {  	s0 =	sor.u32 s1, s0  }
0xbd: {  	s0 =	sadd.s32 $0x8F2B, s0  }
0xbe: {  	[sflag:s0] =	ssyncadd.remote.s32 $0x1  }
0xbf: {  	_ =	sfence.sel $0xFFFF  }
0xc0: {  	[dreg:$0x0] =	wrdreg $0xFFFFFFFF;
	(pc) =	sbr.abs _section_cstart, $3  }
0xc1: {  	[dreg:$0x1] =	wrdreg $0xFFFFFFFF  }
0xc2: {  	_ =	task.clear_ibuf [dreg:s7], $0x2FFFF;
	_ =	strace $0x9FFFFFFF  }
0xc3: {  	(tm) =	ssettm $0x7FFFFFFF  }
tec
execute0_lowered:
.L_overlay_start_1:
0x0: {  	(tag) =	ssettag $0x1  }
0x1: {  	s0 =	rddreg [dreg:$0x0]  }
0x2: {  	s1 =	rddreg [dreg:$0x1]  }
0x3: {  	s2 =	rddreg [dreg:$0x2];
	s3 =	simm.s32 $0x0  }
0x4: {  	s4 =	srdreg.scid;
	s9 =	stileid.u32;
	s15 =	simm.s32 $0x2900  }
0x5: {  	s16 =	simm.s32 $0x16200;
	s18 =	simm.s32 $0x18A30;
	s19 =	simm.s32 $0x4  }
0x6: {  	s20 =	simm.s32 $0x19A30;
	s21 =	simm.s32 $0x1;
	s22 =	simm.s32 $0x80  }
0x7: {  	s23 =	simm.s32 $0x18930;
	s24 =	simm.s32 $0x189B0;
	s25 =	simm.s32 $0x2  }
0x8: {  	s26 =	simm.s32 $0x3;
	s28 =	simm.s32 $0x0;
	s29 =	simm.s32 $0x0  }
0x9: {  	[smem:$0x7FF] =	sst s3;
	s4 =	sand.u32 $0x1, s4;
	s5 =	smul.u32 $0x5000, s9  }
0xa: {  	s6 =	sadd.s32 $0xC00, s0;
	s30 =	sadd.s32 $0x600, s0;
	s8 =	sshll.u32 s9, $0x1  }
0xb: {  	s9 =	smul.u32 $0x14000, s9;
	_ =	strace $0x8000004A;
	[dreg:$0x4] =	wrdreg s6  }
0xc: {  	s7 =	smul.u32 $0x50000, s4;
	[dreg:$0x5] =	wrdreg s30;
	s10 =	ssub.s32 $0x2, s4  }
0xd: {  	s6 =	sadd.s32 $0x3400, s0;
	s4 =	sor.u32 s4, s8;
	s31 =	sshrl.u32 s10, $0x1  }
0xe: {  	s4 =	smul.u32 $0x520, s4;
	s9 =	sshrl.u32 s9, $0x2;
	s8 =	sadd.s32 s5, s2  }
0xf: {  	v1 =	vlaneseq.u32;
	s7 =	sadd.s32 s5, s7;
	s14 =	ssub.s32 s10, s31;
	s12 =	sadd.s32 s9, s2  }
0x10: {  	v1 =	vmul.u32 $0x20, v1;
	s7 =	sshrl.u32 s7, $0x3;
	s9 =	sadd.s32 $0x1000, s12;
	s10 =	sadd.s32 $0x2000, s12  }
0x11: {  	s11 =	sadd.s32 $0x3000, s12;
	s12 =	sadd.s32 $0x4000, s12;
	s0 =	sadd.s32 s7, s0  }
0x12: {  	v0 =	vimm.f32 $0.0e+00;
	[tilespmem:$0x1FFF0] =	vst v1;
	s14 =	smax.u32 s14, $0x1;
	s7 =	sadd.s32 s1, s4;
	s13 =	sadd.s32 $0x3600, s0  }
.LBB2_1:
0x13: {  	[tilespmem:s3], [sflag:$0x1] =	stream.linear.gather [hbm4b:s7+s3], $0x2900, $0x38;
	[tilespmem:$0x1FA30] =	vst v63  }
0x14: {  	s0 =	rddreg [dreg:$0x4]  }
0x15: {  	[tilespmem:s15], [sflag:$0x1] =	stream.linear.gather [hbm4b:s0+s3], $0x13900, $0x38;
	[tilespmem:$0x1FA30] =	vst v63  }
0x16: {  	s30 =	rddreg [dreg:$0x5]  }
0x17: {  	[tilespmem:s16], [sflag:$0x1] =	stream.linear.gather [hbm4b:s30+s3], $0x2720, $0x38;
	[tilespmem:$0x1FA30] =	vst v63  }
0x18: {  	s31 =	simm.s32 $0x18920;
	s0 =	simm.s32 $0x0  }
0x19: {  	[tilespmem:s31], [sflag:$0x1] =	stream.linear.gather [hbm4b:s6+s3], $0x10, $0x38;
	[tilespmem:$0x1FA30] =	vst v63  }
.LBB2_2:
0x1a: {  	p0 =	sne.s32 s0, $0x3F80  }
.Ltmp0:
0x1b: {  	_ = 	snop;
	(pc) =	sbr.rel @p0 .LBB2_2-.Ltmp0, $4  }
0x1c: {  	_ = 	snop  }
0x1d: {  	s1 =	sshra.s32 s0, $0x2  }
0x1e: {  	[tilespmem:s1+$0x18A30] =	vst v0  }
0x1f: {  	s0 =	sadd.s32 $0x80, s0;
	[tilespmem:s1+$0x18A40] =	vst v0  }
0x20: {  	s0 =	simm.s32 $0x80;
	s1 =	simm.s32 $0x0  }
.LBB2_4:
0x21: {  	p0 =	sne.s32 s0, $0x3F80;
	[tilespmem:s1+$0x19A30] =	vst v0;
	s4 =	smov.u32 s0;
	s0 =	sadd.s32 $0x80, s0  }
.Ltmp1:
0x22: {  	[tilespmem:s1+$0x19A40] =	vst v0;
	(pc) =	sbr.rel @p0 .LBB2_4-.Ltmp1, $2  }
0x23: {  	_ =	sdelay $0x2  }
0x24: {  	s1 =	sshra.s32 s4, $0x2  }
0x25: {  	[tilespmem:s1+$0x19A30] =	vst v0  }
0x26: {  	[tilespmem:s1+$0x19A40] =	vst v0  }
0x27: {  	[spmem:s8] =	stream.linear.scatter [tilespmem:s18], [sflag:$0x4], $0x1000, $0x38;
	[tilespmem:$0x1FA30] =	vst v63  }
0x28: {  	_ =	swait.ge [sflag:s19], $0x1000  }
0x29: {  	[sflag:s19] =	ssyncset.done $0x0  }
0x2a: {  	[sflag:s19] =	ssyncadd.s32 $0xFFFFF000  }
0x2b: {  	[spmem:s9] =	stream.linear.scatter [tilespmem:s20], [sflag:$0x4], $0x1000, $0x38;
	[tilespmem:$0x1FA30] =	vst v63  }
0x2c: {  	_ =	swait.ge [sflag:s19], $0x1000  }
0x2d: {  	[sflag:s19] =	ssyncset.done $0x0  }
0x2e: {  	[sflag:s19] =	ssyncadd.s32 $0xFFFFF000  }
0x2f: {  	[spmem:s10] =	stream.linear.scatter [tilespmem:s18], [sflag:$0x4], $0x1000, $0x38;
	[tilespmem:$0x1FA30] =	vst v63  }
0x30: {  	_ =	swait.ge [sflag:s19], $0x1000  }
0x31: {  	[sflag:s19] =	ssyncset.done $0x0  }
0x32: {  	[sflag:s19] =	ssyncadd.s32 $0xFFFFF000  }
0x33: {  	[spmem:s11] =	stream.linear.scatter [tilespmem:s20], [sflag:$0x4], $0x1000, $0x38;
	[tilespmem:$0x1FA30] =	vst v63  }
0x34: {  	_ =	swait.ge [sflag:s19], $0x1000  }
0x35: {  	[sflag:s19] =	ssyncset.done $0x0  }
0x36: {  	[sflag:s19] =	ssyncadd.s32 $0xFFFFF000  }
0x37: {  	[spmem:s12] =	stream.linear.scatter [tilespmem:s18], [sflag:$0x4], $0x1000, $0x38;
	[tilespmem:$0x1FA30] =	vst v63  }
0x38: {  	_ =	swait.ge [sflag:s19], $0x1000  }
0x39: {  	[sflag:s19] =	ssyncset.done $0x0  }
0x3a: {  	[sflag:s19] =	ssyncadd.s32 $0xFFFFF000  }
0x3b: {  	_ =	swait.ge [sflag:s21], $0x2900  }
0x3c: {  	[sflag:s21] =	ssyncset.done $0x0  }
0x3d: {  	[sflag:s21] =	ssyncadd.s32 $0xFFFFD700  }
0x3e: {  	_ =	swait.ge [sflag:s21], $0x13900  }
0x3f: {  	[sflag:s21] =	ssyncset.done $0x0  }
0x40: {  	[sflag:s21] =	ssyncadd.s32 $0xFFFEC700  }
0x41: {  	_ =	swait.ge [sflag:s21], $0x2720  }
0x42: {  	[sflag:s21] =	ssyncset.done $0x0  }
0x43: {  	[sflag:s21] =	ssyncadd.s32 $0xFFFFD8E0  }
0x44: {  	_ =	swait.ge [sflag:s21], $0x10  }
0x45: {  	[sflag:s21] =	ssyncset.done $0x0  }
0x46: {  	s30 =	simm.s32 $0x80;
	[sflag:s21] =	ssyncadd.s32 $0xFFFFFFF0  }
0x47: {  	s31 =	simm.s32 $0x0;
	s0 =	simm.s32 $0x0;
	[bflag:$0x0] =	sbarrier.arrive $0xFFFF  }
.LBB2_6:
0x48: {  	p0 =	seq.s32 s0, $0x0  }
0x49: {  	s1 =	simm.s32 @!p0 $0x2  }
0x4a: {  	_ =	swait.ge @!p0 [sflag:s1], $0x1000  }
0x4b: {  	[sflag:s1] =	ssyncset.done @!p0 $0x0  }
0x4c: {  	[sflag:s1] =	ssyncadd.s32 @!p0 $0xFFFFF000  }
0x4d: {  	v15 =	vld [tilespmem:s31+$0x0];
	_ =	sdelay $0x4  }
0x4e: {  	v2 =	vshll.u32 v15, $0x3  }
0x4f: {  	v3 =	vshrl.u32 v15, $0xE;
	v4 =	vand.u32 $0x1FFF8, v2  }
0x50: {  	v5 =	vshll.u32 v3, $0x3  }
0x51: {  	v6 =	vor.u32 $0x5, v4  }
0x52: {  	s17 =	simm.s32 $0x18930;
	v7 =	vor.u32 $0x5, v5  }
0x53: {  	v0 =	vld [tilespmem:$0x18920];
	[tilespmem:s17+$0x0] =	vst v3;
	v3 =	vor.u32 $0x4, v4  }
0x54: {  	v9 =	vor.u32 $0x4, v5;
	v8 =	vld.idx.msk [tilespmem:v4+s15+$0x0], $0xffff  }
0x55: {  	v11 =	vor.u32 $0x3, v4;
	v10 =	vld.idx.msk [tilespmem:v5+s15+$0x0], $0xffff  }
0x56: {  	v12 =	vor.u32 $0x3, v5;
	v18 =	vld.idx.msk [tilespmem:v6+s15+$0x0], $0xffff  }
0x57: {  	v13 =	vor.u32 $0x2, v5;
	v7 =	vld.idx.msk [tilespmem:v7+s15+$0x0], $0xffff  }
0x58: {  	v14 =	vor.u32 $0x1, v4;
	v3 =	vld.idx.msk [tilespmem:v3+s15+$0x0], $0xffff  }
0x59: {  	v16 =	vor.u32 $0x1, v5;
	v9 =	vld.idx.msk [tilespmem:v9+s15+$0x0], $0xffff  }
0x5a: {  	v6 =	vor.u32 $0x2, v4;
	v11 =	vld.idx.msk [tilespmem:v11+s15+$0x0], $0xffff  }
0x5b: {  	v19 =	vld.idx.msk [tilespmem:v12+s15+$0x0], $0xffff  }
0x5c: {  	v20 =	vor.u32 $0x7, v4;
	v21 =	vor.u32 $0x6, v4;
	v23 =	vld.idx.msk [tilespmem:v13+s15+$0x0], $0xffff  }
0x5d: {  	v22 =	vor.u32 $0x7, v5;
	v5 =	vor.u32 $0x6, v5;
	v25 =	vld.idx.msk [tilespmem:v14+s15+$0x0], $0xffff;
	v2 =	vunpack.i.u.bf16.f32 v8  }
0x5e: {  	v27 =	vld.idx.msk [tilespmem:v16+s15+$0x0], $0xffff;
	v37 =	vunpack.i.l.bf16.f32 v8;
	v24 =	vunpack.i.u.bf16.f32 v10;
	v10 =	vunpack.i.l.bf16.f32 v10  }
0x5f: {  	v4 =	vld.idx.msk [tilespmem:v6+s15+$0x0], $0xffff;
	v8 =	vunpack.i.u.bf16.f32 v3;
	v6 =	vunpack.i.l.bf16.f32 v18;
	v26 =	vunpack.i.l.bf16.f32 v7  }
0x60: {  	v12 =	vunpack.i.l.bf16.f32 v3;
	v3 =	vunpack.i.u.bf16.f32 v9;
	v13 =	vunpack.i.u.bf16.f32 v11  }
0x61: {  	v14 =	vunpack.i.l.bf16.f32 v11;
	v10 =	vmul.f32 v10, v37;
	v11 =	vmul.f32 v24, v2  }
0x62: {  	v24 =	vunpack.i.u.bf16.f32 v19;
	v19 =	vunpack.i.l.bf16.f32 v19;
	v17 =	vunpack.i.u.bf16.f32 v25  }
0x63: {  	v46 =	vunpack.i.l.bf16.f32 v25;
	v25 =	vunpack.i.l.bf16.f32 v27;
	v27 =	vunpack.i.u.bf16.f32 v27  }
0x64: {  	v28 =	vunpack.i.l.bf16.f32 v23;
	v25 =	vmul.f32 v25, v46;
	v27 =	vmul.f32 v27, v17  }
0x65: {  	v23 =	vunpack.i.u.bf16.f32 v23;
	v9 =	vunpack.i.l.bf16.f32 v9;
	[tilespmem:$0x1FFE0] =	vst v17;
	v10 =	vadd.f32 v10, v11  }
0x66: {  	v22 =	vld.idx.msk [tilespmem:v22+s15+$0x0], $0xffff;
	v25 =	vadd.f32 v25, v27;
	v16 =	vunpack.i.l.bf16.f32 v4;
	v4 =	vunpack.i.u.bf16.f32 v4  }
0x67: {  	v21 =	vld.idx.msk [tilespmem:v21+s15+$0x0], $0xffff;
	v10 =	vadd.f32 $0.0e+00, v10;
	v11 =	vmul.f32 v28, v16;
	v23 =	vmul.f32 v23, v4  }
0x68: {  	v7 =	vunpack.i.u.bf16.f32 v7;
	v19 =	vmul.f32 v19, v14;
	v24 =	vmul.f32 v24, v13;
	v20 =	vld.idx.msk [tilespmem:v20+s15+$0x0], $0xffff  }
0x69: {  	v27 =	vld.idx.msk [tilespmem:v5+s15+$0x0], $0xffff;
	v5 =	vunpack.i.u.bf16.f32 v18;
	v10 =	vadd.f32 v25, v10;
	v11 =	vadd.f32 v11, v23  }
0x6a: {  	v26 =	vmul.f32 v26, v6;
	v19 =	vadd.f32 v19, v24;
	v24 =	vmul.f32 v7, v5  }
0x6b: {  	v9 =	vmul.f32 v9, v12;
	v23 =	vmul.f32 v3, v8;
	v10 =	vadd.f32 v11, v10  }
0x6c: {  	v24 =	vadd.f32 v26, v24;
	v18 =	vunpack.i.l.bf16.f32 v22;
	v7 =	vunpack.i.l.bf16.f32 v21  }
0x6d: {  	v3 =	vunpack.i.l.bf16.f32 v20;
	v10 =	vadd.f32 v19, v10;
	v19 =	vadd.f32 v9, v23  }
0x6e: {  	v23 =	vunpack.i.l.bf16.f32 v27;
	v9 =	vunpack.i.u.bf16.f32 v21;
	v21 =	vunpack.i.u.bf16.f32 v27  }
0x6f: {  	v23 =	vmul.f32 v23, v7;
	v21 =	vmul.f32 v21, v9;
	v19 =	vadd.f32 v19, v10  }
0x70: {  	v18 =	vmul.f32 v18, v3;
	v10 =	vunpack.i.u.bf16.f32 v20;
	v20 =	vunpack.i.u.bf16.f32 v22  }
0x71: {  	v21 =	vadd.f32 v23, v21;
	v20 =	vmul.f32 v20, v10;
	v19 =	vadd.f32 v24, v19  }
0x72: {  	s17 =	sadd.s32 $0x10, s31  }
0x73: {  	v11 =	vld [tilespmem:s17+$0x0];
	v18 =	vadd.f32 v18, v20;
	v19 =	vadd.f32 v21, v19;
	_ =	sdelay $0x1  }
0x74: {  	v18 =	vadd.f32 v18, v19;
	_ =	sdelay $0x1  }
0x75: {  	v18 =	vmul.f32 v18, v0  }
0x76: {  	v15 =	vand.u32 $0x3FFF, v15;
	v22 =	vshll.u32 v11, $0x3  }
0x77: {  	v20 =	vshrl.u32 v11, $0xE;
	v21 =	vand.u32 $0x1FFF8, v22;
	v18 =	vmul.f32 $1.442695020e+00, v18  }
0x78: {  	s1 =	simm.s32 $0x18940;
	[tilespmem:$0x1FFD0] =	vst v0;
	v25 =	vshll.u32 v20, $0x3  }
0x79: {  	[tilespmem:s1+$0x0] =	vst v20;
	v20 =	vor.u32 $0x4, v21;
	(erf) = vpow2.f32 v18  }
0x7a: {  	v23 =	vor.u32 $0x4, v25  }
0x7b: {  	v43 =	vld.idx.msk [tilespmem:v15+s16+$0x0], $0xffff;
	v22 =	vmov s29;
	v24 =	vor.u32 $0x3, v21  }
0x7c: {  	v22 =	vshll.u32 v22, $0x5;
	v42 =	vor.u32 $0x3, v25;
	v48 =	vor.u32 $0x1, v21;
	v15 =	vld.idx.msk [tilespmem:v21+s15+$0x0], $0xffff  }
0x7d: {  	v61 =	vor.u32 $0x6, v21;
	v53 =	vor.u32 $0x7, v25;
	v19 =	vor.u32 $0x5, v21;
	v44 =	vld.idx.msk [tilespmem:v25+s15+$0x0], $0xffff  }
0x7e: {  	v57 =	vor.u32 $0x1, v25;
	v56 =	vor.u32 v1, v22;
	v22 =	vor.u32 $0x5, v25;
	v20 =	vld.idx.msk [tilespmem:v20+s15+$0x0], $0xffff  }
0x7f: {  	v47 =	vor.u32 $0x6, v25;
	v51 =	vor.u32 $0x10, v56;
	v58 =	vor.u32 $0x1, v56;
	v45 =	vld.idx.msk [tilespmem:v23+s15+$0x0], $0xffff  }
0x80: {  	v35 =	vor.u32 $0x2, v56;
	v38 =	vor.u32 $0x3, v56;
	v36 =	vor.u32 $0x4, v56;
	v49 =	vld.idx.msk [tilespmem:v24+s15+$0x0], $0xffff  }
0x81: {  	v32 =	vor.u32 $0x5, v56;
	v33 =	vor.u32 $0x6, v56;
	v34 =	vor.u32 $0x7, v56;
	v60 =	vld.idx.msk [tilespmem:v42+s15+$0x0], $0xffff  }
0x82: {  	v31 =	vor.u32 $0x8, v56;
	v30 =	vor.u32 $0x9, v56;
	v39 =	vld.idx.msk [tilespmem:v19+s15+$0x0], $0xffff;
	v19 =	vor.u32 $0x2, v21;
	v0 =	vpop (erf)  }
0x83: {  	v29 =	vor.u32 $0xA, v56;
	v40 =	vld.idx.msk [tilespmem:v22+s15+$0x0], $0xffff;
	v22 =	vor.u32 $0x2, v25;
	v43 =	vmul.f32 v0, v43  }
0x84: {  	v28 =	vor.u32 $0xB, v56;
	v27 =	vor.u32 $0xC, v56;
	v26 =	vor.u32 $0xD, v56;
	v55 =	vld.idx.msk [tilespmem:v48+s15+$0x0], $0xffff  }
0x85: {  	v23 =	vor.u32 $0xE, v56;
	v48 =	vld.idx.msk [tilespmem:v61+s15+$0x0], $0xffff;
	v18 =	vor.u32 $0x7, v21;
	v61 =	vmul.f32 v43, v37  }
0x86: {  	v54 =	vunpack.i.u.bf16.f32 v44;
	v59 =	vunpack.i.l.bf16.f32 v44;
	v44 =	vld.idx.msk [tilespmem:v53+s15+$0x0], $0xffff;
	[tilespmem:v51+s18+$0x0] =	vst.idx.msk $0xffff, v0;
	v0 =	vmul.f32 v43, v2  }
0x87: {  	v24 =	vor.u32 $0xF, v56;
	v21 =	vunpack.i.u.bf16.f32 v15;
	v15 =	vunpack.i.l.bf16.f32 v15;
	v52 =	vld.idx.msk [tilespmem:v19+s15+$0x0], $0xffff;
	[tilespmem:v56+s18+$0x0] =	vst.idx.msk $0xffff, v61  }
0x88: {  	v63 =	vunpack.i.u.bf16.f32 v45;
	v17 =	vunpack.i.l.bf16.f32 v45;
	v25 =	vunpack.i.l.bf16.f32 v49;
	v50 =	vld.idx.msk [tilespmem:v22+s15+$0x0], $0xffff;
	[tilespmem:v58+s18+$0x0] =	vst.idx.msk $0xffff, v0  }
0x89: {  	v53 =	vmul.f32 v59, v15;
	v54 =	vmul.f32 v54, v21;
	v59 =	vunpack.i.u.bf16.f32 v60;
	v0 =	vld [tilespmem:$0x1FFE0]  }
0x8a: {  	v41 =	vunpack.i.l.bf16.f32 v60;
	v19 =	vunpack.i.u.bf16.f32 v20;
	v62 =	vunpack.i.l.bf16.f32 v40  }
0x8b: {  	v20 =	vunpack.i.l.bf16.f32 v20;
	v22 =	vunpack.i.u.bf16.f32 v49;
	v42 =	vld.idx.msk [tilespmem:v18+s15+$0x0], $0xffff;
	v18 =	vunpack.i.l.bf16.f32 v39  }
0x8c: {  	v49 =	vmul.f32 v17, v20;
	v17 =	vunpack.i.u.bf16.f32 v55;
	v45 =	vmul.f32 v62, v18  }
0x8d: {  	v60 =	vunpack.i.l.bf16.f32 v50;
	v51 =	vmul.f32 v63, v19;
	v56 =	vmul.f32 v43, v46  }
0x8e: {  	s4 =	simm.s32 $0x10;
	s5 =	simm.s32 $0x20;
	v57 =	vld.idx.msk [tilespmem:v57+s15+$0x0], $0xffff;
	v37 =	vunpack.i.l.bf16.f32 v52;
	v46 =	vmul.f32 v41, v25;
	v58 =	vmul.f32 v43, v0  }
.LBB2_7:
0x8f: {  	v0 =	vmul.f32 v59, v22;
	v16 =	vmul.f32 v43, v16  }
0x90: {  	v59 =	vmul.f32 v60, v37;
	v60 =	vmul.f32 v43, v4  }
0x91: {  	v41 =	vunpack.i.l.bf16.f32 v55;
	v14 =	vmul.f32 v43, v14;
	v13 =	vmul.f32 v43, v13;
	[tilespmem:v35+s18+$0x0] =	vst.idx.msk $0xffff, v56  }
0x92: {  	v62 =	vunpack.i.u.bf16.f32 v50;
	v12 =	vmul.f32 v43, v12;
	v8 =	vmul.f32 v43, v8;
	[tilespmem:v38+s18+$0x0] =	vst.idx.msk $0xffff, v58  }
0x93: {  	v61 =	vadd.f32 v53, v54;
	v63 =	vunpack.i.l.bf16.f32 v57;
	v4 =	vunpack.i.u.bf16.f32 v57;
	[tilespmem:v36+s18+$0x0] =	vst.idx.msk $0xffff, v16  }
0x94: {  	v35 =	vmul.f32 v63, v41;
	v16 =	vmul.f32 v4, v17;
	v4 =	vunpack.i.u.bf16.f32 v52;
	[tilespmem:v32+s18+$0x0] =	vst.idx.msk $0xffff, v60  }
0x95: {  	v6 =	vmul.f32 v43, v6;
	[tilespmem:v33+s18+$0x0] =	vst.idx.msk $0xffff, v14;
	v14 =	vmul.f32 v62, v4  }
0x96: {  	v16 =	vadd.f32 v35, v16;
	v33 =	vld.idx.msk [tilespmem:v47+s15+$0x0], $0xffff;
	[tilespmem:v34+s18+$0x0] =	vst.idx.msk $0xffff, v13;
	v13 =	vadd.f32 $0.0e+00, v61  }
0x97: {  	v1 =	vmul.f32 v43, v3;
	[tilespmem:v31+s18+$0x0] =	vst.idx.msk $0xffff, v12;
	v12 =	vadd.f32 v59, v14  }
0x98: {  	[tilespmem:v30+s18+$0x0] =	vst.idx.msk $0xffff, v8;
	v8 =	vmul.f32 v43, v5;
	v13 =	vadd.f32 v16, v13  }
0x99: {  	v0 =	vadd.f32 v46, v0;
	v5 =	vunpack.i.u.bf16.f32 v39;
	[tilespmem:v29+s18+$0x0] =	vst.idx.msk $0xffff, v6;
	v6 =	vmul.f32 v43, v7  }
0x9a: {  	v7 =	vunpack.i.u.bf16.f32 v40;
	[tilespmem:v28+s18+$0x0] =	vst.idx.msk $0xffff, v8;
	v8 =	vmul.f32 v43, v9;
	v9 =	vadd.f32 v12, v13  }
0x9b: {  	[tilespmem:v27+s18+$0x0] =	vst.idx.msk $0xffff, v6;
	v6 =	vmul.f32 v7, v5;
	v7 =	vunpack.i.l.bf16.f32 v48;
	v12 =	vunpack.i.l.bf16.f32 v33  }
0x9c: {  	v13 =	vunpack.i.u.bf16.f32 v33;
	[tilespmem:v26+s18+$0x0] =	vst.idx.msk $0xffff, v8;
	v0 =	vadd.f32 v0, v9;
	v9 =	vunpack.i.u.bf16.f32 v48  }
0x9d: {  	s17 =	sadd.s32 $0x10, s17;
	[tilespmem:v23+s18+$0x0] =	vst.idx.msk $0xffff, v1;
	v1 =	vmul.f32 v12, v7;
	v2 =	vmul.f32 v13, v9  }
0x9e: {  	v8 =	vmul.f32 v43, v10;
	v10 =	vadd.f32 v49, v51;
	v23 =	vld [tilespmem:s17+$0x0]  }
0x9f: {  	v26 =	vadd.f32 v45, v6;
	v6 =	vmov v18;
	v18 =	vadd.f32 v1, v2;
	v1 =	vld [tilespmem:$0x1FFF0]  }
0xa0: {  	v14 =	vunpack.i.l.bf16.f32 v42;
	v0 =	vadd.f32 v10, v0  }
0xa1: {  	v46 =	vmovc v21;
	v21 =	vunpack.i.u.bf16.f32 v44;
	v16 =	vunpack.i.l.bf16.f32 v44;
	v3 =	vmovc v14;
	v10 =	vunpack.i.u.bf16.f32 v42  }
0xa2: {  	[tilespmem:v24+s18+$0x0] =	vst.idx.msk $0xffff, v8;
	v24 =	vmul.f32 v16, v3;
	v13 =	vmovc v22;
	v22 =	vmov s4;
	v0 =	vadd.f32 v26, v0  }
0xa3: {  	v12 =	vmovc v20;
	v20 =	vand.u32 $0x3FFF, v11;
	v22 =	vshll.u32 v22, $0x5;
	v8 =	vmovc v19;
	v19 =	vmul.f32 v21, v10  }
0xa4: {  	v0 =	vadd.f32 v18, v0;
	v21 =	vshll.u32 v23, $0x3;
	v11 =	vmovc v23;
	v56 =	vor.u32 v1, v22;
	v1 =	vld [tilespmem:$0x1FFD0]  }
0xa5: {  	v18 =	vadd.f32 v24, v19;
	v19 =	vshrl.u32 v11, $0xE;
	v21 =	vand.u32 $0x1FFF8, v21  }
0xa6: {  	v14 =	vmov v25;
	v25 =	vshll.u32 v19, $0x3  }
0xa7: {  	s1 =	sadd.s32 $0x10, s1;
	v0 =	vadd.f32 v18, v0;
	v18 =	vor.u32 $0x5, v21  }
0xa8: {  	[tilespmem:s1+$0x0] =	vst v19;
	v24 =	vor.u32 $0x3, v21  }
0xa9: {  	v16 =	vmovc v37;
	v51 =	vor.u32 $0x10, v56;
	v22 =	vor.u32 $0x5, v25;
	v37 =	vld.idx.msk [tilespmem:v20+s16+$0x0], $0xffff;
	v0 =	vmul.f32 v0, v1  }
0xaa: {  	v19 =	vor.u32 $0x4, v21;
	v58 =	vor.u32 $0x1, v56;
	v35 =	vor.u32 $0x2, v56;
	v20 =	vld.idx.msk [tilespmem:v21+s15+$0x0], $0xffff  }
0xab: {  	v38 =	vor.u32 $0x3, v56;
	v23 =	vor.u32 $0x4, v25;
	v43 =	vld.idx.msk [tilespmem:v25+s15+$0x0], $0xffff;
	v0 =	vmul.f32 $1.442695020e+00, v0  }
0xac: {  	v36 =	vor.u32 $0x4, v56;
	v32 =	vor.u32 $0x5, v56;
	v63 =	vor.u32 $0x3, v25;
	v39 =	vld.idx.msk [tilespmem:v18+s15+$0x0], $0xffff  }
0xad: {  	v33 =	vor.u32 $0x6, v56;
	v34 =	vor.u32 $0x7, v56;
	v48 =	vld.idx.msk [tilespmem:v24+s15+$0x0], $0xffff;
	(erf) = vpow2.f32 v0  }
0xae: {  	v31 =	vor.u32 $0x8, v56;
	v30 =	vor.u32 $0x9, v56;
	v29 =	vor.u32 $0xA, v56;
	v40 =	vld.idx.msk [tilespmem:v22+s15+$0x0], $0xffff  }
0xaf: {  	v28 =	vor.u32 $0xB, v56;
	v27 =	vor.u32 $0xC, v56;
	v18 =	vor.u32 $0x2, v21;
	v22 =	vld.idx.msk [tilespmem:v19+s15+$0x0], $0xffff  }
0xb0: {  	v45 =	vor.u32 $0x1, v21;
	v26 =	vor.u32 $0xD, v56;
	v19 =	vor.u32 $0x2, v25;
	v44 =	vld.idx.msk [tilespmem:v23+s15+$0x0], $0xffff  }
0xb1: {  	v60 =	vor.u32 $0x6, v21;
	v53 =	vor.u32 $0x7, v25;
	v57 =	vor.u32 $0x1, v25;
	v49 =	vld.idx.msk [tilespmem:v63+s15+$0x0], $0xffff  }
0xb2: {  	v47 =	vor.u32 $0x6, v25;
	v24 =	vor.u32 $0xF, v56;
	v0 =	vor.u32 $0x7, v21  }
0xb3: {  	v23 =	vor.u32 $0xE, v56;
	v21 =	vunpack.i.u.bf16.f32 v20;
	v54 =	vunpack.i.u.bf16.f32 v43  }
0xb4: {  	v59 =	vunpack.i.l.bf16.f32 v43;
	v52 =	vld.idx.msk [tilespmem:v18+s15+$0x0], $0xffff;
	v18 =	vunpack.i.l.bf16.f32 v39;
	v25 =	vunpack.i.l.bf16.f32 v48  }
0xb5: {  	v50 =	vld.idx.msk [tilespmem:v19+s15+$0x0], $0xffff;
	v19 =	vunpack.i.u.bf16.f32 v22;
	v61 =	vunpack.i.l.bf16.f32 v40;
	v62 =	vunpack.i.u.bf16.f32 v44  }
0xb6: {  	v55 =	vld.idx.msk [tilespmem:v45+s15+$0x0], $0xffff;
	v63 =	vunpack.i.l.bf16.f32 v44;
	v54 =	vmul.f32 v54, v21;
	v2 =	vunpack.i.l.bf16.f32 v49;
	v1 =	vpop (erf)  }
0xb7: {  	p1 =	sne.s32 s5, $0x70;
	v45 =	vmul.f32 v61, v18;
	v42 =	vld.idx.msk [tilespmem:v0+s15+$0x0], $0xffff;
	v0 =	vunpack.i.l.bf16.f32 v20;
	v43 =	vmul.f32 v1, v37  }
.Ltmp2:
0xb8: {  	v44 =	vld.idx.msk [tilespmem:v53+s15+$0x0], $0xffff;
	v20 =	vunpack.i.l.bf16.f32 v22;
	v22 =	vunpack.i.u.bf16.f32 v48;
	v53 =	vmul.f32 v59, v0;
	(pc) =	sbr.rel @p1 .LBB2_7-.Ltmp2, $4  }
0xb9: {  	v57 =	vld.idx.msk [tilespmem:v57+s15+$0x0], $0xffff;
	v59 =	vunpack.i.u.bf16.f32 v49;
	v49 =	vmul.f32 v63, v20;
	v61 =	vmul.f32 v43, v15  }
0xba: {  	v48 =	vld.idx.msk [tilespmem:v60+s15+$0x0], $0xffff;
	v60 =	vunpack.i.l.bf16.f32 v50;
	[tilespmem:v51+s18+$0x0] =	vst.idx.msk $0xffff, v1;
	v15 =	vmov v0;
	v0 =	vmul.f32 v43, v46  }
0xbb: {  	v37 =	vunpack.i.l.bf16.f32 v52;
	v51 =	vmul.f32 v62, v19;
	v46 =	vmul.f32 v2, v25;
	[tilespmem:v56+s18+$0x0] =	vst.idx.msk $0xffff, v61  }
0xbc: {  	s4 =	smov.u32 s5;
	s5 =	sadd.s32 $0x10, s5;
	v56 =	vmul.f32 v43, v41;
	[tilespmem:v58+s18+$0x0] =	vst.idx.msk $0xffff, v0;
	v58 =	vmul.f32 v43, v17;
	v17 =	vunpack.i.u.bf16.f32 v55  }
0xbd: {  	_ = 	snop  }
0xbe: {  	v0 =	vunpack.i.l.bf16.f32 v55;
	v1 =	vunpack.i.l.bf16.f32 v57;
	v2 =	vunpack.i.u.bf16.f32 v57  }
0xbf: {  	v41 =	vadd.f32 v53, v54;
	v1 =	vmul.f32 v1, v0;
	v2 =	vmul.f32 v2, v17  }
0xc0: {  	v63 =	vmul.f32 v60, v37;
	v52 =	vunpack.i.u.bf16.f32 v52;
	v50 =	vunpack.i.u.bf16.f32 v50  }
0xc1: {  	v47 =	vld.idx.msk [tilespmem:v47+s15+$0x0], $0xffff;
	v50 =	vmul.f32 v50, v52;
	v41 =	vadd.f32 $0.0e+00, v41;
	v1 =	vadd.f32 v1, v2;
	_ =	sdelay $0x1  }
0xc2: {  	v50 =	vadd.f32 v63, v50;
	v2 =	vmul.f32 v59, v22;
	v1 =	vadd.f32 v1, v41  }
0xc3: {  	v39 =	vunpack.i.u.bf16.f32 v39;
	v40 =	vunpack.i.u.bf16.f32 v40  }
0xc4: {  	v60 =	vunpack.i.u.bf16.f32 v42;
	v2 =	vadd.f32 v46, v2;
	v1 =	vadd.f32 v50, v1  }
0xc5: {  	v40 =	vmul.f32 v40, v39;
	v57 =	vunpack.i.u.bf16.f32 v48;
	v55 =	vunpack.i.l.bf16.f32 v47  }
0xc6: {  	v47 =	vunpack.i.u.bf16.f32 v47;
	v1 =	vadd.f32 v2, v1;
	v2 =	vadd.f32 v49, v51  }
0xc7: {  	v61 =	vunpack.i.u.bf16.f32 v44;
	v54 =	vunpack.i.l.bf16.f32 v48;
	v59 =	vmul.f32 v47, v57  }
0xc8: {  	v49 =	vmul.f32 v55, v54;
	v1 =	vadd.f32 v2, v1;
	v2 =	vadd.f32 v45, v40  }
0xc9: {  	v53 =	vunpack.i.l.bf16.f32 v44;
	v63 =	vmul.f32 v61, v60;
	v41 =	vunpack.i.l.bf16.f32 v42  }
0xca: {  	v62 =	vmul.f32 v53, v41;
	v1 =	vadd.f32 v2, v1;
	v2 =	vadd.f32 v49, v59;
	_ =	sdelay $0x1  }
0xcb: {  	v1 =	vadd.f32 v2, v1;
	v2 =	vadd.f32 v62, v63;
	_ =	sdelay $0x1  }
0xcc: {  	v1 =	vadd.f32 v2, v1;
	v2 =	vld [tilespmem:$0x1FFD0];
	_ =	sdelay $0x4  }
0xcd: {  	v1 =	vmul.f32 v1, v2;
	_ =	sdelay $0x1  }
0xce: {  	[tilespmem:v35+s18+$0x0] =	vst.idx.msk $0xffff, v56;
	v2 =	vmul.f32 v43, v16;
	v1 =	vmul.f32 $1.442695020e+00, v1  }
0xcf: {  	v4 =	vmul.f32 v43, v4;
	[tilespmem:v38+s18+$0x0] =	vst.idx.msk $0xffff, v58  }
0xd0: {  	[tilespmem:v36+s18+$0x0] =	vst.idx.msk $0xffff, v2;
	(erf) = vpow2.f32 v1;
	v1 =	vmul.f32 v43, v14  }
0xd1: {  	v2 =	vmul.f32 v43, v13;
	[tilespmem:v32+s18+$0x0] =	vst.idx.msk $0xffff, v4  }
0xd2: {  	[tilespmem:v33+s18+$0x0] =	vst.idx.msk $0xffff, v1;
	v1 =	vmul.f32 v43, v12  }
0xd3: {  	[tilespmem:v34+s18+$0x0] =	vst.idx.msk $0xffff, v2;
	v2 =	vmul.f32 v43, v8  }
0xd4: {  	[tilespmem:v31+s18+$0x0] =	vst.idx.msk $0xffff, v1;
	v1 =	vmul.f32 v43, v6  }
0xd5: {  	v11 =	vand.u32 $0x3FFF, v11;
	[tilespmem:v30+s18+$0x0] =	vst.idx.msk $0xffff, v2  }
0xd6: {  	[tilespmem:v29+s18+$0x0] =	vst.idx.msk $0xffff, v1  }
0xd7: {  	v29 =	vld [tilespmem:$0x1FFF0];
	_ =	sdelay $0x2  }
0xd8: {  	v4 =	vmov s4;
	v6 =	vld.idx.msk [tilespmem:v11+s16+$0x0], $0xffff  }
0xd9: {  	v4 =	vshll.u32 v4, $0x5;
	v2 =	vmul.f32 v43, v5  }
0xda: {  	v1 =	vmul.f32 v43, v7;
	v4 =	vor.u32 v29, v4  }
0xdb: {  	[tilespmem:v28+s18+$0x0] =	vst.idx.msk $0xffff, v2;
	v2 =	vmul.f32 v43, v9;
	v5 =	vor.u32 $0x10, v4  }
0xdc: {  	[tilespmem:v27+s18+$0x0] =	vst.idx.msk $0xffff, v1;
	v1 =	vmul.f32 v43, v3;
	v3 =	vpop (erf)  }
0xdd: {  	[tilespmem:v26+s18+$0x0] =	vst.idx.msk $0xffff, v2;
	v2 =	vmul.f32 v43, v10;
	v6 =	vmul.f32 v3, v6;
	v7 =	vor.u32 $0x1, v4  }
0xde: {  	[tilespmem:v23+s18+$0x0] =	vst.idx.msk $0xffff, v1;
	v1 =	vor.u32 $0x2, v4  }
0xdf: {  	[tilespmem:v24+s18+$0x0] =	vst.idx.msk $0xffff, v2;
	v8 =	vmul.f32 v6, v15;
	v2 =	vor.u32 $0x3, v4  }
0xe0: {  	v9 =	vor.u32 $0x4, v4;
	[tilespmem:v5+s18+$0x0] =	vst.idx.msk $0xffff, v3;
	v3 =	vmul.f32 v6, v21  }
0xe1: {  	v0 =	vmul.f32 v6, v0;
	v5 =	vor.u32 $0x5, v4;
	[tilespmem:v4+s18+$0x0] =	vst.idx.msk $0xffff, v8  }
0xe2: {  	v8 =	vor.u32 $0x6, v4;
	[tilespmem:v7+s18+$0x0] =	vst.idx.msk $0xffff, v3;
	v3 =	vmul.f32 v6, v17  }
0xe3: {  	v7 =	vor.u32 $0x7, v4;
	[tilespmem:v1+s18+$0x0] =	vst.idx.msk $0xffff, v0;
	v0 =	vmul.f32 v6, v37  }
0xe4: {  	v1 =	vor.u32 $0x8, v4;
	[tilespmem:v2+s18+$0x0] =	vst.idx.msk $0xffff, v3;
	v2 =	vmul.f32 v6, v52  }
0xe5: {  	v3 =	vor.u32 $0x9, v4;
	[tilespmem:v9+s18+$0x0] =	vst.idx.msk $0xffff, v0;
	v0 =	vmul.f32 v6, v25  }
0xe6: {  	v9 =	vor.u32 $0xA, v4;
	[tilespmem:v5+s18+$0x0] =	vst.idx.msk $0xffff, v2;
	v2 =	vmul.f32 v6, v22  }
0xe7: {  	v5 =	vor.u32 $0xB, v4;
	[tilespmem:v8+s18+$0x0] =	vst.idx.msk $0xffff, v0;
	v0 =	vmul.f32 v6, v20  }
0xe8: {  	v8 =	vor.u32 $0xC, v4;
	[tilespmem:v7+s18+$0x0] =	vst.idx.msk $0xffff, v2;
	v2 =	vmul.f32 v6, v19  }
0xe9: {  	v7 =	vor.u32 $0xD, v4;
	[tilespmem:v1+s18+$0x0] =	vst.idx.msk $0xffff, v0;
	v0 =	vmul.f32 v6, v18  }
0xea: {  	v1 =	vor.u32 $0xE, v4;
	[tilespmem:v3+s18+$0x0] =	vst.idx.msk $0xffff, v2;
	v2 =	vmul.f32 v6, v39  }
0xeb: {  	v3 =	vor.u32 $0xF, v4;
	[tilespmem:v9+s18+$0x0] =	vst.idx.msk $0xffff, v0;
	v0 =	vmul.f32 v6, v54  }
0xec: {  	[tilespmem:v5+s18+$0x0] =	vst.idx.msk $0xffff, v2;
	v2 =	vmul.f32 v6, v57  }
0xed: {  	[tilespmem:v8+s18+$0x0] =	vst.idx.msk $0xffff, v0;
	v0 =	vmul.f32 v6, v41  }
0xee: {  	[tilespmem:v7+s18+$0x0] =	vst.idx.msk $0xffff, v2;
	v2 =	vmul.f32 v6, v60  }
0xef: {  	[tilespmem:v1+s18+$0x0] =	vst.idx.msk $0xffff, v0  }
0xf0: {  	s1 =	simm.s32 @!p0 $0x3;
	[tilespmem:v3+s18+$0x0] =	vst.idx.msk $0xffff, v2  }
0xf1: {  	[spmem:s2] =	stream.indirect.scatter.add.f32 [tilespmem:s18], [sflag:$0x2], $0x20, s23, s22, $0xb8;
	[tilespmem:$0x1FA30] =	vst v63  }
0xf2: {  	_ =	swait.ge @!p0 [sflag:s1], $0x1000  }
0xf3: {  	[sflag:s1] =	ssyncset.done @!p0 $0x0  }
0xf4: {  	[sflag:s1] =	ssyncadd.s32 @!p0 $0xFFFFF000  }
0xf5: {  	v0 =	vld [tilespmem:s30+$0x0];
	_ =	sdelay $0x4  }
0xf6: {  	v1 =	vshll.u32 v0, $0x3  }
0xf7: {  	v3 =	vshrl.u32 v0, $0xE;
	v1 =	vand.u32 $0x1FFF8, v1  }
0xf8: {  	v4 =	vshll.u32 v3, $0x3  }
0xf9: {  	v5 =	vor.u32 $0x5, v1  }
0xfa: {  	s4 =	simm.s32 $0x189B0;
	v6 =	vor.u32 $0x5, v4  }
0xfb: {  	v2 =	vld [tilespmem:$0x18920];
	[tilespmem:s4+$0x0] =	vst v3;
	v8 =	vor.u32 $0x4, v4  }
0xfc: {  	v3 =	vor.u32 $0x4, v1;
	v7 =	vld.idx.msk [tilespmem:v1+s15+$0x0], $0xffff  }
0xfd: {  	v10 =	vor.u32 $0x3, v1;
	v9 =	vld.idx.msk [tilespmem:v4+s15+$0x0], $0xffff  }
0xfe: {  	v11 =	vor.u32 $0x3, v4;
	v5 =	vld.idx.msk [tilespmem:v5+s15+$0x0], $0xffff  }
0xff: {  	v15 =	vld.idx.msk [tilespmem:v6+s15+$0x0], $0xffff;
	v6 =	vor.u32 $0x2, v1  }
0x100: {  	v18 =	vld.idx.msk [tilespmem:v8+s15+$0x0], $0xffff;
	v8 =	vor.u32 $0x1, v1  }
0x101: {  	v13 =	vor.u32 $0x1, v4;
	v3 =	vld.idx.msk [tilespmem:v3+s15+$0x0], $0xffff  }
0x102: {  	v10 =	vld.idx.msk [tilespmem:v10+s15+$0x0], $0xffff  }
0x103: {  	v12 =	vor.u32 $0x2, v4;
	v19 =	vor.u32 $0x7, v1;
	v11 =	vld.idx.msk [tilespmem:v11+s15+$0x0], $0xffff;
	v17 =	vunpack.i.u.bf16.f32 v7  }
0x104: {  	v21 =	vor.u32 $0x7, v4;
	v22 =	vor.u32 $0x6, v4;
	v1 =	vor.u32 $0x6, v1;
	v20 =	vld.idx.msk [tilespmem:v6+s15+$0x0], $0xffff;
	[tilespmem:$0x1FFC0] =	vst v17  }
0x105: {  	v37 =	vunpack.i.l.bf16.f32 v7;
	v4 =	vunpack.i.u.bf16.f32 v9;
	v7 =	vunpack.i.l.bf16.f32 v9;
	v9 =	vld.idx.msk [tilespmem:v8+s15+$0x0], $0xffff  }
0x106: {  	v6 =	vunpack.i.l.bf16.f32 v5;
	v7 =	vmul.f32 v7, v37;
	v4 =	vmul.f32 v4, v17;
	v24 =	vld.idx.msk [tilespmem:v13+s15+$0x0], $0xffff  }
0x107: {  	v16 =	vunpack.i.l.bf16.f32 v15;
	v14 =	vunpack.i.l.bf16.f32 v10;
	v5 =	vunpack.i.u.bf16.f32 v5  }
0x108: {  	v23 =	vld.idx.msk [tilespmem:v12+s15+$0x0], $0xffff;
	v8 =	vunpack.i.u.bf16.f32 v3;
	v12 =	vunpack.i.l.bf16.f32 v3;
	v7 =	vadd.f32 v7, v4  }
0x109: {  	v13 =	vunpack.i.u.bf16.f32 v10;
	v10 =	vunpack.i.u.bf16.f32 v11;
	v11 =	vunpack.i.l.bf16.f32 v11  }
0x10a: {  	v25 =	vmul.f32 v16, v6;
	v7 =	vadd.f32 $0.0e+00, v7;
	v41 =	vunpack.i.u.bf16.f32 v9  }
0x10b: {  	v46 =	vunpack.i.l.bf16.f32 v9;
	v9 =	vunpack.i.l.bf16.f32 v24;
	v24 =	vunpack.i.u.bf16.f32 v24  }
0x10c: {  	v19 =	vld.idx.msk [tilespmem:v19+s15+$0x0], $0xffff;
	v16 =	vunpack.i.l.bf16.f32 v20;
	v9 =	vmul.f32 v9, v46;
	v24 =	vmul.f32 v24, v41  }
0x10d: {  	v22 =	vld.idx.msk [tilespmem:v22+s15+$0x0], $0xffff;
	v4 =	vunpack.i.u.bf16.f32 v20;
	v26 =	vunpack.i.l.bf16.f32 v23;
	v20 =	vunpack.i.u.bf16.f32 v23  }
0x10e: {  	v21 =	vld.idx.msk [tilespmem:v21+s15+$0x0], $0xffff;
	v26 =	vmul.f32 v26, v16;
	v20 =	vmul.f32 v20, v4;
	v9 =	vadd.f32 v9, v24  }
0x10f: {  	v3 =	vunpack.i.u.bf16.f32 v18;
	v1 =	vld.idx.msk [tilespmem:v1+s15+$0x0], $0xffff;
	v11 =	vmul.f32 v11, v14;
	v10 =	vmul.f32 v10, v13  }
0x110: {  	v18 =	vunpack.i.l.bf16.f32 v18;
	v20 =	vadd.f32 v26, v20;
	v7 =	vadd.f32 v9, v7  }
0x111: {  	v18 =	vmul.f32 v18, v12;
	v10 =	vadd.f32 v11, v10;
	v9 =	vmul.f32 v3, v8  }
0x112: {  	v23 =	vunpack.i.l.bf16.f32 v22;
	v3 =	vunpack.i.l.bf16.f32 v19;
	v11 =	vadd.f32 v20, v7  }
0x113: {  	v7 =	vunpack.i.u.bf16.f32 v15;
	v15 =	vunpack.i.l.bf16.f32 v21;
	v18 =	vadd.f32 v18, v9  }
0x114: {  	v20 =	vmul.f32 v7, v5;
	v7 =	vunpack.i.l.bf16.f32 v1;
	v10 =	vadd.f32 v10, v11  }
0x115: {  	v9 =	vunpack.i.u.bf16.f32 v1;
	v1 =	vunpack.i.u.bf16.f32 v22;
	v22 =	vmul.f32 v23, v7  }
0x116: {  	s17 =	sadd.s32 $0x10, s30;
	v1 =	vmul.f32 v1, v9;
	v20 =	vadd.f32 v25, v20;
	v18 =	vadd.f32 v18, v10  }
0x117: {  	v15 =	vmul.f32 v15, v3;
	v11 =	vld [tilespmem:s17+$0x0];
	v10 =	vunpack.i.u.bf16.f32 v19;
	v19 =	vunpack.i.u.bf16.f32 v21  }
0x118: {  	v1 =	vadd.f32 v22, v1;
	v19 =	vmul.f32 v19, v10;
	v18 =	vadd.f32 v20, v18;
	_ =	sdelay $0x1  }
0x119: {  	v15 =	vadd.f32 v15, v19;
	v1 =	vadd.f32 v1, v18;
	_ =	sdelay $0x1  }
0x11a: {  	v0 =	vand.u32 $0x3FFF, v0;
	v20 =	vshll.u32 v11, $0x3;
	v1 =	vadd.f32 v15, v1  }
0x11b: {  	v18 =	vshrl.u32 v11, $0xE;
	v19 =	vand.u32 $0x1FFF8, v20  }
0x11c: {  	s1 =	simm.s32 $0x189C0;
	[tilespmem:$0x1FFB0] =	vst v2;
	v22 =	vshll.u32 v18, $0x3;
	v1 =	vmul.f32 v1, v2  }
0x11d: {  	s5 =	simm.s32 $0x0;
	[tilespmem:s1+$0x0] =	vst v18;
	v18 =	vor.u32 $0x4, v19  }
0x11e: {  	v20 =	vmov s5;
	v23 =	vor.u32 $0x3, v19;
	v1 =	vmul.f32 $1.442695020e+00, v1  }
0x11f: {  	v59 =	vld.idx.msk [tilespmem:v0+s16+$0x0], $0xffff;
	v20 =	vshll.u32 v20, $0x5;
	v48 =	vor.u32 $0x1, v19  }
0x120: {  	v61 =	vor.u32 $0x6, v19;
	v15 =	vor.u32 $0x5, v19;
	v25 =	vld.idx.msk [tilespmem:v19+s15+$0x0], $0xffff;
	(erf) = vpow2.f32 v1  }
0x121: {  	v56 =	vor.u32 v29, v20;
	v20 =	vor.u32 $0x5, v22;
	v21 =	vor.u32 $0x4, v22;
	v43 =	vld.idx.msk [tilespmem:v22+s15+$0x0], $0xffff  }
0x122: {  	v24 =	vor.u32 $0x3, v22;
	v53 =	vor.u32 $0x7, v22;
	v57 =	vor.u32 $0x1, v22;
	v44 =	vld.idx.msk [tilespmem:v18+s15+$0x0], $0xffff  }
0x123: {  	v47 =	vor.u32 $0x6, v22;
	v51 =	vor.u32 $0x10, v56;
	v58 =	vor.u32 $0x1, v56;
	v49 =	vld.idx.msk [tilespmem:v23+s15+$0x0], $0xffff  }
0x124: {  	v35 =	vor.u32 $0x2, v56;
	v38 =	vor.u32 $0x3, v56;
	v18 =	vor.u32 $0x2, v22;
	v55 =	vld.idx.msk [tilespmem:v48+s15+$0x0], $0xffff  }
0x125: {  	v36 =	vor.u32 $0x4, v56;
	v32 =	vor.u32 $0x5, v56;
	v39 =	vld.idx.msk [tilespmem:v15+s15+$0x0], $0xffff;
	v1 =	vor.u32 $0x7, v19  }
0x126: {  	v33 =	vor.u32 $0x6, v56;
	v34 =	vor.u32 $0x7, v56;
	v31 =	vor.u32 $0x8, v56;
	v40 =	vld.idx.msk [tilespmem:v20+s15+$0x0], $0xffff  }
0x127: {  	v30 =	vor.u32 $0x9, v56;
	v29 =	vor.u32 $0xA, v56;
	v20 =	vor.u32 $0x2, v19;
	v45 =	vld.idx.msk [tilespmem:v21+s15+$0x0], $0xffff  }
0x128: {  	v28 =	vor.u32 $0xB, v56;
	v27 =	vor.u32 $0xC, v56;
	v26 =	vor.u32 $0xD, v56;
	v60 =	vld.idx.msk [tilespmem:v24+s15+$0x0], $0xffff  }
0x129: {  	v23 =	vor.u32 $0xE, v56;
	v24 =	vor.u32 $0xF, v56;
	v21 =	vunpack.i.u.bf16.f32 v25;
	v50 =	vld.idx.msk [tilespmem:v18+s15+$0x0], $0xffff;
	v0 =	vpop (erf)  }
0x12a: {  	v15 =	vunpack.i.l.bf16.f32 v25;
	v54 =	vunpack.i.l.bf16.f32 v43;
	v19 =	vunpack.i.u.bf16.f32 v44;
	v42 =	vld.idx.msk [tilespmem:v1+s15+$0x0], $0xffff;
	[tilespmem:v51+s20+$0x0] =	vst.idx.msk $0xffff, v0  }
0x12b: {  	v22 =	vunpack.i.u.bf16.f32 v49;
	v1 =	vunpack.i.u.bf16.f32 v43;
	v43 =	vmul.f32 v0, v59;
	v0 =	vld [tilespmem:$0x1FFC0]  }
0x12c: {  	v25 =	vunpack.i.l.bf16.f32 v49;
	v52 =	vld.idx.msk [tilespmem:v20+s15+$0x0], $0xffff;
	v18 =	vunpack.i.l.bf16.f32 v39;
	v62 =	vunpack.i.l.bf16.f32 v40  }
0x12d: {  	v20 =	vunpack.i.l.bf16.f32 v44;
	v17 =	vunpack.i.l.bf16.f32 v45;
	v44 =	vld.idx.msk [tilespmem:v53+s15+$0x0], $0xffff;
	v53 =	vmul.f32 v54, v15  }
0x12e: {  	v63 =	vunpack.i.u.bf16.f32 v45;
	v45 =	vmul.f32 v62, v18;
	v49 =	vmul.f32 v17, v20  }
0x12f: {  	v48 =	vld.idx.msk [tilespmem:v61+s15+$0x0], $0xffff;
	v17 =	vunpack.i.u.bf16.f32 v55;
	v54 =	vmul.f32 v1, v21;
	v61 =	vmul.f32 v43, v37  }
0x130: {  	v57 =	vld.idx.msk [tilespmem:v57+s15+$0x0], $0xffff;
	v1 =	vunpack.i.l.bf16.f32 v60;
	v59 =	vunpack.i.u.bf16.f32 v60;
	v0 =	vmul.f32 v43, v0  }
0x131: {  	v60 =	vunpack.i.l.bf16.f32 v50;
	v51 =	vmul.f32 v63, v19;
	[tilespmem:v56+s20+$0x0] =	vst.idx.msk $0xffff, v61;
	v56 =	vmul.f32 v43, v46  }
0x132: {  	s4 =	simm.s32 $0x10;
	s5 =	simm.s32 $0x20;
	v37 =	vunpack.i.l.bf16.f32 v52;
	v46 =	vmul.f32 v1, v25;
	[tilespmem:v58+s20+$0x0] =	vst.idx.msk $0xffff, v0;
	v58 =	vmul.f32 v43, v41  }
.LBB2_9:
0x133: {  	v0 =	vmul.f32 v59, v22  }
0x134: {  	v1 =	vmul.f32 v43, v16;
	v59 =	vmul.f32 v60, v37;
	[tilespmem:v35+s20+$0x0] =	vst.idx.msk $0xffff, v56  }
0x135: {  	v41 =	vunpack.i.l.bf16.f32 v55;
	v60 =	vmul.f32 v43, v4;
	v13 =	vmul.f32 v43, v13;
	[tilespmem:v38+s20+$0x0] =	vst.idx.msk $0xffff, v58  }
0x136: {  	v62 =	vunpack.i.u.bf16.f32 v50;
	v16 =	vunpack.i.l.bf16.f32 v57;
	[tilespmem:v36+s20+$0x0] =	vst.idx.msk $0xffff, v1;
	v1 =	vmul.f32 v43, v14  }
0x137: {  	v61 =	vadd.f32 v53, v54;
	v4 =	vunpack.i.u.bf16.f32 v57;
	v16 =	vmul.f32 v16, v41;
	[tilespmem:v32+s20+$0x0] =	vst.idx.msk $0xffff, v60  }
0x138: {  	v14 =	vmul.f32 v4, v17;
	v4 =	vunpack.i.u.bf16.f32 v52;
	[tilespmem:v33+s20+$0x0] =	vst.idx.msk $0xffff, v1;
	v1 =	vmul.f32 v43, v12  }
0x139: {  	v8 =	vmul.f32 v43, v8;
	v12 =	vmul.f32 v62, v4;
	v33 =	vld.idx.msk [tilespmem:v47+s15+$0x0], $0xffff;
	[tilespmem:v34+s20+$0x0] =	vst.idx.msk $0xffff, v13  }
0x13a: {  	v14 =	vadd.f32 v16, v14;
	v13 =	vadd.f32 $0.0e+00, v61;
	[tilespmem:v31+s20+$0x0] =	vst.idx.msk $0xffff, v1;
	v1 =	vmul.f32 v43, v6  }
0x13b: {  	v6 =	vadd.f32 v59, v12;
	[tilespmem:v30+s20+$0x0] =	vst.idx.msk $0xffff, v8;
	v8 =	vmul.f32 v43, v5  }
0x13c: {  	v13 =	vadd.f32 v14, v13;
	[tilespmem:v29+s20+$0x0] =	vst.idx.msk $0xffff, v1;
	v1 =	vmul.f32 v43, v7  }
0x13d: {  	v0 =	vadd.f32 v46, v0;
	v5 =	vunpack.i.u.bf16.f32 v39;
	[tilespmem:v28+s20+$0x0] =	vst.idx.msk $0xffff, v8;
	v8 =	vmul.f32 v43, v9  }
0x13e: {  	v7 =	vunpack.i.u.bf16.f32 v40;
	v6 =	vadd.f32 v6, v13;
	[tilespmem:v27+s20+$0x0] =	vst.idx.msk $0xffff, v1;
	v1 =	vmul.f32 v43, v3  }
0x13f: {  	v2 =	vmul.f32 v43, v10;
	v13 =	vmul.f32 v7, v5;
	v7 =	vunpack.i.l.bf16.f32 v48;
	[tilespmem:v26+s20+$0x0] =	vst.idx.msk $0xffff, v8  }
0x140: {  	s17 =	sadd.s32 $0x10, s17;
	v0 =	vadd.f32 v0, v6;
	v26 =	vadd.f32 v49, v51;
	v8 =	vunpack.i.l.bf16.f32 v33;
	[tilespmem:v23+s20+$0x0] =	vst.idx.msk $0xffff, v1  }
0x141: {  	v9 =	vunpack.i.u.bf16.f32 v48;
	v10 =	vunpack.i.u.bf16.f32 v33;
	v16 =	vmul.f32 v8, v7;
	v1 =	vld [tilespmem:s17+$0x0];
	[tilespmem:v24+s20+$0x0] =	vst.idx.msk $0xffff, v2  }
0x142: {  	v0 =	vadd.f32 v26, v0;
	v2 =	vadd.f32 v45, v13;
	v24 =	vmul.f32 v10, v9  }
0x143: {  	v46 =	vmovc v21;
	v21 =	vunpack.i.u.bf16.f32 v44;
	v12 =	vunpack.i.l.bf16.f32 v42;
	v14 =	vunpack.i.l.bf16.f32 v44  }
0x144: {  	v3 =	vmovc v12;
	v10 =	vunpack.i.u.bf16.f32 v42;
	v6 =	vmovc v18;
	v0 =	vadd.f32 v2, v0;
	v18 =	vadd.f32 v16, v24;
	v2 =	vld [tilespmem:$0x1FFF0]  }
0x145: {  	v23 =	vmul.f32 v14, v3;
	v8 =	vmov v19;
	v19 =	vmul.f32 v21, v10  }
0x146: {  	v0 =	vadd.f32 v18, v0;
	v21 =	vshll.u32 v1, $0x3  }
0x147: {  	v18 =	vadd.f32 v23, v19;
	v19 =	vand.u32 $0x1FFF8, v21;
	v21 =	vmov s4  }
0x148: {  	v21 =	vshll.u32 v21, $0x5  }
0x149: {  	v12 =	vmovc v20;
	v20 =	vand.u32 $0x3FFF, v11;
	v11 =	vmov v1;
	v56 =	vor.u32 v2, v21;
	v2 =	vld [tilespmem:$0x1FFB0]  }
0x14a: {  	v1 =	vshrl.u32 v11, $0xE  }
0x14b: {  	v13 =	vmov v22;
	v22 =	vshll.u32 v1, $0x3  }
0x14c: {  	s1 =	sadd.s32 $0x10, s1;
	v0 =	vadd.f32 v18, v0;
	v18 =	vor.u32 $0x5, v19  }
0x14d: {  	[tilespmem:s1+$0x0] =	vst v1;
	v1 =	vor.u32 $0x4, v19  }
0x14e: {  	v16 =	vmovc v37;
	v24 =	vor.u32 $0x3, v19;
	v45 =	vor.u32 $0x1, v19;
	v37 =	vld.idx.msk [tilespmem:v20+s16+$0x0], $0xffff;
	v0 =	vmul.f32 v0, v2  }
0x14f: {  	v60 =	vor.u32 $0x6, v19;
	v21 =	vor.u32 $0x5, v22;
	v23 =	vor.u32 $0x4, v22;
	v20 =	vld.idx.msk [tilespmem:v19+s15+$0x0], $0xffff  }
0x150: {  	v14 =	vmovc v25;
	v63 =	vor.u32 $0x3, v22;
	v43 =	vor.u32 $0x2, v22;
	v25 =	vld.idx.msk [tilespmem:v22+s15+$0x0], $0xffff;
	v0 =	vmul.f32 $1.442695020e+00, v0  }
0x151: {  	v53 =	vor.u32 $0x7, v22;
	v57 =	vor.u32 $0x1, v22;
	v47 =	vor.u32 $0x6, v22;
	v39 =	vld.idx.msk [tilespmem:v18+s15+$0x0], $0xffff  }
0x152: {  	v51 =	vor.u32 $0x10, v56;
	v58 =	vor.u32 $0x1, v56;
	v1 =	vld.idx.msk [tilespmem:v1+s15+$0x0], $0xffff;
	(erf) = vpow2.f32 v0  }
0x153: {  	v35 =	vor.u32 $0x2, v56;
	v38 =	vor.u32 $0x3, v56;
	v36 =	vor.u32 $0x4, v56;
	v48 =	vld.idx.msk [tilespmem:v24+s15+$0x0], $0xffff  }
0x154: {  	v32 =	vor.u32 $0x5, v56;
	v33 =	vor.u32 $0x6, v56;
	v18 =	vor.u32 $0x2, v19;
	v40 =	vld.idx.msk [tilespmem:v21+s15+$0x0], $0xffff  }
0x155: {  	v34 =	vor.u32 $0x7, v56;
	v31 =	vor.u32 $0x8, v56;
	v30 =	vor.u32 $0x9, v56;
	v44 =	vld.idx.msk [tilespmem:v23+s15+$0x0], $0xffff  }
0x156: {  	v29 =	vor.u32 $0xA, v56;
	v28 =	vor.u32 $0xB, v56;
	v27 =	vor.u32 $0xC, v56;
	v49 =	vld.idx.msk [tilespmem:v63+s15+$0x0], $0xffff  }
0x157: {  	v26 =	vor.u32 $0xD, v56;
	v24 =	vor.u32 $0xF, v56;
	v23 =	vor.u32 $0xE, v56;
	v50 =	vld.idx.msk [tilespmem:v43+s15+$0x0], $0xffff  }
0x158: {  	v21 =	vunpack.i.u.bf16.f32 v20;
	v0 =	vor.u32 $0x7, v19;
	v54 =	vunpack.i.u.bf16.f32 v25  }
0x159: {  	v59 =	vunpack.i.l.bf16.f32 v25;
	v52 =	vld.idx.msk [tilespmem:v18+s15+$0x0], $0xffff;
	v19 =	vunpack.i.u.bf16.f32 v1;
	v18 =	vunpack.i.l.bf16.f32 v39  }
0x15a: {  	v55 =	vld.idx.msk [tilespmem:v45+s15+$0x0], $0xffff;
	v22 =	vunpack.i.u.bf16.f32 v48;
	v25 =	vunpack.i.l.bf16.f32 v48;
	v61 =	vunpack.i.l.bf16.f32 v40  }
0x15b: {  	v57 =	vld.idx.msk [tilespmem:v57+s15+$0x0], $0xffff;
	v62 =	vunpack.i.l.bf16.f32 v44;
	v54 =	vmul.f32 v54, v21;
	v2 =	vunpack.i.l.bf16.f32 v49;
	v63 =	vpop (erf)  }
0x15c: {  	p0 =	sne.s32 s5, $0x70;
	v48 =	vld.idx.msk [tilespmem:v60+s15+$0x0], $0xffff;
	v60 =	vunpack.i.l.bf16.f32 v50;
	v45 =	vmul.f32 v61, v18;
	v43 =	vmul.f32 v63, v37  }
.Ltmp3:
0x15d: {  	v42 =	vld.idx.msk [tilespmem:v0+s15+$0x0], $0xffff;
	v0 =	vunpack.i.l.bf16.f32 v20;
	v20 =	vunpack.i.l.bf16.f32 v1;
	v1 =	vunpack.i.u.bf16.f32 v44;
	(pc) =	sbr.rel @p0 .LBB2_9-.Ltmp3, $4  }
0x15e: {  	v44 =	vld.idx.msk [tilespmem:v53+s15+$0x0], $0xffff;
	v53 =	vmul.f32 v59, v0;
	v59 =	vunpack.i.u.bf16.f32 v49;
	v61 =	vmul.f32 v43, v15  }
0x15f: {  	v49 =	vmul.f32 v62, v20;
	[tilespmem:v51+s20+$0x0] =	vst.idx.msk $0xffff, v63;
	v15 =	vmov v0;
	v0 =	vmul.f32 v43, v46  }
0x160: {  	v37 =	vunpack.i.l.bf16.f32 v52;
	v51 =	vmul.f32 v1, v19;
	v46 =	vmul.f32 v2, v25;
	[tilespmem:v56+s20+$0x0] =	vst.idx.msk $0xffff, v61  }
0x161: {  	s4 =	smov.u32 s5;
	s5 =	sadd.s32 $0x10, s5;
	v56 =	vmul.f32 v43, v41;
	[tilespmem:v58+s20+$0x0] =	vst.idx.msk $0xffff, v0;
	v58 =	vmul.f32 v43, v17;
	v17 =	vunpack.i.u.bf16.f32 v55  }
0x162: {  	_ = 	snop  }
0x163: {  	v0 =	vunpack.i.l.bf16.f32 v55;
	v1 =	vunpack.i.l.bf16.f32 v57;
	v2 =	vunpack.i.u.bf16.f32 v57  }
0x164: {  	v41 =	vadd.f32 v53, v54;
	v1 =	vmul.f32 v1, v0;
	v2 =	vmul.f32 v2, v17  }
0x165: {  	v57 =	vmul.f32 v60, v37;
	v52 =	vunpack.i.u.bf16.f32 v52;
	v50 =	vunpack.i.u.bf16.f32 v50  }
0x166: {  	v47 =	vld.idx.msk [tilespmem:v47+s15+$0x0], $0xffff;
	v50 =	vmul.f32 v50, v52;
	v41 =	vadd.f32 $0.0e+00, v41;
	v1 =	vadd.f32 v1, v2;
	_ =	sdelay $0x1  }
0x167: {  	v2 =	vmul.f32 v59, v22;
	v50 =	vadd.f32 v57, v50;
	v1 =	vadd.f32 v1, v41  }
0x168: {  	v39 =	vunpack.i.u.bf16.f32 v39;
	v40 =	vunpack.i.u.bf16.f32 v40  }
0x169: {  	v40 =	vmul.f32 v40, v39;
	v2 =	vadd.f32 v46, v2;
	v1 =	vadd.f32 v50, v1  }
0x16a: {  	v60 =	vunpack.i.l.bf16.f32 v47;
	v47 =	vunpack.i.u.bf16.f32 v47;
	v50 =	vunpack.i.l.bf16.f32 v48  }
0x16b: {  	v48 =	vunpack.i.u.bf16.f32 v48;
	v1 =	vadd.f32 v2, v1;
	v2 =	vadd.f32 v49, v51  }
0x16c: {  	v59 =	vunpack.i.l.bf16.f32 v44;
	v41 =	vunpack.i.l.bf16.f32 v42;
	v61 =	vmul.f32 v47, v48  }
0x16d: {  	v49 =	vmul.f32 v60, v50;
	v1 =	vadd.f32 v2, v1;
	v2 =	vadd.f32 v45, v40  }
0x16e: {  	v62 =	vunpack.i.u.bf16.f32 v44;
	v42 =	vunpack.i.u.bf16.f32 v42;
	v63 =	vmul.f32 v59, v41  }
0x16f: {  	v46 =	vmul.f32 v62, v42;
	v1 =	vadd.f32 v2, v1;
	v2 =	vadd.f32 v49, v61;
	_ =	sdelay $0x1  }
0x170: {  	v1 =	vadd.f32 v2, v1;
	v2 =	vadd.f32 v63, v46;
	_ =	sdelay $0x1  }
0x171: {  	v1 =	vadd.f32 v2, v1;
	v2 =	vld [tilespmem:$0x1FFB0];
	_ =	sdelay $0x4  }
0x172: {  	v1 =	vmul.f32 v1, v2;
	_ =	sdelay $0x1  }
0x173: {  	[tilespmem:v35+s20+$0x0] =	vst.idx.msk $0xffff, v56;
	v2 =	vmul.f32 v43, v16;
	v1 =	vmul.f32 $1.442695020e+00, v1  }
0x174: {  	v4 =	vmul.f32 v43, v4;
	[tilespmem:v38+s20+$0x0] =	vst.idx.msk $0xffff, v58  }
0x175: {  	[tilespmem:v36+s20+$0x0] =	vst.idx.msk $0xffff, v2;
	(erf) = vpow2.f32 v1;
	v1 =	vmul.f32 v43, v14  }
0x176: {  	v2 =	vmul.f32 v43, v13;
	[tilespmem:v32+s20+$0x0] =	vst.idx.msk $0xffff, v4  }
0x177: {  	[tilespmem:v33+s20+$0x0] =	vst.idx.msk $0xffff, v1;
	v1 =	vmul.f32 v43, v12  }
0x178: {  	[tilespmem:v34+s20+$0x0] =	vst.idx.msk $0xffff, v2;
	v2 =	vmul.f32 v43, v8  }
0x179: {  	[tilespmem:v31+s20+$0x0] =	vst.idx.msk $0xffff, v1;
	v1 =	vmul.f32 v43, v6  }
0x17a: {  	v11 =	vand.u32 $0x3FFF, v11;
	[tilespmem:v30+s20+$0x0] =	vst.idx.msk $0xffff, v2  }
0x17b: {  	[tilespmem:v29+s20+$0x0] =	vst.idx.msk $0xffff, v1  }
0x17c: {  	v51 =	vld [tilespmem:$0x1FFF0];
	_ =	sdelay $0x2  }
0x17d: {  	v47 =	vmov s4;
	v49 =	vld.idx.msk [tilespmem:v11+s16+$0x0], $0xffff  }
0x17e: {  	v4 =	vshll.u32 v47, $0x5;
	v2 =	vmul.f32 v43, v5  }
0x17f: {  	v1 =	vmul.f32 v43, v7;
	v4 =	vor.u32 v51, v4  }
0x180: {  	[tilespmem:v28+s20+$0x0] =	vst.idx.msk $0xffff, v2;
	v2 =	vmul.f32 v43, v9;
	v53 =	vor.u32 $0x10, v4  }
0x181: {  	[tilespmem:v27+s20+$0x0] =	vst.idx.msk $0xffff, v1;
	v1 =	vmul.f32 v43, v3;
	v3 =	vpop (erf)  }
0x182: {  	[tilespmem:v26+s20+$0x0] =	vst.idx.msk $0xffff, v2;
	v2 =	vmul.f32 v43, v10;
	v6 =	vmul.f32 v3, v49;
	v54 =	vor.u32 $0x1, v4  }
0x183: {  	[tilespmem:v23+s20+$0x0] =	vst.idx.msk $0xffff, v1;
	v1 =	vor.u32 $0x2, v4  }
0x184: {  	[tilespmem:v24+s20+$0x0] =	vst.idx.msk $0xffff, v2;
	v55 =	vmul.f32 v6, v15;
	v2 =	vor.u32 $0x3, v4  }
0x185: {  	v56 =	vor.u32 $0x4, v4;
	[tilespmem:v53+s20+$0x0] =	vst.idx.msk $0xffff, v3;
	v3 =	vmul.f32 v6, v21  }
0x186: {  	v0 =	vmul.f32 v6, v0;
	v57 =	vor.u32 $0x5, v4;
	[tilespmem:v4+s20+$0x0] =	vst.idx.msk $0xffff, v55  }
0x187: {  	v58 =	vor.u32 $0x6, v4;
	[tilespmem:v54+s20+$0x0] =	vst.idx.msk $0xffff, v3;
	v3 =	vmul.f32 v6, v17  }
0x188: {  	v59 =	vor.u32 $0x7, v4;
	[tilespmem:v1+s20+$0x0] =	vst.idx.msk $0xffff, v0;
	v0 =	vmul.f32 v6, v37  }
0x189: {  	v1 =	vor.u32 $0x8, v4;
	[tilespmem:v2+s20+$0x0] =	vst.idx.msk $0xffff, v3;
	v2 =	vmul.f32 v6, v52  }
0x18a: {  	v3 =	vor.u32 $0x9, v4;
	[tilespmem:v56+s20+$0x0] =	vst.idx.msk $0xffff, v0;
	v0 =	vmul.f32 v6, v25  }
0x18b: {  	v60 =	vor.u32 $0xA, v4;
	[tilespmem:v57+s20+$0x0] =	vst.idx.msk $0xffff, v2;
	v2 =	vmul.f32 v6, v22  }
0x18c: {  	v61 =	vor.u32 $0xB, v4;
	[tilespmem:v58+s20+$0x0] =	vst.idx.msk $0xffff, v0;
	v0 =	vmul.f32 v6, v20  }
0x18d: {  	v62 =	vor.u32 $0xC, v4;
	[tilespmem:v59+s20+$0x0] =	vst.idx.msk $0xffff, v2;
	v2 =	vmul.f32 v6, v19  }
0x18e: {  	v63 =	vor.u32 $0xD, v4;
	[tilespmem:v1+s20+$0x0] =	vst.idx.msk $0xffff, v0;
	v0 =	vmul.f32 v6, v18  }
0x18f: {  	v1 =	vor.u32 $0xE, v4;
	[tilespmem:v3+s20+$0x0] =	vst.idx.msk $0xffff, v2;
	v2 =	vmul.f32 v6, v39  }
0x190: {  	s0 =	sadd.s32 $0x1, s0;
	v3 =	vor.u32 $0xF, v4;
	[tilespmem:v60+s20+$0x0] =	vst.idx.msk $0xffff, v0;
	v0 =	vmul.f32 v6, v50  }
0x191: {  	p0 =	sne.s32 s0, $0x29;
	[tilespmem:v61+s20+$0x0] =	vst.idx.msk $0xffff, v2;
	v2 =	vmul.f32 v6, v48  }
.Ltmp4:
0x192: {  	[tilespmem:v62+s20+$0x0] =	vst.idx.msk $0xffff, v0;
	v0 =	vmul.f32 v6, v41;
	(pc) =	sbr.rel @p0 .LBB2_6-.Ltmp4, $4  }
0x193: {  	[tilespmem:v63+s20+$0x0] =	vst.idx.msk $0xffff, v2;
	v2 =	vmul.f32 v6, v42  }
0x194: {  	[tilespmem:v1+s20+$0x0] =	vst.idx.msk $0xffff, v0  }
0x195: {  	s31 =	sadd.s32 $0x100, s31;
	s30 =	sadd.s32 $0x100, s30;
	[tilespmem:v3+s20+$0x0] =	vst.idx.msk $0xffff, v2  }
0x196: {  	v1 =	vmov v51;
	[spmem:s2] =	stream.indirect.scatter.add.f32 [tilespmem:s20], [sflag:$0x3], $0x20, s24, s22, $0xb8;
	[tilespmem:$0x1FA30] =	vst v63  }
0x197: {  	_ =	swait.ge [sflag:s25], $0x1000  }
0x198: {  	[sflag:s25] =	ssyncset.done $0x0  }
0x199: {  	[sflag:s25] =	ssyncadd.s32 $0xFFFFF000  }
0x19a: {  	s0 =	stileid.u32;
	_ =	swait.ge [sflag:s26], $0x1000  }
0x19b: {  	s1 =	sshrl.u32 s8, $0x3;
	s28 =	sadd.s32 $0x1, s28;
	[sflag:s26] =	ssyncset.done $0x0  }
0x19c: {  	s0 =	sshll.u32 s0, $0x6;
	p0 =	sne.s32 s28, s14;
	[sflag:s26] =	ssyncadd.s32 $0xFFFFF000  }
.Ltmp5:
0x19d: {  	s0 =	sor.u32 $0x1C04, s0;
	[bflag:$0x0] =	sbarrier.arrive $0xFFFF;
	(pc) =	sbr.rel @p0 .LBB2_1-.Ltmp5, $4  }
0x19e: {  	[hbm:s13], [sflag:s0] =	dma.local [spmem:s1], $0xA00  }
0x19f: {  	_ =	swait.ge [sflag:s19], $0xA00  }
0x1a0: {  	[sflag:s19] =	ssyncset.done $0x0  }
0x1a1: {  	v0 =	vimm.f32 $0.0e+00;
	[sflag:s19] =	ssyncadd.s32 $0xFFFFF600  }
0x1a2: {  	_ =	sfence.sel $0x180000  }
0x1a3: {  	[bflag:$0x0] =	sbarrier.arrive $0xFFFF  }
0x1a4: {  	_ =	strace $0x9000004A  }
0x1a5: {  	s0 =	stileid.u32;
	[bflag:$0x2] =	sbarrier.arrive $0xFFFF  }
0x1a6: {  	p0 =	sne.s32 s0, $0x0;
	s0 =	rddreg [dreg:$0x3]  }
0x1a7: {  	s0 =	sadd.s32 @!p0 $0x100000, s0  }
0x1a8: {  	[sflag:s0] =	ssyncadd.tile.s32 @!p0 $0x1;
	_ =	shalt  }
.Lfunc_end2:
_tile_overlayer_lowered:
.L_overlay_start_2:
0x1a9: {  	(tag) =	ssettag $0x2  }
0x1aa: {  	s0 =	rddreg [dreg:$0x0];
	s2 =	stileid.u32  }
0x1ab: {  	s1 =	rddreg [dreg:$0x1];
	p0 =	sne.s32 s2, $0x0  }
0x1ac: {  	s3 =	rddreg [dreg:$0x2];
	[bflag:$0x3] =	sbarrier.arrive $0xFFFF;
	s2 =	simm.s32 @!p0 $0x1C04  }
0x1ad: {  	[timem:s3], [sflag:s2] =	dma.local @!p0 [hbm:s0], s1  }
0x1ae: {  	s0 =	simm.s32 @!p0 $0x4  }
0x1af: {  	_ =	swait.ge @!p0 [sflag:s0], s1  }
0x1b0: {  	s1 =	ssub.s32 @!p0 $0x0, s1;
	[sflag:s0] =	ssyncset.done @!p0 $0x0  }
0x1b1: {  	[sflag:s0] =	ssyncadd.s32 @!p0 s1  }
0x1b2: {  	[bflag:$0x3] =	sbarrier.arrive $0xFFFF  }
0x1b3: {  	_ =	shalt  }

// kernel: kernel.7.cloned.1.call-start
scs
__scs_entry_jumppad:
0x0: {  	(pc) =	sbr.rel $0x88, $3  }
0x1: {  	(tag) =	ssettag $0x0;
	lr =	simm.s32 $0x1  }
0x2: {  	[smem:$0x3F99] =	sst lr;
	_ =	strace $0xD0000000  }
0x3: {  	_ = 	snop  }
0x4: {  	_ = 	snop  }
0x5: {  	_ = 	snop  }
0x6: {  	_ = 	snop  }
0x7: {  	_ = 	snop  }
__scs_overlays_trampoline_lowered:
0x8: {  	[smem:$0x3FA8] =	sst s0  }
0x9: {  	[smem:$0x3FA9] =	sst s1  }
0xa: {  	[smem:$0x3FAA] =	sst s2  }
0xb: {  	[smem:$0x3FAB] =	sst s3  }
0xc: {  	[smem:$0x3FAC] =	sst s4  }
0xd: {  	[smem:$0x3FAD] =	sst s5  }
0xe: {  	[smem:$0x3FAE] =	sst s6  }
0xf: {  	[smem:$0x3FAF] =	sst s7  }
0x10: {  	[smem:$0x3FB0] =	sst s8  }
0x11: {  	[smem:$0x3FB1] =	sst s9;
	s0 =	simm.s32 @!p0 $0x0  }
0x12: {  	s1 =	sld [smem:$0x3F97];
	s0 =	simm.s32 @p0 $0x1  }
0x13: {  	[smem:$0x3FB2] =	sst s0;
	s0 =	simm.s32 @!p1 $0x0  }
0x14: {  	s2 =	sld [smem:$0x3F96];
	s0 =	simm.s32 @p1 $0x1  }
0x15: {  	[smem:$0x3FB3] =	sst s0;
	s0 =	simm.s32 @!p2 $0x0  }
0x16: {  	s3 =	sld [smem:$0x3FDB];
	s0 =	simm.s32 @p2 $0x1  }
0x17: {  	s4 =	simm.s32 $0x1BF5;
	[smem:$0x3FB5] =	sst s0  }
0x18: {  	s0 =	sld [smem:$0x3F98];
	_ =	swait.ge [sflag:s4], $0x0  }
0x19: {  	s7 =	sld [smem:$0x3F99]  }
0x1a: {  	s8 =	sadd.s32 $0xFFFFE003, lr  }
0x1b: {  	s9 =	sadd.s32 $0xFFFFFEF7, lr;
	s5 =	simm.s32 $0xFFFFFFFF;
	p2 =	slt.u32 s8, $0xFFFFF086  }
0x1c: {  	p1 =	slt.u32 s9, $0xF7A;
	s5 =	simm.s32 @!p2 $0x0  }
0x1d: {  	s5 =	simm.s32 @p1 $0x1;
	p0 =	seq.s32 s7, s2  }
0x1e: {  	s7 =	smul.u32 @!p0 $0xF7A, s2;
	p2 =	seq.s32 @!p0 s5, $0x0  }
0x1f: {  	s9 =	smul.u32 $0xF7A, s1;
	s8 =	simm.s32 @!p0 $0x1BF5;
	p2 =	por !p2, p0  }
0x20: {  	[sflag:s8] =	ssyncset.s32 @!p0 $0xFFFFF086;
	s6 =	sadd.s32 @!p0 s3, s7;
	s7 =	simm.s32 @!p0 $0x108  }
0x21: {  	s3 =	sadd.s32 s3, s9;
	s6 =	sadd.s32 @!p0 $0x88, s6;
	s7 =	simm.s32 @p2 $0x1082  }
0x22: {  	[simem:s7], [sflag:s8] =	dma.local @!p0 [hbm:s6], $0xF7A  }
0x23: {  	s9 =	sor.u32 $0xD0000000, s2;
	s6 =	simm.s32 $0x108;
	_ =	swait.ge @!p0 [sflag:s8], $0x0  }
0x24: {  	s3 =	sadd.s32 $0x88, s3;
	s6 =	simm.s32 @!p1 $0x1082;
	[sflag:s4] =	ssyncset.s32 $0xFFFFF086  }
0x25: {  	[simem:s6], [sflag:s4] =	dma.local [hbm:s3], $0xF7A  }
0x26: {  	[smem:$0x3F99] =	sst s1;
	(tag) =	ssettag s2;
	_ =	strace s9  }
0x27: {  	s1 =	sld [smem:$0x3FA9]  }
0x28: {  	s2 =	sld [smem:$0x3FAA]  }
0x29: {  	s4 =	sld [smem:$0x3FAC]  }
0x2a: {  	p0 =	seq.s32 s5, $0x0;
	s5 =	sld [smem:$0x3FAD]  }
0x2b: {  	s6 =	sld [smem:$0x3FAE]  }
0x2c: {  	s7 =	sld [smem:$0x3FAF]  }
0x2d: {  	s3 =	simm.s32 $0x108;
	s8 =	sld [smem:$0x3FB0]  }
0x2e: {  	s3 =	simm.s32 @!p0 $0x1082;
	s9 =	sld [smem:$0x3FB1]  }
0x2f: {  	lr =	sadd.s32 s0, s3;
	s0 =	sld [smem:$0x3FA8]  }
0x30: {  	s3 =	sld [smem:$0x3FAB]  }
0x31: {  	[smem:$0x3FB4] =	sst s10  }
0x32: {  	s10 =	sld [smem:$0x3FB2];
	_ =	sdelay $0x3  }
0x33: {  	p0 =	seq.s32 s10, $0x1;
	s10 =	sld [smem:$0x3FB4];
	_ =	sdelay $0x3  }
0x34: {  	[smem:$0x3FB4] =	sst s10  }
0x35: {  	s10 =	sld [smem:$0x3FB3];
	_ =	sdelay $0x3  }
0x36: {  	p1 =	seq.s32 s10, $0x1;
	s10 =	sld [smem:$0x3FB4];
	_ =	sdelay $0x3  }
0x37: {  	[smem:$0x3FB4] =	sst s10  }
0x38: {  	s10 =	sld [smem:$0x3FB5]  }
0x39: {  	_ = 	snop;
	(pc) =	sbr.ind lr, $3  }
0x3a: {  	_ = 	snop  }
0x3b: {  	_ = 	snop  }
0x3c: {  	p2 =	seq.s32 s10, $0x1;
	s10 =	sld [smem:$0x3FB4]  }
0x3d: {  	_ =	shalt  }
0x3e: {  	_ =	shalt  }
0x3f: {  	_ =	shalt  }
0x40: {  	_ =	shalt  }
0x41: {  	_ =	shalt  }
0x42: {  	_ =	shalt  }
0x43: {  	_ =	shalt  }
0x44: {  	_ =	shalt  }
0x45: {  	_ =	shalt  }
0x46: {  	_ =	shalt  }
0x47: {  	_ =	shalt  }
0x48: {  	_ =	shalt  }
0x49: {  	_ =	shalt  }
0x4a: {  	_ =	shalt  }
0x4b: {  	_ =	shalt  }
0x4c: {  	_ =	shalt  }
0x4d: {  	_ =	shalt  }
0x4e: {  	_ =	shalt  }
0x4f: {  	_ =	shalt  }
0x50: {  	_ =	shalt  }
0x51: {  	_ =	shalt  }
0x52: {  	_ =	shalt  }
0x53: {  	_ =	shalt  }
0x54: {  	_ =	shalt  }
0x55: {  	_ =	shalt  }
0x56: {  	_ =	shalt  }
0x57: {  	_ =	shalt  }
0x58: {  	_ =	shalt  }
0x59: {  	_ =	shalt  }
0x5a: {  	_ =	shalt  }
0x5b: {  	_ =	shalt  }
0x5c: {  	_ =	shalt  }
0x5d: {  	_ =	shalt  }
0x5e: {  	_ =	shalt  }
0x5f: {  	_ =	shalt  }
0x60: {  	_ =	shalt  }
0x61: {  	_ =	shalt  }
0x62: {  	_ =	shalt  }
0x63: {  	_ =	shalt  }
0x64: {  	_ =	shalt  }
0x65: {  	_ =	shalt  }
0x66: {  	_ =	shalt  }
0x67: {  	_ =	shalt  }
0x68: {  	_ =	shalt  }
0x69: {  	_ =	shalt  }
0x6a: {  	_ =	shalt  }
0x6b: {  	_ =	shalt  }
0x6c: {  	_ =	shalt  }
0x6d: {  	_ =	shalt  }
0x6e: {  	_ =	shalt  }
0x6f: {  	_ =	shalt  }
0x70: {  	_ =	shalt  }
0x71: {  	_ =	shalt  }
0x72: {  	_ =	shalt  }
0x73: {  	_ =	shalt  }
0x74: {  	_ =	shalt  }
0x75: {  	_ =	shalt  }
0x76: {  	_ =	shalt  }
0x77: {  	_ =	shalt  }
0x78: {  	_ =	shalt  }
0x79: {  	_ =	shalt  }
0x7a: {  	_ =	shalt  }
0x7b: {  	_ =	shalt  }
0x7c: {  	_ =	shalt  }
0x7d: {  	_ =	shalt  }
0x7e: {  	_ =	shalt  }
0x7f: {  	_ =	shalt  }
0x80: {  	_ =	shalt  }
0x81: {  	_ =	shalt  }
0x82: {  	_ =	shalt  }
0x83: {  	_ =	shalt  }
0x84: {  	_ =	shalt  }
0x85: {  	_ =	shalt  }
0x86: {  	_ =	shalt  }
0x87: {  	_ =	shalt  }
.Lfunc_end0:
.L_simem_size_0:
called_computation_lowered:
.L_overlay_start_0:
0x88: {  	s2 =	sld [smem:$0x3FD9]  }
0x89: {  	s3 =	sld [smem:$0x3FFE];
	_ =	sdelay $0x1  }
0x8a: {  	s1 =	srdreg.scid  }
0x8b: {  	s0 =	sand.u32 $0x1, s1  }
0x8c: {  	s17 =	sshll.u32 s0, $0xA;
	s2 =	sadd.s32 s3, s2  }
0x8d: {  	s2 =	sadd.s32 s2, s17  }
0x8e: {  	[smem:$0x3FC0] =	sst s2  }
0x8f: {  	_ = 	snop  }
0x90: {  	s2 =	sld [smem:$0x3FD0];
	(tm) =	ssettm $0x1  }
0x91: {  	s18 =	sld [smem:$0x3FFB];
	_ =	sdelay $0x3  }
0x92: {  	_ =	strace s18  }
0x93: {  	s3 =	sld [smem:$0x3FFC];
	_ =	sdelay $0x3  }
0x94: {  	_ =	strace s3  }
0x95: {  	s3 =	sld [smem:$0x3FFD];
	_ =	sdelay $0x3  }
0x96: {  	_ =	strace s3  }
0x97: {  	_ =	strace $0x8FFFFFFF  }
0x98: {  	s19 =	sld [smem:$0x3FDB];
	_ =	sdelay $0x1  }
0x99: {  	s4 =	simm.s32 $_scs_section_size  }
0x9a: {  	s5 =	simm.s32 $_size__tile_overlayer_lowered;
	s6 =	simm.s32 $_tile_overlayer_lowered  }
0x9b: {  	s22 =	simm.s32 $0x1BFF;
	s21 =	sshll.u32 s6, $0x1;
	s3 =	sadd.s32 s4, s19  }
0x9c: {  	s7 =	simm.s32 $0x0;
	s20 =	sshll.u32 s5, $0x1;
	s5 =	sadd.s32 s21, s3  }
0x9d: {  	[timem:s7], [sflag:s22] =	dma.local [hbm:s5], s20  }
0x9e: {  	_ =	swait.ge [sflag:s22], s20  }
0x9f: {  	s4 =	ssub.s32 $0x0, s20;
	[sflag:s22] =	ssyncset.done $0x0  }
0xa0: {  	[sflag:s22] =	ssyncadd.s32 s4;
	_ =	sdelay $0x1  }
0xa1: {  	s23 =	simm.s32 $0x1B8B  }
0xa2: {  	_ =	swait.ge [sflag:s23], $0x1  }
0xa3: {  	[sflag:s23] =	ssyncset.done $0x0  }
0xa4: {  	s25 =	simm.s32 $0x1B8E;
	s24 =	sld [smem:$0x3FFE];
	[sflag:s23] =	ssyncadd.s32 $0xFFFFFFFF  }
0xa5: {  	s26 =	simm.s32 $execute0_lowered;
	[smem:$0x3FD2] =	sst s25  }
0xa6: {  	s5 =	sshll.u32 s26, $0x1;
	_ =	strace $0x80000046;
	[dreg:$0x1] =	wrdreg $0xFFFFFFFF  }
0xa7: {  	s28 =	simm.s32 $_size_execute0_lowered;
	s3 =	sadd.s32 s3, s5;
	[dreg:$0x0] =	wrdreg $0x0  }
0xa8: {  	s5 =	sshll.u32 s28, $0x1;
	[dreg:$0x2] =	wrdreg s3  }
0xa9: {  	[dreg:$0x3] =	wrdreg s5  }
0xaa: {  	[dreg:$0x4] =	wrdreg $0xC0  }
0xab: {  	_ =	task [dreg:s7], $0x5FFFF  }
0xac: {  	[dreg:$0x1] =	wrdreg $0xFFFFFFFF  }
0xad: {  	[dreg:$0x0] =	wrdreg $0x60  }
0xae: {  	[dreg:$0x2] =	wrdreg s24  }
0xaf: {  	[dreg:$0x3] =	wrdreg s2  }
0xb0: {  	[dreg:$0x4] =	wrdreg $0x1AA300  }
0xb1: {  	[dreg:$0x5] =	wrdreg $0x9  }
0xb2: {  	_ =	task.clear_ibuf [dreg:s7], $0x6FFFF;
	_ =	strace $0x90000046  }
0xb3: {  	s29 =	simm.s32 $0x9;
	_ =	strace $0x80000048  }
0xb4: {  	_ =	swait.ge [sflag:s29], $0x1  }
0xb5: {  	[sflag:s29] =	ssyncadd.s32 $0xFFFFFFFF  }
0xb6: {  	_ =	strace $0x90000048  }
0xb7: {  	_ =	sfence  }
0xb8: {  	s30 =	sld [smem:$0x0];
	_ =	sdelay $0x2  }
0xb9: {  	s31 =	sshll.u32 s1, $0xD;
	s1 =	sshrl.u32 s1, $0x2  }
0xba: {  	s3 =	sand.u32 $0x4000, s31;
	s1 =	sadd.s32 s1, s30  }
0xbb: {  	s0 =	sor.u32 s3, s0;
	s1 =	sshll.u32 s1, $0x11  }
0xbc: {  	s0 =	sor.u32 s1, s0  }
0xbd: {  	s0 =	sadd.s32 $0x8F2B, s0  }
0xbe: {  	[sflag:s0] =	ssyncadd.remote.s32 $0x1  }
0xbf: {  	_ =	sfence.sel $0xFFFF  }
0xc0: {  	[dreg:$0x0] =	wrdreg $0xFFFFFFFF;
	(pc) =	sbr.abs _section_cstart, $3  }
0xc1: {  	[dreg:$0x1] =	wrdreg $0xFFFFFFFF  }
0xc2: {  	_ =	task.clear_ibuf [dreg:s7], $0x2FFFF;
	_ =	strace $0x9FFFFFFF  }
0xc3: {  	(tm) =	ssettm $0x7FFFFFFF  }
tec
execute0_lowered:
.L_overlay_start_1:
0x0: {  	(tag) =	ssettag $0x1  }
0x1: {  	s0 =	rddreg [dreg:$0x0]  }
0x2: {  	s1 =	rddreg [dreg:$0x1]  }
0x3: {  	s2 =	rddreg [dreg:$0x2];
	s3 =	simm.s32 $0x0  }
0x4: {  	s4 =	srdreg.scid;
	s9 =	stileid.u32;
	s15 =	simm.s32 $0x2900  }
0x5: {  	s16 =	simm.s32 $0x16200;
	s18 =	simm.s32 $0x18A30;
	s19 =	simm.s32 $0x4  }
0x6: {  	s20 =	simm.s32 $0x19A30;
	s21 =	simm.s32 $0x1;
	s22 =	simm.s32 $0x80  }
0x7: {  	s23 =	simm.s32 $0x18930;
	s24 =	simm.s32 $0x189B0;
	s25 =	simm.s32 $0x2  }
0x8: {  	s26 =	simm.s32 $0x3;
	s28 =	simm.s32 $0x0;
	s29 =	simm.s32 $0x0  }
0x9: {  	[smem:$0x7FF] =	sst s3;
	s4 =	sand.u32 $0x1, s4;
	s5 =	smul.u32 $0x5000, s9  }
0xa: {  	s6 =	sadd.s32 $0xC00, s0;
	s30 =	sadd.s32 $0x600, s0;
	s8 =	sshll.u32 s9, $0x1  }
0xb: {  	s9 =	smul.u32 $0x14000, s9;
	_ =	strace $0x80000047;
	[dreg:$0x4] =	wrdreg s6  }
0xc: {  	s7 =	smul.u32 $0x50000, s4;
	[dreg:$0x5] =	wrdreg s30;
	s10 =	ssub.s32 $0x2, s4  }
0xd: {  	s6 =	sadd.s32 $0x3400, s0;
	s4 =	sor.u32 s4, s8;
	s31 =	sshrl.u32 s10, $0x1  }
0xe: {  	s4 =	smul.u32 $0x520, s4;
	s9 =	sshrl.u32 s9, $0x2;
	s8 =	sadd.s32 s5, s2  }
0xf: {  	v1 =	vlaneseq.u32;
	s7 =	sadd.s32 s5, s7;
	s14 =	ssub.s32 s10, s31;
	s12 =	sadd.s32 s9, s2  }
0x10: {  	v1 =	vmul.u32 $0x20, v1;
	s7 =	sshrl.u32 s7, $0x3;
	s9 =	sadd.s32 $0x1000, s12;
	s10 =	sadd.s32 $0x2000, s12  }
0x11: {  	s11 =	sadd.s32 $0x3000, s12;
	s12 =	sadd.s32 $0x4000, s12;
	s0 =	sadd.s32 s7, s0  }
0x12: {  	v0 =	vimm.f32 $0.0e+00;
	[tilespmem:$0x1FFF0] =	vst v1;
	s14 =	smax.u32 s14, $0x1;
	s7 =	sadd.s32 s1, s4;
	s13 =	sadd.s32 $0x3600, s0  }
.LBB2_1:
0x13: {  	[tilespmem:s3], [sflag:$0x1] =	stream.linear.gather [hbm4b:s7+s3], $0x2900, $0x38;
	[tilespmem:$0x1FA30] =	vst v63  }
0x14: {  	s0 =	rddreg [dreg:$0x4]  }
0x15: {  	[tilespmem:s15], [sflag:$0x1] =	stream.linear.gather [hbm4b:s0+s3], $0x13900, $0x38;
	[tilespmem:$0x1FA30] =	vst v63  }
0x16: {  	s30 =	rddreg [dreg:$0x5]  }
0x17: {  	[tilespmem:s16], [sflag:$0x1] =	stream.linear.gather [hbm4b:s30+s3], $0x2720, $0x38;
	[tilespmem:$0x1FA30] =	vst v63  }
0x18: {  	s31 =	simm.s32 $0x18920;
	s0 =	simm.s32 $0x0  }
0x19: {  	[tilespmem:s31], [sflag:$0x1] =	stream.linear.gather [hbm4b:s6+s3], $0x10, $0x38;
	[tilespmem:$0x1FA30] =	vst v63  }
.LBB2_2:
0x1a: {  	p0 =	sne.s32 s0, $0x3F80  }
.Ltmp0:
0x1b: {  	_ = 	snop;
	(pc) =	sbr.rel @p0 .LBB2_2-.Ltmp0, $4  }
0x1c: {  	_ = 	snop  }
0x1d: {  	s1 =	sshra.s32 s0, $0x2  }
0x1e: {  	[tilespmem:s1+$0x18A30] =	vst v0  }
0x1f: {  	s0 =	sadd.s32 $0x80, s0;
	[tilespmem:s1+$0x18A40] =	vst v0  }
0x20: {  	s0 =	simm.s32 $0x80;
	s1 =	simm.s32 $0x0  }
.LBB2_4:
0x21: {  	p0 =	sne.s32 s0, $0x3F80;
	[tilespmem:s1+$0x19A30] =	vst v0;
	s4 =	smov.u32 s0;
	s0 =	sadd.s32 $0x80, s0  }
.Ltmp1:
0x22: {  	[tilespmem:s1+$0x19A40] =	vst v0;
	(pc) =	sbr.rel @p0 .LBB2_4-.Ltmp1, $2  }
0x23: {  	_ =	sdelay $0x2  }
0x24: {  	s1 =	sshra.s32 s4, $0x2  }
0x25: {  	[tilespmem:s1+$0x19A30] =	vst v0  }
0x26: {  	[tilespmem:s1+$0x19A40] =	vst v0  }
0x27: {  	[spmem:s8] =	stream.linear.scatter [tilespmem:s18], [sflag:$0x4], $0x1000, $0x38;
	[tilespmem:$0x1FA30] =	vst v63  }
0x28: {  	_ =	swait.ge [sflag:s19], $0x1000  }
0x29: {  	[sflag:s19] =	ssyncset.done $0x0  }
0x2a: {  	[sflag:s19] =	ssyncadd.s32 $0xFFFFF000  }
0x2b: {  	[spmem:s9] =	stream.linear.scatter [tilespmem:s20], [sflag:$0x4], $0x1000, $0x38;
	[tilespmem:$0x1FA30] =	vst v63  }
0x2c: {  	_ =	swait.ge [sflag:s19], $0x1000  }
0x2d: {  	[sflag:s19] =	ssyncset.done $0x0  }
0x2e: {  	[sflag:s19] =	ssyncadd.s32 $0xFFFFF000  }
0x2f: {  	[spmem:s10] =	stream.linear.scatter [tilespmem:s18], [sflag:$0x4], $0x1000, $0x38;
	[tilespmem:$0x1FA30] =	vst v63  }
0x30: {  	_ =	swait.ge [sflag:s19], $0x1000  }
0x31: {  	[sflag:s19] =	ssyncset.done $0x0  }
0x32: {  	[sflag:s19] =	ssyncadd.s32 $0xFFFFF000  }
0x33: {  	[spmem:s11] =	stream.linear.scatter [tilespmem:s20], [sflag:$0x4], $0x1000, $0x38;
	[tilespmem:$0x1FA30] =	vst v63  }
0x34: {  	_ =	swait.ge [sflag:s19], $0x1000  }
0x35: {  	[sflag:s19] =	ssyncset.done $0x0  }
0x36: {  	[sflag:s19] =	ssyncadd.s32 $0xFFFFF000  }
0x37: {  	[spmem:s12] =	stream.linear.scatter [tilespmem:s18], [sflag:$0x4], $0x1000, $0x38;
	[tilespmem:$0x1FA30] =	vst v63  }
0x38: {  	_ =	swait.ge [sflag:s19], $0x1000  }
0x39: {  	[sflag:s19] =	ssyncset.done $0x0  }
0x3a: {  	[sflag:s19] =	ssyncadd.s32 $0xFFFFF000  }
0x3b: {  	_ =	swait.ge [sflag:s21], $0x2900  }
0x3c: {  	[sflag:s21] =	ssyncset.done $0x0  }
0x3d: {  	[sflag:s21] =	ssyncadd.s32 $0xFFFFD700  }
0x3e: {  	_ =	swait.ge [sflag:s21], $0x13900  }
0x3f: {  	[sflag:s21] =	ssyncset.done $0x0  }
0x40: {  	[sflag:s21] =	ssyncadd.s32 $0xFFFEC700  }
0x41: {  	_ =	swait.ge [sflag:s21], $0x2720  }
0x42: {  	[sflag:s21] =	ssyncset.done $0x0  }
0x43: {  	[sflag:s21] =	ssyncadd.s32 $0xFFFFD8E0  }
0x44: {  	_ =	swait.ge [sflag:s21], $0x10  }
0x45: {  	[sflag:s21] =	ssyncset.done $0x0  }
0x46: {  	s30 =	simm.s32 $0x80;
	[sflag:s21] =	ssyncadd.s32 $0xFFFFFFF0  }
0x47: {  	s31 =	simm.s32 $0x0;
	s0 =	simm.s32 $0x0;
	[bflag:$0x0] =	sbarrier.arrive $0xFFFF  }
.LBB2_6:
0x48: {  	p0 =	seq.s32 s0, $0x0  }
0x49: {  	s1 =	simm.s32 @!p0 $0x2  }
0x4a: {  	_ =	swait.ge @!p0 [sflag:s1], $0x1000  }
0x4b: {  	[sflag:s1] =	ssyncset.done @!p0 $0x0  }
0x4c: {  	[sflag:s1] =	ssyncadd.s32 @!p0 $0xFFFFF000  }
0x4d: {  	v15 =	vld [tilespmem:s31+$0x0];
	_ =	sdelay $0x4  }
0x4e: {  	v2 =	vshll.u32 v15, $0x3  }
0x4f: {  	v3 =	vshrl.u32 v15, $0xE;
	v4 =	vand.u32 $0x1FFF8, v2  }
0x50: {  	v5 =	vshll.u32 v3, $0x3  }
0x51: {  	v6 =	vor.u32 $0x5, v4  }
0x52: {  	s17 =	simm.s32 $0x18930;
	v7 =	vor.u32 $0x5, v5  }
0x53: {  	v0 =	vld [tilespmem:$0x18920];
	[tilespmem:s17+$0x0] =	vst v3;
	v3 =	vor.u32 $0x4, v4  }
0x54: {  	v9 =	vor.u32 $0x4, v5;
	v8 =	vld.idx.msk [tilespmem:v4+s15+$0x0], $0xffff  }
0x55: {  	v11 =	vor.u32 $0x3, v4;
	v10 =	vld.idx.msk [tilespmem:v5+s15+$0x0], $0xffff  }
0x56: {  	v12 =	vor.u32 $0x3, v5;
	v18 =	vld.idx.msk [tilespmem:v6+s15+$0x0], $0xffff  }
0x57: {  	v13 =	vor.u32 $0x2, v5;
	v7 =	vld.idx.msk [tilespmem:v7+s15+$0x0], $0xffff  }
0x58: {  	v14 =	vor.u32 $0x1, v4;
	v3 =	vld.idx.msk [tilespmem:v3+s15+$0x0], $0xffff  }
0x59: {  	v16 =	vor.u32 $0x1, v5;
	v9 =	vld.idx.msk [tilespmem:v9+s15+$0x0], $0xffff  }
0x5a: {  	v6 =	vor.u32 $0x2, v4;
	v11 =	vld.idx.msk [tilespmem:v11+s15+$0x0], $0xffff  }
0x5b: {  	v19 =	vld.idx.msk [tilespmem:v12+s15+$0x0], $0xffff  }
0x5c: {  	v20 =	vor.u32 $0x7, v4;
	v21 =	vor.u32 $0x6, v4;
	v23 =	vld.idx.msk [tilespmem:v13+s15+$0x0], $0xffff  }
0x5d: {  	v22 =	vor.u32 $0x7, v5;
	v5 =	vor.u32 $0x6, v5;
	v25 =	vld.idx.msk [tilespmem:v14+s15+$0x0], $0xffff;
	v2 =	vunpack.i.u.bf16.f32 v8  }
0x5e: {  	v27 =	vld.idx.msk [tilespmem:v16+s15+$0x0], $0xffff;
	v37 =	vunpack.i.l.bf16.f32 v8;
	v24 =	vunpack.i.u.bf16.f32 v10;
	v10 =	vunpack.i.l.bf16.f32 v10  }
0x5f: {  	v4 =	vld.idx.msk [tilespmem:v6+s15+$0x0], $0xffff;
	v8 =	vunpack.i.u.bf16.f32 v3;
	v6 =	vunpack.i.l.bf16.f32 v18;
	v26 =	vunpack.i.l.bf16.f32 v7  }
0x60: {  	v12 =	vunpack.i.l.bf16.f32 v3;
	v3 =	vunpack.i.u.bf16.f32 v9;
	v13 =	vunpack.i.u.bf16.f32 v11  }
0x61: {  	v14 =	vunpack.i.l.bf16.f32 v11;
	v10 =	vmul.f32 v10, v37;
	v11 =	vmul.f32 v24, v2  }
0x62: {  	v24 =	vunpack.i.u.bf16.f32 v19;
	v19 =	vunpack.i.l.bf16.f32 v19;
	v17 =	vunpack.i.u.bf16.f32 v25  }
0x63: {  	v46 =	vunpack.i.l.bf16.f32 v25;
	v25 =	vunpack.i.l.bf16.f32 v27;
	v27 =	vunpack.i.u.bf16.f32 v27  }
0x64: {  	v28 =	vunpack.i.l.bf16.f32 v23;
	v25 =	vmul.f32 v25, v46;
	v27 =	vmul.f32 v27, v17  }
0x65: {  	v23 =	vunpack.i.u.bf16.f32 v23;
	v9 =	vunpack.i.l.bf16.f32 v9;
	[tilespmem:$0x1FFE0] =	vst v17;
	v10 =	vadd.f32 v10, v11  }
0x66: {  	v22 =	vld.idx.msk [tilespmem:v22+s15+$0x0], $0xffff;
	v25 =	vadd.f32 v25, v27;
	v16 =	vunpack.i.l.bf16.f32 v4;
	v4 =	vunpack.i.u.bf16.f32 v4  }
0x67: {  	v21 =	vld.idx.msk [tilespmem:v21+s15+$0x0], $0xffff;
	v10 =	vadd.f32 $0.0e+00, v10;
	v11 =	vmul.f32 v28, v16;
	v23 =	vmul.f32 v23, v4  }
0x68: {  	v7 =	vunpack.i.u.bf16.f32 v7;
	v19 =	vmul.f32 v19, v14;
	v24 =	vmul.f32 v24, v13;
	v20 =	vld.idx.msk [tilespmem:v20+s15+$0x0], $0xffff  }
0x69: {  	v27 =	vld.idx.msk [tilespmem:v5+s15+$0x0], $0xffff;
	v5 =	vunpack.i.u.bf16.f32 v18;
	v10 =	vadd.f32 v25, v10;
	v11 =	vadd.f32 v11, v23  }
0x6a: {  	v26 =	vmul.f32 v26, v6;
	v19 =	vadd.f32 v19, v24;
	v24 =	vmul.f32 v7, v5  }
0x6b: {  	v9 =	vmul.f32 v9, v12;
	v23 =	vmul.f32 v3, v8;
	v10 =	vadd.f32 v11, v10  }
0x6c: {  	v24 =	vadd.f32 v26, v24;
	v18 =	vunpack.i.l.bf16.f32 v22;
	v7 =	vunpack.i.l.bf16.f32 v21  }
0x6d: {  	v3 =	vunpack.i.l.bf16.f32 v20;
	v10 =	vadd.f32 v19, v10;
	v19 =	vadd.f32 v9, v23  }
0x6e: {  	v23 =	vunpack.i.l.bf16.f32 v27;
	v9 =	vunpack.i.u.bf16.f32 v21;
	v21 =	vunpack.i.u.bf16.f32 v27  }
0x6f: {  	v23 =	vmul.f32 v23, v7;
	v21 =	vmul.f32 v21, v9;
	v19 =	vadd.f32 v19, v10  }
0x70: {  	v18 =	vmul.f32 v18, v3;
	v10 =	vunpack.i.u.bf16.f32 v20;
	v20 =	vunpack.i.u.bf16.f32 v22  }
0x71: {  	v21 =	vadd.f32 v23, v21;
	v20 =	vmul.f32 v20, v10;
	v19 =	vadd.f32 v24, v19  }
0x72: {  	s17 =	sadd.s32 $0x10, s31  }
0x73: {  	v11 =	vld [tilespmem:s17+$0x0];
	v18 =	vadd.f32 v18, v20;
	v19 =	vadd.f32 v21, v19;
	_ =	sdelay $0x1  }
0x74: {  	v18 =	vadd.f32 v18, v19;
	_ =	sdelay $0x1  }
0x75: {  	v18 =	vmul.f32 v18, v0  }
0x76: {  	v15 =	vand.u32 $0x3FFF, v15;
	v22 =	vshll.u32 v11, $0x3  }
0x77: {  	v20 =	vshrl.u32 v11, $0xE;
	v21 =	vand.u32 $0x1FFF8, v22;
	v18 =	vmul.f32 $1.442695020e+00, v18  }
0x78: {  	s1 =	simm.s32 $0x18940;
	[tilespmem:$0x1FFD0] =	vst v0;
	v25 =	vshll.u32 v20, $0x3  }
0x79: {  	[tilespmem:s1+$0x0] =	vst v20;
	v20 =	vor.u32 $0x4, v21;
	(erf) = vpow2.f32 v18  }
0x7a: {  	v23 =	vor.u32 $0x4, v25  }
0x7b: {  	v43 =	vld.idx.msk [tilespmem:v15+s16+$0x0], $0xffff;
	v22 =	vmov s29;
	v24 =	vor.u32 $0x3, v21  }
0x7c: {  	v22 =	vshll.u32 v22, $0x5;
	v42 =	vor.u32 $0x3, v25;
	v48 =	vor.u32 $0x1, v21;
	v15 =	vld.idx.msk [tilespmem:v21+s15+$0x0], $0xffff  }
0x7d: {  	v61 =	vor.u32 $0x6, v21;
	v53 =	vor.u32 $0x7, v25;
	v19 =	vor.u32 $0x5, v21;
	v44 =	vld.idx.msk [tilespmem:v25+s15+$0x0], $0xffff  }
0x7e: {  	v57 =	vor.u32 $0x1, v25;
	v56 =	vor.u32 v1, v22;
	v22 =	vor.u32 $0x5, v25;
	v20 =	vld.idx.msk [tilespmem:v20+s15+$0x0], $0xffff  }
0x7f: {  	v47 =	vor.u32 $0x6, v25;
	v51 =	vor.u32 $0x10, v56;
	v58 =	vor.u32 $0x1, v56;
	v45 =	vld.idx.msk [tilespmem:v23+s15+$0x0], $0xffff  }
0x80: {  	v35 =	vor.u32 $0x2, v56;
	v38 =	vor.u32 $0x3, v56;
	v36 =	vor.u32 $0x4, v56;
	v49 =	vld.idx.msk [tilespmem:v24+s15+$0x0], $0xffff  }
0x81: {  	v32 =	vor.u32 $0x5, v56;
	v33 =	vor.u32 $0x6, v56;
	v34 =	vor.u32 $0x7, v56;
	v60 =	vld.idx.msk [tilespmem:v42+s15+$0x0], $0xffff  }
0x82: {  	v31 =	vor.u32 $0x8, v56;
	v30 =	vor.u32 $0x9, v56;
	v39 =	vld.idx.msk [tilespmem:v19+s15+$0x0], $0xffff;
	v19 =	vor.u32 $0x2, v21;
	v0 =	vpop (erf)  }
0x83: {  	v29 =	vor.u32 $0xA, v56;
	v40 =	vld.idx.msk [tilespmem:v22+s15+$0x0], $0xffff;
	v22 =	vor.u32 $0x2, v25;
	v43 =	vmul.f32 v0, v43  }
0x84: {  	v28 =	vor.u32 $0xB, v56;
	v27 =	vor.u32 $0xC, v56;
	v26 =	vor.u32 $0xD, v56;
	v55 =	vld.idx.msk [tilespmem:v48+s15+$0x0], $0xffff  }
0x85: {  	v23 =	vor.u32 $0xE, v56;
	v48 =	vld.idx.msk [tilespmem:v61+s15+$0x0], $0xffff;
	v18 =	vor.u32 $0x7, v21;
	v61 =	vmul.f32 v43, v37  }
0x86: {  	v54 =	vunpack.i.u.bf16.f32 v44;
	v59 =	vunpack.i.l.bf16.f32 v44;
	v44 =	vld.idx.msk [tilespmem:v53+s15+$0x0], $0xffff;
	[tilespmem:v51+s18+$0x0] =	vst.idx.msk $0xffff, v0;
	v0 =	vmul.f32 v43, v2  }
0x87: {  	v24 =	vor.u32 $0xF, v56;
	v21 =	vunpack.i.u.bf16.f32 v15;
	v15 =	vunpack.i.l.bf16.f32 v15;
	v52 =	vld.idx.msk [tilespmem:v19+s15+$0x0], $0xffff;
	[tilespmem:v56+s18+$0x0] =	vst.idx.msk $0xffff, v61  }
0x88: {  	v63 =	vunpack.i.u.bf16.f32 v45;
	v17 =	vunpack.i.l.bf16.f32 v45;
	v25 =	vunpack.i.l.bf16.f32 v49;
	v50 =	vld.idx.msk [tilespmem:v22+s15+$0x0], $0xffff;
	[tilespmem:v58+s18+$0x0] =	vst.idx.msk $0xffff, v0  }
0x89: {  	v53 =	vmul.f32 v59, v15;
	v54 =	vmul.f32 v54, v21;
	v59 =	vunpack.i.u.bf16.f32 v60;
	v0 =	vld [tilespmem:$0x1FFE0]  }
0x8a: {  	v41 =	vunpack.i.l.bf16.f32 v60;
	v19 =	vunpack.i.u.bf16.f32 v20;
	v62 =	vunpack.i.l.bf16.f32 v40  }
0x8b: {  	v20 =	vunpack.i.l.bf16.f32 v20;
	v22 =	vunpack.i.u.bf16.f32 v49;
	v42 =	vld.idx.msk [tilespmem:v18+s15+$0x0], $0xffff;
	v18 =	vunpack.i.l.bf16.f32 v39  }
0x8c: {  	v49 =	vmul.f32 v17, v20;
	v17 =	vunpack.i.u.bf16.f32 v55;
	v45 =	vmul.f32 v62, v18  }
0x8d: {  	v60 =	vunpack.i.l.bf16.f32 v50;
	v51 =	vmul.f32 v63, v19;
	v56 =	vmul.f32 v43, v46  }
0x8e: {  	s4 =	simm.s32 $0x10;
	s5 =	simm.s32 $0x20;
	v57 =	vld.idx.msk [tilespmem:v57+s15+$0x0], $0xffff;
	v37 =	vunpack.i.l.bf16.f32 v52;
	v46 =	vmul.f32 v41, v25;
	v58 =	vmul.f32 v43, v0  }
.LBB2_7:
0x8f: {  	v0 =	vmul.f32 v59, v22;
	v16 =	vmul.f32 v43, v16  }
0x90: {  	v59 =	vmul.f32 v60, v37;
	v60 =	vmul.f32 v43, v4  }
0x91: {  	v41 =	vunpack.i.l.bf16.f32 v55;
	v14 =	vmul.f32 v43, v14;
	v13 =	vmul.f32 v43, v13;
	[tilespmem:v35+s18+$0x0] =	vst.idx.msk $0xffff, v56  }
0x92: {  	v62 =	vunpack.i.u.bf16.f32 v50;
	v12 =	vmul.f32 v43, v12;
	v8 =	vmul.f32 v43, v8;
	[tilespmem:v38+s18+$0x0] =	vst.idx.msk $0xffff, v58  }
0x93: {  	v61 =	vadd.f32 v53, v54;
	v63 =	vunpack.i.l.bf16.f32 v57;
	v4 =	vunpack.i.u.bf16.f32 v57;
	[tilespmem:v36+s18+$0x0] =	vst.idx.msk $0xffff, v16  }
0x94: {  	v35 =	vmul.f32 v63, v41;
	v16 =	vmul.f32 v4, v17;
	v4 =	vunpack.i.u.bf16.f32 v52;
	[tilespmem:v32+s18+$0x0] =	vst.idx.msk $0xffff, v60  }
0x95: {  	v6 =	vmul.f32 v43, v6;
	[tilespmem:v33+s18+$0x0] =	vst.idx.msk $0xffff, v14;
	v14 =	vmul.f32 v62, v4  }
0x96: {  	v16 =	vadd.f32 v35, v16;
	v33 =	vld.idx.msk [tilespmem:v47+s15+$0x0], $0xffff;
	[tilespmem:v34+s18+$0x0] =	vst.idx.msk $0xffff, v13;
	v13 =	vadd.f32 $0.0e+00, v61  }
0x97: {  	v1 =	vmul.f32 v43, v3;
	[tilespmem:v31+s18+$0x0] =	vst.idx.msk $0xffff, v12;
	v12 =	vadd.f32 v59, v14  }
0x98: {  	[tilespmem:v30+s18+$0x0] =	vst.idx.msk $0xffff, v8;
	v8 =	vmul.f32 v43, v5;
	v13 =	vadd.f32 v16, v13  }
0x99: {  	v0 =	vadd.f32 v46, v0;
	v5 =	vunpack.i.u.bf16.f32 v39;
	[tilespmem:v29+s18+$0x0] =	vst.idx.msk $0xffff, v6;
	v6 =	vmul.f32 v43, v7  }
0x9a: {  	v7 =	vunpack.i.u.bf16.f32 v40;
	[tilespmem:v28+s18+$0x0] =	vst.idx.msk $0xffff, v8;
	v8 =	vmul.f32 v43, v9;
	v9 =	vadd.f32 v12, v13  }
0x9b: {  	[tilespmem:v27+s18+$0x0] =	vst.idx.msk $0xffff, v6;
	v6 =	vmul.f32 v7, v5;
	v7 =	vunpack.i.l.bf16.f32 v48;
	v12 =	vunpack.i.l.bf16.f32 v33  }
0x9c: {  	v13 =	vunpack.i.u.bf16.f32 v33;
	[tilespmem:v26+s18+$0x0] =	vst.idx.msk $0xffff, v8;
	v0 =	vadd.f32 v0, v9;
	v9 =	vunpack.i.u.bf16.f32 v48  }
0x9d: {  	s17 =	sadd.s32 $0x10, s17;
	[tilespmem:v23+s18+$0x0] =	vst.idx.msk $0xffff, v1;
	v1 =	vmul.f32 v12, v7;
	v2 =	vmul.f32 v13, v9  }
0x9e: {  	v8 =	vmul.f32 v43, v10;
	v10 =	vadd.f32 v49, v51;
	v23 =	vld [tilespmem:s17+$0x0]  }
0x9f: {  	v26 =	vadd.f32 v45, v6;
	v6 =	vmov v18;
	v18 =	vadd.f32 v1, v2;
	v1 =	vld [tilespmem:$0x1FFF0]  }
0xa0: {  	v14 =	vunpack.i.l.bf16.f32 v42;
	v0 =	vadd.f32 v10, v0  }
0xa1: {  	v46 =	vmovc v21;
	v21 =	vunpack.i.u.bf16.f32 v44;
	v16 =	vunpack.i.l.bf16.f32 v44;
	v3 =	vmovc v14;
	v10 =	vunpack.i.u.bf16.f32 v42  }
0xa2: {  	[tilespmem:v24+s18+$0x0] =	vst.idx.msk $0xffff, v8;
	v24 =	vmul.f32 v16, v3;
	v13 =	vmovc v22;
	v22 =	vmov s4;
	v0 =	vadd.f32 v26, v0  }
0xa3: {  	v12 =	vmovc v20;
	v20 =	vand.u32 $0x3FFF, v11;
	v22 =	vshll.u32 v22, $0x5;
	v8 =	vmovc v19;
	v19 =	vmul.f32 v21, v10  }
0xa4: {  	v0 =	vadd.f32 v18, v0;
	v21 =	vshll.u32 v23, $0x3;
	v11 =	vmovc v23;
	v56 =	vor.u32 v1, v22;
	v1 =	vld [tilespmem:$0x1FFD0]  }
0xa5: {  	v18 =	vadd.f32 v24, v19;
	v19 =	vshrl.u32 v11, $0xE;
	v21 =	vand.u32 $0x1FFF8, v21  }
0xa6: {  	v14 =	vmov v25;
	v25 =	vshll.u32 v19, $0x3  }
0xa7: {  	s1 =	sadd.s32 $0x10, s1;
	v0 =	vadd.f32 v18, v0;
	v18 =	vor.u32 $0x5, v21  }
0xa8: {  	[tilespmem:s1+$0x0] =	vst v19;
	v24 =	vor.u32 $0x3, v21  }
0xa9: {  	v16 =	vmovc v37;
	v51 =	vor.u32 $0x10, v56;
	v22 =	vor.u32 $0x5, v25;
	v37 =	vld.idx.msk [tilespmem:v20+s16+$0x0], $0xffff;
	v0 =	vmul.f32 v0, v1  }
0xaa: {  	v19 =	vor.u32 $0x4, v21;
	v58 =	vor.u32 $0x1, v56;
	v35 =	vor.u32 $0x2, v56;
	v20 =	vld.idx.msk [tilespmem:v21+s15+$0x0], $0xffff  }
0xab: {  	v38 =	vor.u32 $0x3, v56;
	v23 =	vor.u32 $0x4, v25;
	v43 =	vld.idx.msk [tilespmem:v25+s15+$0x0], $0xffff;
	v0 =	vmul.f32 $1.442695020e+00, v0  }
0xac: {  	v36 =	vor.u32 $0x4, v56;
	v32 =	vor.u32 $0x5, v56;
	v63 =	vor.u32 $0x3, v25;
	v39 =	vld.idx.msk [tilespmem:v18+s15+$0x0], $0xffff  }
0xad: {  	v33 =	vor.u32 $0x6, v56;
	v34 =	vor.u32 $0x7, v56;
	v48 =	vld.idx.msk [tilespmem:v24+s15+$0x0], $0xffff;
	(erf) = vpow2.f32 v0  }
0xae: {  	v31 =	vor.u32 $0x8, v56;
	v30 =	vor.u32 $0x9, v56;
	v29 =	vor.u32 $0xA, v56;
	v40 =	vld.idx.msk [tilespmem:v22+s15+$0x0], $0xffff  }
0xaf: {  	v28 =	vor.u32 $0xB, v56;
	v27 =	vor.u32 $0xC, v56;
	v18 =	vor.u32 $0x2, v21;
	v22 =	vld.idx.msk [tilespmem:v19+s15+$0x0], $0xffff  }
0xb0: {  	v45 =	vor.u32 $0x1, v21;
	v26 =	vor.u32 $0xD, v56;
	v19 =	vor.u32 $0x2, v25;
	v44 =	vld.idx.msk [tilespmem:v23+s15+$0x0], $0xffff  }
0xb1: {  	v60 =	vor.u32 $0x6, v21;
	v53 =	vor.u32 $0x7, v25;
	v57 =	vor.u32 $0x1, v25;
	v49 =	vld.idx.msk [tilespmem:v63+s15+$0x0], $0xffff  }
0xb2: {  	v47 =	vor.u32 $0x6, v25;
	v24 =	vor.u32 $0xF, v56;
	v0 =	vor.u32 $0x7, v21  }
0xb3: {  	v23 =	vor.u32 $0xE, v56;
	v21 =	vunpack.i.u.bf16.f32 v20;
	v54 =	vunpack.i.u.bf16.f32 v43  }
0xb4: {  	v59 =	vunpack.i.l.bf16.f32 v43;
	v52 =	vld.idx.msk [tilespmem:v18+s15+$0x0], $0xffff;
	v18 =	vunpack.i.l.bf16.f32 v39;
	v25 =	vunpack.i.l.bf16.f32 v48  }
0xb5: {  	v50 =	vld.idx.msk [tilespmem:v19+s15+$0x0], $0xffff;
	v19 =	vunpack.i.u.bf16.f32 v22;
	v61 =	vunpack.i.l.bf16.f32 v40;
	v62 =	vunpack.i.u.bf16.f32 v44  }
0xb6: {  	v55 =	vld.idx.msk [tilespmem:v45+s15+$0x0], $0xffff;
	v63 =	vunpack.i.l.bf16.f32 v44;
	v54 =	vmul.f32 v54, v21;
	v2 =	vunpack.i.l.bf16.f32 v49;
	v1 =	vpop (erf)  }
0xb7: {  	p1 =	sne.s32 s5, $0x70;
	v45 =	vmul.f32 v61, v18;
	v42 =	vld.idx.msk [tilespmem:v0+s15+$0x0], $0xffff;
	v0 =	vunpack.i.l.bf16.f32 v20;
	v43 =	vmul.f32 v1, v37  }
.Ltmp2:
0xb8: {  	v44 =	vld.idx.msk [tilespmem:v53+s15+$0x0], $0xffff;
	v20 =	vunpack.i.l.bf16.f32 v22;
	v22 =	vunpack.i.u.bf16.f32 v48;
	v53 =	vmul.f32 v59, v0;
	(pc) =	sbr.rel @p1 .LBB2_7-.Ltmp2, $4  }
0xb9: {  	v57 =	vld.idx.msk [tilespmem:v57+s15+$0x0], $0xffff;
	v59 =	vunpack.i.u.bf16.f32 v49;
	v49 =	vmul.f32 v63, v20;
	v61 =	vmul.f32 v43, v15  }
0xba: {  	v48 =	vld.idx.msk [tilespmem:v60+s15+$0x0], $0xffff;
	v60 =	vunpack.i.l.bf16.f32 v50;
	[tilespmem:v51+s18+$0x0] =	vst.idx.msk $0xffff, v1;
	v15 =	vmov v0;
	v0 =	vmul.f32 v43, v46  }
0xbb: {  	v37 =	vunpack.i.l.bf16.f32 v52;
	v51 =	vmul.f32 v62, v19;
	v46 =	vmul.f32 v2, v25;
	[tilespmem:v56+s18+$0x0] =	vst.idx.msk $0xffff, v61  }
0xbc: {  	s4 =	smov.u32 s5;
	s5 =	sadd.s32 $0x10, s5;
	v56 =	vmul.f32 v43, v41;
	[tilespmem:v58+s18+$0x0] =	vst.idx.msk $0xffff, v0;
	v58 =	vmul.f32 v43, v17;
	v17 =	vunpack.i.u.bf16.f32 v55  }
0xbd: {  	_ = 	snop  }
0xbe: {  	v0 =	vunpack.i.l.bf16.f32 v55;
	v1 =	vunpack.i.l.bf16.f32 v57;
	v2 =	vunpack.i.u.bf16.f32 v57  }
0xbf: {  	v41 =	vadd.f32 v53, v54;
	v1 =	vmul.f32 v1, v0;
	v2 =	vmul.f32 v2, v17  }
0xc0: {  	v63 =	vmul.f32 v60, v37;
	v52 =	vunpack.i.u.bf16.f32 v52;
	v50 =	vunpack.i.u.bf16.f32 v50  }
0xc1: {  	v47 =	vld.idx.msk [tilespmem:v47+s15+$0x0], $0xffff;
	v50 =	vmul.f32 v50, v52;
	v41 =	vadd.f32 $0.0e+00, v41;
	v1 =	vadd.f32 v1, v2;
	_ =	sdelay $0x1  }
0xc2: {  	v50 =	vadd.f32 v63, v50;
	v2 =	vmul.f32 v59, v22;
	v1 =	vadd.f32 v1, v41  }
0xc3: {  	v39 =	vunpack.i.u.bf16.f32 v39;
	v40 =	vunpack.i.u.bf16.f32 v40  }
0xc4: {  	v60 =	vunpack.i.u.bf16.f32 v42;
	v2 =	vadd.f32 v46, v2;
	v1 =	vadd.f32 v50, v1  }
0xc5: {  	v40 =	vmul.f32 v40, v39;
	v57 =	vunpack.i.u.bf16.f32 v48;
	v55 =	vunpack.i.l.bf16.f32 v47  }
0xc6: {  	v47 =	vunpack.i.u.bf16.f32 v47;
	v1 =	vadd.f32 v2, v1;
	v2 =	vadd.f32 v49, v51  }
0xc7: {  	v61 =	vunpack.i.u.bf16.f32 v44;
	v54 =	vunpack.i.l.bf16.f32 v48;
	v59 =	vmul.f32 v47, v57  }
0xc8: {  	v49 =	vmul.f32 v55, v54;
	v1 =	vadd.f32 v2, v1;
	v2 =	vadd.f32 v45, v40  }
0xc9: {  	v53 =	vunpack.i.l.bf16.f32 v44;
	v63 =	vmul.f32 v61, v60;
	v41 =	vunpack.i.l.bf16.f32 v42  }
0xca: {  	v62 =	vmul.f32 v53, v41;
	v1 =	vadd.f32 v2, v1;
	v2 =	vadd.f32 v49, v59;
	_ =	sdelay $0x1  }
0xcb: {  	v1 =	vadd.f32 v2, v1;
	v2 =	vadd.f32 v62, v63;
	_ =	sdelay $0x1  }
0xcc: {  	v1 =	vadd.f32 v2, v1;
	v2 =	vld [tilespmem:$0x1FFD0];
	_ =	sdelay $0x4  }
0xcd: {  	v1 =	vmul.f32 v1, v2;
	_ =	sdelay $0x1  }
0xce: {  	[tilespmem:v35+s18+$0x0] =	vst.idx.msk $0xffff, v56;
	v2 =	vmul.f32 v43, v16;
	v1 =	vmul.f32 $1.442695020e+00, v1  }
0xcf: {  	v4 =	vmul.f32 v43, v4;
	[tilespmem:v38+s18+$0x0] =	vst.idx.msk $0xffff, v58  }
0xd0: {  	[tilespmem:v36+s18+$0x0] =	vst.idx.msk $0xffff, v2;
	(erf) = vpow2.f32 v1;
	v1 =	vmul.f32 v43, v14  }
0xd1: {  	v2 =	vmul.f32 v43, v13;
	[tilespmem:v32+s18+$0x0] =	vst.idx.msk $0xffff, v4  }
0xd2: {  	[tilespmem:v33+s18+$0x0] =	vst.idx.msk $0xffff, v1;
	v1 =	vmul.f32 v43, v12  }
0xd3: {  	[tilespmem:v34+s18+$0x0] =	vst.idx.msk $0xffff, v2;
	v2 =	vmul.f32 v43, v8  }
0xd4: {  	[tilespmem:v31+s18+$0x0] =	vst.idx.msk $0xffff, v1;
	v1 =	vmul.f32 v43, v6  }
0xd5: {  	v11 =	vand.u32 $0x3FFF, v11;
	[tilespmem:v30+s18+$0x0] =	vst.idx.msk $0xffff, v2  }
0xd6: {  	[tilespmem:v29+s18+$0x0] =	vst.idx.msk $0xffff, v1  }
0xd7: {  	v29 =	vld [tilespmem:$0x1FFF0];
	_ =	sdelay $0x2  }
0xd8: {  	v4 =	vmov s4;
	v6 =	vld.idx.msk [tilespmem:v11+s16+$0x0], $0xffff  }
0xd9: {  	v4 =	vshll.u32 v4, $0x5;
	v2 =	vmul.f32 v43, v5  }
0xda: {  	v1 =	vmul.f32 v43, v7;
	v4 =	vor.u32 v29, v4  }
0xdb: {  	[tilespmem:v28+s18+$0x0] =	vst.idx.msk $0xffff, v2;
	v2 =	vmul.f32 v43, v9;
	v5 =	vor.u32 $0x10, v4  }
0xdc: {  	[tilespmem:v27+s18+$0x0] =	vst.idx.msk $0xffff, v1;
	v1 =	vmul.f32 v43, v3;
	v3 =	vpop (erf)  }
0xdd: {  	[tilespmem:v26+s18+$0x0] =	vst.idx.msk $0xffff, v2;
	v2 =	vmul.f32 v43, v10;
	v6 =	vmul.f32 v3, v6;
	v7 =	vor.u32 $0x1, v4  }
0xde: {  	[tilespmem:v23+s18+$0x0] =	vst.idx.msk $0xffff, v1;
	v1 =	vor.u32 $0x2, v4  }
0xdf: {  	[tilespmem:v24+s18+$0x0] =	vst.idx.msk $0xffff, v2;
	v8 =	vmul.f32 v6, v15;
	v2 =	vor.u32 $0x3, v4  }
0xe0: {  	v9 =	vor.u32 $0x4, v4;
	[tilespmem:v5+s18+$0x0] =	vst.idx.msk $0xffff, v3;
	v3 =	vmul.f32 v6, v21  }
0xe1: {  	v0 =	vmul.f32 v6, v0;
	v5 =	vor.u32 $0x5, v4;
	[tilespmem:v4+s18+$0x0] =	vst.idx.msk $0xffff, v8  }
0xe2: {  	v8 =	vor.u32 $0x6, v4;
	[tilespmem:v7+s18+$0x0] =	vst.idx.msk $0xffff, v3;
	v3 =	vmul.f32 v6, v17  }
0xe3: {  	v7 =	vor.u32 $0x7, v4;
	[tilespmem:v1+s18+$0x0] =	vst.idx.msk $0xffff, v0;
	v0 =	vmul.f32 v6, v37  }
0xe4: {  	v1 =	vor.u32 $0x8, v4;
	[tilespmem:v2+s18+$0x0] =	vst.idx.msk $0xffff, v3;
	v2 =	vmul.f32 v6, v52  }
0xe5: {  	v3 =	vor.u32 $0x9, v4;
	[tilespmem:v9+s18+$0x0] =	vst.idx.msk $0xffff, v0;
	v0 =	vmul.f32 v6, v25  }
0xe6: {  	v9 =	vor.u32 $0xA, v4;
	[tilespmem:v5+s18+$0x0] =	vst.idx.msk $0xffff, v2;
	v2 =	vmul.f32 v6, v22  }
0xe7: {  	v5 =	vor.u32 $0xB, v4;
	[tilespmem:v8+s18+$0x0] =	vst.idx.msk $0xffff, v0;
	v0 =	vmul.f32 v6, v20  }
0xe8: {  	v8 =	vor.u32 $0xC, v4;
	[tilespmem:v7+s18+$0x0] =	vst.idx.msk $0xffff, v2;
	v2 =	vmul.f32 v6, v19  }
0xe9: {  	v7 =	vor.u32 $0xD, v4;
	[tilespmem:v1+s18+$0x0] =	vst.idx.msk $0xffff, v0;
	v0 =	vmul.f32 v6, v18  }
0xea: {  	v1 =	vor.u32 $0xE, v4;
	[tilespmem:v3+s18+$0x0] =	vst.idx.msk $0xffff, v2;
	v2 =	vmul.f32 v6, v39  }
0xeb: {  	v3 =	vor.u32 $0xF, v4;
	[tilespmem:v9+s18+$0x0] =	vst.idx.msk $0xffff, v0;
	v0 =	vmul.f32 v6, v54  }
0xec: {  	[tilespmem:v5+s18+$0x0] =	vst.idx.msk $0xffff, v2;
	v2 =	vmul.f32 v6, v57  }
0xed: {  	[tilespmem:v8+s18+$0x0] =	vst.idx.msk $0xffff, v0;
	v0 =	vmul.f32 v6, v41  }
0xee: {  	[tilespmem:v7+s18+$0x0] =	vst.idx.msk $0xffff, v2;
	v2 =	vmul.f32 v6, v60  }
0xef: {  	[tilespmem:v1+s18+$0x0] =	vst.idx.msk $0xffff, v0  }
0xf0: {  	s1 =	simm.s32 @!p0 $0x3;
	[tilespmem:v3+s18+$0x0] =	vst.idx.msk $0xffff, v2  }
0xf1: {  	[spmem:s2] =	stream.indirect.scatter.add.f32 [tilespmem:s18], [sflag:$0x2], $0x20, s23, s22, $0xb8;
	[tilespmem:$0x1FA30] =	vst v63  }
0xf2: {  	_ =	swait.ge @!p0 [sflag:s1], $0x1000  }
0xf3: {  	[sflag:s1] =	ssyncset.done @!p0 $0x0  }
0xf4: {  	[sflag:s1] =	ssyncadd.s32 @!p0 $0xFFFFF000  }
0xf5: {  	v0 =	vld [tilespmem:s30+$0x0];
	_ =	sdelay $0x4  }
0xf6: {  	v1 =	vshll.u32 v0, $0x3  }
0xf7: {  	v3 =	vshrl.u32 v0, $0xE;
	v1 =	vand.u32 $0x1FFF8, v1  }
0xf8: {  	v4 =	vshll.u32 v3, $0x3  }
0xf9: {  	v5 =	vor.u32 $0x5, v1  }
0xfa: {  	s4 =	simm.s32 $0x189B0;
	v6 =	vor.u32 $0x5, v4  }
0xfb: {  	v2 =	vld [tilespmem:$0x18920];
	[tilespmem:s4+$0x0] =	vst v3;
	v8 =	vor.u32 $0x4, v4  }
0xfc: {  	v3 =	vor.u32 $0x4, v1;
	v7 =	vld.idx.msk [tilespmem:v1+s15+$0x0], $0xffff  }
0xfd: {  	v10 =	vor.u32 $0x3, v1;
	v9 =	vld.idx.msk [tilespmem:v4+s15+$0x0], $0xffff  }
0xfe: {  	v11 =	vor.u32 $0x3, v4;
	v5 =	vld.idx.msk [tilespmem:v5+s15+$0x0], $0xffff  }
0xff: {  	v15 =	vld.idx.msk [tilespmem:v6+s15+$0x0], $0xffff;
	v6 =	vor.u32 $0x2, v1  }
0x100: {  	v18 =	vld.idx.msk [tilespmem:v8+s15+$0x0], $0xffff;
	v8 =	vor.u32 $0x1, v1  }
0x101: {  	v13 =	vor.u32 $0x1, v4;
	v3 =	vld.idx.msk [tilespmem:v3+s15+$0x0], $0xffff  }
0x102: {  	v10 =	vld.idx.msk [tilespmem:v10+s15+$0x0], $0xffff  }
0x103: {  	v12 =	vor.u32 $0x2, v4;
	v19 =	vor.u32 $0x7, v1;
	v11 =	vld.idx.msk [tilespmem:v11+s15+$0x0], $0xffff;
	v17 =	vunpack.i.u.bf16.f32 v7  }
0x104: {  	v21 =	vor.u32 $0x7, v4;
	v22 =	vor.u32 $0x6, v4;
	v1 =	vor.u32 $0x6, v1;
	v20 =	vld.idx.msk [tilespmem:v6+s15+$0x0], $0xffff;
	[tilespmem:$0x1FFC0] =	vst v17  }
0x105: {  	v37 =	vunpack.i.l.bf16.f32 v7;
	v4 =	vunpack.i.u.bf16.f32 v9;
	v7 =	vunpack.i.l.bf16.f32 v9;
	v9 =	vld.idx.msk [tilespmem:v8+s15+$0x0], $0xffff  }
0x106: {  	v6 =	vunpack.i.l.bf16.f32 v5;
	v7 =	vmul.f32 v7, v37;
	v4 =	vmul.f32 v4, v17;
	v24 =	vld.idx.msk [tilespmem:v13+s15+$0x0], $0xffff  }
0x107: {  	v16 =	vunpack.i.l.bf16.f32 v15;
	v14 =	vunpack.i.l.bf16.f32 v10;
	v5 =	vunpack.i.u.bf16.f32 v5  }
0x108: {  	v23 =	vld.idx.msk [tilespmem:v12+s15+$0x0], $0xffff;
	v8 =	vunpack.i.u.bf16.f32 v3;
	v12 =	vunpack.i.l.bf16.f32 v3;
	v7 =	vadd.f32 v7, v4  }
0x109: {  	v13 =	vunpack.i.u.bf16.f32 v10;
	v10 =	vunpack.i.u.bf16.f32 v11;
	v11 =	vunpack.i.l.bf16.f32 v11  }
0x10a: {  	v25 =	vmul.f32 v16, v6;
	v7 =	vadd.f32 $0.0e+00, v7;
	v41 =	vunpack.i.u.bf16.f32 v9  }
0x10b: {  	v46 =	vunpack.i.l.bf16.f32 v9;
	v9 =	vunpack.i.l.bf16.f32 v24;
	v24 =	vunpack.i.u.bf16.f32 v24  }
0x10c: {  	v19 =	vld.idx.msk [tilespmem:v19+s15+$0x0], $0xffff;
	v16 =	vunpack.i.l.bf16.f32 v20;
	v9 =	vmul.f32 v9, v46;
	v24 =	vmul.f32 v24, v41  }
0x10d: {  	v22 =	vld.idx.msk [tilespmem:v22+s15+$0x0], $0xffff;
	v4 =	vunpack.i.u.bf16.f32 v20;
	v26 =	vunpack.i.l.bf16.f32 v23;
	v20 =	vunpack.i.u.bf16.f32 v23  }
0x10e: {  	v21 =	vld.idx.msk [tilespmem:v21+s15+$0x0], $0xffff;
	v26 =	vmul.f32 v26, v16;
	v20 =	vmul.f32 v20, v4;
	v9 =	vadd.f32 v9, v24  }
0x10f: {  	v3 =	vunpack.i.u.bf16.f32 v18;
	v1 =	vld.idx.msk [tilespmem:v1+s15+$0x0], $0xffff;
	v11 =	vmul.f32 v11, v14;
	v10 =	vmul.f32 v10, v13  }
0x110: {  	v18 =	vunpack.i.l.bf16.f32 v18;
	v20 =	vadd.f32 v26, v20;
	v7 =	vadd.f32 v9, v7  }
0x111: {  	v18 =	vmul.f32 v18, v12;
	v10 =	vadd.f32 v11, v10;
	v9 =	vmul.f32 v3, v8  }
0x112: {  	v23 =	vunpack.i.l.bf16.f32 v22;
	v3 =	vunpack.i.l.bf16.f32 v19;
	v11 =	vadd.f32 v20, v7  }
0x113: {  	v7 =	vunpack.i.u.bf16.f32 v15;
	v15 =	vunpack.i.l.bf16.f32 v21;
	v18 =	vadd.f32 v18, v9  }
0x114: {  	v20 =	vmul.f32 v7, v5;
	v7 =	vunpack.i.l.bf16.f32 v1;
	v10 =	vadd.f32 v10, v11  }
0x115: {  	v9 =	vunpack.i.u.bf16.f32 v1;
	v1 =	vunpack.i.u.bf16.f32 v22;
	v22 =	vmul.f32 v23, v7  }
0x116: {  	s17 =	sadd.s32 $0x10, s30;
	v1 =	vmul.f32 v1, v9;
	v20 =	vadd.f32 v25, v20;
	v18 =	vadd.f32 v18, v10  }
0x117: {  	v15 =	vmul.f32 v15, v3;
	v11 =	vld [tilespmem:s17+$0x0];
	v10 =	vunpack.i.u.bf16.f32 v19;
	v19 =	vunpack.i.u.bf16.f32 v21  }
0x118: {  	v1 =	vadd.f32 v22, v1;
	v19 =	vmul.f32 v19, v10;
	v18 =	vadd.f32 v20, v18;
	_ =	sdelay $0x1  }
0x119: {  	v15 =	vadd.f32 v15, v19;
	v1 =	vadd.f32 v1, v18;
	_ =	sdelay $0x1  }
0x11a: {  	v0 =	vand.u32 $0x3FFF, v0;
	v20 =	vshll.u32 v11, $0x3;
	v1 =	vadd.f32 v15, v1  }
0x11b: {  	v18 =	vshrl.u32 v11, $0xE;
	v19 =	vand.u32 $0x1FFF8, v20  }
0x11c: {  	s1 =	simm.s32 $0x189C0;
	[tilespmem:$0x1FFB0] =	vst v2;
	v22 =	vshll.u32 v18, $0x3;
	v1 =	vmul.f32 v1, v2  }
0x11d: {  	s5 =	simm.s32 $0x0;
	[tilespmem:s1+$0x0] =	vst v18;
	v18 =	vor.u32 $0x4, v19  }
0x11e: {  	v20 =	vmov s5;
	v23 =	vor.u32 $0x3, v19;
	v1 =	vmul.f32 $1.442695020e+00, v1  }
0x11f: {  	v59 =	vld.idx.msk [tilespmem:v0+s16+$0x0], $0xffff;
	v20 =	vshll.u32 v20, $0x5;
	v48 =	vor.u32 $0x1, v19  }
0x120: {  	v61 =	vor.u32 $0x6, v19;
	v15 =	vor.u32 $0x5, v19;
	v25 =	vld.idx.msk [tilespmem:v19+s15+$0x0], $0xffff;
	(erf) = vpow2.f32 v1  }
0x121: {  	v56 =	vor.u32 v29, v20;
	v20 =	vor.u32 $0x5, v22;
	v21 =	vor.u32 $0x4, v22;
	v43 =	vld.idx.msk [tilespmem:v22+s15+$0x0], $0xffff  }
0x122: {  	v24 =	vor.u32 $0x3, v22;
	v53 =	vor.u32 $0x7, v22;
	v57 =	vor.u32 $0x1, v22;
	v44 =	vld.idx.msk [tilespmem:v18+s15+$0x0], $0xffff  }
0x123: {  	v47 =	vor.u32 $0x6, v22;
	v51 =	vor.u32 $0x10, v56;
	v58 =	vor.u32 $0x1, v56;
	v49 =	vld.idx.msk [tilespmem:v23+s15+$0x0], $0xffff  }
0x124: {  	v35 =	vor.u32 $0x2, v56;
	v38 =	vor.u32 $0x3, v56;
	v18 =	vor.u32 $0x2, v22;
	v55 =	vld.idx.msk [tilespmem:v48+s15+$0x0], $0xffff  }
0x125: {  	v36 =	vor.u32 $0x4, v56;
	v32 =	vor.u32 $0x5, v56;
	v39 =	vld.idx.msk [tilespmem:v15+s15+$0x0], $0xffff;
	v1 =	vor.u32 $0x7, v19  }
0x126: {  	v33 =	vor.u32 $0x6, v56;
	v34 =	vor.u32 $0x7, v56;
	v31 =	vor.u32 $0x8, v56;
	v40 =	vld.idx.msk [tilespmem:v20+s15+$0x0], $0xffff  }
0x127: {  	v30 =	vor.u32 $0x9, v56;
	v29 =	vor.u32 $0xA, v56;
	v20 =	vor.u32 $0x2, v19;
	v45 =	vld.idx.msk [tilespmem:v21+s15+$0x0], $0xffff  }
0x128: {  	v28 =	vor.u32 $0xB, v56;
	v27 =	vor.u32 $0xC, v56;
	v26 =	vor.u32 $0xD, v56;
	v60 =	vld.idx.msk [tilespmem:v24+s15+$0x0], $0xffff  }
0x129: {  	v23 =	vor.u32 $0xE, v56;
	v24 =	vor.u32 $0xF, v56;
	v21 =	vunpack.i.u.bf16.f32 v25;
	v50 =	vld.idx.msk [tilespmem:v18+s15+$0x0], $0xffff;
	v0 =	vpop (erf)  }
0x12a: {  	v15 =	vunpack.i.l.bf16.f32 v25;
	v54 =	vunpack.i.l.bf16.f32 v43;
	v19 =	vunpack.i.u.bf16.f32 v44;
	v42 =	vld.idx.msk [tilespmem:v1+s15+$0x0], $0xffff;
	[tilespmem:v51+s20+$0x0] =	vst.idx.msk $0xffff, v0  }
0x12b: {  	v22 =	vunpack.i.u.bf16.f32 v49;
	v1 =	vunpack.i.u.bf16.f32 v43;
	v43 =	vmul.f32 v0, v59;
	v0 =	vld [tilespmem:$0x1FFC0]  }
0x12c: {  	v25 =	vunpack.i.l.bf16.f32 v49;
	v52 =	vld.idx.msk [tilespmem:v20+s15+$0x0], $0xffff;
	v18 =	vunpack.i.l.bf16.f32 v39;
	v62 =	vunpack.i.l.bf16.f32 v40  }
0x12d: {  	v20 =	vunpack.i.l.bf16.f32 v44;
	v17 =	vunpack.i.l.bf16.f32 v45;
	v44 =	vld.idx.msk [tilespmem:v53+s15+$0x0], $0xffff;
	v53 =	vmul.f32 v54, v15  }
0x12e: {  	v63 =	vunpack.i.u.bf16.f32 v45;
	v45 =	vmul.f32 v62, v18;
	v49 =	vmul.f32 v17, v20  }
0x12f: {  	v48 =	vld.idx.msk [tilespmem:v61+s15+$0x0], $0xffff;
	v17 =	vunpack.i.u.bf16.f32 v55;
	v54 =	vmul.f32 v1, v21;
	v61 =	vmul.f32 v43, v37  }
0x130: {  	v57 =	vld.idx.msk [tilespmem:v57+s15+$0x0], $0xffff;
	v1 =	vunpack.i.l.bf16.f32 v60;
	v59 =	vunpack.i.u.bf16.f32 v60;
	v0 =	vmul.f32 v43, v0  }
0x131: {  	v60 =	vunpack.i.l.bf16.f32 v50;
	v51 =	vmul.f32 v63, v19;
	[tilespmem:v56+s20+$0x0] =	vst.idx.msk $0xffff, v61;
	v56 =	vmul.f32 v43, v46  }
0x132: {  	s4 =	simm.s32 $0x10;
	s5 =	simm.s32 $0x20;
	v37 =	vunpack.i.l.bf16.f32 v52;
	v46 =	vmul.f32 v1, v25;
	[tilespmem:v58+s20+$0x0] =	vst.idx.msk $0xffff, v0;
	v58 =	vmul.f32 v43, v41  }
.LBB2_9:
0x133: {  	v0 =	vmul.f32 v59, v22  }
0x134: {  	v1 =	vmul.f32 v43, v16;
	v59 =	vmul.f32 v60, v37;
	[tilespmem:v35+s20+$0x0] =	vst.idx.msk $0xffff, v56  }
0x135: {  	v41 =	vunpack.i.l.bf16.f32 v55;
	v60 =	vmul.f32 v43, v4;
	v13 =	vmul.f32 v43, v13;
	[tilespmem:v38+s20+$0x0] =	vst.idx.msk $0xffff, v58  }
0x136: {  	v62 =	vunpack.i.u.bf16.f32 v50;
	v16 =	vunpack.i.l.bf16.f32 v57;
	[tilespmem:v36+s20+$0x0] =	vst.idx.msk $0xffff, v1;
	v1 =	vmul.f32 v43, v14  }
0x137: {  	v61 =	vadd.f32 v53, v54;
	v4 =	vunpack.i.u.bf16.f32 v57;
	v16 =	vmul.f32 v16, v41;
	[tilespmem:v32+s20+$0x0] =	vst.idx.msk $0xffff, v60  }
0x138: {  	v14 =	vmul.f32 v4, v17;
	v4 =	vunpack.i.u.bf16.f32 v52;
	[tilespmem:v33+s20+$0x0] =	vst.idx.msk $0xffff, v1;
	v1 =	vmul.f32 v43, v12  }
0x139: {  	v8 =	vmul.f32 v43, v8;
	v12 =	vmul.f32 v62, v4;
	v33 =	vld.idx.msk [tilespmem:v47+s15+$0x0], $0xffff;
	[tilespmem:v34+s20+$0x0] =	vst.idx.msk $0xffff, v13  }
0x13a: {  	v14 =	vadd.f32 v16, v14;
	v13 =	vadd.f32 $0.0e+00, v61;
	[tilespmem:v31+s20+$0x0] =	vst.idx.msk $0xffff, v1;
	v1 =	vmul.f32 v43, v6  }
0x13b: {  	v6 =	vadd.f32 v59, v12;
	[tilespmem:v30+s20+$0x0] =	vst.idx.msk $0xffff, v8;
	v8 =	vmul.f32 v43, v5  }
0x13c: {  	v13 =	vadd.f32 v14, v13;
	[tilespmem:v29+s20+$0x0] =	vst.idx.msk $0xffff, v1;
	v1 =	vmul.f32 v43, v7  }
0x13d: {  	v0 =	vadd.f32 v46, v0;
	v5 =	vunpack.i.u.bf16.f32 v39;
	[tilespmem:v28+s20+$0x0] =	vst.idx.msk $0xffff, v8;
	v8 =	vmul.f32 v43, v9  }
0x13e: {  	v7 =	vunpack.i.u.bf16.f32 v40;
	v6 =	vadd.f32 v6, v13;
	[tilespmem:v27+s20+$0x0] =	vst.idx.msk $0xffff, v1;
	v1 =	vmul.f32 v43, v3  }
0x13f: {  	v2 =	vmul.f32 v43, v10;
	v13 =	vmul.f32 v7, v5;
	v7 =	vunpack.i.l.bf16.f32 v48;
	[tilespmem:v26+s20+$0x0] =	vst.idx.msk $0xffff, v8  }
0x140: {  	s17 =	sadd.s32 $0x10, s17;
	v0 =	vadd.f32 v0, v6;
	v26 =	vadd.f32 v49, v51;
	v8 =	vunpack.i.l.bf16.f32 v33;
	[tilespmem:v23+s20+$0x0] =	vst.idx.msk $0xffff, v1  }
0x141: {  	v9 =	vunpack.i.u.bf16.f32 v48;
	v10 =	vunpack.i.u.bf16.f32 v33;
	v16 =	vmul.f32 v8, v7;
	v1 =	vld [tilespmem:s17+$0x0];
	[tilespmem:v24+s20+$0x0] =	vst.idx.msk $0xffff, v2  }
0x142: {  	v0 =	vadd.f32 v26, v0;
	v2 =	vadd.f32 v45, v13;
	v24 =	vmul.f32 v10, v9  }
0x143: {  	v46 =	vmovc v21;
	v21 =	vunpack.i.u.bf16.f32 v44;
	v12 =	vunpack.i.l.bf16.f32 v42;
	v14 =	vunpack.i.l.bf16.f32 v44  }
0x144: {  	v3 =	vmovc v12;
	v10 =	vunpack.i.u.bf16.f32 v42;
	v6 =	vmovc v18;
	v0 =	vadd.f32 v2, v0;
	v18 =	vadd.f32 v16, v24;
	v2 =	vld [tilespmem:$0x1FFF0]  }
0x145: {  	v23 =	vmul.f32 v14, v3;
	v8 =	vmov v19;
	v19 =	vmul.f32 v21, v10  }
0x146: {  	v0 =	vadd.f32 v18, v0;
	v21 =	vshll.u32 v1, $0x3  }
0x147: {  	v18 =	vadd.f32 v23, v19;
	v19 =	vand.u32 $0x1FFF8, v21;
	v21 =	vmov s4  }
0x148: {  	v21 =	vshll.u32 v21, $0x5  }
0x149: {  	v12 =	vmovc v20;
	v20 =	vand.u32 $0x3FFF, v11;
	v11 =	vmov v1;
	v56 =	vor.u32 v2, v21;
	v2 =	vld [tilespmem:$0x1FFB0]  }
0x14a: {  	v1 =	vshrl.u32 v11, $0xE  }
0x14b: {  	v13 =	vmov v22;
	v22 =	vshll.u32 v1, $0x3  }
0x14c: {  	s1 =	sadd.s32 $0x10, s1;
	v0 =	vadd.f32 v18, v0;
	v18 =	vor.u32 $0x5, v19  }
0x14d: {  	[tilespmem:s1+$0x0] =	vst v1;
	v1 =	vor.u32 $0x4, v19  }
0x14e: {  	v16 =	vmovc v37;
	v24 =	vor.u32 $0x3, v19;
	v45 =	vor.u32 $0x1, v19;
	v37 =	vld.idx.msk [tilespmem:v20+s16+$0x0], $0xffff;
	v0 =	vmul.f32 v0, v2  }
0x14f: {  	v60 =	vor.u32 $0x6, v19;
	v21 =	vor.u32 $0x5, v22;
	v23 =	vor.u32 $0x4, v22;
	v20 =	vld.idx.msk [tilespmem:v19+s15+$0x0], $0xffff  }
0x150: {  	v14 =	vmovc v25;
	v63 =	vor.u32 $0x3, v22;
	v43 =	vor.u32 $0x2, v22;
	v25 =	vld.idx.msk [tilespmem:v22+s15+$0x0], $0xffff;
	v0 =	vmul.f32 $1.442695020e+00, v0  }
0x151: {  	v53 =	vor.u32 $0x7, v22;
	v57 =	vor.u32 $0x1, v22;
	v47 =	vor.u32 $0x6, v22;
	v39 =	vld.idx.msk [tilespmem:v18+s15+$0x0], $0xffff  }
0x152: {  	v51 =	vor.u32 $0x10, v56;
	v58 =	vor.u32 $0x1, v56;
	v1 =	vld.idx.msk [tilespmem:v1+s15+$0x0], $0xffff;
	(erf) = vpow2.f32 v0  }
0x153: {  	v35 =	vor.u32 $0x2, v56;
	v38 =	vor.u32 $0x3, v56;
	v36 =	vor.u32 $0x4, v56;
	v48 =	vld.idx.msk [tilespmem:v24+s15+$0x0], $0xffff  }
0x154: {  	v32 =	vor.u32 $0x5, v56;
	v33 =	vor.u32 $0x6, v56;
	v18 =	vor.u32 $0x2, v19;
	v40 =	vld.idx.msk [tilespmem:v21+s15+$0x0], $0xffff  }
0x155: {  	v34 =	vor.u32 $0x7, v56;
	v31 =	vor.u32 $0x8, v56;
	v30 =	vor.u32 $0x9, v56;
	v44 =	vld.idx.msk [tilespmem:v23+s15+$0x0], $0xffff  }
0x156: {  	v29 =	vor.u32 $0xA, v56;
	v28 =	vor.u32 $0xB, v56;
	v27 =	vor.u32 $0xC, v56;
	v49 =	vld.idx.msk [tilespmem:v63+s15+$0x0], $0xffff  }
0x157: {  	v26 =	vor.u32 $0xD, v56;
	v24 =	vor.u32 $0xF, v56;
	v23 =	vor.u32 $0xE, v56;
	v50 =	vld.idx.msk [tilespmem:v43+s15+$0x0], $0xffff  }
0x158: {  	v21 =	vunpack.i.u.bf16.f32 v20;
	v0 =	vor.u32 $0x7, v19;
	v54 =	vunpack.i.u.bf16.f32 v25  }
0x159: {  	v59 =	vunpack.i.l.bf16.f32 v25;
	v52 =	vld.idx.msk [tilespmem:v18+s15+$0x0], $0xffff;
	v19 =	vunpack.i.u.bf16.f32 v1;
	v18 =	vunpack.i.l.bf16.f32 v39  }
0x15a: {  	v55 =	vld.idx.msk [tilespmem:v45+s15+$0x0], $0xffff;
	v22 =	vunpack.i.u.bf16.f32 v48;
	v25 =	vunpack.i.l.bf16.f32 v48;
	v61 =	vunpack.i.l.bf16.f32 v40  }
0x15b: {  	v57 =	vld.idx.msk [tilespmem:v57+s15+$0x0], $0xffff;
	v62 =	vunpack.i.l.bf16.f32 v44;
	v54 =	vmul.f32 v54, v21;
	v2 =	vunpack.i.l.bf16.f32 v49;
	v63 =	vpop (erf)  }
0x15c: {  	p0 =	sne.s32 s5, $0x70;
	v48 =	vld.idx.msk [tilespmem:v60+s15+$0x0], $0xffff;
	v60 =	vunpack.i.l.bf16.f32 v50;
	v45 =	vmul.f32 v61, v18;
	v43 =	vmul.f32 v63, v37  }
.Ltmp3:
0x15d: {  	v42 =	vld.idx.msk [tilespmem:v0+s15+$0x0], $0xffff;
	v0 =	vunpack.i.l.bf16.f32 v20;
	v20 =	vunpack.i.l.bf16.f32 v1;
	v1 =	vunpack.i.u.bf16.f32 v44;
	(pc) =	sbr.rel @p0 .LBB2_9-.Ltmp3, $4  }
0x15e: {  	v44 =	vld.idx.msk [tilespmem:v53+s15+$0x0], $0xffff;
	v53 =	vmul.f32 v59, v0;
	v59 =	vunpack.i.u.bf16.f32 v49;
	v61 =	vmul.f32 v43, v15  }
0x15f: {  	v49 =	vmul.f32 v62, v20;
	[tilespmem:v51+s20+$0x0] =	vst.idx.msk $0xffff, v63;
	v15 =	vmov v0;
	v0 =	vmul.f32 v43, v46  }
0x160: {  	v37 =	vunpack.i.l.bf16.f32 v52;
	v51 =	vmul.f32 v1, v19;
	v46 =	vmul.f32 v2, v25;
	[tilespmem:v56+s20+$0x0] =	vst.idx.msk $0xffff, v61  }
0x161: {  	s4 =	smov.u32 s5;
	s5 =	sadd.s32 $0x10, s5;
	v56 =	vmul.f32 v43, v41;
	[tilespmem:v58+s20+$0x0] =	vst.idx.msk $0xffff, v0;
	v58 =	vmul.f32 v43, v17;
	v17 =	vunpack.i.u.bf16.f32 v55  }
0x162: {  	_ = 	snop  }
0x163: {  	v0 =	vunpack.i.l.bf16.f32 v55;
	v1 =	vunpack.i.l.bf16.f32 v57;
	v2 =	vunpack.i.u.bf16.f32 v57  }
0x164: {  	v41 =	vadd.f32 v53, v54;
	v1 =	vmul.f32 v1, v0;
	v2 =	vmul.f32 v2, v17  }
0x165: {  	v57 =	vmul.f32 v60, v37;
	v52 =	vunpack.i.u.bf16.f32 v52;
	v50 =	vunpack.i.u.bf16.f32 v50  }
0x166: {  	v47 =	vld.idx.msk [tilespmem:v47+s15+$0x0], $0xffff;
	v50 =	vmul.f32 v50, v52;
	v41 =	vadd.f32 $0.0e+00, v41;
	v1 =	vadd.f32 v1, v2;
	_ =	sdelay $0x1  }
0x167: {  	v2 =	vmul.f32 v59, v22;
	v50 =	vadd.f32 v57, v50;
	v1 =	vadd.f32 v1, v41  }
0x168: {  	v39 =	vunpack.i.u.bf16.f32 v39;
	v40 =	vunpack.i.u.bf16.f32 v40  }
0x169: {  	v40 =	vmul.f32 v40, v39;
	v2 =	vadd.f32 v46, v2;
	v1 =	vadd.f32 v50, v1  }
0x16a: {  	v60 =	vunpack.i.l.bf16.f32 v47;
	v47 =	vunpack.i.u.bf16.f32 v47;
	v50 =	vunpack.i.l.bf16.f32 v48  }
0x16b: {  	v48 =	vunpack.i.u.bf16.f32 v48;
	v1 =	vadd.f32 v2, v1;
	v2 =	vadd.f32 v49, v51  }
0x16c: {  	v59 =	vunpack.i.l.bf16.f32 v44;
	v41 =	vunpack.i.l.bf16.f32 v42;
	v61 =	vmul.f32 v47, v48  }
0x16d: {  	v49 =	vmul.f32 v60, v50;
	v1 =	vadd.f32 v2, v1;
	v2 =	vadd.f32 v45, v40  }
0x16e: {  	v62 =	vunpack.i.u.bf16.f32 v44;
	v42 =	vunpack.i.u.bf16.f32 v42;
	v63 =	vmul.f32 v59, v41  }
0x16f: {  	v46 =	vmul.f32 v62, v42;
	v1 =	vadd.f32 v2, v1;
	v2 =	vadd.f32 v49, v61;
	_ =	sdelay $0x1  }
0x170: {  	v1 =	vadd.f32 v2, v1;
	v2 =	vadd.f32 v63, v46;
	_ =	sdelay $0x1  }
0x171: {  	v1 =	vadd.f32 v2, v1;
	v2 =	vld [tilespmem:$0x1FFB0];
	_ =	sdelay $0x4  }
0x172: {  	v1 =	vmul.f32 v1, v2;
	_ =	sdelay $0x1  }
0x173: {  	[tilespmem:v35+s20+$0x0] =	vst.idx.msk $0xffff, v56;
	v2 =	vmul.f32 v43, v16;
	v1 =	vmul.f32 $1.442695020e+00, v1  }
0x174: {  	v4 =	vmul.f32 v43, v4;
	[tilespmem:v38+s20+$0x0] =	vst.idx.msk $0xffff, v58  }
0x175: {  	[tilespmem:v36+s20+$0x0] =	vst.idx.msk $0xffff, v2;
	(erf) = vpow2.f32 v1;
	v1 =	vmul.f32 v43, v14  }
0x176: {  	v2 =	vmul.f32 v43, v13;
	[tilespmem:v32+s20+$0x0] =	vst.idx.msk $0xffff, v4  }
0x177: {  	[tilespmem:v33+s20+$0x0] =	vst.idx.msk $0xffff, v1;
	v1 =	vmul.f32 v43, v12  }
0x178: {  	[tilespmem:v34+s20+$0x0] =	vst.idx.msk $0xffff, v2;
	v2 =	vmul.f32 v43, v8  }
0x179: {  	[tilespmem:v31+s20+$0x0] =	vst.idx.msk $0xffff, v1;
	v1 =	vmul.f32 v43, v6  }
0x17a: {  	v11 =	vand.u32 $0x3FFF, v11;
	[tilespmem:v30+s20+$0x0] =	vst.idx.msk $0xffff, v2  }
0x17b: {  	[tilespmem:v29+s20+$0x0] =	vst.idx.msk $0xffff, v1  }
0x17c: {  	v51 =	vld [tilespmem:$0x1FFF0];
	_ =	sdelay $0x2  }
0x17d: {  	v47 =	vmov s4;
	v49 =	vld.idx.msk [tilespmem:v11+s16+$0x0], $0xffff  }
0x17e: {  	v4 =	vshll.u32 v47, $0x5;
	v2 =	vmul.f32 v43, v5  }
0x17f: {  	v1 =	vmul.f32 v43, v7;
	v4 =	vor.u32 v51, v4  }
0x180: {  	[tilespmem:v28+s20+$0x0] =	vst.idx.msk $0xffff, v2;
	v2 =	vmul.f32 v43, v9;
	v53 =	vor.u32 $0x10, v4  }
0x181: {  	[tilespmem:v27+s20+$0x0] =	vst.idx.msk $0xffff, v1;
	v1 =	vmul.f32 v43, v3;
	v3 =	vpop (erf)  }
0x182: {  	[tilespmem:v26+s20+$0x0] =	vst.idx.msk $0xffff, v2;
	v2 =	vmul.f32 v43, v10;
	v6 =	vmul.f32 v3, v49;
	v54 =	vor.u32 $0x1, v4  }
0x183: {  	[tilespmem:v23+s20+$0x0] =	vst.idx.msk $0xffff, v1;
	v1 =	vor.u32 $0x2, v4  }
0x184: {  	[tilespmem:v24+s20+$0x0] =	vst.idx.msk $0xffff, v2;
	v55 =	vmul.f32 v6, v15;
	v2 =	vor.u32 $0x3, v4  }
0x185: {  	v56 =	vor.u32 $0x4, v4;
	[tilespmem:v53+s20+$0x0] =	vst.idx.msk $0xffff, v3;
	v3 =	vmul.f32 v6, v21  }
0x186: {  	v0 =	vmul.f32 v6, v0;
	v57 =	vor.u32 $0x5, v4;
	[tilespmem:v4+s20+$0x0] =	vst.idx.msk $0xffff, v55  }
0x187: {  	v58 =	vor.u32 $0x6, v4;
	[tilespmem:v54+s20+$0x0] =	vst.idx.msk $0xffff, v3;
	v3 =	vmul.f32 v6, v17  }
0x188: {  	v59 =	vor.u32 $0x7, v4;
	[tilespmem:v1+s20+$0x0] =	vst.idx.msk $0xffff, v0;
	v0 =	vmul.f32 v6, v37  }
0x189: {  	v1 =	vor.u32 $0x8, v4;
	[tilespmem:v2+s20+$0x0] =	vst.idx.msk $0xffff, v3;
	v2 =	vmul.f32 v6, v52  }
0x18a: {  	v3 =	vor.u32 $0x9, v4;
	[tilespmem:v56+s20+$0x0] =	vst.idx.msk $0xffff, v0;
	v0 =	vmul.f32 v6, v25  }
0x18b: {  	v60 =	vor.u32 $0xA, v4;
	[tilespmem:v57+s20+$0x0] =	vst.idx.msk $0xffff, v2;
	v2 =	vmul.f32 v6, v22  }
0x18c: {  	v61 =	vor.u32 $0xB, v4;
	[tilespmem:v58+s20+$0x0] =	vst.idx.msk $0xffff, v0;
	v0 =	vmul.f32 v6, v20  }
0x18d: {  	v62 =	vor.u32 $0xC, v4;
	[tilespmem:v59+s20+$0x0] =	vst.idx.msk $0xffff, v2;
	v2 =	vmul.f32 v6, v19  }
0x18e: {  	v63 =	vor.u32 $0xD, v4;
	[tilespmem:v1+s20+$0x0] =	vst.idx.msk $0xffff, v0;
	v0 =	vmul.f32 v6, v18  }
0x18f: {  	v1 =	vor.u32 $0xE, v4;
	[tilespmem:v3+s20+$0x0] =	vst.idx.msk $0xffff, v2;
	v2 =	vmul.f32 v6, v39  }
0x190: {  	s0 =	sadd.s32 $0x1, s0;
	v3 =	vor.u32 $0xF, v4;
	[tilespmem:v60+s20+$0x0] =	vst.idx.msk $0xffff, v0;
	v0 =	vmul.f32 v6, v50  }
0x191: {  	p0 =	sne.s32 s0, $0x29;
	[tilespmem:v61+s20+$0x0] =	vst.idx.msk $0xffff, v2;
	v2 =	vmul.f32 v6, v48  }
.Ltmp4:
0x192: {  	[tilespmem:v62+s20+$0x0] =	vst.idx.msk $0xffff, v0;
	v0 =	vmul.f32 v6, v41;
	(pc) =	sbr.rel @p0 .LBB2_6-.Ltmp4, $4  }
0x193: {  	[tilespmem:v63+s20+$0x0] =	vst.idx.msk $0xffff, v2;
	v2 =	vmul.f32 v6, v42  }
0x194: {  	[tilespmem:v1+s20+$0x0] =	vst.idx.msk $0xffff, v0  }
0x195: {  	s31 =	sadd.s32 $0x100, s31;
	s30 =	sadd.s32 $0x100, s30;
	[tilespmem:v3+s20+$0x0] =	vst.idx.msk $0xffff, v2  }
0x196: {  	v1 =	vmov v51;
	[spmem:s2] =	stream.indirect.scatter.add.f32 [tilespmem:s20], [sflag:$0x3], $0x20, s24, s22, $0xb8;
	[tilespmem:$0x1FA30] =	vst v63  }
0x197: {  	_ =	swait.ge [sflag:s25], $0x1000  }
0x198: {  	[sflag:s25] =	ssyncset.done $0x0  }
0x199: {  	[sflag:s25] =	ssyncadd.s32 $0xFFFFF000  }
0x19a: {  	s0 =	stileid.u32;
	_ =	swait.ge [sflag:s26], $0x1000  }
0x19b: {  	s1 =	sshrl.u32 s8, $0x3;
	s28 =	sadd.s32 $0x1, s28;
	[sflag:s26] =	ssyncset.done $0x0  }
0x19c: {  	s0 =	sshll.u32 s0, $0x6;
	p0 =	sne.s32 s28, s14;
	[sflag:s26] =	ssyncadd.s32 $0xFFFFF000  }
.Ltmp5:
0x19d: {  	s0 =	sor.u32 $0x1C04, s0;
	[bflag:$0x0] =	sbarrier.arrive $0xFFFF;
	(pc) =	sbr.rel @p0 .LBB2_1-.Ltmp5, $4  }
0x19e: {  	[hbm:s13], [sflag:s0] =	dma.local [spmem:s1], $0xA00  }
0x19f: {  	_ =	swait.ge [sflag:s19], $0xA00  }
0x1a0: {  	[sflag:s19] =	ssyncset.done $0x0  }
0x1a1: {  	v0 =	vimm.f32 $0.0e+00;
	[sflag:s19] =	ssyncadd.s32 $0xFFFFF600  }
0x1a2: {  	_ =	sfence.sel $0x180000  }
0x1a3: {  	[bflag:$0x0] =	sbarrier.arrive $0xFFFF  }
0x1a4: {  	_ =	strace $0x90000047  }
0x1a5: {  	s0 =	stileid.u32;
	[bflag:$0x2] =	sbarrier.arrive $0xFFFF  }
0x1a6: {  	p0 =	sne.s32 s0, $0x0;
	s0 =	rddreg [dreg:$0x3]  }
0x1a7: {  	s0 =	sadd.s32 @!p0 $0x100000, s0  }
0x1a8: {  	[sflag:s0] =	ssyncadd.tile.s32 @!p0 $0x1;
	_ =	shalt  }
.Lfunc_end2:
_tile_overlayer_lowered:
.L_overlay_start_2:
0x1a9: {  	(tag) =	ssettag $0x2  }
0x1aa: {  	s0 =	rddreg [dreg:$0x0];
	s2 =	stileid.u32  }
0x1ab: {  	s1 =	rddreg [dreg:$0x1];
	p0 =	sne.s32 s2, $0x0  }
0x1ac: {  	s3 =	rddreg [dreg:$0x2];
	[bflag:$0x3] =	sbarrier.arrive $0xFFFF;
	s2 =	simm.s32 @!p0 $0x1C04  }
0x1ad: {  	[timem:s3], [sflag:s2] =	dma.local @!p0 [hbm:s0], s1  }
0x1ae: {  	s0 =	simm.s32 @!p0 $0x4  }
0x1af: {  	_ =	swait.ge @!p0 [sflag:s0], s1  }
0x1b0: {  	s1 =	ssub.s32 @!p0 $0x0, s1;
	[sflag:s0] =	ssyncset.done @!p0 $0x0  }
0x1b1: {  	[sflag:s0] =	ssyncadd.s32 @!p0 s1  }
0x1b2: {  	[bflag:$0x3] =	sbarrier.arrive $0xFFFF  }
0x1b3: {  	_ =	shalt  }

</sc_bundles>
